<compile_context>
chip_gen: v7x
topology: tpu7x:2x2x1
jax: 0.10.2.dev20260603
libtpu: 0.0.44.dev20260713+nightly
codegen_flags: <defaults>
</compile_context>

<pallas_src>
import functools

import jax
import jax.numpy as jnp
from jax import lax
from jax.experimental import pallas as pl
from jax.experimental.pallas import tpu as pltpu
from jax.experimental.pallas import tpu_sc as plsc

N_WORDS = 1_000_000
N_CPOS = 64
BATCH = 4096
SEQ = 200
NTOK = BATCH * SEQ

_BC = 8192
_GRIDL = -(-N_WORDS // _BC)


def _fused_tc_kernel(et_ref, t_ref, tab_ref, lse_ref, trans_ref, m_ref, s_ref):
    step = pl.program_id(0)

    @pl.when(step == 0)
    def _init():
        m_ref[...] = jnp.full((64, 1), -jnp.inf, jnp.float32)
        s_ref[...] = jnp.zeros((64, 1), jnp.float32)

    blk = et_ref[...]
    t = blk.T
    tab_ref[...] = jnp.concatenate([t, t], axis=1)

    last = pl.num_programs(0) - 1

    @pl.when(step != last)
    def _update():
        bmax = jnp.max(blk, axis=1, keepdims=True)
        m_old = m_ref[...]
        m_new = jnp.maximum(m_old, bmax)
        s_ref[...] = (s_ref[...] * jnp.exp(m_old - m_new)
                      + jnp.sum(jnp.exp(blk - m_new), axis=1, keepdims=True))
        m_ref[...] = m_new

    @pl.when(step == last)
    def _finish():
        col = step * _BC + jax.lax.broadcasted_iota(jnp.int32, (64, _BC), 1)
        valid = col < N_WORDS
        blkm = jnp.where(valid, blk, -jnp.inf)
        bmax = jnp.max(blkm, axis=1, keepdims=True)
        m_old = m_ref[...]
        m_new = jnp.maximum(m_old, bmax)
        e = jnp.where(valid, jnp.exp(blkm - m_new), 0.0)
        s = s_ref[...] * jnp.exp(m_old - m_new) + jnp.sum(e, axis=1, keepdims=True)
        lse_ref[...] = m_new + jnp.log(s)
        t2 = t_ref[...]
        tm = jnp.max(t2, axis=1, keepdims=True)
        ts = t2 - tm
        trans_ref[...] = ts - jnp.log(jnp.sum(jnp.exp(ts), axis=1, keepdims=True))


def _fused_tc(et, t):
    return pl.pallas_call(
        _fused_tc_kernel,
        grid=(_GRIDL,),
        in_specs=[
            pl.BlockSpec((64, _BC), lambda i: (0, i)),
            pl.BlockSpec((64, 64), lambda i: (0, 0)),
        ],
        out_specs=[
            pl.BlockSpec((_BC, 128), lambda i: (i, 0)),
            pl.BlockSpec((64, 1), lambda i: (0, 0)),
            pl.BlockSpec((64, 64), lambda i: (0, 0)),
        ],
        out_shape=[
            jax.ShapeDtypeStruct((N_WORDS, 128), jnp.float32),
            jax.ShapeDtypeStruct((64, 1), jnp.float32),
            jax.ShapeDtypeStruct((64, 64), jnp.float32),
        ],
        scratch_shapes=[
            pltpu.VMEM((64, 1), jnp.float32),
            pltpu.VMEM((64, 1), jnp.float32),
        ],
    )(et, t)


_NC = 2
_NS = 16
_NW = _NC * _NS
_PER_W = NTOK // _NW
_CH = 128
_NCH = _PER_W // _CH


def _sc_gather_kernel(w_hbm, cb_hbm, lse_hbm, e_hbm, out_hbm,
                      idx_v, cb_v, lse_v, rows_v, gsem, osem):
    wid = lax.axis_index("s") * _NC + lax.axis_index("c")
    base = wid * _PER_W
    pltpu.sync_copy(w_hbm.at[wid], idx_v)
    pltpu.sync_copy(cb_hbm.at[wid], cb_v)
    pltpu.sync_copy(lse_hbm, lse_v)
    n0 = -lse_v[pl.ds(0, 16)]
    n1 = -lse_v[pl.ds(16, 16)]
    n2 = -lse_v[pl.ds(32, 16)]
    n3 = -lse_v[pl.ds(48, 16)]

    def compute(c, b, carry):
        cbase = c * _CH

        def group_body(g, cr):
            a0, a1, a2, a3 = cr
            r0 = g * 16
            miv = cb_v[pl.ds(cbase + r0, 16)]
            for j in range(16):
                r = r0 + j
                mfr = jnp.full((16,), jnp.where(miv[j] != 0, jnp.float32(0.0),
                                                jnp.float32(-jnp.inf)),
                               jnp.float32)
                rows_v[b, r, pl.ds(0, 16)] = rows_v[b, r, pl.ds(0, 16)] + (a0 + mfr)
                rows_v[b, r, pl.ds(16, 16)] = rows_v[b, r, pl.ds(16, 16)] + (a1 + mfr)
                rows_v[b, r, pl.ds(32, 16)] = rows_v[b, r, pl.ds(32, 16)] + (a2 + mfr)
                rows_v[b, r, pl.ds(48, 16)] = rows_v[b, r, pl.ds(48, 16)] + (a3 + mfr)
            return cr

        return lax.fori_loop(0, _CH // 16, group_body, carry)

    def out_slot(c):
        return out_hbm.at[pl.ds(base + c * _CH, _CH)]

    pltpu.async_copy(e_hbm.at[idx_v.at[0]], rows_v.at[0], gsem.at[0])

    def outer(i, carry):
        c0 = i * 2
        for b in range(2):
            c = c0 + b
            nxt = c + 1

            @pl.when(nxt < _NCH)
            def _():
                @pl.when(c >= 1)
                def _():
                    pltpu.make_async_copy(rows_v.at[1 - b], out_slot(c - 1),
                                          osem.at[1 - b]).wait()
                pltpu.async_copy(e_hbm.at[idx_v.at[nxt]], rows_v.at[1 - b],
                                 gsem.at[1 - b])

            pltpu.make_async_copy(e_hbm.at[idx_v.at[c]], rows_v.at[b],
                                  gsem.at[b]).wait()
            carry = compute(c, b, carry)
            pltpu.async_copy(rows_v.at[b], out_slot(c), osem.at[b])
        return carry

    lax.fori_loop(0, _NCH // 2, outer, (n0, n1, n2, n3))
    pltpu.make_async_copy(rows_v.at[0], out_slot(_NCH - 2), osem.at[0]).wait()
    pltpu.make_async_copy(rows_v.at[1], out_slot(_NCH - 1), osem.at[1]).wait()


def _sc_gather(words3, mask3, lse, table):
    mesh = plsc.VectorSubcoreMesh(core_axis_name="c", subcore_axis_name="s")
    fn = functools.partial(
        pl.kernel,
        mesh=mesh,
        out_type=jax.ShapeDtypeStruct((NTOK, 128), jnp.float32),
        scratch_types=[
            pltpu.VMEM((_NCH, _CH), jnp.int32),
            pltpu.VMEM((_PER_W,), jnp.int32),
            pltpu.VMEM((64,), jnp.float32),
            pltpu.VMEM((2, _CH, 128), jnp.float32),
            pltpu.SemaphoreType.DMA((2,)),
            pltpu.SemaphoreType.DMA((2,)),
        ],
        compiler_params=pltpu.CompilerParams(use_tc_tiling_on_sc=False),
    )(_sc_gather_kernel)
    return fn(words3, mask3, lse, table)


def kernel(words, mask, E, T):
    table, lse, trans = _fused_tc(E.T, T)
    words3 = words.astype(jnp.int32).reshape(_NW, _NCH, _CH)
    mask3 = mask.astype(jnp.int32).reshape(_NW, _PER_W)
    out128 = _sc_gather(words3, mask3, lse.reshape(64), table)
    emit = out128[:, :N_CPOS].reshape(BATCH, SEQ, N_CPOS)
    return emit, trans

# --- scband reference (transcript-rebuilt; emitter-appended) ---
"""Pipeline reference for scband-posmodel-27676769255772 (READ-ONLY COPY).

The authoritative reference and input builder live on the scoring server;
editing this copy changes nothing except your own understanding.
"""

import jax, jax.numpy as jnp
import numpy as np

N_WORDS = 1000000
N_CPOS = 64
BATCH = 4096
SEQ = 200


def setup_inputs(seed: int = 0) -> dict:
    key = jax.random.key(seed)
    k1, k2, k3 = jax.random.split(key, 3)
    words = jax.random.randint(k1, (BATCH, SEQ), 0, N_WORDS)
    mask = jnp.ones((BATCH, SEQ), dtype=bool)
    # reset_parameters with em_alg=False: normal(0, 3)
    E = jax.random.normal(k2, (N_WORDS, N_CPOS), dtype=jnp.float32) * 3.0
    T = jax.random.normal(k3, (N_CPOS, N_CPOS), dtype=jnp.float32) * 3.0
    return {"words": words, "mask": mask, "E": E, "T": T}


def reference(words, mask, E, T):
    # normalize_paras=True -> log_softmax over vocab axis of E
    emit_probs = jax.nn.log_softmax(E, axis=0)
    # nn.functional.embedding(words, emit_probs) -> gather rows
    emit_probs = jnp.take(emit_probs, words, axis=0)  # [B, S, n_cpos]
    # emit_probs[~mask] = -inf
    emit_probs = jnp.where(mask[..., None], emit_probs, -jnp.inf)
    trans_probs = jax.nn.log_softmax(T, axis=-1)
    return emit_probs, trans_probs

if __name__ == "__main__":
    import jax
    _d = setup_inputs()
    print(jax.jit(kernel)(*tuple(_d.values())))

</pallas_src>

<mosaic_0001>
#map = affine_map<(d0, d1) -> (0, 0, 0)>
#map1 = affine_map<(d0, d1) -> (0, 0)>
#map2 = affine_map<(d0, d1) -> (0)>
module attributes {stable_mosaic.version = 14 : i64} {
  func.func @_sc_gather_kernel(%arg0: i32, %arg1: i32, %arg2: memref<32x200x128xi32, #tpu.memory_space<hbm>>, %arg3: memref<32x25600xi32, #tpu.memory_space<hbm>>, %arg4: memref<64xf32, #tpu.memory_space<hbm>>, %arg5: memref<1000000x128xf32, #tpu.memory_space<hbm>>, %arg6: memref<819200x128xf32, #tpu.memory_space<hbm>>, %arg7: memref<200x128xi32, #tpu.memory_space<vmem>>, %arg8: memref<25600xi32, #tpu.memory_space<vmem>>, %arg9: memref<64xf32, #tpu.memory_space<vmem>>, %arg10: memref<2x128x128xf32, #tpu.memory_space<vmem>>, %arg11: memref<2x!tpu.dma_semaphore, #tpu.memory_space<semaphore_mem>>, %arg12: memref<2x!tpu.dma_semaphore, #tpu.memory_space<semaphore_mem>>) attributes {dimension_semantics = [#tpu.dimension_semantics<core_parallel>, #tpu.dimension_semantics<subcore_parallel>], iteration_bounds = array<i64: 2, 16>, scalar_prefetch = 0 : i64, scratch_operands = 6 : i64, tpu.core_type = #tpu.core_type<sc_vector_subcore>, window_params = [{transform_indices = #map}, {transform_indices = #map1}, {transform_indices = #map2}, {transform_indices = #map1}, {transform_indices = #map1}]} {
    %mul3A = arith.constant 2 : i32
    %mul3A_0 = arith.muli %arg1, %mul3A : i32
    %add3A = arith.addi %mul3A_0, %arg0 : i32
    %mul3A_1 = arith.constant 25600 : i32
    %mul3A_2 = arith.muli %add3A, %mul3A_1 : i32
    "tpu.region"() ({
      %run_scoped3A = tpu.sem_alloc : memref<!tpu.dma_semaphore, #tpu.memory_space<semaphore_mem>>
      %dma_start3A_78 = arith.constant 0 : i32
      %dma_start3A_79 = arith.constant 0 : i32
      %dma_start3A_80 = tpu.memref_slice %arg2[%add3A, %dma_start3A_78, %dma_start3A_79] : memref<32x200x128xi32, #tpu.memory_space<hbm>> -> memref<1x200x128xi32, #tpu.memory_space<hbm>>
      %dma_start3A_81 = tpu.memref_squeeze %dma_start3A_80 : memref<1x200x128xi32, #tpu.memory_space<hbm>> -> memref<200x128xi32, #tpu.memory_space<hbm>>
      %dma_start3A_82 = arith.constant 0 : i32
      %dma_start3A_83 = arith.constant 0 : i32
      %dma_start3A_84 = tpu.memref_slice %arg2[%add3A, %dma_start3A_82, %dma_start3A_83] : memref<32x200x128xi32, #tpu.memory_space<hbm>> -> memref<1x200x128xi32, #tpu.memory_space<hbm>>
      %dma_start3A_85 = tpu.memref_squeeze %dma_start3A_84 : memref<1x200x128xi32, #tpu.memory_space<hbm>> -> memref<200x128xi32, #tpu.memory_space<hbm>>
      tpu.enqueue_dma source(%dma_start3A_85 : memref<200x128xi32, #tpu.memory_space<hbm>>) target(%arg7 : memref<200x128xi32, #tpu.memory_space<vmem>>) target_semaphore(%run_scoped3A : memref<!tpu.dma_semaphore, #tpu.memory_space<semaphore_mem>>)
      %dma_wait3A_86 = arith.constant 0 : i32
      %dma_wait3A_87 = arith.constant 0 : i32
      %dma_wait3A_88 = tpu.memref_slice %arg2[%add3A, %dma_wait3A_86, %dma_wait3A_87] : memref<32x200x128xi32, #tpu.memory_space<hbm>> -> memref<1x200x128xi32, #tpu.memory_space<hbm>>
      %dma_wait3A_89 = tpu.memref_squeeze %dma_wait3A_88 : memref<1x200x128xi32, #tpu.memory_space<hbm>> -> memref<200x128xi32, #tpu.memory_space<hbm>>
      %dma_wait3A_90 = arith.constant 0 : i32
      %dma_wait3A_91 = arith.constant 0 : i32
      %dma_wait3A_92 = tpu.memref_slice %arg2[%add3A, %dma_wait3A_90, %dma_wait3A_91] : memref<32x200x128xi32, #tpu.memory_space<hbm>> -> memref<1x200x128xi32, #tpu.memory_space<hbm>>
      %dma_wait3A_93 = tpu.memref_squeeze %dma_wait3A_92 : memref<1x200x128xi32, #tpu.memory_space<hbm>> -> memref<200x128xi32, #tpu.memory_space<hbm>>
      tpu.wait_dma2 semaphore(%run_scoped3A : memref<!tpu.dma_semaphore, #tpu.memory_space<semaphore_mem>>) src(%dma_wait3A_93 : memref<200x128xi32, #tpu.memory_space<hbm>>) dst(%arg7 : memref<200x128xi32, #tpu.memory_space<vmem>>)
      tpu.yield
    }) : () -> ()
    "tpu.region"() ({
      %run_scoped3A = tpu.sem_alloc : memref<!tpu.dma_semaphore, #tpu.memory_space<semaphore_mem>>
      %dma_start3A_78 = arith.constant 0 : i32
      %dma_start3A_79 = tpu.memref_slice %arg3[%add3A, %dma_start3A_78] : memref<32x25600xi32, #tpu.memory_space<hbm>> -> memref<1x25600xi32, #tpu.memory_space<hbm>>
      %dma_start3A_80 = tpu.memref_squeeze %dma_start3A_79 : memref<1x25600xi32, #tpu.memory_space<hbm>> -> memref<25600xi32, #tpu.memory_space<hbm>>
      %dma_start3A_81 = arith.constant 0 : i32
      %dma_start3A_82 = tpu.memref_slice %arg3[%add3A, %dma_start3A_81] : memref<32x25600xi32, #tpu.memory_space<hbm>> -> memref<1x25600xi32, #tpu.memory_space<hbm>>
      %dma_start3A_83 = tpu.memref_squeeze %dma_start3A_82 : memref<1x25600xi32, #tpu.memory_space<hbm>> -> memref<25600xi32, #tpu.memory_space<hbm>>
      tpu.enqueue_dma source(%dma_start3A_83 : memref<25600xi32, #tpu.memory_space<hbm>>) target(%arg8 : memref<25600xi32, #tpu.memory_space<vmem>>) target_semaphore(%run_scoped3A : memref<!tpu.dma_semaphore, #tpu.memory_space<semaphore_mem>>)
      %dma_wait3A_84 = arith.constant 0 : i32
      %dma_wait3A_85 = tpu.memref_slice %arg3[%add3A, %dma_wait3A_84] : memref<32x25600xi32, #tpu.memory_space<hbm>> -> memref<1x25600xi32, #tpu.memory_space<hbm>>
      %dma_wait3A_86 = tpu.memref_squeeze %dma_wait3A_85 : memref<1x25600xi32, #tpu.memory_space<hbm>> -> memref<25600xi32, #tpu.memory_space<hbm>>
      %dma_wait3A_87 = arith.constant 0 : i32
      %dma_wait3A_88 = tpu.memref_slice %arg3[%add3A, %dma_wait3A_87] : memref<32x25600xi32, #tpu.memory_space<hbm>> -> memref<1x25600xi32, #tpu.memory_space<hbm>>
      %dma_wait3A_89 = tpu.memref_squeeze %dma_wait3A_88 : memref<1x25600xi32, #tpu.memory_space<hbm>> -> memref<25600xi32, #tpu.memory_space<hbm>>
      tpu.wait_dma2 semaphore(%run_scoped3A : memref<!tpu.dma_semaphore, #tpu.memory_space<semaphore_mem>>) src(%dma_wait3A_89 : memref<25600xi32, #tpu.memory_space<hbm>>) dst(%arg8 : memref<25600xi32, #tpu.memory_space<vmem>>)
      tpu.yield
    }) : () -> ()
    "tpu.region"() ({
      %run_scoped3A = tpu.sem_alloc : memref<!tpu.dma_semaphore, #tpu.memory_space<semaphore_mem>>
      tpu.enqueue_dma source(%arg4 : memref<64xf32, #tpu.memory_space<hbm>>) target(%arg9 : memref<64xf32, #tpu.memory_space<vmem>>) target_semaphore(%run_scoped3A : memref<!tpu.dma_semaphore, #tpu.memory_space<semaphore_mem>>)
      tpu.wait_dma2 semaphore(%run_scoped3A : memref<!tpu.dma_semaphore, #tpu.memory_space<semaphore_mem>>) src(%arg4 : memref<64xf32, #tpu.memory_space<hbm>>) dst(%arg9 : memref<64xf32, #tpu.memory_space<vmem>>)
      tpu.yield
    }) : () -> ()
    %get3A = arith.constant 0 : index
    %get3A_3 = tpu.vector_load %arg9[%get3A] {strides = array<i32>} : memref<64xf32, #tpu.memory_space<vmem>>, vector<16xf32>,
    %get3A_4 = vector.shape_cast %get3A_3 : vector<16xf32> to vector<16xf32>
    %neg3A = arith.constant 0.000000e+00 : f32
    %neg3A_5 = vector.broadcast %neg3A : f32 to vector<16xf32>
    %neg3A_6 = arith.subf %neg3A_5, %get3A_4 : vector<16xf32>
    %get3A_7 = arith.constant 16 : index
    %get3A_8 = tpu.vector_load %arg9[%get3A_7] {strides = array<i32>} : memref<64xf32, #tpu.memory_space<vmem>>, vector<16xf32>,
    %get3A_9 = vector.shape_cast %get3A_8 : vector<16xf32> to vector<16xf32>
    %neg3A_10 = arith.constant 0.000000e+00 : f32
    %neg3A_11 = vector.broadcast %neg3A_10 : f32 to vector<16xf32>
    %neg3A_12 = arith.subf %neg3A_11, %get3A_9 : vector<16xf32>
    %get3A_13 = arith.constant 32 : index
    %get3A_14 = tpu.vector_load %arg9[%get3A_13] {strides = array<i32>} : memref<64xf32, #tpu.memory_space<vmem>>, vector<16xf32>,
    %get3A_15 = vector.shape_cast %get3A_14 : vector<16xf32> to vector<16xf32>
    %neg3A_16 = arith.constant 0.000000e+00 : f32
    %neg3A_17 = vector.broadcast %neg3A_16 : f32 to vector<16xf32>
    %neg3A_18 = arith.subf %neg3A_17, %get3A_15 : vector<16xf32>
    %get3A_19 = arith.constant 48 : index
    %get3A_20 = tpu.vector_load %arg9[%get3A_19] {strides = array<i32>} : memref<64xf32, #tpu.memory_space<vmem>>, vector<16xf32>,
    %get3A_21 = vector.shape_cast %get3A_20 : vector<16xf32> to vector<16xf32>
    %neg3A_22 = arith.constant 0.000000e+00 : f32
    %neg3A_23 = vector.broadcast %neg3A_22 : f32 to vector<16xf32>
    %neg3A_24 = arith.subf %neg3A_23, %get3A_21 : vector<16xf32>
    %dma_start3A = arith.constant 0 : i32
    %dma_start3A_25 = arith.constant 0 : i32
    %dma_start3A_26 = arith.constant 0 : i32
    %dma_start3A_27 = arith.constant 0 : i32
    %dma_start3A_28 = arith.constant 0 : i32
    %dma_start3A_29 = tpu.memref_slice %arg10[%dma_start3A_25, %dma_start3A_27, %dma_start3A_28] : memref<2x128x128xf32, #tpu.memory_space<vmem>> -> memref<1x128x128xf32, #tpu.memory_space<vmem>>
    %dma_start3A_30 = tpu.memref_squeeze %dma_start3A_29 : memref<1x128x128xf32, #tpu.memory_space<vmem>> -> memref<128x128xf32, #tpu.memory_space<vmem>>
    %dma_start3A_31 = arith.constant 0 : i32
    %dma_start3A_32 = tpu.memref_slice %arg7[%dma_start3A, %dma_start3A_31] : memref<200x128xi32, #tpu.memory_space<vmem>> -> memref<1x128xi32, #tpu.memory_space<vmem>>
    %dma_start3A_33 = tpu.memref_squeeze %dma_start3A_32 : memref<1x128xi32, #tpu.memory_space<vmem>> -> memref<128xi32, #tpu.memory_space<vmem>>
    %dma_start3A_34 = arith.constant 0 : i32
    %dma_start3A_35 = arith.constant 0 : i32
    %dma_start3A_36 = tpu.memref_slice %arg5[%dma_start3A_34, %dma_start3A_35] : memref<1000000x128xf32, #tpu.memory_space<hbm>> -> memref<1000000x128xf32, #tpu.memory_space<hbm>>
    %dma_start3A_37 = tpu.memref_slice %arg11[%dma_start3A_26] : memref<2x!tpu.dma_semaphore, #tpu.memory_space<semaphore_mem>> -> memref<1x!tpu.dma_semaphore, #tpu.memory_space<semaphore_mem>>
    %dma_start3A_38 = tpu.memref_squeeze %dma_start3A_37 : memref<1x!tpu.dma_semaphore, #tpu.memory_space<semaphore_mem>> -> memref<!tpu.dma_semaphore, #tpu.memory_space<semaphore_mem>>
    tpu.enqueue_indirect_dma source(%dma_start3A_36 : memref<1000000x128xf32, #tpu.memory_space<hbm>>) target(%dma_start3A_30 : memref<128x128xf32, #tpu.memory_space<vmem>>) offsets(%dma_start3A_33 : memref<128xi32, #tpu.memory_space<vmem>>) semaphore(%dma_start3A_38 : memref<!tpu.dma_semaphore, #tpu.memory_space<semaphore_mem>>)
    %scan3A = arith.constant 0 : i32
    %scan3A_39 = arith.constant 100 : i32
    %scan3A_40 = arith.addi %scan3A, %scan3A_39 : i32
    %scan3A_41 = arith.constant 1 : i32
    scf.for %scan3A_78 = %scan3A to %scan3A_40 step %scan3A_41  : i32 {
      %mul3A_79 = arith.constant 2 : i32
      %mul3A_80 = arith.muli %scan3A_78, %mul3A_79 : i32
      %add3A_81 = arith.constant 0 : i32
      %add3A_82 = arith.addi %mul3A_80, %add3A_81 : i32
      %add3A_83 = arith.constant 1 : i32
      %add3A_84 = arith.addi %add3A_82, %add3A_83 : i32
      %lt3A = arith.constant 200 : i32
      %lt3A_85 = arith.cmpi slt, %add3A_84, %lt3A : i32
      %convert_element_type3A = arith.extui %lt3A_85 : i1 to i32
      %cond3A = arith.constant 0 : i32
      %cond3A_86 = arith.cmpi ne, %convert_element_type3A, %cond3A : i32
      scf.if %cond3A_86 {
        %ge3A = arith.constant 1 : i32
        %ge3A_176 = arith.cmpi sge, %add3A_82, %ge3A : i32
        %convert_element_type3A_177 = arith.extui %ge3A_176 : i1 to i32
        %cond3A_178 = arith.constant 0 : i32
        %cond3A_179 = arith.cmpi ne, %convert_element_type3A_177, %cond3A_178 : i32
        scf.if %cond3A_179 {
          %sub3A = arith.constant 1 : i32
          %sub3A_194 = arith.subi %add3A_82, %sub3A : i32
          %mul3A_195 = arith.constant 128 : i32
          %mul3A_196 = arith.muli %sub3A_194, %mul3A_195 : i32
          %add3A_197 = arith.addi %mul3A_2, %mul3A_196 : i32
          %dma_wait3A_198 = arith.constant 1 : i32
          %dma_wait3A_199 = arith.constant 1 : i32
          %dma_wait3A_200 = arith.constant 0 : i32
          %dma_wait3A_201 = arith.constant 0 : i32
          %dma_wait3A_202 = tpu.memref_slice %arg10[%dma_wait3A_198, %dma_wait3A_200, %dma_wait3A_201] : memref<2x128x128xf32, #tpu.memory_space<vmem>> -> memref<1x128x128xf32, #tpu.memory_space<vmem>>
          %dma_wait3A_203 = tpu.memref_squeeze %dma_wait3A_202 : memref<1x128x128xf32, #tpu.memory_space<vmem>> -> memref<128x128xf32, #tpu.memory_space<vmem>>
          %dma_wait3A_204 = arith.constant 0 : i32
          %dma_wait3A_205 = tpu.memref_slice %arg6[%add3A_197, %dma_wait3A_204] : memref<819200x128xf32, #tpu.memory_space<hbm>> -> memref<128x128xf32, #tpu.memory_space<hbm>>
          %dma_wait3A_206 = tpu.memref_slice %arg12[%dma_wait3A_199] : memref<2x!tpu.dma_semaphore, #tpu.memory_space<semaphore_mem>> -> memref<1x!tpu.dma_semaphore, #tpu.memory_space<semaphore_mem>>
          %dma_wait3A_207 = tpu.memref_squeeze %dma_wait3A_206 : memref<1x!tpu.dma_semaphore, #tpu.memory_space<semaphore_mem>> -> memref<!tpu.dma_semaphore, #tpu.memory_space<semaphore_mem>>
          %dma_wait3A_208 = arith.constant 0 : i32
          %dma_wait3A_209 = tpu.memref_slice %arg6[%add3A_197, %dma_wait3A_208] : memref<819200x128xf32, #tpu.memory_space<hbm>> -> memref<128x128xf32, #tpu.memory_space<hbm>>
          %dma_wait3A_210 = arith.constant 0 : i32
          %dma_wait3A_211 = arith.constant 0 : i32
          %dma_wait3A_212 = tpu.memref_slice %arg10[%dma_wait3A_198, %dma_wait3A_210, %dma_wait3A_211] : memref<2x128x128xf32, #tpu.memory_space<vmem>> -> memref<1x128x128xf32, #tpu.memory_space<vmem>>
          %dma_wait3A_213 = tpu.memref_squeeze %dma_wait3A_212 : memref<1x128x128xf32, #tpu.memory_space<vmem>> -> memref<128x128xf32, #tpu.memory_space<vmem>>
          tpu.wait_dma2 semaphore(%dma_wait3A_207 : memref<!tpu.dma_semaphore, #tpu.memory_space<semaphore_mem>>) src(%dma_wait3A_213 : memref<128x128xf32, #tpu.memory_space<vmem>>) dst(%dma_wait3A_209 : memref<128x128xf32, #tpu.memory_space<hbm>>)
        } else {
        }
        %dma_start3A_180 = arith.constant 1 : i32
        %dma_start3A_181 = arith.constant 1 : i32
        %dma_start3A_182 = arith.constant 0 : i32
        %dma_start3A_183 = arith.constant 0 : i32
        %dma_start3A_184 = tpu.memref_slice %arg10[%dma_start3A_180, %dma_start3A_182, %dma_start3A_183] : memref<2x128x128xf32, #tpu.memory_space<vmem>> -> memref<1x128x128xf32, #tpu.memory_space<vmem>>
        %dma_start3A_185 = tpu.memref_squeeze %dma_start3A_184 : memref<1x128x128xf32, #tpu.memory_space<vmem>> -> memref<128x128xf32, #tpu.memory_space<vmem>>
        %dma_start3A_186 = arith.constant 0 : i32
        %dma_start3A_187 = tpu.memref_slice %arg7[%add3A_84, %dma_start3A_186] : memref<200x128xi32, #tpu.memory_space<vmem>> -> memref<1x128xi32, #tpu.memory_space<vmem>>
        %dma_start3A_188 = tpu.memref_squeeze %dma_start3A_187 : memref<1x128xi32, #tpu.memory_space<vmem>> -> memref<128xi32, #tpu.memory_space<vmem>>
        %dma_start3A_189 = arith.constant 0 : i32
        %dma_start3A_190 = arith.constant 0 : i32
        %dma_start3A_191 = tpu.memref_slice %arg5[%dma_start3A_189, %dma_start3A_190] : memref<1000000x128xf32, #tpu.memory_space<hbm>> -> memref<1000000x128xf32, #tpu.memory_space<hbm>>
        %dma_start3A_192 = tpu.memref_slice %arg11[%dma_start3A_181] : memref<2x!tpu.dma_semaphore, #tpu.memory_space<semaphore_mem>> -> memref<1x!tpu.dma_semaphore, #tpu.memory_space<semaphore_mem>>
        %dma_start3A_193 = tpu.memref_squeeze %dma_start3A_192 : memref<1x!tpu.dma_semaphore, #tpu.memory_space<semaphore_mem>> -> memref<!tpu.dma_semaphore, #tpu.memory_space<semaphore_mem>>
        tpu.enqueue_indirect_dma source(%dma_start3A_191 : memref<1000000x128xf32, #tpu.memory_space<hbm>>) target(%dma_start3A_185 : memref<128x128xf32, #tpu.memory_space<vmem>>) offsets(%dma_start3A_188 : memref<128xi32, #tpu.memory_space<vmem>>) semaphore(%dma_start3A_193 : memref<!tpu.dma_semaphore, #tpu.memory_space<semaphore_mem>>)
      } else {
      }
      %dma_wait3A_87 = arith.constant 0 : i32
      %dma_wait3A_88 = arith.constant 0 : i32
      %dma_wait3A_89 = arith.constant 0 : i32
      %dma_wait3A_90 = arith.constant 0 : i32
      %dma_wait3A_91 = tpu.memref_slice %arg10[%dma_wait3A_87, %dma_wait3A_89, %dma_wait3A_90] : memref<2x128x128xf32, #tpu.memory_space<vmem>> -> memref<1x128x128xf32, #tpu.memory_space<vmem>>
      %dma_wait3A_92 = tpu.memref_squeeze %dma_wait3A_91 : memref<1x128x128xf32, #tpu.memory_space<vmem>> -> memref<128x128xf32, #tpu.memory_space<vmem>>
      %dma_wait3A_93 = arith.constant 0 : i32
      %dma_wait3A_94 = tpu.memref_slice %arg7[%add3A_82, %dma_wait3A_93] : memref<200x128xi32, #tpu.memory_space<vmem>> -> memref<1x128xi32, #tpu.memory_space<vmem>>
      %dma_wait3A_95 = tpu.memref_squeeze %dma_wait3A_94 : memref<1x128xi32, #tpu.memory_space<vmem>> -> memref<128xi32, #tpu.memory_space<vmem>>
      %dma_wait3A_96 = arith.constant 0 : i32
      %dma_wait3A_97 = arith.constant 0 : i32
      %dma_wait3A_98 = tpu.memref_slice %arg5[%dma_wait3A_96, %dma_wait3A_97] : memref<1000000x128xf32, #tpu.memory_space<hbm>> -> memref<1000000x128xf32, #tpu.memory_space<hbm>>
      %dma_wait3A_99 = tpu.memref_slice %arg11[%dma_wait3A_88] : memref<2x!tpu.dma_semaphore, #tpu.memory_space<semaphore_mem>> -> memref<1x!tpu.dma_semaphore, #tpu.memory_space<semaphore_mem>>
      %dma_wait3A_100 = tpu.memref_squeeze %dma_wait3A_99 : memref<1x!tpu.dma_semaphore, #tpu.memory_space<semaphore_mem>> -> memref<!tpu.dma_semaphore, #tpu.memory_space<semaphore_mem>>
      tpu.wait_indirect_dma semaphore(%dma_wait3A_100 : memref<!tpu.dma_semaphore, #tpu.memory_space<semaphore_mem>>) src(%dma_wait3A_98 : memref<1000000x128xf32, #tpu.memory_space<hbm>>) dst(%dma_wait3A_92 : memref<128x128xf32, #tpu.memory_space<vmem>>)
      %mul3A_101 = arith.constant 128 : i32
      %mul3A_102 = arith.muli %add3A_82, %mul3A_101 : i32
      %scan3A_103 = arith.constant 0 : i32
      %scan3A_104 = arith.constant 8 : i32
      %scan3A_105 = arith.addi %scan3A_103, %scan3A_104 : i32
      %scan3A_106 = arith.constant 1 : i32
      scf.for %scan3A_176 = %scan3A_103 to %scan3A_105 step %scan3A_106  : i32 {
        %mul3A_177 = arith.constant 16 : i32
        %mul3A_178 = arith.muli %scan3A_176, %mul3A_177 : i32
        %add3A_179 = arith.addi %mul3A_102, %mul3A_178 : i32
        %get3A_180 = arith.index_cast %add3A_179 : i32 to index
        %get3A_181 = tpu.vector_load %arg8[%get3A_180] {strides = array<i32>} : memref<25600xi32, #tpu.memory_space<vmem>>, vector<16xi32>,
        %get3A_182 = vector.shape_cast %get3A_181 : vector<16xi32> to vector<16xi32>
        %add3A_183 = arith.constant 0 : i32
        %add3A_184 = arith.addi %mul3A_178, %add3A_183 : i32
        %slice3A = vector.extract_strided_slice %get3A_182 {offsets = [0], sizes = [1], strides = [1]} : vector<16xi32> to vector<1xi32>
        %squeeze3A = vector.extract %slice3A[0] : i32 from vector<1xi32>
        %ne3A = arith.constant 0 : i32
        %ne3A_185 = arith.cmpi ne, %squeeze3A, %ne3A : i32
        %jit3A = arith.constant 0.000000e+00 : f32
        %jit3A_186 = arith.constant 0xFF800000 : f32
        %select_n3A = arith.select %ne3A_185, %jit3A, %jit3A_186 : f32
        %broadcast_in_dim3A = vector.broadcast %select_n3A : f32 to vector<16xf32>
        %get3A_187 = arith.constant 0 : i32
        %get3A_188 = arith.index_cast %get3A_187 : i32 to index
        %get3A_189 = arith.index_cast %add3A_184 : i32 to index
        %get3A_190 = arith.constant 0 : index
        %get3A_191 = tpu.vector_load %arg10[%get3A_188, %get3A_189, %get3A_190] {strides = array<i32>} : memref<2x128x128xf32, #tpu.memory_space<vmem>>, vector<1x1x16xf32>,
        %get3A_192 = vector.shape_cast %get3A_191 : vector<1x1x16xf32> to vector<16xf32>
        %add3A_193 = arith.addf %neg3A_6, %broadcast_in_dim3A : vector<16xf32>
        %add3A_194 = arith.addf %get3A_192, %add3A_193 : vector<16xf32>
        %swap3A = arith.constant 0 : i32
        %swap3A_195 = arith.index_cast %swap3A : i32 to index
        %swap3A_196 = arith.index_cast %add3A_184 : i32 to index
        %swap3A_197 = arith.constant 0 : index
        %swap3A_198 = tpu.vector_load %arg10[%swap3A_195, %swap3A_196, %swap3A_197] {strides = array<i32>} : memref<2x128x128xf32, #tpu.memory_space<vmem>>, vector<1x1x16xf32>,
        %swap3A_199 = vector.shape_cast %swap3A_198 : vector<1x1x16xf32> to vector<16xf32>
        %swap3A_200 = vector.shape_cast %add3A_194 : vector<16xf32> to vector<1x1x16xf32>
        tpu.vector_store %arg10[%swap3A_195, %swap3A_196, %swap3A_197], %swap3A_200 {strides = array<i32>} : memref<2x128x128xf32, #tpu.memory_space<vmem>>, vector<1x1x16xf32>,
        %get3A_201 = arith.constant 0 : i32
        %get3A_202 = arith.index_cast %get3A_201 : i32 to index
        %get3A_203 = arith.index_cast %add3A_184 : i32 to index
        %get3A_204 = arith.constant 16 : index
        %get3A_205 = tpu.vector_load %arg10[%get3A_202, %get3A_203, %get3A_204] {strides = array<i32>} : memref<2x128x128xf32, #tpu.memory_space<vmem>>, vector<1x1x16xf32>,
        %get3A_206 = vector.shape_cast %get3A_205 : vector<1x1x16xf32> to vector<16xf32>
        %add3A_207 = arith.addf %neg3A_12, %broadcast_in_dim3A : vector<16xf32>
        %add3A_208 = arith.addf %get3A_206, %add3A_207 : vector<16xf32>
        %swap3A_209 = arith.constant 0 : i32
        %swap3A_210 = arith.index_cast %swap3A_209 : i32 to index
        %swap3A_211 = arith.index_cast %add3A_184 : i32 to index
        %swap3A_212 = arith.constant 16 : index
        %swap3A_213 = tpu.vector_load %arg10[%swap3A_210, %swap3A_211, %swap3A_212] {strides = array<i32>} : memref<2x128x128xf32, #tpu.memory_space<vmem>>, vector<1x1x16xf32>,
        %swap3A_214 = vector.shape_cast %swap3A_213 : vector<1x1x16xf32> to vector<16xf32>
        %swap3A_215 = vector.shape_cast %add3A_208 : vector<16xf32> to vector<1x1x16xf32>
        tpu.vector_store %arg10[%swap3A_210, %swap3A_211, %swap3A_212], %swap3A_215 {strides = array<i32>} : memref<2x128x128xf32, #tpu.memory_space<vmem>>, vector<1x1x16xf32>,
        %get3A_216 = arith.constant 0 : i32
        %get3A_217 = arith.index_cast %get3A_216 : i32 to index
        %get3A_218 = arith.index_cast %add3A_184 : i32 to index
        %get3A_219 = arith.constant 32 : index
        %get3A_220 = tpu.vector_load %arg10[%get3A_217, %get3A_218, %get3A_219] {strides = array<i32>} : memref<2x128x128xf32, #tpu.memory_space<vmem>>, vector<1x1x16xf32>,
        %get3A_221 = vector.shape_cast %get3A_220 : vector<1x1x16xf32> to vector<16xf32>
        %add3A_222 = arith.addf %neg3A_18, %broadcast_in_dim3A : vector<16xf32>
        %add3A_223 = arith.addf %get3A_221, %add3A_222 : vector<16xf32>
        %swap3A_224 = arith.constant 0 : i32
        %swap3A_225 = arith.index_cast %swap3A_224 : i32 to index
        %swap3A_226 = arith.index_cast %add3A_184 : i32 to index
        %swap3A_227 = arith.constant 32 : index
        %swap3A_228 = tpu.vector_load %arg10[%swap3A_225, %swap3A_226, %swap3A_227] {strides = array<i32>} : memref<2x128x128xf32, #tpu.memory_space<vmem>>, vector<1x1x16xf32>,
        %swap3A_229 = vector.shape_cast %swap3A_228 : vector<1x1x16xf32> to vector<16xf32>
        %swap3A_230 = vector.shape_cast %add3A_223 : vector<16xf32> to vector<1x1x16xf32>
        tpu.vector_store %arg10[%swap3A_225, %swap3A_226, %swap3A_227], %swap3A_230 {strides = array<i32>} : memref<2x128x128xf32, #tpu.memory_space<vmem>>, vector<1x1x16xf32>,
        %get3A_231 = arith.constant 0 : i32
        %get3A_232 = arith.index_cast %get3A_231 : i32 to index
        %get3A_233 = arith.index_cast %add3A_184 : i32 to index
        %get3A_234 = arith.constant 48 : index
        %get3A_235 = tpu.vector_load %arg10[%get3A_232, %get3A_233, %get3A_234] {strides = array<i32>} : memref<2x128x128xf32, #tpu.memory_space<vmem>>, vector<1x1x16xf32>,
        %get3A_236 = vector.shape_cast %get3A_235 : vector<1x1x16xf32> to vector<16xf32>
        %add3A_237 = arith.addf %neg3A_24, %broadcast_in_dim3A : vector<16xf32>
        %add3A_238 = arith.addf %get3A_236, %add3A_237 : vector<16xf32>
        %swap3A_239 = arith.constant 0 : i32
        %swap3A_240 = arith.index_cast %swap3A_239 : i32 to index
        %swap3A_241 = arith.index_cast %add3A_184 : i32 to index
        %swap3A_242 = arith.constant 48 : index
        %swap3A_243 = tpu.vector_load %arg10[%swap3A_240, %swap3A_241, %swap3A_242] {strides = array<i32>} : memref<2x128x128xf32, #tpu.memory_space<vmem>>, vector<1x1x16xf32>,
        %swap3A_244 = vector.shape_cast %swap3A_243 : vector<1x1x16xf32> to vector<16xf32>
        %swap3A_245 = vector.shape_cast %add3A_238 : vector<16xf32> to vector<1x1x16xf32>
        tpu.vector_store %arg10[%swap3A_240, %swap3A_241, %swap3A_242], %swap3A_245 {strides = array<i32>} : memref<2x128x128xf32, #tpu.memory_space<vmem>>, vector<1x1x16xf32>,
        %add3A_246 = arith.constant 1 : i32
        %add3A_247 = arith.addi %mul3A_178, %add3A_246 : i32
        %slice3A_248 = vector.extract_strided_slice %get3A_182 {offsets = [1], sizes = [1], strides = [1]} : vector<16xi32> to vector<1xi32>
        %squeeze3A_249 = vector.extract %slice3A_248[0] : i32 from vector<1xi32>
        %ne3A_250 = arith.constant 0 : i32
        %ne3A_251 = arith.cmpi ne, %squeeze3A_249, %ne3A_250 : i32
        %jit3A_252 = arith.constant 0.000000e+00 : f32
        %jit3A_253 = arith.constant 0xFF800000 : f32
        %select_n3A_254 = arith.select %ne3A_251, %jit3A_252, %jit3A_253 : f32
        %broadcast_in_dim3A_255 = vector.broadcast %select_n3A_254 : f32 to vector<16xf32>
        %get3A_256 = arith.constant 0 : i32
        %get3A_257 = arith.index_cast %get3A_256 : i32 to index
        %get3A_258 = arith.index_cast %add3A_247 : i32 to index
        %get3A_259 = arith.constant 0 : index
        %get3A_260 = tpu.vector_load %arg10[%get3A_257, %get3A_258, %get3A_259] {strides = array<i32>} : memref<2x128x128xf32, #tpu.memory_space<vmem>>, vector<1x1x16xf32>,
        %get3A_261 = vector.shape_cast %get3A_260 : vector<1x1x16xf32> to vector<16xf32>
        %add3A_262 = arith.addf %neg3A_6, %broadcast_in_dim3A_255 : vector<16xf32>
        %add3A_263 = arith.addf %get3A_261, %add3A_262 : vector<16xf32>
        %swap3A_264 = arith.constant 0 : i32
        %swap3A_265 = arith.index_cast %swap3A_264 : i32 to index
        %swap3A_266 = arith.index_cast %add3A_247 : i32 to index
        %swap3A_267 = arith.constant 0 : index
        %swap3A_268 = tpu.vector_load %arg10[%swap3A_265, %swap3A_266, %swap3A_267] {strides = array<i32>} : memref<2x128x128xf32, #tpu.memory_space<vmem>>, vector<1x1x16xf32>,
        %swap3A_269 = vector.shape_cast %swap3A_268 : vector<1x1x16xf32> to vector<16xf32>
        %swap3A_270 = vector.shape_cast %add3A_263 : vector<16xf32> to vector<1x1x16xf32>
        tpu.vector_store %arg10[%swap3A_265, %swap3A_266, %swap3A_267], %swap3A_270 {strides = array<i32>} : memref<2x128x128xf32, #tpu.memory_space<vmem>>, vector<1x1x16xf32>,
        %get3A_271 = arith.constant 0 : i32
        %get3A_272 = arith.index_cast %get3A_271 : i32 to index
        %get3A_273 = arith.index_cast %add3A_247 : i32 to index
        %get3A_274 = arith.constant 16 : index
        %get3A_275 = tpu.vector_load %arg10[%get3A_272, %get3A_273, %get3A_274] {strides = array<i32>} : memref<2x128x128xf32, #tpu.memory_space<vmem>>, vector<1x1x16xf32>,
        %get3A_276 = vector.shape_cast %get3A_275 : vector<1x1x16xf32> to vector<16xf32>
        %add3A_277 = arith.addf %neg3A_12, %broadcast_in_dim3A_255 : vector<16xf32>
        %add3A_278 = arith.addf %get3A_276, %add3A_277 : vector<16xf32>
        %swap3A_279 = arith.constant 0 : i32
        %swap3A_280 = arith.index_cast %swap3A_279 : i32 to index
        %swap3A_281 = arith.index_cast %add3A_247 : i32 to index
        %swap3A_282 = arith.constant 16 : index
        %swap3A_283 = tpu.vector_load %arg10[%swap3A_280, %swap3A_281, %swap3A_282] {strides = array<i32>} : memref<2x128x128xf32, #tpu.memory_space<vmem>>, vector<1x1x16xf32>,
        %swap3A_284 = vector.shape_cast %swap3A_283 : vector<1x1x16xf32> to vector<16xf32>
        %swap3A_285 = vector.shape_cast %add3A_278 : vector<16xf32> to vector<1x1x16xf32>
        tpu.vector_store %arg10[%swap3A_280, %swap3A_281, %swap3A_282], %swap3A_285 {strides = array<i32>} : memref<2x128x128xf32, #tpu.memory_space<vmem>>, vector<1x1x16xf32>,
        %get3A_286 = arith.constant 0 : i32
        %get3A_287 = arith.index_cast %get3A_286 : i32 to index
        %get3A_288 = arith.index_cast %add3A_247 : i32 to index
        %get3A_289 = arith.constant 32 : index
        %get3A_290 = tpu.vector_load %arg10[%get3A_287, %get3A_288, %get3A_289] {strides = array<i32>} : memref<2x128x128xf32, #tpu.memory_space<vmem>>, vector<1x1x16xf32>,
        %get3A_291 = vector.shape_cast %get3A_290 : vector<1x1x16xf32> to vector<16xf32>
        %add3A_292 = arith.addf %neg3A_18, %broadcast_in_dim3A_255 : vector<16xf32>
        %add3A_293 = arith.addf %get3A_291, %add3A_292 : vector<16xf32>
        %swap3A_294 = arith.constant 0 : i32
        %swap3A_295 = arith.index_cast %swap3A_294 : i32 to index
        %swap3A_296 = arith.index_cast %add3A_247 : i32 to index
        %swap3A_297 = arith.constant 32 : index
        %swap3A_298 = tpu.vector_load %arg10[%swap3A_295, %swap3A_296, %swap3A_297] {strides = array<i32>} : memref<2x128x128xf32, #tpu.memory_space<vmem>>, vector<1x1x16xf32>,
        %swap3A_299 = vector.shape_cast %swap3A_298 : vector<1x1x16xf32> to vector<16xf32>
        %swap3A_300 = vector.shape_cast %add3A_293 : vector<16xf32> to vector<1x1x16xf32>
        tpu.vector_store %arg10[%swap3A_295, %swap3A_296, %swap3A_297], %swap3A_300 {strides = array<i32>} : memref<2x128x128xf32, #tpu.memory_space<vmem>>, vector<1x1x16xf32>,
        %get3A_301 = arith.constant 0 : i32
        %get3A_302 = arith.index_cast %get3A_301 : i32 to index
        %get3A_303 = arith.index_cast %add3A_247 : i32 to index
        %get3A_304 = arith.constant 48 : index
        %get3A_305 = tpu.vector_load %arg10[%get3A_302, %get3A_303, %get3A_304] {strides = array<i32>} : memref<2x128x128xf32, #tpu.memory_space<vmem>>, vector<1x1x16xf32>,
        %get3A_306 = vector.shape_cast %get3A_305 : vector<1x1x16xf32> to vector<16xf32>
        %add3A_307 = arith.addf %neg3A_24, %broadcast_in_dim3A_255 : vector<16xf32>
        %add3A_308 = arith.addf %get3A_306, %add3A_307 : vector<16xf32>
        %swap3A_309 = arith.constant 0 : i32
        %swap3A_310 = arith.index_cast %swap3A_309 : i32 to index
        %swap3A_311 = arith.index_cast %add3A_247 : i32 to index
        %swap3A_312 = arith.constant 48 : index
        %swap3A_313 = tpu.vector_load %arg10[%swap3A_310, %swap3A_311, %swap3A_312] {strides = array<i32>} : memref<2x128x128xf32, #tpu.memory_space<vmem>>, vector<1x1x16xf32>,
        %swap3A_314 = vector.shape_cast %swap3A_313 : vector<1x1x16xf32> to vector<16xf32>
        %swap3A_315 = vector.shape_cast %add3A_308 : vector<16xf32> to vector<1x1x16xf32>
        tpu.vector_store %arg10[%swap3A_310, %swap3A_311, %swap3A_312], %swap3A_315 {strides = array<i32>} : memref<2x128x128xf32, #tpu.memory_space<vmem>>, vector<1x1x16xf32>,
        %add3A_316 = arith.constant 2 : i32
        %add3A_317 = arith.addi %mul3A_178, %add3A_316 : i32
        %slice3A_318 = vector.extract_strided_slice %get3A_182 {offsets = [2], sizes = [1], strides = [1]} : vector<16xi32> to vector<1xi32>
        %squeeze3A_319 = vector.extract %slice3A_318[0] : i32 from vector<1xi32>
        %ne3A_320 = arith.constant 0 : i32
        %ne3A_321 = arith.cmpi ne, %squeeze3A_319, %ne3A_320 : i32
        %jit3A_322 = arith.constant 0.000000e+00 : f32
        %jit3A_323 = arith.constant 0xFF800000 : f32
        %select_n3A_324 = arith.select %ne3A_321, %jit3A_322, %jit3A_323 : f32
        %broadcast_in_dim3A_325 = vector.broadcast %select_n3A_324 : f32 to vector<16xf32>
        %get3A_326 = arith.constant 0 : i32
        %get3A_327 = arith.index_cast %get3A_326 : i32 to index
        %get3A_328 = arith.index_cast %add3A_317 : i32 to index
        %get3A_329 = arith.constant 0 : index
        %get3A_330 = tpu.vector_load %arg10[%get3A_327, %get3A_328, %get3A_329] {strides = array<i32>} : memref<2x128x128xf32, #tpu.memory_space<vmem>>, vector<1x1x16xf32>,
        %get3A_331 = vector.shape_cast %get3A_330 : vector<1x1x16xf32> to vector<16xf32>
        %add3A_332 = arith.addf %neg3A_6, %broadcast_in_dim3A_325 : vector<16xf32>
        %add3A_333 = arith.addf %get3A_331, %add3A_332 : vector<16xf32>
        %swap3A_334 = arith.constant 0 : i32
        %swap3A_335 = arith.index_cast %swap3A_334 : i32 to index
        %swap3A_336 = arith.index_cast %add3A_317 : i32 to index
        %swap3A_337 = arith.constant 0 : index
        %swap3A_338 = tpu.vector_load %arg10[%swap3A_335, %swap3A_336, %swap3A_337] {strides = array<i32>} : memref<2x128x128xf32, #tpu.memory_space<vmem>>, vector<1x1x16xf32>,
        %swap3A_339 = vector.shape_cast %swap3A_338 : vector<1x1x16xf32> to vector<16xf32>
        %swap3A_340 = vector.shape_cast %add3A_333 : vector<16xf32> to vector<1x1x16xf32>
        tpu.vector_store %arg10[%swap3A_335, %swap3A_336, %swap3A_337], %swap3A_340 {strides = array<i32>} : memref<2x128x128xf32, #tpu.memory_space<vmem>>, vector<1x1x16xf32>,
        %get3A_341 = arith.constant 0 : i32
        %get3A_342 = arith.index_cast %get3A_341 : i32 to index
        %get3A_343 = arith.index_cast %add3A_317 : i32 to index
        %get3A_344 = arith.constant 16 : index
        %get3A_345 = tpu.vector_load %arg10[%get3A_342, %get3A_343, %get3A_344] {strides = array<i32>} : memref<2x128x128xf32, #tpu.memory_space<vmem>>, vector<1x1x16xf32>,
        %get3A_346 = vector.shape_cast %get3A_345 : vector<1x1x16xf32> to vector<16xf32>
        %add3A_347 = arith.addf %neg3A_12, %broadcast_in_dim3A_325 : vector<16xf32>
        %add3A_348 = arith.addf %get3A_346, %add3A_347 : vector<16xf32>
        %swap3A_349 = arith.constant 0 : i32
        %swap3A_350 = arith.index_cast %swap3A_349 : i32 to index
        %swap3A_351 = arith.index_cast %add3A_317 : i32 to index
        %swap3A_352 = arith.constant 16 : index
        %swap3A_353 = tpu.vector_load %arg10[%swap3A_350, %swap3A_351, %swap3A_352] {strides = array<i32>} : memref<2x128x128xf32, #tpu.memory_space<vmem>>, vector<1x1x16xf32>,
        %swap3A_354 = vector.shape_cast %swap3A_353 : vector<1x1x16xf32> to vector<16xf32>
        %swap3A_355 = vector.shape_cast %add3A_348 : vector<16xf32> to vector<1x1x16xf32>
        tpu.vector_store %arg10[%swap3A_350, %swap3A_351, %swap3A_352], %swap3A_355 {strides = array<i32>} : memref<2x128x128xf32, #tpu.memory_space<vmem>>, vector<1x1x16xf32>,
        %get3A_356 = arith.constant 0 : i32
        %get3A_357 = arith.index_cast %get3A_356 : i32 to index
        %get3A_358 = arith.index_cast %add3A_317 : i32 to index
        %get3A_359 = arith.constant 32 : index
        %get3A_360 = tpu.vector_load %arg10[%get3A_357, %get3A_358, %get3A_359] {strides = array<i32>} : memref<2x128x128xf32, #tpu.memory_space<vmem>>, vector<1x1x16xf32>,
        %get3A_361 = vector.shape_cast %get3A_360 : vector<1x1x16xf32> to vector<16xf32>
        %add3A_362 = arith.addf %neg3A_18, %broadcast_in_dim3A_325 : vector<16xf32>
        %add3A_363 = arith.addf %get3A_361, %add3A_362 : vector<16xf32>
        %swap3A_364 = arith.constant 0 : i32
        %swap3A_365 = arith.index_cast %swap3A_364 : i32 to index
        %swap3A_366 = arith.index_cast %add3A_317 : i32 to index
        %swap3A_367 = arith.constant 32 : index
        %swap3A_368 = tpu.vector_load %arg10[%swap3A_365, %swap3A_366, %swap3A_367] {strides = array<i32>} : memref<2x128x128xf32, #tpu.memory_space<vmem>>, vector<1x1x16xf32>,
        %swap3A_369 = vector.shape_cast %swap3A_368 : vector<1x1x16xf32> to vector<16xf32>
        %swap3A_370 = vector.shape_cast %add3A_363 : vector<16xf32> to vector<1x1x16xf32>
        tpu.vector_store %arg10[%swap3A_365, %swap3A_366, %swap3A_367], %swap3A_370 {strides = array<i32>} : memref<2x128x128xf32, #tpu.memory_space<vmem>>, vector<1x1x16xf32>,
        %get3A_371 = arith.constant 0 : i32
        %get3A_372 = arith.index_cast %get3A_371 : i32 to index
        %get3A_373 = arith.index_cast %add3A_317 : i32 to index
        %get3A_374 = arith.constant 48 : index
        %get3A_375 = tpu.vector_load %arg10[%get3A_372, %get3A_373, %get3A_374] {strides = array<i32>} : memref<2x128x128xf32, #tpu.memory_space<vmem>>, vector<1x1x16xf32>,
        %get3A_376 = vector.shape_cast %get3A_375 : vector<1x1x16xf32> to vector<16xf32>
        %add3A_377 = arith.addf %neg3A_24, %broadcast_in_dim3A_325 : vector<16xf32>
        %add3A_378 = arith.addf %get3A_376, %add3A_377 : vector<16xf32>
        %swap3A_379 = arith.constant 0 : i32
        %swap3A_380 = arith.index_cast %swap3A_379 : i32 to index
        %swap3A_381 = arith.index_cast %add3A_317 : i32 to index
        %swap3A_382 = arith.constant 48 : index
        %swap3A_383 = tpu.vector_load %arg10[%swap3A_380, %swap3A_381, %swap3A_382] {strides = array<i32>} : memref<2x128x128xf32, #tpu.memory_space<vmem>>, vector<1x1x16xf32>,
        %swap3A_384 = vector.shape_cast %swap3A_383 : vector<1x1x16xf32> to vector<16xf32>
        %swap3A_385 = vector.shape_cast %add3A_378 : vector<16xf32> to vector<1x1x16xf32>
        tpu.vector_store %arg10[%swap3A_380, %swap3A_381, %swap3A_382], %swap3A_385 {strides = array<i32>} : memref<2x128x128xf32, #tpu.memory_space<vmem>>, vector<1x1x16xf32>,
        %add3A_386 = arith.constant 3 : i32
        %add3A_387 = arith.addi %mul3A_178, %add3A_386 : i32
        %slice3A_388 = vector.extract_strided_slice %get3A_182 {offsets = [3], sizes = [1], strides = [1]} : vector<16xi32> to vector<1xi32>
        %squeeze3A_389 = vector.extract %slice3A_388[0] : i32 from vector<1xi32>
        %ne3A_390 = arith.constant 0 : i32
        %ne3A_391 = arith.cmpi ne, %squeeze3A_389, %ne3A_390 : i32
        %jit3A_392 = arith.constant 0.000000e+00 : f32
        %jit3A_393 = arith.constant 0xFF800000 : f32
        %select_n3A_394 = arith.select %ne3A_391, %jit3A_392, %jit3A_393 : f32
        %broadcast_in_dim3A_395 = vector.broadcast %select_n3A_394 : f32 to vector<16xf32>
        %get3A_396 = arith.constant 0 : i32
        %get3A_397 = arith.index_cast %get3A_396 : i32 to index
        %get3A_398 = arith.index_cast %add3A_387 : i32 to index
        %get3A_399 = arith.constant 0 : index
        %get3A_400 = tpu.vector_load %arg10[%get3A_397, %get3A_398, %get3A_399] {strides = array<i32>} : memref<2x128x128xf32, #tpu.memory_space<vmem>>, vector<1x1x16xf32>,
        %get3A_401 = vector.shape_cast %get3A_400 : vector<1x1x16xf32> to vector<16xf32>
        %add3A_402 = arith.addf %neg3A_6, %broadcast_in_dim3A_395 : vector<16xf32>
        %add3A_403 = arith.addf %get3A_401, %add3A_402 : vector<16xf32>
        %swap3A_404 = arith.constant 0 : i32
        %swap3A_405 = arith.index_cast %swap3A_404 : i32 to index
        %swap3A_406 = arith.index_cast %add3A_387 : i32 to index
        %swap3A_407 = arith.constant 0 : index
        %swap3A_408 = tpu.vector_load %arg10[%swap3A_405, %swap3A_406, %swap3A_407] {strides = array<i32>} : memref<2x128x128xf32, #tpu.memory_space<vmem>>, vector<1x1x16xf32>,
        %swap3A_409 = vector.shape_cast %swap3A_408 : vector<1x1x16xf32> to vector<16xf32>
        %swap3A_410 = vector.shape_cast %add3A_403 : vector<16xf32> to vector<1x1x16xf32>
        tpu.vector_store %arg10[%swap3A_405, %swap3A_406, %swap3A_407], %swap3A_410 {strides = array<i32>} : memref<2x128x128xf32, #tpu.memory_space<vmem>>, vector<1x1x16xf32>,
        %get3A_411 = arith.constant 0 : i32
        %get3A_412 = arith.index_cast %get3A_411 : i32 to index
        %get3A_413 = arith.index_cast %add3A_387 : i32 to index
        %get3A_414 = arith.constant 16 : index
        %get3A_415 = tpu.vector_load %arg10[%get3A_412, %get3A_413, %get3A_414] {strides = array<i32>} : memref<2x128x128xf32, #tpu.memory_space<vmem>>, vector<1x1x16xf32>,
        %get3A_416 = vector.shape_cast %get3A_415 : vector<1x1x16xf32> to vector<16xf32>
        %add3A_417 = arith.addf %neg3A_12, %broadcast_in_dim3A_395 : vector<16xf32>
        %add3A_418 = arith.addf %get3A_416, %add3A_417 : vector<16xf32>
        %swap3A_419 = arith.constant 0 : i32
        %swap3A_420 = arith.index_cast %swap3A_419 : i32 to index
        %swap3A_421 = arith.index_cast %add3A_387 : i32 to index
        %swap3A_422 = arith.constant 16 : index
        %swap3A_423 = tpu.vector_load %arg10[%swap3A_420, %swap3A_421, %swap3A_422] {strides = array<i32>} : memref<2x128x128xf32, #tpu.memory_space<vmem>>, vector<1x1x16xf32>,
        %swap3A_424 = vector.shape_cast %swap3A_423 : vector<1x1x16xf32> to vector<16xf32>
        %swap3A_425 = vector.shape_cast %add3A_418 : vector<16xf32> to vector<1x1x16xf32>
        tpu.vector_store %arg10[%swap3A_420, %swap3A_421, %swap3A_422], %swap3A_425 {strides = array<i32>} : memref<2x128x128xf32, #tpu.memory_space<vmem>>, vector<1x1x16xf32>,
        %get3A_426 = arith.constant 0 : i32
        %get3A_427 = arith.index_cast %get3A_426 : i32 to index
        %get3A_428 = arith.index_cast %add3A_387 : i32 to index
        %get3A_429 = arith.constant 32 : index
        %get3A_430 = tpu.vector_load %arg10[%get3A_427, %get3A_428, %get3A_429] {strides = array<i32>} : memref<2x128x128xf32, #tpu.memory_space<vmem>>, vector<1x1x16xf32>,
        %get3A_431 = vector.shape_cast %get3A_430 : vector<1x1x16xf32> to vector<16xf32>
        %add3A_432 = arith.addf %neg3A_18, %broadcast_in_dim3A_395 : vector<16xf32>
        %add3A_433 = arith.addf %get3A_431, %add3A_432 : vector<16xf32>
        %swap3A_434 = arith.constant 0 : i32
        %swap3A_435 = arith.index_cast %swap3A_434 : i32 to index
        %swap3A_436 = arith.index_cast %add3A_387 : i32 to index
        %swap3A_437 = arith.constant 32 : index
        %swap3A_438 = tpu.vector_load %arg10[%swap3A_435, %swap3A_436, %swap3A_437] {strides = array<i32>} : memref<2x128x128xf32, #tpu.memory_space<vmem>>, vector<1x1x16xf32>,
        %swap3A_439 = vector.shape_cast %swap3A_438 : vector<1x1x16xf32> to vector<16xf32>
        %swap3A_440 = vector.shape_cast %add3A_433 : vector<16xf32> to vector<1x1x16xf32>
        tpu.vector_store %arg10[%swap3A_435, %swap3A_436, %swap3A_437], %swap3A_440 {strides = array<i32>} : memref<2x128x128xf32, #tpu.memory_space<vmem>>, vector<1x1x16xf32>,
        %get3A_441 = arith.constant 0 : i32
        %get3A_442 = arith.index_cast %get3A_441 : i32 to index
        %get3A_443 = arith.index_cast %add3A_387 : i32 to index
        %get3A_444 = arith.constant 48 : index
        %get3A_445 = tpu.vector_load %arg10[%get3A_442, %get3A_443, %get3A_444] {strides = array<i32>} : memref<2x128x128xf32, #tpu.memory_space<vmem>>, vector<1x1x16xf32>,
        %get3A_446 = vector.shape_cast %get3A_445 : vector<1x1x16xf32> to vector<16xf32>
        %add3A_447 = arith.addf %neg3A_24, %broadcast_in_dim3A_395 : vector<16xf32>
        %add3A_448 = arith.addf %get3A_446, %add3A_447 : vector<16xf32>
        %swap3A_449 = arith.constant 0 : i32
        %swap3A_450 = arith.index_cast %swap3A_449 : i32 to index
        %swap3A_451 = arith.index_cast %add3A_387 : i32 to index
        %swap3A_452 = arith.constant 48 : index
        %swap3A_453 = tpu.vector_load %arg10[%swap3A_450, %swap3A_451, %swap3A_452] {strides = array<i32>} : memref<2x128x128xf32, #tpu.memory_space<vmem>>, vector<1x1x16xf32>,
        %swap3A_454 = vector.shape_cast %swap3A_453 : vector<1x1x16xf32> to vector<16xf32>
        %swap3A_455 = vector.shape_cast %add3A_448 : vector<16xf32> to vector<1x1x16xf32>
        tpu.vector_store %arg10[%swap3A_450, %swap3A_451, %swap3A_452], %swap3A_455 {strides = array<i32>} : memref<2x128x128xf32, #tpu.memory_space<vmem>>, vector<1x1x16xf32>,
        %add3A_456 = arith.constant 4 : i32
        %add3A_457 = arith.addi %mul3A_178, %add3A_456 : i32
        %slice3A_458 = vector.extract_strided_slice %get3A_182 {offsets = [4], sizes = [1], strides = [1]} : vector<16xi32> to vector<1xi32>
        %squeeze3A_459 = vector.extract %slice3A_458[0] : i32 from vector<1xi32>
        %ne3A_460 = arith.constant 0 : i32
        %ne3A_461 = arith.cmpi ne, %squeeze3A_459, %ne3A_460 : i32
        %jit3A_462 = arith.constant 0.000000e+00 : f32
        %jit3A_463 = arith.constant 0xFF800000 : f32
        %select_n3A_464 = arith.select %ne3A_461, %jit3A_462, %jit3A_463 : f32
        %broadcast_in_dim3A_465 = vector.broadcast %select_n3A_464 : f32 to vector<16xf32>
        %get3A_466 = arith.constant 0 : i32
        %get3A_467 = arith.index_cast %get3A_466 : i32 to index
        %get3A_468 = arith.index_cast %add3A_457 : i32 to index
        %get3A_469 = arith.constant 0 : index
        %get3A_470 = tpu.vector_load %arg10[%get3A_467, %get3A_468, %get3A_469] {strides = array<i32>} : memref<2x128x128xf32, #tpu.memory_space<vmem>>, vector<1x1x16xf32>,
        %get3A_471 = vector.shape_cast %get3A_470 : vector<1x1x16xf32> to vector<16xf32>
        %add3A_472 = arith.addf %neg3A_6, %broadcast_in_dim3A_465 : vector<16xf32>
        %add3A_473 = arith.addf %get3A_471, %add3A_472 : vector<16xf32>
        %swap3A_474 = arith.constant 0 : i32
        %swap3A_475 = arith.index_cast %swap3A_474 : i32 to index
        %swap3A_476 = arith.index_cast %add3A_457 : i32 to index
        %swap3A_477 = arith.constant 0 : index
        %swap3A_478 = tpu.vector_load %arg10[%swap3A_475, %swap3A_476, %swap3A_477] {strides = array<i32>} : memref<2x128x128xf32, #tpu.memory_space<vmem>>, vector<1x1x16xf32>,
        %swap3A_479 = vector.shape_cast %swap3A_478 : vector<1x1x16xf32> to vector<16xf32>
        %swap3A_480 = vector.shape_cast %add3A_473 : vector<16xf32> to vector<1x1x16xf32>
        tpu.vector_store %arg10[%swap3A_475, %swap3A_476, %swap3A_477], %swap3A_480 {strides = array<i32>} : memref<2x128x128xf32, #tpu.memory_space<vmem>>, vector<1x1x16xf32>,
        %get3A_481 = arith.constant 0 : i32
        %get3A_482 = arith.index_cast %get3A_481 : i32 to index
        %get3A_483 = arith.index_cast %add3A_457 : i32 to index
        %get3A_484 = arith.constant 16 : index
        %get3A_485 = tpu.vector_load %arg10[%get3A_482, %get3A_483, %get3A_484] {strides = array<i32>} : memref<2x128x128xf32, #tpu.memory_space<vmem>>, vector<1x1x16xf32>,
        %get3A_486 = vector.shape_cast %get3A_485 : vector<1x1x16xf32> to vector<16xf32>
        %add3A_487 = arith.addf %neg3A_12, %broadcast_in_dim3A_465 : vector<16xf32>
        %add3A_488 = arith.addf %get3A_486, %add3A_487 : vector<16xf32>
        %swap3A_489 = arith.constant 0 : i32
        %swap3A_490 = arith.index_cast %swap3A_489 : i32 to index
        %swap3A_491 = arith.index_cast %add3A_457 : i32 to index
        %swap3A_492 = arith.constant 16 : index
        %swap3A_493 = tpu.vector_load %arg10[%swap3A_490, %swap3A_491, %swap3A_492] {strides = array<i32>} : memref<2x128x128xf32, #tpu.memory_space<vmem>>, vector<1x1x16xf32>,
        %swap3A_494 = vector.shape_cast %swap3A_493 : vector<1x1x16xf32> to vector<16xf32>
        %swap3A_495 = vector.shape_cast %add3A_488 : vector<16xf32> to vector<1x1x16xf32>
        tpu.vector_store %arg10[%swap3A_490, %swap3A_491, %swap3A_492], %swap3A_495 {strides = array<i32>} : memref<2x128x128xf32, #tpu.memory_space<vmem>>, vector<1x1x16xf32>,
        %get3A_496 = arith.constant 0 : i32
        %get3A_497 = arith.index_cast %get3A_496 : i32 to index
        %get3A_498 = arith.index_cast %add3A_457 : i32 to index
        %get3A_499 = arith.constant 32 : index
        %get3A_500 = tpu.vector_load %arg10[%get3A_497, %get3A_498, %get3A_499] {strides = array<i32>} : memref<2x128x128xf32, #tpu.memory_space<vmem>>, vector<1x1x16xf32>,
        %get3A_501 = vector.shape_cast %get3A_500 : vector<1x1x16xf32> to vector<16xf32>
        %add3A_502 = arith.addf %neg3A_18, %broadcast_in_dim3A_465 : vector<16xf32>
        %add3A_503 = arith.addf %get3A_501, %add3A_502 : vector<16xf32>
        %swap3A_504 = arith.constant 0 : i32
        %swap3A_505 = arith.index_cast %swap3A_504 : i32 to index
        %swap3A_506 = arith.index_cast %add3A_457 : i32 to index
        %swap3A_507 = arith.constant 32 : index
        %swap3A_508 = tpu.vector_load %arg10[%swap3A_505, %swap3A_506, %swap3A_507] {strides = array<i32>} : memref<2x128x128xf32, #tpu.memory_space<vmem>>, vector<1x1x16xf32>,
        %swap3A_509 = vector.shape_cast %swap3A_508 : vector<1x1x16xf32> to vector<16xf32>
        %swap3A_510 = vector.shape_cast %add3A_503 : vector<16xf32> to vector<1x1x16xf32>
        tpu.vector_store %arg10[%swap3A_505, %swap3A_506, %swap3A_507], %swap3A_510 {strides = array<i32>} : memref<2x128x128xf32, #tpu.memory_space<vmem>>, vector<1x1x16xf32>,
        %get3A_511 = arith.constant 0 : i32
        %get3A_512 = arith.index_cast %get3A_511 : i32 to index
        %get3A_513 = arith.index_cast %add3A_457 : i32 to index
        %get3A_514 = arith.constant 48 : index
        %get3A_515 = tpu.vector_load %arg10[%get3A_512, %get3A_513, %get3A_514] {strides = array<i32>} : memref<2x128x128xf32, #tpu.memory_space<vmem>>, vector<1x1x16xf32>,
        %get3A_516 = vector.shape_cast %get3A_515 : vector<1x1x16xf32> to vector<16xf32>
        %add3A_517 = arith.addf %neg3A_24, %broadcast_in_dim3A_465 : vector<16xf32>
        %add3A_518 = arith.addf %get3A_516, %add3A_517 : vector<16xf32>
        %swap3A_519 = arith.constant 0 : i32
        %swap3A_520 = arith.index_cast %swap3A_519 : i32 to index
        %swap3A_521 = arith.index_cast %add3A_457 : i32 to index
        %swap3A_522 = arith.constant 48 : index
        %swap3A_523 = tpu.vector_load %arg10[%swap3A_520, %swap3A_521, %swap3A_522] {strides = array<i32>} : memref<2x128x128xf32, #tpu.memory_space<vmem>>, vector<1x1x16xf32>,
        %swap3A_524 = vector.shape_cast %swap3A_523 : vector<1x1x16xf32> to vector<16xf32>
        %swap3A_525 = vector.shape_cast %add3A_518 : vector<16xf32> to vector<1x1x16xf32>
        tpu.vector_store %arg10[%swap3A_520, %swap3A_521, %swap3A_522], %swap3A_525 {strides = array<i32>} : memref<2x128x128xf32, #tpu.memory_space<vmem>>, vector<1x1x16xf32>,
        %add3A_526 = arith.constant 5 : i32
        %add3A_527 = arith.addi %mul3A_178, %add3A_526 : i32
        %slice3A_528 = vector.extract_strided_slice %get3A_182 {offsets = [5], sizes = [1], strides = [1]} : vector<16xi32> to vector<1xi32>
        %squeeze3A_529 = vector.extract %slice3A_528[0] : i32 from vector<1xi32>
        %ne3A_530 = arith.constant 0 : i32
        %ne3A_531 = arith.cmpi ne, %squeeze3A_529, %ne3A_530 : i32
        %jit3A_532 = arith.constant 0.000000e+00 : f32
        %jit3A_533 = arith.constant 0xFF800000 : f32
        %select_n3A_534 = arith.select %ne3A_531, %jit3A_532, %jit3A_533 : f32
        %broadcast_in_dim3A_535 = vector.broadcast %select_n3A_534 : f32 to vector<16xf32>
        %get3A_536 = arith.constant 0 : i32
        %get3A_537 = arith.index_cast %get3A_536 : i32 to index
        %get3A_538 = arith.index_cast %add3A_527 : i32 to index
        %get3A_539 = arith.constant 0 : index
        %get3A_540 = tpu.vector_load %arg10[%get3A_537, %get3A_538, %get3A_539] {strides = array<i32>} : memref<2x128x128xf32, #tpu.memory_space<vmem>>, vector<1x1x16xf32>,
        %get3A_541 = vector.shape_cast %get3A_540 : vector<1x1x16xf32> to vector<16xf32>
        %add3A_542 = arith.addf %neg3A_6, %broadcast_in_dim3A_535 : vector<16xf32>
        %add3A_543 = arith.addf %get3A_541, %add3A_542 : vector<16xf32>
        %swap3A_544 = arith.constant 0 : i32
        %swap3A_545 = arith.index_cast %swap3A_544 : i32 to index
        %swap3A_546 = arith.index_cast %add3A_527 : i32 to index
        %swap3A_547 = arith.constant 0 : index
        %swap3A_548 = tpu.vector_load %arg10[%swap3A_545, %swap3A_546, %swap3A_547] {strides = array<i32>} : memref<2x128x128xf32, #tpu.memory_space<vmem>>, vector<1x1x16xf32>,
        %swap3A_549 = vector.shape_cast %swap3A_548 : vector<1x1x16xf32> to vector<16xf32>
        %swap3A_550 = vector.shape_cast %add3A_543 : vector<16xf32> to vector<1x1x16xf32>
        tpu.vector_store %arg10[%swap3A_545, %swap3A_546, %swap3A_547], %swap3A_550 {strides = array<i32>} : memref<2x128x128xf32, #tpu.memory_space<vmem>>, vector<1x1x16xf32>,
        %get3A_551 = arith.constant 0 : i32
        %get3A_552 = arith.index_cast %get3A_551 : i32 to index
        %get3A_553 = arith.index_cast %add3A_527 : i32 to index
        %get3A_554 = arith.constant 16 : index
        %get3A_555 = tpu.vector_load %arg10[%get3A_552, %get3A_553, %get3A_554] {strides = array<i32>} : memref<2x128x128xf32, #tpu.memory_space<vmem>>, vector<1x1x16xf32>,
        %get3A_556 = vector.shape_cast %get3A_555 : vector<1x1x16xf32> to vector<16xf32>
        %add3A_557 = arith.addf %neg3A_12, %broadcast_in_dim3A_535 : vector<16xf32>
        %add3A_558 = arith.addf %get3A_556, %add3A_557 : vector<16xf32>
        %swap3A_559 = arith.constant 0 : i32
        %swap3A_560 = arith.index_cast %swap3A_559 : i32 to index
        %swap3A_561 = arith.index_cast %add3A_527 : i32 to index
        %swap3A_562 = arith.constant 16 : index
        %swap3A_563 = tpu.vector_load %arg10[%swap3A_560, %swap3A_561, %swap3A_562] {strides = array<i32>} : memref<2x128x128xf32, #tpu.memory_space<vmem>>, vector<1x1x16xf32>,
        %swap3A_564 = vector.shape_cast %swap3A_563 : vector<1x1x16xf32> to vector<16xf32>
        %swap3A_565 = vector.shape_cast %add3A_558 : vector<16xf32> to vector<1x1x16xf32>
        tpu.vector_store %arg10[%swap3A_560, %swap3A_561, %swap3A_562], %swap3A_565 {strides = array<i32>} : memref<2x128x128xf32, #tpu.memory_space<vmem>>, vector<1x1x16xf32>,
        %get3A_566 = arith.constant 0 : i32
        %get3A_567 = arith.index_cast %get3A_566 : i32 to index
        %get3A_568 = arith.index_cast %add3A_527 : i32 to index
        %get3A_569 = arith.constant 32 : index
        %get3A_570 = tpu.vector_load %arg10[%get3A_567, %get3A_568, %get3A_569] {strides = array<i32>} : memref<2x128x128xf32, #tpu.memory_space<vmem>>, vector<1x1x16xf32>,
        %get3A_571 = vector.shape_cast %get3A_570 : vector<1x1x16xf32> to vector<16xf32>
        %add3A_572 = arith.addf %neg3A_18, %broadcast_in_dim3A_535 : vector<16xf32>
        %add3A_573 = arith.addf %get3A_571, %add3A_572 : vector<16xf32>
        %swap3A_574 = arith.constant 0 : i32
        %swap3A_575 = arith.index_cast %swap3A_574 : i32 to index
        %swap3A_576 = arith.index_cast %add3A_527 : i32 to index
        %swap3A_577 = arith.constant 32 : index
        %swap3A_578 = tpu.vector_load %arg10[%swap3A_575, %swap3A_576, %swap3A_577] {strides = array<i32>} : memref<2x128x128xf32, #tpu.memory_space<vmem>>, vector<1x1x16xf32>,
        %swap3A_579 = vector.shape_cast %swap3A_578 : vector<1x1x16xf32> to vector<16xf32>
        %swap3A_580 = vector.shape_cast %add3A_573 : vector<16xf32> to vector<1x1x16xf32>
        tpu.vector_store %arg10[%swap3A_575, %swap3A_576, %swap3A_577], %swap3A_580 {strides = array<i32>} : memref<2x128x128xf32, #tpu.memory_space<vmem>>, vector<1x1x16xf32>,
        %get3A_581 = arith.constant 0 : i32
        %get3A_582 = arith.index_cast %get3A_581 : i32 to index
        %get3A_583 = arith.index_cast %add3A_527 : i32 to index
        %get3A_584 = arith.constant 48 : index
        %get3A_585 = tpu.vector_load %arg10[%get3A_582, %get3A_583, %get3A_584] {strides = array<i32>} : memref<2x128x128xf32, #tpu.memory_space<vmem>>, vector<1x1x16xf32>,
        %get3A_586 = vector.shape_cast %get3A_585 : vector<1x1x16xf32> to vector<16xf32>
        %add3A_587 = arith.addf %neg3A_24, %broadcast_in_dim3A_535 : vector<16xf32>
        %add3A_588 = arith.addf %get3A_586, %add3A_587 : vector<16xf32>
        %swap3A_589 = arith.constant 0 : i32
        %swap3A_590 = arith.index_cast %swap3A_589 : i32 to index
        %swap3A_591 = arith.index_cast %add3A_527 : i32 to index
        %swap3A_592 = arith.constant 48 : index
        %swap3A_593 = tpu.vector_load %arg10[%swap3A_590, %swap3A_591, %swap3A_592] {strides = array<i32>} : memref<2x128x128xf32, #tpu.memory_space<vmem>>, vector<1x1x16xf32>,
        %swap3A_594 = vector.shape_cast %swap3A_593 : vector<1x1x16xf32> to vector<16xf32>
        %swap3A_595 = vector.shape_cast %add3A_588 : vector<16xf32> to vector<1x1x16xf32>
        tpu.vector_store %arg10[%swap3A_590, %swap3A_591, %swap3A_592], %swap3A_595 {strides = array<i32>} : memref<2x128x128xf32, #tpu.memory_space<vmem>>, vector<1x1x16xf32>,
        %add3A_596 = arith.constant 6 : i32
        %add3A_597 = arith.addi %mul3A_178, %add3A_596 : i32
        %slice3A_598 = vector.extract_strided_slice %get3A_182 {offsets = [6], sizes = [1], strides = [1]} : vector<16xi32> to vector<1xi32>
        %squeeze3A_599 = vector.extract %slice3A_598[0] : i32 from vector<1xi32>
        %ne3A_600 = arith.constant 0 : i32
        %ne3A_601 = arith.cmpi ne, %squeeze3A_599, %ne3A_600 : i32
        %jit3A_602 = arith.constant 0.000000e+00 : f32
        %jit3A_603 = arith.constant 0xFF800000 : f32
        %select_n3A_604 = arith.select %ne3A_601, %jit3A_602, %jit3A_603 : f32
        %broadcast_in_dim3A_605 = vector.broadcast %select_n3A_604 : f32 to vector<16xf32>
        %get3A_606 = arith.constant 0 : i32
        %get3A_607 = arith.index_cast %get3A_606 : i32 to index
        %get3A_608 = arith.index_cast %add3A_597 : i32 to index
        %get3A_609 = arith.constant 0 : index
        %get3A_610 = tpu.vector_load %arg10[%get3A_607, %get3A_608, %get3A_609] {strides = array<i32>} : memref<2x128x128xf32, #tpu.memory_space<vmem>>, vector<1x1x16xf32>,
        %get3A_611 = vector.shape_cast %get3A_610 : vector<1x1x16xf32> to vector<16xf32>
        %add3A_612 = arith.addf %neg3A_6, %broadcast_in_dim3A_605 : vector<16xf32>
        %add3A_613 = arith.addf %get3A_611, %add3A_612 : vector<16xf32>
        %swap3A_614 = arith.constant 0 : i32
        %swap3A_615 = arith.index_cast %swap3A_614 : i32 to index
        %swap3A_616 = arith.index_cast %add3A_597 : i32 to index
        %swap3A_617 = arith.constant 0 : index
        %swap3A_618 = tpu.vector_load %arg10[%swap3A_615, %swap3A_616, %swap3A_617] {strides = array<i32>} : memref<2x128x128xf32, #tpu.memory_space<vmem>>, vector<1x1x16xf32>,
        %swap3A_619 = vector.shape_cast %swap3A_618 : vector<1x1x16xf32> to vector<16xf32>
        %swap3A_620 = vector.shape_cast %add3A_613 : vector<16xf32> to vector<1x1x16xf32>
        tpu.vector_store %arg10[%swap3A_615, %swap3A_616, %swap3A_617], %swap3A_620 {strides = array<i32>} : memref<2x128x128xf32, #tpu.memory_space<vmem>>, vector<1x1x16xf32>,
        %get3A_621 = arith.constant 0 : i32
        %get3A_622 = arith.index_cast %get3A_621 : i32 to index
        %get3A_623 = arith.index_cast %add3A_597 : i32 to index
        %get3A_624 = arith.constant 16 : index
        %get3A_625 = tpu.vector_load %arg10[%get3A_622, %get3A_623, %get3A_624] {strides = array<i32>} : memref<2x128x128xf32, #tpu.memory_space<vmem>>, vector<1x1x16xf32>,
        %get3A_626 = vector.shape_cast %get3A_625 : vector<1x1x16xf32> to vector<16xf32>
        %add3A_627 = arith.addf %neg3A_12, %broadcast_in_dim3A_605 : vector<16xf32>
        %add3A_628 = arith.addf %get3A_626, %add3A_627 : vector<16xf32>
        %swap3A_629 = arith.constant 0 : i32
        %swap3A_630 = arith.index_cast %swap3A_629 : i32 to index
        %swap3A_631 = arith.index_cast %add3A_597 : i32 to index
        %swap3A_632 = arith.constant 16 : index
        %swap3A_633 = tpu.vector_load %arg10[%swap3A_630, %swap3A_631, %swap3A_632] {strides = array<i32>} : memref<2x128x128xf32, #tpu.memory_space<vmem>>, vector<1x1x16xf32>,
        %swap3A_634 = vector.shape_cast %swap3A_633 : vector<1x1x16xf32> to vector<16xf32>
        %swap3A_635 = vector.shape_cast %add3A_628 : vector<16xf32> to vector<1x1x16xf32>
        tpu.vector_store %arg10[%swap3A_630, %swap3A_631, %swap3A_632], %swap3A_635 {strides = array<i32>} : memref<2x128x128xf32, #tpu.memory_space<vmem>>, vector<1x1x16xf32>,
        %get3A_636 = arith.constant 0 : i32
        %get3A_637 = arith.index_cast %get3A_636 : i32 to index
        %get3A_638 = arith.index_cast %add3A_597 : i32 to index
        %get3A_639 = arith.constant 32 : index
        %get3A_640 = tpu.vector_load %arg10[%get3A_637, %get3A_638, %get3A_639] {strides = array<i32>} : memref<2x128x128xf32, #tpu.memory_space<vmem>>, vector<1x1x16xf32>,
        %get3A_641 = vector.shape_cast %get3A_640 : vector<1x1x16xf32> to vector<16xf32>
        %add3A_642 = arith.addf %neg3A_18, %broadcast_in_dim3A_605 : vector<16xf32>
        %add3A_643 = arith.addf %get3A_641, %add3A_642 : vector<16xf32>
        %swap3A_644 = arith.constant 0 : i32
        %swap3A_645 = arith.index_cast %swap3A_644 : i32 to index
        %swap3A_646 = arith.index_cast %add3A_597 : i32 to index
        %swap3A_647 = arith.constant 32 : index
        %swap3A_648 = tpu.vector_load %arg10[%swap3A_645, %swap3A_646, %swap3A_647] {strides = array<i32>} : memref<2x128x128xf32, #tpu.memory_space<vmem>>, vector<1x1x16xf32>,
        %swap3A_649 = vector.shape_cast %swap3A_648 : vector<1x1x16xf32> to vector<16xf32>
        %swap3A_650 = vector.shape_cast %add3A_643 : vector<16xf32> to vector<1x1x16xf32>
        tpu.vector_store %arg10[%swap3A_645, %swap3A_646, %swap3A_647], %swap3A_650 {strides = array<i32>} : memref<2x128x128xf32, #tpu.memory_space<vmem>>, vector<1x1x16xf32>,
        %get3A_651 = arith.constant 0 : i32
        %get3A_652 = arith.index_cast %get3A_651 : i32 to index
        %get3A_653 = arith.index_cast %add3A_597 : i32 to index
        %get3A_654 = arith.constant 48 : index
        %get3A_655 = tpu.vector_load %arg10[%get3A_652, %get3A_653, %get3A_654] {strides = array<i32>} : memref<2x128x128xf32, #tpu.memory_space<vmem>>, vector<1x1x16xf32>,
        %get3A_656 = vector.shape_cast %get3A_655 : vector<1x1x16xf32> to vector<16xf32>
        %add3A_657 = arith.addf %neg3A_24, %broadcast_in_dim3A_605 : vector<16xf32>
        %add3A_658 = arith.addf %get3A_656, %add3A_657 : vector<16xf32>
        %swap3A_659 = arith.constant 0 : i32
        %swap3A_660 = arith.index_cast %swap3A_659 : i32 to index
        %swap3A_661 = arith.index_cast %add3A_597 : i32 to index
        %swap3A_662 = arith.constant 48 : index
        %swap3A_663 = tpu.vector_load %arg10[%swap3A_660, %swap3A_661, %swap3A_662] {strides = array<i32>} : memref<2x128x128xf32, #tpu.memory_space<vmem>>, vector<1x1x16xf32>,
        %swap3A_664 = vector.shape_cast %swap3A_663 : vector<1x1x16xf32> to vector<16xf32>
        %swap3A_665 = vector.shape_cast %add3A_658 : vector<16xf32> to vector<1x1x16xf32>
        tpu.vector_store %arg10[%swap3A_660, %swap3A_661, %swap3A_662], %swap3A_665 {strides = array<i32>} : memref<2x128x128xf32, #tpu.memory_space<vmem>>, vector<1x1x16xf32>,
        %add3A_666 = arith.constant 7 : i32
        %add3A_667 = arith.addi %mul3A_178, %add3A_666 : i32
        %slice3A_668 = vector.extract_strided_slice %get3A_182 {offsets = [7], sizes = [1], strides = [1]} : vector<16xi32> to vector<1xi32>
        %squeeze3A_669 = vector.extract %slice3A_668[0] : i32 from vector<1xi32>
        %ne3A_670 = arith.constant 0 : i32
        %ne3A_671 = arith.cmpi ne, %squeeze3A_669, %ne3A_670 : i32
        %jit3A_672 = arith.constant 0.000000e+00 : f32
        %jit3A_673 = arith.constant 0xFF800000 : f32
        %select_n3A_674 = arith.select %ne3A_671, %jit3A_672, %jit3A_673 : f32
        %broadcast_in_dim3A_675 = vector.broadcast %select_n3A_674 : f32 to vector<16xf32>
        %get3A_676 = arith.constant 0 : i32
        %get3A_677 = arith.index_cast %get3A_676 : i32 to index
        %get3A_678 = arith.index_cast %add3A_667 : i32 to index
        %get3A_679 = arith.constant 0 : index
        %get3A_680 = tpu.vector_load %arg10[%get3A_677, %get3A_678, %get3A_679] {strides = array<i32>} : memref<2x128x128xf32, #tpu.memory_space<vmem>>, vector<1x1x16xf32>,
        %get3A_681 = vector.shape_cast %get3A_680 : vector<1x1x16xf32> to vector<16xf32>
        %add3A_682 = arith.addf %neg3A_6, %broadcast_in_dim3A_675 : vector<16xf32>
        %add3A_683 = arith.addf %get3A_681, %add3A_682 : vector<16xf32>
        %swap3A_684 = arith.constant 0 : i32
        %swap3A_685 = arith.index_cast %swap3A_684 : i32 to index
        %swap3A_686 = arith.index_cast %add3A_667 : i32 to index
        %swap3A_687 = arith.constant 0 : index
        %swap3A_688 = tpu.vector_load %arg10[%swap3A_685, %swap3A_686, %swap3A_687] {strides = array<i32>} : memref<2x128x128xf32, #tpu.memory_space<vmem>>, vector<1x1x16xf32>,
        %swap3A_689 = vector.shape_cast %swap3A_688 : vector<1x1x16xf32> to vector<16xf32>
        %swap3A_690 = vector.shape_cast %add3A_683 : vector<16xf32> to vector<1x1x16xf32>
        tpu.vector_store %arg10[%swap3A_685, %swap3A_686, %swap3A_687], %swap3A_690 {strides = array<i32>} : memref<2x128x128xf32, #tpu.memory_space<vmem>>, vector<1x1x16xf32>,
        %get3A_691 = arith.constant 0 : i32
        %get3A_692 = arith.index_cast %get3A_691 : i32 to index
        %get3A_693 = arith.index_cast %add3A_667 : i32 to index
        %get3A_694 = arith.constant 16 : index
        %get3A_695 = tpu.vector_load %arg10[%get3A_692, %get3A_693, %get3A_694] {strides = array<i32>} : memref<2x128x128xf32, #tpu.memory_space<vmem>>, vector<1x1x16xf32>,
        %get3A_696 = vector.shape_cast %get3A_695 : vector<1x1x16xf32> to vector<16xf32>
        %add3A_697 = arith.addf %neg3A_12, %broadcast_in_dim3A_675 : vector<16xf32>
        %add3A_698 = arith.addf %get3A_696, %add3A_697 : vector<16xf32>
        %swap3A_699 = arith.constant 0 : i32
        %swap3A_700 = arith.index_cast %swap3A_699 : i32 to index
        %swap3A_701 = arith.index_cast %add3A_667 : i32 to index
        %swap3A_702 = arith.constant 16 : index
        %swap3A_703 = tpu.vector_load %arg10[%swap3A_700, %swap3A_701, %swap3A_702] {strides = array<i32>} : memref<2x128x128xf32, #tpu.memory_space<vmem>>, vector<1x1x16xf32>,
        %swap3A_704 = vector.shape_cast %swap3A_703 : vector<1x1x16xf32> to vector<16xf32>
        %swap3A_705 = vector.shape_cast %add3A_698 : vector<16xf32> to vector<1x1x16xf32>
        tpu.vector_store %arg10[%swap3A_700, %swap3A_701, %swap3A_702], %swap3A_705 {strides = array<i32>} : memref<2x128x128xf32, #tpu.memory_space<vmem>>, vector<1x1x16xf32>,
        %get3A_706 = arith.constant 0 : i32
        %get3A_707 = arith.index_cast %get3A_706 : i32 to index
        %get3A_708 = arith.index_cast %add3A_667 : i32 to index
        %get3A_709 = arith.constant 32 : index
        %get3A_710 = tpu.vector_load %arg10[%get3A_707, %get3A_708, %get3A_709] {strides = array<i32>} : memref<2x128x128xf32, #tpu.memory_space<vmem>>, vector<1x1x16xf32>,
        %get3A_711 = vector.shape_cast %get3A_710 : vector<1x1x16xf32> to vector<16xf32>
        %add3A_712 = arith.addf %neg3A_18, %broadcast_in_dim3A_675 : vector<16xf32>
        %add3A_713 = arith.addf %get3A_711, %add3A_712 : vector<16xf32>
        %swap3A_714 = arith.constant 0 : i32
        %swap3A_715 = arith.index_cast %swap3A_714 : i32 to index
        %swap3A_716 = arith.index_cast %add3A_667 : i32 to index
        %swap3A_717 = arith.constant 32 : index
        %swap3A_718 = tpu.vector_load %arg10[%swap3A_715, %swap3A_716, %swap3A_717] {strides = array<i32>} : memref<2x128x128xf32, #tpu.memory_space<vmem>>, vector<1x1x16xf32>,
        %swap3A_719 = vector.shape_cast %swap3A_718 : vector<1x1x16xf32> to vector<16xf32>
        %swap3A_720 = vector.shape_cast %add3A_713 : vector<16xf32> to vector<1x1x16xf32>
        tpu.vector_store %arg10[%swap3A_715, %swap3A_716, %swap3A_717], %swap3A_720 {strides = array<i32>} : memref<2x128x128xf32, #tpu.memory_space<vmem>>, vector<1x1x16xf32>,
        %get3A_721 = arith.constant 0 : i32
        %get3A_722 = arith.index_cast %get3A_721 : i32 to index
        %get3A_723 = arith.index_cast %add3A_667 : i32 to index
        %get3A_724 = arith.constant 48 : index
        %get3A_725 = tpu.vector_load %arg10[%get3A_722, %get3A_723, %get3A_724] {strides = array<i32>} : memref<2x128x128xf32, #tpu.memory_space<vmem>>, vector<1x1x16xf32>,
        %get3A_726 = vector.shape_cast %get3A_725 : vector<1x1x16xf32> to vector<16xf32>
        %add3A_727 = arith.addf %neg3A_24, %broadcast_in_dim3A_675 : vector<16xf32>
        %add3A_728 = arith.addf %get3A_726, %add3A_727 : vector<16xf32>
        %swap3A_729 = arith.constant 0 : i32
        %swap3A_730 = arith.index_cast %swap3A_729 : i32 to index
        %swap3A_731 = arith.index_cast %add3A_667 : i32 to index
        %swap3A_732 = arith.constant 48 : index
        %swap3A_733 = tpu.vector_load %arg10[%swap3A_730, %swap3A_731, %swap3A_732] {strides = array<i32>} : memref<2x128x128xf32, #tpu.memory_space<vmem>>, vector<1x1x16xf32>,
        %swap3A_734 = vector.shape_cast %swap3A_733 : vector<1x1x16xf32> to vector<16xf32>
        %swap3A_735 = vector.shape_cast %add3A_728 : vector<16xf32> to vector<1x1x16xf32>
        tpu.vector_store %arg10[%swap3A_730, %swap3A_731, %swap3A_732], %swap3A_735 {strides = array<i32>} : memref<2x128x128xf32, #tpu.memory_space<vmem>>, vector<1x1x16xf32>,
        %add3A_736 = arith.constant 8 : i32
        %add3A_737 = arith.addi %mul3A_178, %add3A_736 : i32
        %slice3A_738 = vector.extract_strided_slice %get3A_182 {offsets = [8], sizes = [1], strides = [1]} : vector<16xi32> to vector<1xi32>
        %squeeze3A_739 = vector.extract %slice3A_738[0] : i32 from vector<1xi32>
        %ne3A_740 = arith.constant 0 : i32
        %ne3A_741 = arith.cmpi ne, %squeeze3A_739, %ne3A_740 : i32
        %jit3A_742 = arith.constant 0.000000e+00 : f32
        %jit3A_743 = arith.constant 0xFF800000 : f32
        %select_n3A_744 = arith.select %ne3A_741, %jit3A_742, %jit3A_743 : f32
        %broadcast_in_dim3A_745 = vector.broadcast %select_n3A_744 : f32 to vector<16xf32>
        %get3A_746 = arith.constant 0 : i32
        %get3A_747 = arith.index_cast %get3A_746 : i32 to index
        %get3A_748 = arith.index_cast %add3A_737 : i32 to index
        %get3A_749 = arith.constant 0 : index
        %get3A_750 = tpu.vector_load %arg10[%get3A_747, %get3A_748, %get3A_749] {strides = array<i32>} : memref<2x128x128xf32, #tpu.memory_space<vmem>>, vector<1x1x16xf32>,
        %get3A_751 = vector.shape_cast %get3A_750 : vector<1x1x16xf32> to vector<16xf32>
        %add3A_752 = arith.addf %neg3A_6, %broadcast_in_dim3A_745 : vector<16xf32>
        %add3A_753 = arith.addf %get3A_751, %add3A_752 : vector<16xf32>
        %swap3A_754 = arith.constant 0 : i32
        %swap3A_755 = arith.index_cast %swap3A_754 : i32 to index
        %swap3A_756 = arith.index_cast %add3A_737 : i32 to index
        %swap3A_757 = arith.constant 0 : index
        %swap3A_758 = tpu.vector_load %arg10[%swap3A_755, %swap3A_756, %swap3A_757] {strides = array<i32>} : memref<2x128x128xf32, #tpu.memory_space<vmem>>, vector<1x1x16xf32>,
        %swap3A_759 = vector.shape_cast %swap3A_758 : vector<1x1x16xf32> to vector<16xf32>
        %swap3A_760 = vector.shape_cast %add3A_753 : vector<16xf32> to vector<1x1x16xf32>
        tpu.vector_store %arg10[%swap3A_755, %swap3A_756, %swap3A_757], %swap3A_760 {strides = array<i32>} : memref<2x128x128xf32, #tpu.memory_space<vmem>>, vector<1x1x16xf32>,
        %get3A_761 = arith.constant 0 : i32
        %get3A_762 = arith.index_cast %get3A_761 : i32 to index
        %get3A_763 = arith.index_cast %add3A_737 : i32 to index
        %get3A_764 = arith.constant 16 : index
        %get3A_765 = tpu.vector_load %arg10[%get3A_762, %get3A_763, %get3A_764] {strides = array<i32>} : memref<2x128x128xf32, #tpu.memory_space<vmem>>, vector<1x1x16xf32>,
        %get3A_766 = vector.shape_cast %get3A_765 : vector<1x1x16xf32> to vector<16xf32>
        %add3A_767 = arith.addf %neg3A_12, %broadcast_in_dim3A_745 : vector<16xf32>
        %add3A_768 = arith.addf %get3A_766, %add3A_767 : vector<16xf32>
        %swap3A_769 = arith.constant 0 : i32
        %swap3A_770 = arith.index_cast %swap3A_769 : i32 to index
        %swap3A_771 = arith.index_cast %add3A_737 : i32 to index
        %swap3A_772 = arith.constant 16 : index
        %swap3A_773 = tpu.vector_load %arg10[%swap3A_770, %swap3A_771, %swap3A_772] {strides = array<i32>} : memref<2x128x128xf32, #tpu.memory_space<vmem>>, vector<1x1x16xf32>,
        %swap3A_774 = vector.shape_cast %swap3A_773 : vector<1x1x16xf32> to vector<16xf32>
        %swap3A_775 = vector.shape_cast %add3A_768 : vector<16xf32> to vector<1x1x16xf32>
        tpu.vector_store %arg10[%swap3A_770, %swap3A_771, %swap3A_772], %swap3A_775 {strides = array<i32>} : memref<2x128x128xf32, #tpu.memory_space<vmem>>, vector<1x1x16xf32>,
        %get3A_776 = arith.constant 0 : i32
        %get3A_777 = arith.index_cast %get3A_776 : i32 to index
        %get3A_778 = arith.index_cast %add3A_737 : i32 to index
        %get3A_779 = arith.constant 32 : index
        %get3A_780 = tpu.vector_load %arg10[%get3A_777, %get3A_778, %get3A_779] {strides = array<i32>} : memref<2x128x128xf32, #tpu.memory_space<vmem>>, vector<1x1x16xf32>,
        %get3A_781 = vector.shape_cast %get3A_780 : vector<1x1x16xf32> to vector<16xf32>
        %add3A_782 = arith.addf %neg3A_18, %broadcast_in_dim3A_745 : vector<16xf32>
        %add3A_783 = arith.addf %get3A_781, %add3A_782 : vector<16xf32>
        %swap3A_784 = arith.constant 0 : i32
        %swap3A_785 = arith.index_cast %swap3A_784 : i32 to index
        %swap3A_786 = arith.index_cast %add3A_737 : i32 to index
        %swap3A_787 = arith.constant 32 : index
        %swap3A_788 = tpu.vector_load %arg10[%swap3A_785, %swap3A_786, %swap3A_787] {strides = array<i32>} : memref<2x128x128xf32, #tpu.memory_space<vmem>>, vector<1x1x16xf32>,
        %swap3A_789 = vector.shape_cast %swap3A_788 : vector<1x1x16xf32> to vector<16xf32>
        %swap3A_790 = vector.shape_cast %add3A_783 : vector<16xf32> to vector<1x1x16xf32>
        tpu.vector_store %arg10[%swap3A_785, %swap3A_786, %swap3A_787], %swap3A_790 {strides = array<i32>} : memref<2x128x128xf32, #tpu.memory_space<vmem>>, vector<1x1x16xf32>,
        %get3A_791 = arith.constant 0 : i32
        %get3A_792 = arith.index_cast %get3A_791 : i32 to index
        %get3A_793 = arith.index_cast %add3A_737 : i32 to index
        %get3A_794 = arith.constant 48 : index
        %get3A_795 = tpu.vector_load %arg10[%get3A_792, %get3A_793, %get3A_794] {strides = array<i32>} : memref<2x128x128xf32, #tpu.memory_space<vmem>>, vector<1x1x16xf32>,
        %get3A_796 = vector.shape_cast %get3A_795 : vector<1x1x16xf32> to vector<16xf32>
        %add3A_797 = arith.addf %neg3A_24, %broadcast_in_dim3A_745 : vector<16xf32>
        %add3A_798 = arith.addf %get3A_796, %add3A_797 : vector<16xf32>
        %swap3A_799 = arith.constant 0 : i32
        %swap3A_800 = arith.index_cast %swap3A_799 : i32 to index
        %swap3A_801 = arith.index_cast %add3A_737 : i32 to index
        %swap3A_802 = arith.constant 48 : index
        %swap3A_803 = tpu.vector_load %arg10[%swap3A_800, %swap3A_801, %swap3A_802] {strides = array<i32>} : memref<2x128x128xf32, #tpu.memory_space<vmem>>, vector<1x1x16xf32>,
        %swap3A_804 = vector.shape_cast %swap3A_803 : vector<1x1x16xf32> to vector<16xf32>
        %swap3A_805 = vector.shape_cast %add3A_798 : vector<16xf32> to vector<1x1x16xf32>
        tpu.vector_store %arg10[%swap3A_800, %swap3A_801, %swap3A_802], %swap3A_805 {strides = array<i32>} : memref<2x128x128xf32, #tpu.memory_space<vmem>>, vector<1x1x16xf32>,
        %add3A_806 = arith.constant 9 : i32
        %add3A_807 = arith.addi %mul3A_178, %add3A_806 : i32
        %slice3A_808 = vector.extract_strided_slice %get3A_182 {offsets = [9], sizes = [1], strides = [1]} : vector<16xi32> to vector<1xi32>
        %squeeze3A_809 = vector.extract %slice3A_808[0] : i32 from vector<1xi32>
        %ne3A_810 = arith.constant 0 : i32
        %ne3A_811 = arith.cmpi ne, %squeeze3A_809, %ne3A_810 : i32
        %jit3A_812 = arith.constant 0.000000e+00 : f32
        %jit3A_813 = arith.constant 0xFF800000 : f32
        %select_n3A_814 = arith.select %ne3A_811, %jit3A_812, %jit3A_813 : f32
        %broadcast_in_dim3A_815 = vector.broadcast %select_n3A_814 : f32 to vector<16xf32>
        %get3A_816 = arith.constant 0 : i32
        %get3A_817 = arith.index_cast %get3A_816 : i32 to index
        %get3A_818 = arith.index_cast %add3A_807 : i32 to index
        %get3A_819 = arith.constant 0 : index
        %get3A_820 = tpu.vector_load %arg10[%get3A_817, %get3A_818, %get3A_819] {strides = array<i32>} : memref<2x128x128xf32, #tpu.memory_space<vmem>>, vector<1x1x16xf32>,
        %get3A_821 = vector.shape_cast %get3A_820 : vector<1x1x16xf32> to vector<16xf32>
        %add3A_822 = arith.addf %neg3A_6, %broadcast_in_dim3A_815 : vector<16xf32>
        %add3A_823 = arith.addf %get3A_821, %add3A_822 : vector<16xf32>
        %swap3A_824 = arith.constant 0 : i32
        %swap3A_825 = arith.index_cast %swap3A_824 : i32 to index
        %swap3A_826 = arith.index_cast %add3A_807 : i32 to index
        %swap3A_827 = arith.constant 0 : index
        %swap3A_828 = tpu.vector_load %arg10[%swap3A_825, %swap3A_826, %swap3A_827] {strides = array<i32>} : memref<2x128x128xf32, #tpu.memory_space<vmem>>, vector<1x1x16xf32>,
        %swap3A_829 = vector.shape_cast %swap3A_828 : vector<1x1x16xf32> to vector<16xf32>
        %swap3A_830 = vector.shape_cast %add3A_823 : vector<16xf32> to vector<1x1x16xf32>
        tpu.vector_store %arg10[%swap3A_825, %swap3A_826, %swap3A_827], %swap3A_830 {strides = array<i32>} : memref<2x128x128xf32, #tpu.memory_space<vmem>>, vector<1x1x16xf32>,
        %get3A_831 = arith.constant 0 : i32
        %get3A_832 = arith.index_cast %get3A_831 : i32 to index
        %get3A_833 = arith.index_cast %add3A_807 : i32 to index
        %get3A_834 = arith.constant 16 : index
        %get3A_835 = tpu.vector_load %arg10[%get3A_832, %get3A_833, %get3A_834] {strides = array<i32>} : memref<2x128x128xf32, #tpu.memory_space<vmem>>, vector<1x1x16xf32>,
        %get3A_836 = vector.shape_cast %get3A_835 : vector<1x1x16xf32> to vector<16xf32>
        %add3A_837 = arith.addf %neg3A_12, %broadcast_in_dim3A_815 : vector<16xf32>
        %add3A_838 = arith.addf %get3A_836, %add3A_837 : vector<16xf32>
        %swap3A_839 = arith.constant 0 : i32
        %swap3A_840 = arith.index_cast %swap3A_839 : i32 to index
        %swap3A_841 = arith.index_cast %add3A_807 : i32 to index
        %swap3A_842 = arith.constant 16 : index
        %swap3A_843 = tpu.vector_load %arg10[%swap3A_840, %swap3A_841, %swap3A_842] {strides = array<i32>} : memref<2x128x128xf32, #tpu.memory_space<vmem>>, vector<1x1x16xf32>,
        %swap3A_844 = vector.shape_cast %swap3A_843 : vector<1x1x16xf32> to vector<16xf32>
        %swap3A_845 = vector.shape_cast %add3A_838 : vector<16xf32> to vector<1x1x16xf32>
        tpu.vector_store %arg10[%swap3A_840, %swap3A_841, %swap3A_842], %swap3A_845 {strides = array<i32>} : memref<2x128x128xf32, #tpu.memory_space<vmem>>, vector<1x1x16xf32>,
        %get3A_846 = arith.constant 0 : i32
        %get3A_847 = arith.index_cast %get3A_846 : i32 to index
        %get3A_848 = arith.index_cast %add3A_807 : i32 to index
        %get3A_849 = arith.constant 32 : index
        %get3A_850 = tpu.vector_load %arg10[%get3A_847, %get3A_848, %get3A_849] {strides = array<i32>} : memref<2x128x128xf32, #tpu.memory_space<vmem>>, vector<1x1x16xf32>,
        %get3A_851 = vector.shape_cast %get3A_850 : vector<1x1x16xf32> to vector<16xf32>
        %add3A_852 = arith.addf %neg3A_18, %broadcast_in_dim3A_815 : vector<16xf32>
        %add3A_853 = arith.addf %get3A_851, %add3A_852 : vector<16xf32>
        %swap3A_854 = arith.constant 0 : i32
        %swap3A_855 = arith.index_cast %swap3A_854 : i32 to index
        %swap3A_856 = arith.index_cast %add3A_807 : i32 to index
        %swap3A_857 = arith.constant 32 : index
        %swap3A_858 = tpu.vector_load %arg10[%swap3A_855, %swap3A_856, %swap3A_857] {strides = array<i32>} : memref<2x128x128xf32, #tpu.memory_space<vmem>>, vector<1x1x16xf32>,
        %swap3A_859 = vector.shape_cast %swap3A_858 : vector<1x1x16xf32> to vector<16xf32>
        %swap3A_860 = vector.shape_cast %add3A_853 : vector<16xf32> to vector<1x1x16xf32>
        tpu.vector_store %arg10[%swap3A_855, %swap3A_856, %swap3A_857], %swap3A_860 {strides = array<i32>} : memref<2x128x128xf32, #tpu.memory_space<vmem>>, vector<1x1x16xf32>,
        %get3A_861 = arith.constant 0 : i32
        %get3A_862 = arith.index_cast %get3A_861 : i32 to index
        %get3A_863 = arith.index_cast %add3A_807 : i32 to index
        %get3A_864 = arith.constant 48 : index
        %get3A_865 = tpu.vector_load %arg10[%get3A_862, %get3A_863, %get3A_864] {strides = array<i32>} : memref<2x128x128xf32, #tpu.memory_space<vmem>>, vector<1x1x16xf32>,
        %get3A_866 = vector.shape_cast %get3A_865 : vector<1x1x16xf32> to vector<16xf32>
        %add3A_867 = arith.addf %neg3A_24, %broadcast_in_dim3A_815 : vector<16xf32>
        %add3A_868 = arith.addf %get3A_866, %add3A_867 : vector<16xf32>
        %swap3A_869 = arith.constant 0 : i32
        %swap3A_870 = arith.index_cast %swap3A_869 : i32 to index
        %swap3A_871 = arith.index_cast %add3A_807 : i32 to index
        %swap3A_872 = arith.constant 48 : index
        %swap3A_873 = tpu.vector_load %arg10[%swap3A_870, %swap3A_871, %swap3A_872] {strides = array<i32>} : memref<2x128x128xf32, #tpu.memory_space<vmem>>, vector<1x1x16xf32>,
        %swap3A_874 = vector.shape_cast %swap3A_873 : vector<1x1x16xf32> to vector<16xf32>
        %swap3A_875 = vector.shape_cast %add3A_868 : vector<16xf32> to vector<1x1x16xf32>
        tpu.vector_store %arg10[%swap3A_870, %swap3A_871, %swap3A_872], %swap3A_875 {strides = array<i32>} : memref<2x128x128xf32, #tpu.memory_space<vmem>>, vector<1x1x16xf32>,
        %add3A_876 = arith.constant 10 : i32
        %add3A_877 = arith.addi %mul3A_178, %add3A_876 : i32
        %slice3A_878 = vector.extract_strided_slice %get3A_182 {offsets = [10], sizes = [1], strides = [1]} : vector<16xi32> to vector<1xi32>
        %squeeze3A_879 = vector.extract %slice3A_878[0] : i32 from vector<1xi32>
        %ne3A_880 = arith.constant 0 : i32
        %ne3A_881 = arith.cmpi ne, %squeeze3A_879, %ne3A_880 : i32
        %jit3A_882 = arith.constant 0.000000e+00 : f32
        %jit3A_883 = arith.constant 0xFF800000 : f32
        %select_n3A_884 = arith.select %ne3A_881, %jit3A_882, %jit3A_883 : f32
        %broadcast_in_dim3A_885 = vector.broadcast %select_n3A_884 : f32 to vector<16xf32>
        %get3A_886 = arith.constant 0 : i32
        %get3A_887 = arith.index_cast %get3A_886 : i32 to index
        %get3A_888 = arith.index_cast %add3A_877 : i32 to index
        %get3A_889 = arith.constant 0 : index
        %get3A_890 = tpu.vector_load %arg10[%get3A_887, %get3A_888, %get3A_889] {strides = array<i32>} : memref<2x128x128xf32, #tpu.memory_space<vmem>>, vector<1x1x16xf32>,
        %get3A_891 = vector.shape_cast %get3A_890 : vector<1x1x16xf32> to vector<16xf32>
        %add3A_892 = arith.addf %neg3A_6, %broadcast_in_dim3A_885 : vector<16xf32>
        %add3A_893 = arith.addf %get3A_891, %add3A_892 : vector<16xf32>
        %swap3A_894 = arith.constant 0 : i32
        %swap3A_895 = arith.index_cast %swap3A_894 : i32 to index
        %swap3A_896 = arith.index_cast %add3A_877 : i32 to index
        %swap3A_897 = arith.constant 0 : index
        %swap3A_898 = tpu.vector_load %arg10[%swap3A_895, %swap3A_896, %swap3A_897] {strides = array<i32>} : memref<2x128x128xf32, #tpu.memory_space<vmem>>, vector<1x1x16xf32>,
        %swap3A_899 = vector.shape_cast %swap3A_898 : vector<1x1x16xf32> to vector<16xf32>
        %swap3A_900 = vector.shape_cast %add3A_893 : vector<16xf32> to vector<1x1x16xf32>
        tpu.vector_store %arg10[%swap3A_895, %swap3A_896, %swap3A_897], %swap3A_900 {strides = array<i32>} : memref<2x128x128xf32, #tpu.memory_space<vmem>>, vector<1x1x16xf32>,
        %get3A_901 = arith.constant 0 : i32
        %get3A_902 = arith.index_cast %get3A_901 : i32 to index
        %get3A_903 = arith.index_cast %add3A_877 : i32 to index
        %get3A_904 = arith.constant 16 : index
        %get3A_905 = tpu.vector_load %arg10[%get3A_902, %get3A_903, %get3A_904] {strides = array<i32>} : memref<2x128x128xf32, #tpu.memory_space<vmem>>, vector<1x1x16xf32>,
        %get3A_906 = vector.shape_cast %get3A_905 : vector<1x1x16xf32> to vector<16xf32>
        %add3A_907 = arith.addf %neg3A_12, %broadcast_in_dim3A_885 : vector<16xf32>
        %add3A_908 = arith.addf %get3A_906, %add3A_907 : vector<16xf32>
        %swap3A_909 = arith.constant 0 : i32
        %swap3A_910 = arith.index_cast %swap3A_909 : i32 to index
        %swap3A_911 = arith.index_cast %add3A_877 : i32 to index
        %swap3A_912 = arith.constant 16 : index
        %swap3A_913 = tpu.vector_load %arg10[%swap3A_910, %swap3A_911, %swap3A_912] {strides = array<i32>} : memref<2x128x128xf32, #tpu.memory_space<vmem>>, vector<1x1x16xf32>,
        %swap3A_914 = vector.shape_cast %swap3A_913 : vector<1x1x16xf32> to vector<16xf32>
        %swap3A_915 = vector.shape_cast %add3A_908 : vector<16xf32> to vector<1x1x16xf32>
        tpu.vector_store %arg10[%swap3A_910, %swap3A_911, %swap3A_912], %swap3A_915 {strides = array<i32>} : memref<2x128x128xf32, #tpu.memory_space<vmem>>, vector<1x1x16xf32>,
        %get3A_916 = arith.constant 0 : i32
        %get3A_917 = arith.index_cast %get3A_916 : i32 to index
        %get3A_918 = arith.index_cast %add3A_877 : i32 to index
        %get3A_919 = arith.constant 32 : index
        %get3A_920 = tpu.vector_load %arg10[%get3A_917, %get3A_918, %get3A_919] {strides = array<i32>} : memref<2x128x128xf32, #tpu.memory_space<vmem>>, vector<1x1x16xf32>,
        %get3A_921 = vector.shape_cast %get3A_920 : vector<1x1x16xf32> to vector<16xf32>
        %add3A_922 = arith.addf %neg3A_18, %broadcast_in_dim3A_885 : vector<16xf32>
        %add3A_923 = arith.addf %get3A_921, %add3A_922 : vector<16xf32>
        %swap3A_924 = arith.constant 0 : i32
        %swap3A_925 = arith.index_cast %swap3A_924 : i32 to index
        %swap3A_926 = arith.index_cast %add3A_877 : i32 to index
        %swap3A_927 = arith.constant 32 : index
        %swap3A_928 = tpu.vector_load %arg10[%swap3A_925, %swap3A_926, %swap3A_927] {strides = array<i32>} : memref<2x128x128xf32, #tpu.memory_space<vmem>>, vector<1x1x16xf32>,
        %swap3A_929 = vector.shape_cast %swap3A_928 : vector<1x1x16xf32> to vector<16xf32>
        %swap3A_930 = vector.shape_cast %add3A_923 : vector<16xf32> to vector<1x1x16xf32>
        tpu.vector_store %arg10[%swap3A_925, %swap3A_926, %swap3A_927], %swap3A_930 {strides = array<i32>} : memref<2x128x128xf32, #tpu.memory_space<vmem>>, vector<1x1x16xf32>,
        %get3A_931 = arith.constant 0 : i32
        %get3A_932 = arith.index_cast %get3A_931 : i32 to index
        %get3A_933 = arith.index_cast %add3A_877 : i32 to index
        %get3A_934 = arith.constant 48 : index
        %get3A_935 = tpu.vector_load %arg10[%get3A_932, %get3A_933, %get3A_934] {strides = array<i32>} : memref<2x128x128xf32, #tpu.memory_space<vmem>>, vector<1x1x16xf32>,
        %get3A_936 = vector.shape_cast %get3A_935 : vector<1x1x16xf32> to vector<16xf32>
        %add3A_937 = arith.addf %neg3A_24, %broadcast_in_dim3A_885 : vector<16xf32>
        %add3A_938 = arith.addf %get3A_936, %add3A_937 : vector<16xf32>
        %swap3A_939 = arith.constant 0 : i32
        %swap3A_940 = arith.index_cast %swap3A_939 : i32 to index
        %swap3A_941 = arith.index_cast %add3A_877 : i32 to index
        %swap3A_942 = arith.constant 48 : index
        %swap3A_943 = tpu.vector_load %arg10[%swap3A_940, %swap3A_941, %swap3A_942] {strides = array<i32>} : memref<2x128x128xf32, #tpu.memory_space<vmem>>, vector<1x1x16xf32>,
        %swap3A_944 = vector.shape_cast %swap3A_943 : vector<1x1x16xf32> to vector<16xf32>
        %swap3A_945 = vector.shape_cast %add3A_938 : vector<16xf32> to vector<1x1x16xf32>
        tpu.vector_store %arg10[%swap3A_940, %swap3A_941, %swap3A_942], %swap3A_945 {strides = array<i32>} : memref<2x128x128xf32, #tpu.memory_space<vmem>>, vector<1x1x16xf32>,
        %add3A_946 = arith.constant 11 : i32
        %add3A_947 = arith.addi %mul3A_178, %add3A_946 : i32
        %slice3A_948 = vector.extract_strided_slice %get3A_182 {offsets = [11], sizes = [1], strides = [1]} : vector<16xi32> to vector<1xi32>
        %squeeze3A_949 = vector.extract %slice3A_948[0] : i32 from vector<1xi32>
        %ne3A_950 = arith.constant 0 : i32
        %ne3A_951 = arith.cmpi ne, %squeeze3A_949, %ne3A_950 : i32
        %jit3A_952 = arith.constant 0.000000e+00 : f32
        %jit3A_953 = arith.constant 0xFF800000 : f32
        %select_n3A_954 = arith.select %ne3A_951, %jit3A_952, %jit3A_953 : f32
        %broadcast_in_dim3A_955 = vector.broadcast %select_n3A_954 : f32 to vector<16xf32>
        %get3A_956 = arith.constant 0 : i32
        %get3A_957 = arith.index_cast %get3A_956 : i32 to index
        %get3A_958 = arith.index_cast %add3A_947 : i32 to index
        %get3A_959 = arith.constant 0 : index
        %get3A_960 = tpu.vector_load %arg10[%get3A_957, %get3A_958, %get3A_959] {strides = array<i32>} : memref<2x128x128xf32, #tpu.memory_space<vmem>>, vector<1x1x16xf32>,
        %get3A_961 = vector.shape_cast %get3A_960 : vector<1x1x16xf32> to vector<16xf32>
        %add3A_962 = arith.addf %neg3A_6, %broadcast_in_dim3A_955 : vector<16xf32>
        %add3A_963 = arith.addf %get3A_961, %add3A_962 : vector<16xf32>
        %swap3A_964 = arith.constant 0 : i32
        %swap3A_965 = arith.index_cast %swap3A_964 : i32 to index
        %swap3A_966 = arith.index_cast %add3A_947 : i32 to index
        %swap3A_967 = arith.constant 0 : index
        %swap3A_968 = tpu.vector_load %arg10[%swap3A_965, %swap3A_966, %swap3A_967] {strides = array<i32>} : memref<2x128x128xf32, #tpu.memory_space<vmem>>, vector<1x1x16xf32>,
        %swap3A_969 = vector.shape_cast %swap3A_968 : vector<1x1x16xf32> to vector<16xf32>
        %swap3A_970 = vector.shape_cast %add3A_963 : vector<16xf32> to vector<1x1x16xf32>
        tpu.vector_store %arg10[%swap3A_965, %swap3A_966, %swap3A_967], %swap3A_970 {strides = array<i32>} : memref<2x128x128xf32, #tpu.memory_space<vmem>>, vector<1x1x16xf32>,
        %get3A_971 = arith.constant 0 : i32
        %get3A_972 = arith.index_cast %get3A_971 : i32 to index
        %get3A_973 = arith.index_cast %add3A_947 : i32 to index
        %get3A_974 = arith.constant 16 : index
        %get3A_975 = tpu.vector_load %arg10[%get3A_972, %get3A_973, %get3A_974] {strides = array<i32>} : memref<2x128x128xf32, #tpu.memory_space<vmem>>, vector<1x1x16xf32>,
        %get3A_976 = vector.shape_cast %get3A_975 : vector<1x1x16xf32> to vector<16xf32>
        %add3A_977 = arith.addf %neg3A_12, %broadcast_in_dim3A_955 : vector<16xf32>
        %add3A_978 = arith.addf %get3A_976, %add3A_977 : vector<16xf32>
        %swap3A_979 = arith.constant 0 : i32
        %swap3A_980 = arith.index_cast %swap3A_979 : i32 to index
        %swap3A_981 = arith.index_cast %add3A_947 : i32 to index
        %swap3A_982 = arith.constant 16 : index
        %swap3A_983 = tpu.vector_load %arg10[%swap3A_980, %swap3A_981, %swap3A_982] {strides = array<i32>} : memref<2x128x128xf32, #tpu.memory_space<vmem>>, vector<1x1x16xf32>,
        %swap3A_984 = vector.shape_cast %swap3A_983 : vector<1x1x16xf32> to vector<16xf32>
        %swap3A_985 = vector.shape_cast %add3A_978 : vector<16xf32> to vector<1x1x16xf32>
        tpu.vector_store %arg10[%swap3A_980, %swap3A_981, %swap3A_982], %swap3A_985 {strides = array<i32>} : memref<2x128x128xf32, #tpu.memory_space<vmem>>, vector<1x1x16xf32>,
        %get3A_986 = arith.constant 0 : i32
        %get3A_987 = arith.index_cast %get3A_986 : i32 to index
        %get3A_988 = arith.index_cast %add3A_947 : i32 to index
        %get3A_989 = arith.constant 32 : index
        %get3A_990 = tpu.vector_load %arg10[%get3A_987, %get3A_988, %get3A_989] {strides = array<i32>} : memref<2x128x128xf32, #tpu.memory_space<vmem>>, vector<1x1x16xf32>,
        %get3A_991 = vector.shape_cast %get3A_990 : vector<1x1x16xf32> to vector<16xf32>
        %add3A_992 = arith.addf %neg3A_18, %broadcast_in_dim3A_955 : vector<16xf32>
        %add3A_993 = arith.addf %get3A_991, %add3A_992 : vector<16xf32>
        %swap3A_994 = arith.constant 0 : i32
        %swap3A_995 = arith.index_cast %swap3A_994 : i32 to index
        %swap3A_996 = arith.index_cast %add3A_947 : i32 to index
        %swap3A_997 = arith.constant 32 : index
        %swap3A_998 = tpu.vector_load %arg10[%swap3A_995, %swap3A_996, %swap3A_997] {strides = array<i32>} : memref<2x128x128xf32, #tpu.memory_space<vmem>>, vector<1x1x16xf32>,
        %swap3A_999 = vector.shape_cast %swap3A_998 : vector<1x1x16xf32> to vector<16xf32>
        %swap3A_1000 = vector.shape_cast %add3A_993 : vector<16xf32> to vector<1x1x16xf32>
        tpu.vector_store %arg10[%swap3A_995, %swap3A_996, %swap3A_997], %swap3A_1000 {strides = array<i32>} : memref<2x128x128xf32, #tpu.memory_space<vmem>>, vector<1x1x16xf32>,
        %get3A_1001 = arith.constant 0 : i32
        %get3A_1002 = arith.index_cast %get3A_1001 : i32 to index
        %get3A_1003 = arith.index_cast %add3A_947 : i32 to index
        %get3A_1004 = arith.constant 48 : index
        %get3A_1005 = tpu.vector_load %arg10[%get3A_1002, %get3A_1003, %get3A_1004] {strides = array<i32>} : memref<2x128x128xf32, #tpu.memory_space<vmem>>, vector<1x1x16xf32>,
        %get3A_1006 = vector.shape_cast %get3A_1005 : vector<1x1x16xf32> to vector<16xf32>
        %add3A_1007 = arith.addf %neg3A_24, %broadcast_in_dim3A_955 : vector<16xf32>
        %add3A_1008 = arith.addf %get3A_1006, %add3A_1007 : vector<16xf32>
        %swap3A_1009 = arith.constant 0 : i32
        %swap3A_1010 = arith.index_cast %swap3A_1009 : i32 to index
        %swap3A_1011 = arith.index_cast %add3A_947 : i32 to index
        %swap3A_1012 = arith.constant 48 : index
        %swap3A_1013 = tpu.vector_load %arg10[%swap3A_1010, %swap3A_1011, %swap3A_1012] {strides = array<i32>} : memref<2x128x128xf32, #tpu.memory_space<vmem>>, vector<1x1x16xf32>,
        %swap3A_1014 = vector.shape_cast %swap3A_1013 : vector<1x1x16xf32> to vector<16xf32>
        %swap3A_1015 = vector.shape_cast %add3A_1008 : vector<16xf32> to vector<1x1x16xf32>
        tpu.vector_store %arg10[%swap3A_1010, %swap3A_1011, %swap3A_1012], %swap3A_1015 {strides = array<i32>} : memref<2x128x128xf32, #tpu.memory_space<vmem>>, vector<1x1x16xf32>,
        %add3A_1016 = arith.constant 12 : i32
        %add3A_1017 = arith.addi %mul3A_178, %add3A_1016 : i32
        %slice3A_1018 = vector.extract_strided_slice %get3A_182 {offsets = [12], sizes = [1], strides = [1]} : vector<16xi32> to vector<1xi32>
        %squeeze3A_1019 = vector.extract %slice3A_1018[0] : i32 from vector<1xi32>
        %ne3A_1020 = arith.constant 0 : i32
        %ne3A_1021 = arith.cmpi ne, %squeeze3A_1019, %ne3A_1020 : i32
        %jit3A_1022 = arith.constant 0.000000e+00 : f32
        %jit3A_1023 = arith.constant 0xFF800000 : f32
        %select_n3A_1024 = arith.select %ne3A_1021, %jit3A_1022, %jit3A_1023 : f32
        %broadcast_in_dim3A_1025 = vector.broadcast %select_n3A_1024 : f32 to vector<16xf32>
        %get3A_1026 = arith.constant 0 : i32
        %get3A_1027 = arith.index_cast %get3A_1026 : i32 to index
        %get3A_1028 = arith.index_cast %add3A_1017 : i32 to index
        %get3A_1029 = arith.constant 0 : index
        %get3A_1030 = tpu.vector_load %arg10[%get3A_1027, %get3A_1028, %get3A_1029] {strides = array<i32>} : memref<2x128x128xf32, #tpu.memory_space<vmem>>, vector<1x1x16xf32>,
        %get3A_1031 = vector.shape_cast %get3A_1030 : vector<1x1x16xf32> to vector<16xf32>
        %add3A_1032 = arith.addf %neg3A_6, %broadcast_in_dim3A_1025 : vector<16xf32>
        %add3A_1033 = arith.addf %get3A_1031, %add3A_1032 : vector<16xf32>
        %swap3A_1034 = arith.constant 0 : i32
        %swap3A_1035 = arith.index_cast %swap3A_1034 : i32 to index
        %swap3A_1036 = arith.index_cast %add3A_1017 : i32 to index
        %swap3A_1037 = arith.constant 0 : index
        %swap3A_1038 = tpu.vector_load %arg10[%swap3A_1035, %swap3A_1036, %swap3A_1037] {strides = array<i32>} : memref<2x128x128xf32, #tpu.memory_space<vmem>>, vector<1x1x16xf32>,
        %swap3A_1039 = vector.shape_cast %swap3A_1038 : vector<1x1x16xf32> to vector<16xf32>
        %swap3A_1040 = vector.shape_cast %add3A_1033 : vector<16xf32> to vector<1x1x16xf32>
        tpu.vector_store %arg10[%swap3A_1035, %swap3A_1036, %swap3A_1037], %swap3A_1040 {strides = array<i32>} : memref<2x128x128xf32, #tpu.memory_space<vmem>>, vector<1x1x16xf32>,
        %get3A_1041 = arith.constant 0 : i32
        %get3A_1042 = arith.index_cast %get3A_1041 : i32 to index
        %get3A_1043 = arith.index_cast %add3A_1017 : i32 to index
        %get3A_1044 = arith.constant 16 : index
        %get3A_1045 = tpu.vector_load %arg10[%get3A_1042, %get3A_1043, %get3A_1044] {strides = array<i32>} : memref<2x128x128xf32, #tpu.memory_space<vmem>>, vector<1x1x16xf32>,
        %get3A_1046 = vector.shape_cast %get3A_1045 : vector<1x1x16xf32> to vector<16xf32>
        %add3A_1047 = arith.addf %neg3A_12, %broadcast_in_dim3A_1025 : vector<16xf32>
        %add3A_1048 = arith.addf %get3A_1046, %add3A_1047 : vector<16xf32>
        %swap3A_1049 = arith.constant 0 : i32
        %swap3A_1050 = arith.index_cast %swap3A_1049 : i32 to index
        %swap3A_1051 = arith.index_cast %add3A_1017 : i32 to index
        %swap3A_1052 = arith.constant 16 : index
        %swap3A_1053 = tpu.vector_load %arg10[%swap3A_1050, %swap3A_1051, %swap3A_1052] {strides = array<i32>} : memref<2x128x128xf32, #tpu.memory_space<vmem>>, vector<1x1x16xf32>,
        %swap3A_1054 = vector.shape_cast %swap3A_1053 : vector<1x1x16xf32> to vector<16xf32>
        %swap3A_1055 = vector.shape_cast %add3A_1048 : vector<16xf32> to vector<1x1x16xf32>
        tpu.vector_store %arg10[%swap3A_1050, %swap3A_1051, %swap3A_1052], %swap3A_1055 {strides = array<i32>} : memref<2x128x128xf32, #tpu.memory_space<vmem>>, vector<1x1x16xf32>,
        %get3A_1056 = arith.constant 0 : i32
        %get3A_1057 = arith.index_cast %get3A_1056 : i32 to index
        %get3A_1058 = arith.index_cast %add3A_1017 : i32 to index
        %get3A_1059 = arith.constant 32 : index
        %get3A_1060 = tpu.vector_load %arg10[%get3A_1057, %get3A_1058, %get3A_1059] {strides = array<i32>} : memref<2x128x128xf32, #tpu.memory_space<vmem>>, vector<1x1x16xf32>,
        %get3A_1061 = vector.shape_cast %get3A_1060 : vector<1x1x16xf32> to vector<16xf32>
        %add3A_1062 = arith.addf %neg3A_18, %broadcast_in_dim3A_1025 : vector<16xf32>
        %add3A_1063 = arith.addf %get3A_1061, %add3A_1062 : vector<16xf32>
        %swap3A_1064 = arith.constant 0 : i32
        %swap3A_1065 = arith.index_cast %swap3A_1064 : i32 to index
        %swap3A_1066 = arith.index_cast %add3A_1017 : i32 to index
        %swap3A_1067 = arith.constant 32 : index
        %swap3A_1068 = tpu.vector_load %arg10[%swap3A_1065, %swap3A_1066, %swap3A_1067] {strides = array<i32>} : memref<2x128x128xf32, #tpu.memory_space<vmem>>, vector<1x1x16xf32>,
        %swap3A_1069 = vector.shape_cast %swap3A_1068 : vector<1x1x16xf32> to vector<16xf32>
        %swap3A_1070 = vector.shape_cast %add3A_1063 : vector<16xf32> to vector<1x1x16xf32>
        tpu.vector_store %arg10[%swap3A_1065, %swap3A_1066, %swap3A_1067], %swap3A_1070 {strides = array<i32>} : memref<2x128x128xf32, #tpu.memory_space<vmem>>, vector<1x1x16xf32>,
        %get3A_1071 = arith.constant 0 : i32
        %get3A_1072 = arith.index_cast %get3A_1071 : i32 to index
        %get3A_1073 = arith.index_cast %add3A_1017 : i32 to index
        %get3A_1074 = arith.constant 48 : index
        %get3A_1075 = tpu.vector_load %arg10[%get3A_1072, %get3A_1073, %get3A_1074] {strides = array<i32>} : memref<2x128x128xf32, #tpu.memory_space<vmem>>, vector<1x1x16xf32>,
        %get3A_1076 = vector.shape_cast %get3A_1075 : vector<1x1x16xf32> to vector<16xf32>
        %add3A_1077 = arith.addf %neg3A_24, %broadcast_in_dim3A_1025 : vector<16xf32>
        %add3A_1078 = arith.addf %get3A_1076, %add3A_1077 : vector<16xf32>
        %swap3A_1079 = arith.constant 0 : i32
        %swap3A_1080 = arith.index_cast %swap3A_1079 : i32 to index
        %swap3A_1081 = arith.index_cast %add3A_1017 : i32 to index
        %swap3A_1082 = arith.constant 48 : index
        %swap3A_1083 = tpu.vector_load %arg10[%swap3A_1080, %swap3A_1081, %swap3A_1082] {strides = array<i32>} : memref<2x128x128xf32, #tpu.memory_space<vmem>>, vector<1x1x16xf32>,
        %swap3A_1084 = vector.shape_cast %swap3A_1083 : vector<1x1x16xf32> to vector<16xf32>
        %swap3A_1085 = vector.shape_cast %add3A_1078 : vector<16xf32> to vector<1x1x16xf32>
        tpu.vector_store %arg10[%swap3A_1080, %swap3A_1081, %swap3A_1082], %swap3A_1085 {strides = array<i32>} : memref<2x128x128xf32, #tpu.memory_space<vmem>>, vector<1x1x16xf32>,
        %add3A_1086 = arith.constant 13 : i32
        %add3A_1087 = arith.addi %mul3A_178, %add3A_1086 : i32
        %slice3A_1088 = vector.extract_strided_slice %get3A_182 {offsets = [13], sizes = [1], strides = [1]} : vector<16xi32> to vector<1xi32>
        %squeeze3A_1089 = vector.extract %slice3A_1088[0] : i32 from vector<1xi32>
        %ne3A_1090 = arith.constant 0 : i32
        %ne3A_1091 = arith.cmpi ne, %squeeze3A_1089, %ne3A_1090 : i32
        %jit3A_1092 = arith.constant 0.000000e+00 : f32
        %jit3A_1093 = arith.constant 0xFF800000 : f32
        %select_n3A_1094 = arith.select %ne3A_1091, %jit3A_1092, %jit3A_1093 : f32
        %broadcast_in_dim3A_1095 = vector.broadcast %select_n3A_1094 : f32 to vector<16xf32>
        %get3A_1096 = arith.constant 0 : i32
        %get3A_1097 = arith.index_cast %get3A_1096 : i32 to index
        %get3A_1098 = arith.index_cast %add3A_1087 : i32 to index
        %get3A_1099 = arith.constant 0 : index
        %get3A_1100 = tpu.vector_load %arg10[%get3A_1097, %get3A_1098, %get3A_1099] {strides = array<i32>} : memref<2x128x128xf32, #tpu.memory_space<vmem>>, vector<1x1x16xf32>,
        %get3A_1101 = vector.shape_cast %get3A_1100 : vector<1x1x16xf32> to vector<16xf32>
        %add3A_1102 = arith.addf %neg3A_6, %broadcast_in_dim3A_1095 : vector<16xf32>
        %add3A_1103 = arith.addf %get3A_1101, %add3A_1102 : vector<16xf32>
        %swap3A_1104 = arith.constant 0 : i32
        %swap3A_1105 = arith.index_cast %swap3A_1104 : i32 to index
        %swap3A_1106 = arith.index_cast %add3A_1087 : i32 to index
        %swap3A_1107 = arith.constant 0 : index
        %swap3A_1108 = tpu.vector_load %arg10[%swap3A_1105, %swap3A_1106, %swap3A_1107] {strides = array<i32>} : memref<2x128x128xf32, #tpu.memory_space<vmem>>, vector<1x1x16xf32>,
        %swap3A_1109 = vector.shape_cast %swap3A_1108 : vector<1x1x16xf32> to vector<16xf32>
        %swap3A_1110 = vector.shape_cast %add3A_1103 : vector<16xf32> to vector<1x1x16xf32>
        tpu.vector_store %arg10[%swap3A_1105, %swap3A_1106, %swap3A_1107], %swap3A_1110 {strides = array<i32>} : memref<2x128x128xf32, #tpu.memory_space<vmem>>, vector<1x1x16xf32>,
        %get3A_1111 = arith.constant 0 : i32
        %get3A_1112 = arith.index_cast %get3A_1111 : i32 to index
        %get3A_1113 = arith.index_cast %add3A_1087 : i32 to index
        %get3A_1114 = arith.constant 16 : index
        %get3A_1115 = tpu.vector_load %arg10[%get3A_1112, %get3A_1113, %get3A_1114] {strides = array<i32>} : memref<2x128x128xf32, #tpu.memory_space<vmem>>, vector<1x1x16xf32>,
        %get3A_1116 = vector.shape_cast %get3A_1115 : vector<1x1x16xf32> to vector<16xf32>
        %add3A_1117 = arith.addf %neg3A_12, %broadcast_in_dim3A_1095 : vector<16xf32>
        %add3A_1118 = arith.addf %get3A_1116, %add3A_1117 : vector<16xf32>
        %swap3A_1119 = arith.constant 0 : i32
        %swap3A_1120 = arith.index_cast %swap3A_1119 : i32 to index
        %swap3A_1121 = arith.index_cast %add3A_1087 : i32 to index
        %swap3A_1122 = arith.constant 16 : index
        %swap3A_1123 = tpu.vector_load %arg10[%swap3A_1120, %swap3A_1121, %swap3A_1122] {strides = array<i32>} : memref<2x128x128xf32, #tpu.memory_space<vmem>>, vector<1x1x16xf32>,
        %swap3A_1124 = vector.shape_cast %swap3A_1123 : vector<1x1x16xf32> to vector<16xf32>
        %swap3A_1125 = vector.shape_cast %add3A_1118 : vector<16xf32> to vector<1x1x16xf32>
        tpu.vector_store %arg10[%swap3A_1120, %swap3A_1121, %swap3A_1122], %swap3A_1125 {strides = array<i32>} : memref<2x128x128xf32, #tpu.memory_space<vmem>>, vector<1x1x16xf32>,
        %get3A_1126 = arith.constant 0 : i32
        %get3A_1127 = arith.index_cast %get3A_1126 : i32 to index
        %get3A_1128 = arith.index_cast %add3A_1087 : i32 to index
        %get3A_1129 = arith.constant 32 : index
        %get3A_1130 = tpu.vector_load %arg10[%get3A_1127, %get3A_1128, %get3A_1129] {strides = array<i32>} : memref<2x128x128xf32, #tpu.memory_space<vmem>>, vector<1x1x16xf32>,
        %get3A_1131 = vector.shape_cast %get3A_1130 : vector<1x1x16xf32> to vector<16xf32>
        %add3A_1132 = arith.addf %neg3A_18, %broadcast_in_dim3A_1095 : vector<16xf32>
        %add3A_1133 = arith.addf %get3A_1131, %add3A_1132 : vector<16xf32>
        %swap3A_1134 = arith.constant 0 : i32
        %swap3A_1135 = arith.index_cast %swap3A_1134 : i32 to index
        %swap3A_1136 = arith.index_cast %add3A_1087 : i32 to index
        %swap3A_1137 = arith.constant 32 : index
        %swap3A_1138 = tpu.vector_load %arg10[%swap3A_1135, %swap3A_1136, %swap3A_1137] {strides = array<i32>} : memref<2x128x128xf32, #tpu.memory_space<vmem>>, vector<1x1x16xf32>,
        %swap3A_1139 = vector.shape_cast %swap3A_1138 : vector<1x1x16xf32> to vector<16xf32>
        %swap3A_1140 = vector.shape_cast %add3A_1133 : vector<16xf32> to vector<1x1x16xf32>
        tpu.vector_store %arg10[%swap3A_1135, %swap3A_1136, %swap3A_1137], %swap3A_1140 {strides = array<i32>} : memref<2x128x128xf32, #tpu.memory_space<vmem>>, vector<1x1x16xf32>,
        %get3A_1141 = arith.constant 0 : i32
        %get3A_1142 = arith.index_cast %get3A_1141 : i32 to index
        %get3A_1143 = arith.index_cast %add3A_1087 : i32 to index
        %get3A_1144 = arith.constant 48 : index
        %get3A_1145 = tpu.vector_load %arg10[%get3A_1142, %get3A_1143, %get3A_1144] {strides = array<i32>} : memref<2x128x128xf32, #tpu.memory_space<vmem>>, vector<1x1x16xf32>,
        %get3A_1146 = vector.shape_cast %get3A_1145 : vector<1x1x16xf32> to vector<16xf32>
        %add3A_1147 = arith.addf %neg3A_24, %broadcast_in_dim3A_1095 : vector<16xf32>
        %add3A_1148 = arith.addf %get3A_1146, %add3A_1147 : vector<16xf32>
        %swap3A_1149 = arith.constant 0 : i32
        %swap3A_1150 = arith.index_cast %swap3A_1149 : i32 to index
        %swap3A_1151 = arith.index_cast %add3A_1087 : i32 to index
        %swap3A_1152 = arith.constant 48 : index
        %swap3A_1153 = tpu.vector_load %arg10[%swap3A_1150, %swap3A_1151, %swap3A_1152] {strides = array<i32>} : memref<2x128x128xf32, #tpu.memory_space<vmem>>, vector<1x1x16xf32>,
        %swap3A_1154 = vector.shape_cast %swap3A_1153 : vector<1x1x16xf32> to vector<16xf32>
        %swap3A_1155 = vector.shape_cast %add3A_1148 : vector<16xf32> to vector<1x1x16xf32>
        tpu.vector_store %arg10[%swap3A_1150, %swap3A_1151, %swap3A_1152], %swap3A_1155 {strides = array<i32>} : memref<2x128x128xf32, #tpu.memory_space<vmem>>, vector<1x1x16xf32>,
        %add3A_1156 = arith.constant 14 : i32
        %add3A_1157 = arith.addi %mul3A_178, %add3A_1156 : i32
        %slice3A_1158 = vector.extract_strided_slice %get3A_182 {offsets = [14], sizes = [1], strides = [1]} : vector<16xi32> to vector<1xi32>
        %squeeze3A_1159 = vector.extract %slice3A_1158[0] : i32 from vector<1xi32>
        %ne3A_1160 = arith.constant 0 : i32
        %ne3A_1161 = arith.cmpi ne, %squeeze3A_1159, %ne3A_1160 : i32
        %jit3A_1162 = arith.constant 0.000000e+00 : f32
        %jit3A_1163 = arith.constant 0xFF800000 : f32
        %select_n3A_1164 = arith.select %ne3A_1161, %jit3A_1162, %jit3A_1163 : f32
        %broadcast_in_dim3A_1165 = vector.broadcast %select_n3A_1164 : f32 to vector<16xf32>
        %get3A_1166 = arith.constant 0 : i32
        %get3A_1167 = arith.index_cast %get3A_1166 : i32 to index
        %get3A_1168 = arith.index_cast %add3A_1157 : i32 to index
        %get3A_1169 = arith.constant 0 : index
        %get3A_1170 = tpu.vector_load %arg10[%get3A_1167, %get3A_1168, %get3A_1169] {strides = array<i32>} : memref<2x128x128xf32, #tpu.memory_space<vmem>>, vector<1x1x16xf32>,
        %get3A_1171 = vector.shape_cast %get3A_1170 : vector<1x1x16xf32> to vector<16xf32>
        %add3A_1172 = arith.addf %neg3A_6, %broadcast_in_dim3A_1165 : vector<16xf32>
        %add3A_1173 = arith.addf %get3A_1171, %add3A_1172 : vector<16xf32>
        %swap3A_1174 = arith.constant 0 : i32
        %swap3A_1175 = arith.index_cast %swap3A_1174 : i32 to index
        %swap3A_1176 = arith.index_cast %add3A_1157 : i32 to index
        %swap3A_1177 = arith.constant 0 : index
        %swap3A_1178 = tpu.vector_load %arg10[%swap3A_1175, %swap3A_1176, %swap3A_1177] {strides = array<i32>} : memref<2x128x128xf32, #tpu.memory_space<vmem>>, vector<1x1x16xf32>,
        %swap3A_1179 = vector.shape_cast %swap3A_1178 : vector<1x1x16xf32> to vector<16xf32>
        %swap3A_1180 = vector.shape_cast %add3A_1173 : vector<16xf32> to vector<1x1x16xf32>
        tpu.vector_store %arg10[%swap3A_1175, %swap3A_1176, %swap3A_1177], %swap3A_1180 {strides = array<i32>} : memref<2x128x128xf32, #tpu.memory_space<vmem>>, vector<1x1x16xf32>,
        %get3A_1181 = arith.constant 0 : i32
        %get3A_1182 = arith.index_cast %get3A_1181 : i32 to index
        %get3A_1183 = arith.index_cast %add3A_1157 : i32 to index
        %get3A_1184 = arith.constant 16 : index
        %get3A_1185 = tpu.vector_load %arg10[%get3A_1182, %get3A_1183, %get3A_1184] {strides = array<i32>} : memref<2x128x128xf32, #tpu.memory_space<vmem>>, vector<1x1x16xf32>,
        %get3A_1186 = vector.shape_cast %get3A_1185 : vector<1x1x16xf32> to vector<16xf32>
        %add3A_1187 = arith.addf %neg3A_12, %broadcast_in_dim3A_1165 : vector<16xf32>
        %add3A_1188 = arith.addf %get3A_1186, %add3A_1187 : vector<16xf32>
        %swap3A_1189 = arith.constant 0 : i32
        %swap3A_1190 = arith.index_cast %swap3A_1189 : i32 to index
        %swap3A_1191 = arith.index_cast %add3A_1157 : i32 to index
        %swap3A_1192 = arith.constant 16 : index
        %swap3A_1193 = tpu.vector_load %arg10[%swap3A_1190, %swap3A_1191, %swap3A_1192] {strides = array<i32>} : memref<2x128x128xf32, #tpu.memory_space<vmem>>, vector<1x1x16xf32>,
        %swap3A_1194 = vector.shape_cast %swap3A_1193 : vector<1x1x16xf32> to vector<16xf32>
        %swap3A_1195 = vector.shape_cast %add3A_1188 : vector<16xf32> to vector<1x1x16xf32>
        tpu.vector_store %arg10[%swap3A_1190, %swap3A_1191, %swap3A_1192], %swap3A_1195 {strides = array<i32>} : memref<2x128x128xf32, #tpu.memory_space<vmem>>, vector<1x1x16xf32>,
        %get3A_1196 = arith.constant 0 : i32
        %get3A_1197 = arith.index_cast %get3A_1196 : i32 to index
        %get3A_1198 = arith.index_cast %add3A_1157 : i32 to index
        %get3A_1199 = arith.constant 32 : index
        %get3A_1200 = tpu.vector_load %arg10[%get3A_1197, %get3A_1198, %get3A_1199] {strides = array<i32>} : memref<2x128x128xf32, #tpu.memory_space<vmem>>, vector<1x1x16xf32>,
        %get3A_1201 = vector.shape_cast %get3A_1200 : vector<1x1x16xf32> to vector<16xf32>
        %add3A_1202 = arith.addf %neg3A_18, %broadcast_in_dim3A_1165 : vector<16xf32>
        %add3A_1203 = arith.addf %get3A_1201, %add3A_1202 : vector<16xf32>
        %swap3A_1204 = arith.constant 0 : i32
        %swap3A_1205 = arith.index_cast %swap3A_1204 : i32 to index
        %swap3A_1206 = arith.index_cast %add3A_1157 : i32 to index
        %swap3A_1207 = arith.constant 32 : index
        %swap3A_1208 = tpu.vector_load %arg10[%swap3A_1205, %swap3A_1206, %swap3A_1207] {strides = array<i32>} : memref<2x128x128xf32, #tpu.memory_space<vmem>>, vector<1x1x16xf32>,
        %swap3A_1209 = vector.shape_cast %swap3A_1208 : vector<1x1x16xf32> to vector<16xf32>
        %swap3A_1210 = vector.shape_cast %add3A_1203 : vector<16xf32> to vector<1x1x16xf32>
        tpu.vector_store %arg10[%swap3A_1205, %swap3A_1206, %swap3A_1207], %swap3A_1210 {strides = array<i32>} : memref<2x128x128xf32, #tpu.memory_space<vmem>>, vector<1x1x16xf32>,
        %get3A_1211 = arith.constant 0 : i32
        %get3A_1212 = arith.index_cast %get3A_1211 : i32 to index
        %get3A_1213 = arith.index_cast %add3A_1157 : i32 to index
        %get3A_1214 = arith.constant 48 : index
        %get3A_1215 = tpu.vector_load %arg10[%get3A_1212, %get3A_1213, %get3A_1214] {strides = array<i32>} : memref<2x128x128xf32, #tpu.memory_space<vmem>>, vector<1x1x16xf32>,
        %get3A_1216 = vector.shape_cast %get3A_1215 : vector<1x1x16xf32> to vector<16xf32>
        %add3A_1217 = arith.addf %neg3A_24, %broadcast_in_dim3A_1165 : vector<16xf32>
        %add3A_1218 = arith.addf %get3A_1216, %add3A_1217 : vector<16xf32>
        %swap3A_1219 = arith.constant 0 : i32
        %swap3A_1220 = arith.index_cast %swap3A_1219 : i32 to index
        %swap3A_1221 = arith.index_cast %add3A_1157 : i32 to index
        %swap3A_1222 = arith.constant 48 : index
        %swap3A_1223 = tpu.vector_load %arg10[%swap3A_1220, %swap3A_1221, %swap3A_1222] {strides = array<i32>} : memref<2x128x128xf32, #tpu.memory_space<vmem>>, vector<1x1x16xf32>,
        %swap3A_1224 = vector.shape_cast %swap3A_1223 : vector<1x1x16xf32> to vector<16xf32>
        %swap3A_1225 = vector.shape_cast %add3A_1218 : vector<16xf32> to vector<1x1x16xf32>
        tpu.vector_store %arg10[%swap3A_1220, %swap3A_1221, %swap3A_1222], %swap3A_1225 {strides = array<i32>} : memref<2x128x128xf32, #tpu.memory_space<vmem>>, vector<1x1x16xf32>,
        %add3A_1226 = arith.constant 15 : i32
        %add3A_1227 = arith.addi %mul3A_178, %add3A_1226 : i32
        %slice3A_1228 = vector.extract_strided_slice %get3A_182 {offsets = [15], sizes = [1], strides = [1]} : vector<16xi32> to vector<1xi32>
        %squeeze3A_1229 = vector.extract %slice3A_1228[0] : i32 from vector<1xi32>
        %ne3A_1230 = arith.constant 0 : i32
        %ne3A_1231 = arith.cmpi ne, %squeeze3A_1229, %ne3A_1230 : i32
        %jit3A_1232 = arith.constant 0.000000e+00 : f32
        %jit3A_1233 = arith.constant 0xFF800000 : f32
        %select_n3A_1234 = arith.select %ne3A_1231, %jit3A_1232, %jit3A_1233 : f32
        %broadcast_in_dim3A_1235 = vector.broadcast %select_n3A_1234 : f32 to vector<16xf32>
        %get3A_1236 = arith.constant 0 : i32
        %get3A_1237 = arith.index_cast %get3A_1236 : i32 to index
        %get3A_1238 = arith.index_cast %add3A_1227 : i32 to index
        %get3A_1239 = arith.constant 0 : index
        %get3A_1240 = tpu.vector_load %arg10[%get3A_1237, %get3A_1238, %get3A_1239] {strides = array<i32>} : memref<2x128x128xf32, #tpu.memory_space<vmem>>, vector<1x1x16xf32>,
        %get3A_1241 = vector.shape_cast %get3A_1240 : vector<1x1x16xf32> to vector<16xf32>
        %add3A_1242 = arith.addf %neg3A_6, %broadcast_in_dim3A_1235 : vector<16xf32>
        %add3A_1243 = arith.addf %get3A_1241, %add3A_1242 : vector<16xf32>
        %swap3A_1244 = arith.constant 0 : i32
        %swap3A_1245 = arith.index_cast %swap3A_1244 : i32 to index
        %swap3A_1246 = arith.index_cast %add3A_1227 : i32 to index
        %swap3A_1247 = arith.constant 0 : index
        %swap3A_1248 = tpu.vector_load %arg10[%swap3A_1245, %swap3A_1246, %swap3A_1247] {strides = array<i32>} : memref<2x128x128xf32, #tpu.memory_space<vmem>>, vector<1x1x16xf32>,
        %swap3A_1249 = vector.shape_cast %swap3A_1248 : vector<1x1x16xf32> to vector<16xf32>
        %swap3A_1250 = vector.shape_cast %add3A_1243 : vector<16xf32> to vector<1x1x16xf32>
        tpu.vector_store %arg10[%swap3A_1245, %swap3A_1246, %swap3A_1247], %swap3A_1250 {strides = array<i32>} : memref<2x128x128xf32, #tpu.memory_space<vmem>>, vector<1x1x16xf32>,
        %get3A_1251 = arith.constant 0 : i32
        %get3A_1252 = arith.index_cast %get3A_1251 : i32 to index
        %get3A_1253 = arith.index_cast %add3A_1227 : i32 to index
        %get3A_1254 = arith.constant 16 : index
        %get3A_1255 = tpu.vector_load %arg10[%get3A_1252, %get3A_1253, %get3A_1254] {strides = array<i32>} : memref<2x128x128xf32, #tpu.memory_space<vmem>>, vector<1x1x16xf32>,
        %get3A_1256 = vector.shape_cast %get3A_1255 : vector<1x1x16xf32> to vector<16xf32>
        %add3A_1257 = arith.addf %neg3A_12, %broadcast_in_dim3A_1235 : vector<16xf32>
        %add3A_1258 = arith.addf %get3A_1256, %add3A_1257 : vector<16xf32>
        %swap3A_1259 = arith.constant 0 : i32
        %swap3A_1260 = arith.index_cast %swap3A_1259 : i32 to index
        %swap3A_1261 = arith.index_cast %add3A_1227 : i32 to index
        %swap3A_1262 = arith.constant 16 : index
        %swap3A_1263 = tpu.vector_load %arg10[%swap3A_1260, %swap3A_1261, %swap3A_1262] {strides = array<i32>} : memref<2x128x128xf32, #tpu.memory_space<vmem>>, vector<1x1x16xf32>,
        %swap3A_1264 = vector.shape_cast %swap3A_1263 : vector<1x1x16xf32> to vector<16xf32>
        %swap3A_1265 = vector.shape_cast %add3A_1258 : vector<16xf32> to vector<1x1x16xf32>
        tpu.vector_store %arg10[%swap3A_1260, %swap3A_1261, %swap3A_1262], %swap3A_1265 {strides = array<i32>} : memref<2x128x128xf32, #tpu.memory_space<vmem>>, vector<1x1x16xf32>,
        %get3A_1266 = arith.constant 0 : i32
        %get3A_1267 = arith.index_cast %get3A_1266 : i32 to index
        %get3A_1268 = arith.index_cast %add3A_1227 : i32 to index
        %get3A_1269 = arith.constant 32 : index
        %get3A_1270 = tpu.vector_load %arg10[%get3A_1267, %get3A_1268, %get3A_1269] {strides = array<i32>} : memref<2x128x128xf32, #tpu.memory_space<vmem>>, vector<1x1x16xf32>,
        %get3A_1271 = vector.shape_cast %get3A_1270 : vector<1x1x16xf32> to vector<16xf32>
        %add3A_1272 = arith.addf %neg3A_18, %broadcast_in_dim3A_1235 : vector<16xf32>
        %add3A_1273 = arith.addf %get3A_1271, %add3A_1272 : vector<16xf32>
        %swap3A_1274 = arith.constant 0 : i32
        %swap3A_1275 = arith.index_cast %swap3A_1274 : i32 to index
        %swap3A_1276 = arith.index_cast %add3A_1227 : i32 to index
        %swap3A_1277 = arith.constant 32 : index
        %swap3A_1278 = tpu.vector_load %arg10[%swap3A_1275, %swap3A_1276, %swap3A_1277] {strides = array<i32>} : memref<2x128x128xf32, #tpu.memory_space<vmem>>, vector<1x1x16xf32>,
        %swap3A_1279 = vector.shape_cast %swap3A_1278 : vector<1x1x16xf32> to vector<16xf32>
        %swap3A_1280 = vector.shape_cast %add3A_1273 : vector<16xf32> to vector<1x1x16xf32>
        tpu.vector_store %arg10[%swap3A_1275, %swap3A_1276, %swap3A_1277], %swap3A_1280 {strides = array<i32>} : memref<2x128x128xf32, #tpu.memory_space<vmem>>, vector<1x1x16xf32>,
        %get3A_1281 = arith.constant 0 : i32
        %get3A_1282 = arith.index_cast %get3A_1281 : i32 to index
        %get3A_1283 = arith.index_cast %add3A_1227 : i32 to index
        %get3A_1284 = arith.constant 48 : index
        %get3A_1285 = tpu.vector_load %arg10[%get3A_1282, %get3A_1283, %get3A_1284] {strides = array<i32>} : memref<2x128x128xf32, #tpu.memory_space<vmem>>, vector<1x1x16xf32>,
        %get3A_1286 = vector.shape_cast %get3A_1285 : vector<1x1x16xf32> to vector<16xf32>
        %add3A_1287 = arith.addf %neg3A_24, %broadcast_in_dim3A_1235 : vector<16xf32>
        %add3A_1288 = arith.addf %get3A_1286, %add3A_1287 : vector<16xf32>
        %swap3A_1289 = arith.constant 0 : i32
        %swap3A_1290 = arith.index_cast %swap3A_1289 : i32 to index
        %swap3A_1291 = arith.index_cast %add3A_1227 : i32 to index
        %swap3A_1292 = arith.constant 48 : index
        %swap3A_1293 = tpu.vector_load %arg10[%swap3A_1290, %swap3A_1291, %swap3A_1292] {strides = array<i32>} : memref<2x128x128xf32, #tpu.memory_space<vmem>>, vector<1x1x16xf32>,
        %swap3A_1294 = vector.shape_cast %swap3A_1293 : vector<1x1x16xf32> to vector<16xf32>
        %swap3A_1295 = vector.shape_cast %add3A_1288 : vector<16xf32> to vector<1x1x16xf32>
        tpu.vector_store %arg10[%swap3A_1290, %swap3A_1291, %swap3A_1292], %swap3A_1295 {strides = array<i32>} : memref<2x128x128xf32, #tpu.memory_space<vmem>>, vector<1x1x16xf32>,
      }
      %scan3A_107 = arith.constant 8 : i32
      %mul3A_108 = arith.constant 128 : i32
      %mul3A_109 = arith.muli %add3A_82, %mul3A_108 : i32
      %add3A_110 = arith.addi %mul3A_2, %mul3A_109 : i32
      %dma_start3A_111 = arith.constant 0 : i32
      %dma_start3A_112 = arith.constant 0 : i32
      %dma_start3A_113 = arith.constant 0 : i32
      %dma_start3A_114 = arith.constant 0 : i32
      %dma_start3A_115 = tpu.memref_slice %arg10[%dma_start3A_111, %dma_start3A_113, %dma_start3A_114] : memref<2x128x128xf32, #tpu.memory_space<vmem>> -> memref<1x128x128xf32, #tpu.memory_space<vmem>>
      %dma_start3A_116 = tpu.memref_squeeze %dma_start3A_115 : memref<1x128x128xf32, #tpu.memory_space<vmem>> -> memref<128x128xf32, #tpu.memory_space<vmem>>
      %dma_start3A_117 = arith.constant 0 : i32
      %dma_start3A_118 = tpu.memref_slice %arg6[%add3A_110, %dma_start3A_117] : memref<819200x128xf32, #tpu.memory_space<hbm>> -> memref<128x128xf32, #tpu.memory_space<hbm>>
      %dma_start3A_119 = tpu.memref_slice %arg12[%dma_start3A_112] : memref<2x!tpu.dma_semaphore, #tpu.memory_space<semaphore_mem>> -> memref<1x!tpu.dma_semaphore, #tpu.memory_space<semaphore_mem>>
      %dma_start3A_120 = tpu.memref_squeeze %dma_start3A_119 : memref<1x!tpu.dma_semaphore, #tpu.memory_space<semaphore_mem>> -> memref<!tpu.dma_semaphore, #tpu.memory_space<semaphore_mem>>
      %dma_start3A_121 = arith.constant 0 : i32
      %dma_start3A_122 = tpu.memref_slice %arg6[%add3A_110, %dma_start3A_121] : memref<819200x128xf32, #tpu.memory_space<hbm>> -> memref<128x128xf32, #tpu.memory_space<hbm>>
      %dma_start3A_123 = arith.constant 0 : i32
      %dma_start3A_124 = arith.constant 0 : i32
      %dma_start3A_125 = tpu.memref_slice %arg10[%dma_start3A_111, %dma_start3A_123, %dma_start3A_124] : memref<2x128x128xf32, #tpu.memory_space<vmem>> -> memref<1x128x128xf32, #tpu.memory_space<vmem>>
      %dma_start3A_126 = tpu.memref_squeeze %dma_start3A_125 : memref<1x128x128xf32, #tpu.memory_space<vmem>> -> memref<128x128xf32, #tpu.memory_space<vmem>>
      tpu.enqueue_dma source(%dma_start3A_126 : memref<128x128xf32, #tpu.memory_space<vmem>>) target(%dma_start3A_122 : memref<128x128xf32, #tpu.memory_space<hbm>>) target_semaphore(%dma_start3A_120 : memref<!tpu.dma_semaphore, #tpu.memory_space<semaphore_mem>>)
      %add3A_127 = arith.constant 1 : i32
      %add3A_128 = arith.addi %mul3A_80, %add3A_127 : i32
      %add3A_129 = arith.constant 1 : i32
      %add3A_130 = arith.addi %add3A_128, %add3A_129 : i32
      %lt3A_131 = arith.constant 200 : i32
      %lt3A_132 = arith.cmpi slt, %add3A_130, %lt3A_131 : i32
      %convert_element_type3A_133 = arith.extui %lt3A_132 : i1 to i32
      %cond3A_134 = arith.constant 0 : i32
      %cond3A_135 = arith.cmpi ne, %convert_element_type3A_133, %cond3A_134 : i32
      scf.if %cond3A_135 {
        %ge3A = arith.constant 1 : i32
        %ge3A_176 = arith.cmpi sge, %add3A_128, %ge3A : i32
        %convert_element_type3A_177 = arith.extui %ge3A_176 : i1 to i32
        %cond3A_178 = arith.constant 0 : i32
        %cond3A_179 = arith.cmpi ne, %convert_element_type3A_177, %cond3A_178 : i32
        scf.if %cond3A_179 {
          %sub3A = arith.constant 1 : i32
          %sub3A_194 = arith.subi %add3A_128, %sub3A : i32
          %mul3A_195 = arith.constant 128 : i32
          %mul3A_196 = arith.muli %sub3A_194, %mul3A_195 : i32
          %add3A_197 = arith.addi %mul3A_2, %mul3A_196 : i32
          %dma_wait3A_198 = arith.constant 0 : i32
          %dma_wait3A_199 = arith.constant 0 : i32
          %dma_wait3A_200 = arith.constant 0 : i32
          %dma_wait3A_201 = arith.constant 0 : i32
          %dma_wait3A_202 = tpu.memref_slice %arg10[%dma_wait3A_198, %dma_wait3A_200, %dma_wait3A_201] : memref<2x128x128xf32, #tpu.memory_space<vmem>> -> memref<1x128x128xf32, #tpu.memory_space<vmem>>
          %dma_wait3A_203 = tpu.memref_squeeze %dma_wait3A_202 : memref<1x128x128xf32, #tpu.memory_space<vmem>> -> memref<128x128xf32, #tpu.memory_space<vmem>>
          %dma_wait3A_204 = arith.constant 0 : i32
          %dma_wait3A_205 = tpu.memref_slice %arg6[%add3A_197, %dma_wait3A_204] : memref<819200x128xf32, #tpu.memory_space<hbm>> -> memref<128x128xf32, #tpu.memory_space<hbm>>
          %dma_wait3A_206 = tpu.memref_slice %arg12[%dma_wait3A_199] : memref<2x!tpu.dma_semaphore, #tpu.memory_space<semaphore_mem>> -> memref<1x!tpu.dma_semaphore, #tpu.memory_space<semaphore_mem>>
          %dma_wait3A_207 = tpu.memref_squeeze %dma_wait3A_206 : memref<1x!tpu.dma_semaphore, #tpu.memory_space<semaphore_mem>> -> memref<!tpu.dma_semaphore, #tpu.memory_space<semaphore_mem>>
          %dma_wait3A_208 = arith.constant 0 : i32
          %dma_wait3A_209 = tpu.memref_slice %arg6[%add3A_197, %dma_wait3A_208] : memref<819200x128xf32, #tpu.memory_space<hbm>> -> memref<128x128xf32, #tpu.memory_space<hbm>>
          %dma_wait3A_210 = arith.constant 0 : i32
          %dma_wait3A_211 = arith.constant 0 : i32
          %dma_wait3A_212 = tpu.memref_slice %arg10[%dma_wait3A_198, %dma_wait3A_210, %dma_wait3A_211] : memref<2x128x128xf32, #tpu.memory_space<vmem>> -> memref<1x128x128xf32, #tpu.memory_space<vmem>>
          %dma_wait3A_213 = tpu.memref_squeeze %dma_wait3A_212 : memref<1x128x128xf32, #tpu.memory_space<vmem>> -> memref<128x128xf32, #tpu.memory_space<vmem>>
          tpu.wait_dma2 semaphore(%dma_wait3A_207 : memref<!tpu.dma_semaphore, #tpu.memory_space<semaphore_mem>>) src(%dma_wait3A_213 : memref<128x128xf32, #tpu.memory_space<vmem>>) dst(%dma_wait3A_209 : memref<128x128xf32, #tpu.memory_space<hbm>>)
        } else {
        }
        %dma_start3A_180 = arith.constant 0 : i32
        %dma_start3A_181 = arith.constant 0 : i32
        %dma_start3A_182 = arith.constant 0 : i32
        %dma_start3A_183 = arith.constant 0 : i32
        %dma_start3A_184 = tpu.memref_slice %arg10[%dma_start3A_180, %dma_start3A_182, %dma_start3A_183] : memref<2x128x128xf32, #tpu.memory_space<vmem>> -> memref<1x128x128xf32, #tpu.memory_space<vmem>>
        %dma_start3A_185 = tpu.memref_squeeze %dma_start3A_184 : memref<1x128x128xf32, #tpu.memory_space<vmem>> -> memref<128x128xf32, #tpu.memory_space<vmem>>
        %dma_start3A_186 = arith.constant 0 : i32
        %dma_start3A_187 = tpu.memref_slice %arg7[%add3A_130, %dma_start3A_186] : memref<200x128xi32, #tpu.memory_space<vmem>> -> memref<1x128xi32, #tpu.memory_space<vmem>>
        %dma_start3A_188 = tpu.memref_squeeze %dma_start3A_187 : memref<1x128xi32, #tpu.memory_space<vmem>> -> memref<128xi32, #tpu.memory_space<vmem>>
        %dma_start3A_189 = arith.constant 0 : i32
        %dma_start3A_190 = arith.constant 0 : i32
        %dma_start3A_191 = tpu.memref_slice %arg5[%dma_start3A_189, %dma_start3A_190] : memref<1000000x128xf32, #tpu.memory_space<hbm>> -> memref<1000000x128xf32, #tpu.memory_space<hbm>>
        %dma_start3A_192 = tpu.memref_slice %arg11[%dma_start3A_181] : memref<2x!tpu.dma_semaphore, #tpu.memory_space<semaphore_mem>> -> memref<1x!tpu.dma_semaphore, #tpu.memory_space<semaphore_mem>>
        %dma_start3A_193 = tpu.memref_squeeze %dma_start3A_192 : memref<1x!tpu.dma_semaphore, #tpu.memory_space<semaphore_mem>> -> memref<!tpu.dma_semaphore, #tpu.memory_space<semaphore_mem>>
        tpu.enqueue_indirect_dma source(%dma_start3A_191 : memref<1000000x128xf32, #tpu.memory_space<hbm>>) target(%dma_start3A_185 : memref<128x128xf32, #tpu.memory_space<vmem>>) offsets(%dma_start3A_188 : memref<128xi32, #tpu.memory_space<vmem>>) semaphore(%dma_start3A_193 : memref<!tpu.dma_semaphore, #tpu.memory_space<semaphore_mem>>)
      } else {
      }
      %dma_wait3A_136 = arith.constant 1 : i32
      %dma_wait3A_137 = arith.constant 1 : i32
      %dma_wait3A_138 = arith.constant 0 : i32
      %dma_wait3A_139 = arith.constant 0 : i32
      %dma_wait3A_140 = tpu.memref_slice %arg10[%dma_wait3A_136, %dma_wait3A_138, %dma_wait3A_139] : memref<2x128x128xf32, #tpu.memory_space<vmem>> -> memref<1x128x128xf32, #tpu.memory_space<vmem>>
      %dma_wait3A_141 = tpu.memref_squeeze %dma_wait3A_140 : memref<1x128x128xf32, #tpu.memory_space<vmem>> -> memref<128x128xf32, #tpu.memory_space<vmem>>
      %dma_wait3A_142 = arith.constant 0 : i32
      %dma_wait3A_143 = tpu.memref_slice %arg7[%add3A_128, %dma_wait3A_142] : memref<200x128xi32, #tpu.memory_space<vmem>> -> memref<1x128xi32, #tpu.memory_space<vmem>>
      %dma_wait3A_144 = tpu.memref_squeeze %dma_wait3A_143 : memref<1x128xi32, #tpu.memory_space<vmem>> -> memref<128xi32, #tpu.memory_space<vmem>>
      %dma_wait3A_145 = arith.constant 0 : i32
      %dma_wait3A_146 = arith.constant 0 : i32
      %dma_wait3A_147 = tpu.memref_slice %arg5[%dma_wait3A_145, %dma_wait3A_146] : memref<1000000x128xf32, #tpu.memory_space<hbm>> -> memref<1000000x128xf32, #tpu.memory_space<hbm>>
      %dma_wait3A_148 = tpu.memref_slice %arg11[%dma_wait3A_137] : memref<2x!tpu.dma_semaphore, #tpu.memory_space<semaphore_mem>> -> memref<1x!tpu.dma_semaphore, #tpu.memory_space<semaphore_mem>>
      %dma_wait3A_149 = tpu.memref_squeeze %dma_wait3A_148 : memref<1x!tpu.dma_semaphore, #tpu.memory_space<semaphore_mem>> -> memref<!tpu.dma_semaphore, #tpu.memory_space<semaphore_mem>>
      tpu.wait_indirect_dma semaphore(%dma_wait3A_149 : memref<!tpu.dma_semaphore, #tpu.memory_space<semaphore_mem>>) src(%dma_wait3A_147 : memref<1000000x128xf32, #tpu.memory_space<hbm>>) dst(%dma_wait3A_141 : memref<128x128xf32, #tpu.memory_space<vmem>>)
      %mul3A_150 = arith.constant 128 : i32
      %mul3A_151 = arith.muli %add3A_128, %mul3A_150 : i32
      %scan3A_152 = arith.constant 0 : i32
      %scan3A_153 = arith.constant 8 : i32
      %scan3A_154 = arith.addi %scan3A_152, %scan3A_153 : i32
      %scan3A_155 = arith.constant 1 : i32
      scf.for %scan3A_176 = %scan3A_152 to %scan3A_154 step %scan3A_155  : i32 {
        %mul3A_177 = arith.constant 16 : i32
        %mul3A_178 = arith.muli %scan3A_176, %mul3A_177 : i32
        %add3A_179 = arith.addi %mul3A_151, %mul3A_178 : i32
        %get3A_180 = arith.index_cast %add3A_179 : i32 to index
        %get3A_181 = tpu.vector_load %arg8[%get3A_180] {strides = array<i32>} : memref<25600xi32, #tpu.memory_space<vmem>>, vector<16xi32>,
        %get3A_182 = vector.shape_cast %get3A_181 : vector<16xi32> to vector<16xi32>
        %add3A_183 = arith.constant 0 : i32
        %add3A_184 = arith.addi %mul3A_178, %add3A_183 : i32
        %slice3A = vector.extract_strided_slice %get3A_182 {offsets = [0], sizes = [1], strides = [1]} : vector<16xi32> to vector<1xi32>
        %squeeze3A = vector.extract %slice3A[0] : i32 from vector<1xi32>
        %ne3A = arith.constant 0 : i32
        %ne3A_185 = arith.cmpi ne, %squeeze3A, %ne3A : i32
        %jit3A = arith.constant 0.000000e+00 : f32
        %jit3A_186 = arith.constant 0xFF800000 : f32
        %select_n3A = arith.select %ne3A_185, %jit3A, %jit3A_186 : f32
        %broadcast_in_dim3A = vector.broadcast %select_n3A : f32 to vector<16xf32>
        %get3A_187 = arith.constant 1 : i32
        %get3A_188 = arith.index_cast %get3A_187 : i32 to index
        %get3A_189 = arith.index_cast %add3A_184 : i32 to index
        %get3A_190 = arith.constant 0 : index
        %get3A_191 = tpu.vector_load %arg10[%get3A_188, %get3A_189, %get3A_190] {strides = array<i32>} : memref<2x128x128xf32, #tpu.memory_space<vmem>>, vector<1x1x16xf32>,
        %get3A_192 = vector.shape_cast %get3A_191 : vector<1x1x16xf32> to vector<16xf32>
        %add3A_193 = arith.addf %neg3A_6, %broadcast_in_dim3A : vector<16xf32>
        %add3A_194 = arith.addf %get3A_192, %add3A_193 : vector<16xf32>
        %swap3A = arith.constant 1 : i32
        %swap3A_195 = arith.index_cast %swap3A : i32 to index
        %swap3A_196 = arith.index_cast %add3A_184 : i32 to index
        %swap3A_197 = arith.constant 0 : index
        %swap3A_198 = tpu.vector_load %arg10[%swap3A_195, %swap3A_196, %swap3A_197] {strides = array<i32>} : memref<2x128x128xf32, #tpu.memory_space<vmem>>, vector<1x1x16xf32>,
        %swap3A_199 = vector.shape_cast %swap3A_198 : vector<1x1x16xf32> to vector<16xf32>
        %swap3A_200 = vector.shape_cast %add3A_194 : vector<16xf32> to vector<1x1x16xf32>
        tpu.vector_store %arg10[%swap3A_195, %swap3A_196, %swap3A_197], %swap3A_200 {strides = array<i32>} : memref<2x128x128xf32, #tpu.memory_space<vmem>>, vector<1x1x16xf32>,
        %get3A_201 = arith.constant 1 : i32
        %get3A_202 = arith.index_cast %get3A_201 : i32 to index
        %get3A_203 = arith.index_cast %add3A_184 : i32 to index
        %get3A_204 = arith.constant 16 : index
        %get3A_205 = tpu.vector_load %arg10[%get3A_202, %get3A_203, %get3A_204] {strides = array<i32>} : memref<2x128x128xf32, #tpu.memory_space<vmem>>, vector<1x1x16xf32>,
        %get3A_206 = vector.shape_cast %get3A_205 : vector<1x1x16xf32> to vector<16xf32>
        %add3A_207 = arith.addf %neg3A_12, %broadcast_in_dim3A : vector<16xf32>
        %add3A_208 = arith.addf %get3A_206, %add3A_207 : vector<16xf32>
        %swap3A_209 = arith.constant 1 : i32
        %swap3A_210 = arith.index_cast %swap3A_209 : i32 to index
        %swap3A_211 = arith.index_cast %add3A_184 : i32 to index
        %swap3A_212 = arith.constant 16 : index
        %swap3A_213 = tpu.vector_load %arg10[%swap3A_210, %swap3A_211, %swap3A_212] {strides = array<i32>} : memref<2x128x128xf32, #tpu.memory_space<vmem>>, vector<1x1x16xf32>,
        %swap3A_214 = vector.shape_cast %swap3A_213 : vector<1x1x16xf32> to vector<16xf32>
        %swap3A_215 = vector.shape_cast %add3A_208 : vector<16xf32> to vector<1x1x16xf32>
        tpu.vector_store %arg10[%swap3A_210, %swap3A_211, %swap3A_212], %swap3A_215 {strides = array<i32>} : memref<2x128x128xf32, #tpu.memory_space<vmem>>, vector<1x1x16xf32>,
        %get3A_216 = arith.constant 1 : i32
        %get3A_217 = arith.index_cast %get3A_216 : i32 to index
        %get3A_218 = arith.index_cast %add3A_184 : i32 to index
        %get3A_219 = arith.constant 32 : index
        %get3A_220 = tpu.vector_load %arg10[%get3A_217, %get3A_218, %get3A_219] {strides = array<i32>} : memref<2x128x128xf32, #tpu.memory_space<vmem>>, vector<1x1x16xf32>,
        %get3A_221 = vector.shape_cast %get3A_220 : vector<1x1x16xf32> to vector<16xf32>
        %add3A_222 = arith.addf %neg3A_18, %broadcast_in_dim3A : vector<16xf32>
        %add3A_223 = arith.addf %get3A_221, %add3A_222 : vector<16xf32>
        %swap3A_224 = arith.constant 1 : i32
        %swap3A_225 = arith.index_cast %swap3A_224 : i32 to index
        %swap3A_226 = arith.index_cast %add3A_184 : i32 to index
        %swap3A_227 = arith.constant 32 : index
        %swap3A_228 = tpu.vector_load %arg10[%swap3A_225, %swap3A_226, %swap3A_227] {strides = array<i32>} : memref<2x128x128xf32, #tpu.memory_space<vmem>>, vector<1x1x16xf32>,
        %swap3A_229 = vector.shape_cast %swap3A_228 : vector<1x1x16xf32> to vector<16xf32>
        %swap3A_230 = vector.shape_cast %add3A_223 : vector<16xf32> to vector<1x1x16xf32>
        tpu.vector_store %arg10[%swap3A_225, %swap3A_226, %swap3A_227], %swap3A_230 {strides = array<i32>} : memref<2x128x128xf32, #tpu.memory_space<vmem>>, vector<1x1x16xf32>,
        %get3A_231 = arith.constant 1 : i32
        %get3A_232 = arith.index_cast %get3A_231 : i32 to index
        %get3A_233 = arith.index_cast %add3A_184 : i32 to index
        %get3A_234 = arith.constant 48 : index
        %get3A_235 = tpu.vector_load %arg10[%get3A_232, %get3A_233, %get3A_234] {strides = array<i32>} : memref<2x128x128xf32, #tpu.memory_space<vmem>>, vector<1x1x16xf32>,
        %get3A_236 = vector.shape_cast %get3A_235 : vector<1x1x16xf32> to vector<16xf32>
        %add3A_237 = arith.addf %neg3A_24, %broadcast_in_dim3A : vector<16xf32>
        %add3A_238 = arith.addf %get3A_236, %add3A_237 : vector<16xf32>
        %swap3A_239 = arith.constant 1 : i32
        %swap3A_240 = arith.index_cast %swap3A_239 : i32 to index
        %swap3A_241 = arith.index_cast %add3A_184 : i32 to index
        %swap3A_242 = arith.constant 48 : index
        %swap3A_243 = tpu.vector_load %arg10[%swap3A_240, %swap3A_241, %swap3A_242] {strides = array<i32>} : memref<2x128x128xf32, #tpu.memory_space<vmem>>, vector<1x1x16xf32>,
        %swap3A_244 = vector.shape_cast %swap3A_243 : vector<1x1x16xf32> to vector<16xf32>
        %swap3A_245 = vector.shape_cast %add3A_238 : vector<16xf32> to vector<1x1x16xf32>
        tpu.vector_store %arg10[%swap3A_240, %swap3A_241, %swap3A_242], %swap3A_245 {strides = array<i32>} : memref<2x128x128xf32, #tpu.memory_space<vmem>>, vector<1x1x16xf32>,
        %add3A_246 = arith.constant 1 : i32
        %add3A_247 = arith.addi %mul3A_178, %add3A_246 : i32
        %slice3A_248 = vector.extract_strided_slice %get3A_182 {offsets = [1], sizes = [1], strides = [1]} : vector<16xi32> to vector<1xi32>
        %squeeze3A_249 = vector.extract %slice3A_248[0] : i32 from vector<1xi32>
        %ne3A_250 = arith.constant 0 : i32
        %ne3A_251 = arith.cmpi ne, %squeeze3A_249, %ne3A_250 : i32
        %jit3A_252 = arith.constant 0.000000e+00 : f32
        %jit3A_253 = arith.constant 0xFF800000 : f32
        %select_n3A_254 = arith.select %ne3A_251, %jit3A_252, %jit3A_253 : f32
        %broadcast_in_dim3A_255 = vector.broadcast %select_n3A_254 : f32 to vector<16xf32>
        %get3A_256 = arith.constant 1 : i32
        %get3A_257 = arith.index_cast %get3A_256 : i32 to index
        %get3A_258 = arith.index_cast %add3A_247 : i32 to index
        %get3A_259 = arith.constant 0 : index
        %get3A_260 = tpu.vector_load %arg10[%get3A_257, %get3A_258, %get3A_259] {strides = array<i32>} : memref<2x128x128xf32, #tpu.memory_space<vmem>>, vector<1x1x16xf32>,
        %get3A_261 = vector.shape_cast %get3A_260 : vector<1x1x16xf32> to vector<16xf32>
        %add3A_262 = arith.addf %neg3A_6, %broadcast_in_dim3A_255 : vector<16xf32>
        %add3A_263 = arith.addf %get3A_261, %add3A_262 : vector<16xf32>
        %swap3A_264 = arith.constant 1 : i32
        %swap3A_265 = arith.index_cast %swap3A_264 : i32 to index
        %swap3A_266 = arith.index_cast %add3A_247 : i32 to index
        %swap3A_267 = arith.constant 0 : index
        %swap3A_268 = tpu.vector_load %arg10[%swap3A_265, %swap3A_266, %swap3A_267] {strides = array<i32>} : memref<2x128x128xf32, #tpu.memory_space<vmem>>, vector<1x1x16xf32>,
        %swap3A_269 = vector.shape_cast %swap3A_268 : vector<1x1x16xf32> to vector<16xf32>
        %swap3A_270 = vector.shape_cast %add3A_263 : vector<16xf32> to vector<1x1x16xf32>
        tpu.vector_store %arg10[%swap3A_265, %swap3A_266, %swap3A_267], %swap3A_270 {strides = array<i32>} : memref<2x128x128xf32, #tpu.memory_space<vmem>>, vector<1x1x16xf32>,
        %get3A_271 = arith.constant 1 : i32
        %get3A_272 = arith.index_cast %get3A_271 : i32 to index
        %get3A_273 = arith.index_cast %add3A_247 : i32 to index
        %get3A_274 = arith.constant 16 : index
        %get3A_275 = tpu.vector_load %arg10[%get3A_272, %get3A_273, %get3A_274] {strides = array<i32>} : memref<2x128x128xf32, #tpu.memory_space<vmem>>, vector<1x1x16xf32>,
        %get3A_276 = vector.shape_cast %get3A_275 : vector<1x1x16xf32> to vector<16xf32>
        %add3A_277 = arith.addf %neg3A_12, %broadcast_in_dim3A_255 : vector<16xf32>
        %add3A_278 = arith.addf %get3A_276, %add3A_277 : vector<16xf32>
        %swap3A_279 = arith.constant 1 : i32
        %swap3A_280 = arith.index_cast %swap3A_279 : i32 to index
        %swap3A_281 = arith.index_cast %add3A_247 : i32 to index
        %swap3A_282 = arith.constant 16 : index
        %swap3A_283 = tpu.vector_load %arg10[%swap3A_280, %swap3A_281, %swap3A_282] {strides = array<i32>} : memref<2x128x128xf32, #tpu.memory_space<vmem>>, vector<1x1x16xf32>,
        %swap3A_284 = vector.shape_cast %swap3A_283 : vector<1x1x16xf32> to vector<16xf32>
        %swap3A_285 = vector.shape_cast %add3A_278 : vector<16xf32> to vector<1x1x16xf32>
        tpu.vector_store %arg10[%swap3A_280, %swap3A_281, %swap3A_282], %swap3A_285 {strides = array<i32>} : memref<2x128x128xf32, #tpu.memory_space<vmem>>, vector<1x1x16xf32>,
        %get3A_286 = arith.constant 1 : i32
        %get3A_287 = arith.index_cast %get3A_286 : i32 to index
        %get3A_288 = arith.index_cast %add3A_247 : i32 to index
        %get3A_289 = arith.constant 32 : index
        %get3A_290 = tpu.vector_load %arg10[%get3A_287, %get3A_288, %get3A_289] {strides = array<i32>} : memref<2x128x128xf32, #tpu.memory_space<vmem>>, vector<1x1x16xf32>,
        %get3A_291 = vector.shape_cast %get3A_290 : vector<1x1x16xf32> to vector<16xf32>
        %add3A_292 = arith.addf %neg3A_18, %broadcast_in_dim3A_255 : vector<16xf32>
        %add3A_293 = arith.addf %get3A_291, %add3A_292 : vector<16xf32>
        %swap3A_294 = arith.constant 1 : i32
        %swap3A_295 = arith.index_cast %swap3A_294 : i32 to index
        %swap3A_296 = arith.index_cast %add3A_247 : i32 to index
        %swap3A_297 = arith.constant 32 : index
        %swap3A_298 = tpu.vector_load %arg10[%swap3A_295, %swap3A_296, %swap3A_297] {strides = array<i32>} : memref<2x128x128xf32, #tpu.memory_space<vmem>>, vector<1x1x16xf32>,
        %swap3A_299 = vector.shape_cast %swap3A_298 : vector<1x1x16xf32> to vector<16xf32>
        %swap3A_300 = vector.shape_cast %add3A_293 : vector<16xf32> to vector<1x1x16xf32>
        tpu.vector_store %arg10[%swap3A_295, %swap3A_296, %swap3A_297], %swap3A_300 {strides = array<i32>} : memref<2x128x128xf32, #tpu.memory_space<vmem>>, vector<1x1x16xf32>,
        %get3A_301 = arith.constant 1 : i32
        %get3A_302 = arith.index_cast %get3A_301 : i32 to index
        %get3A_303 = arith.index_cast %add3A_247 : i32 to index
        %get3A_304 = arith.constant 48 : index
        %get3A_305 = tpu.vector_load %arg10[%get3A_302, %get3A_303, %get3A_304] {strides = array<i32>} : memref<2x128x128xf32, #tpu.memory_space<vmem>>, vector<1x1x16xf32>,
        %get3A_306 = vector.shape_cast %get3A_305 : vector<1x1x16xf32> to vector<16xf32>
        %add3A_307 = arith.addf %neg3A_24, %broadcast_in_dim3A_255 : vector<16xf32>
        %add3A_308 = arith.addf %get3A_306, %add3A_307 : vector<16xf32>
        %swap3A_309 = arith.constant 1 : i32
        %swap3A_310 = arith.index_cast %swap3A_309 : i32 to index
        %swap3A_311 = arith.index_cast %add3A_247 : i32 to index
        %swap3A_312 = arith.constant 48 : index
        %swap3A_313 = tpu.vector_load %arg10[%swap3A_310, %swap3A_311, %swap3A_312] {strides = array<i32>} : memref<2x128x128xf32, #tpu.memory_space<vmem>>, vector<1x1x16xf32>,
        %swap3A_314 = vector.shape_cast %swap3A_313 : vector<1x1x16xf32> to vector<16xf32>
        %swap3A_315 = vector.shape_cast %add3A_308 : vector<16xf32> to vector<1x1x16xf32>
        tpu.vector_store %arg10[%swap3A_310, %swap3A_311, %swap3A_312], %swap3A_315 {strides = array<i32>} : memref<2x128x128xf32, #tpu.memory_space<vmem>>, vector<1x1x16xf32>,
        %add3A_316 = arith.constant 2 : i32
        %add3A_317 = arith.addi %mul3A_178, %add3A_316 : i32
        %slice3A_318 = vector.extract_strided_slice %get3A_182 {offsets = [2], sizes = [1], strides = [1]} : vector<16xi32> to vector<1xi32>
        %squeeze3A_319 = vector.extract %slice3A_318[0] : i32 from vector<1xi32>
        %ne3A_320 = arith.constant 0 : i32
        %ne3A_321 = arith.cmpi ne, %squeeze3A_319, %ne3A_320 : i32
        %jit3A_322 = arith.constant 0.000000e+00 : f32
        %jit3A_323 = arith.constant 0xFF800000 : f32
        %select_n3A_324 = arith.select %ne3A_321, %jit3A_322, %jit3A_323 : f32
        %broadcast_in_dim3A_325 = vector.broadcast %select_n3A_324 : f32 to vector<16xf32>
        %get3A_326 = arith.constant 1 : i32
        %get3A_327 = arith.index_cast %get3A_326 : i32 to index
        %get3A_328 = arith.index_cast %add3A_317 : i32 to index
        %get3A_329 = arith.constant 0 : index
        %get3A_330 = tpu.vector_load %arg10[%get3A_327, %get3A_328, %get3A_329] {strides = array<i32>} : memref<2x128x128xf32, #tpu.memory_space<vmem>>, vector<1x1x16xf32>,
        %get3A_331 = vector.shape_cast %get3A_330 : vector<1x1x16xf32> to vector<16xf32>
        %add3A_332 = arith.addf %neg3A_6, %broadcast_in_dim3A_325 : vector<16xf32>
        %add3A_333 = arith.addf %get3A_331, %add3A_332 : vector<16xf32>
        %swap3A_334 = arith.constant 1 : i32
        %swap3A_335 = arith.index_cast %swap3A_334 : i32 to index
        %swap3A_336 = arith.index_cast %add3A_317 : i32 to index
        %swap3A_337 = arith.constant 0 : index
        %swap3A_338 = tpu.vector_load %arg10[%swap3A_335, %swap3A_336, %swap3A_337] {strides = array<i32>} : memref<2x128x128xf32, #tpu.memory_space<vmem>>, vector<1x1x16xf32>,
        %swap3A_339 = vector.shape_cast %swap3A_338 : vector<1x1x16xf32> to vector<16xf32>
        %swap3A_340 = vector.shape_cast %add3A_333 : vector<16xf32> to vector<1x1x16xf32>
        tpu.vector_store %arg10[%swap3A_335, %swap3A_336, %swap3A_337], %swap3A_340 {strides = array<i32>} : memref<2x128x128xf32, #tpu.memory_space<vmem>>, vector<1x1x16xf32>,
        %get3A_341 = arith.constant 1 : i32
        %get3A_342 = arith.index_cast %get3A_341 : i32 to index
        %get3A_343 = arith.index_cast %add3A_317 : i32 to index
        %get3A_344 = arith.constant 16 : index
        %get3A_345 = tpu.vector_load %arg10[%get3A_342, %get3A_343, %get3A_344] {strides = array<i32>} : memref<2x128x128xf32, #tpu.memory_space<vmem>>, vector<1x1x16xf32>,
        %get3A_346 = vector.shape_cast %get3A_345 : vector<1x1x16xf32> to vector<16xf32>
        %add3A_347 = arith.addf %neg3A_12, %broadcast_in_dim3A_325 : vector<16xf32>
        %add3A_348 = arith.addf %get3A_346, %add3A_347 : vector<16xf32>
        %swap3A_349 = arith.constant 1 : i32
        %swap3A_350 = arith.index_cast %swap3A_349 : i32 to index
        %swap3A_351 = arith.index_cast %add3A_317 : i32 to index
        %swap3A_352 = arith.constant 16 : index
        %swap3A_353 = tpu.vector_load %arg10[%swap3A_350, %swap3A_351, %swap3A_352] {strides = array<i32>} : memref<2x128x128xf32, #tpu.memory_space<vmem>>, vector<1x1x16xf32>,
        %swap3A_354 = vector.shape_cast %swap3A_353 : vector<1x1x16xf32> to vector<16xf32>
        %swap3A_355 = vector.shape_cast %add3A_348 : vector<16xf32> to vector<1x1x16xf32>
        tpu.vector_store %arg10[%swap3A_350, %swap3A_351, %swap3A_352], %swap3A_355 {strides = array<i32>} : memref<2x128x128xf32, #tpu.memory_space<vmem>>, vector<1x1x16xf32>,
        %get3A_356 = arith.constant 1 : i32
        %get3A_357 = arith.index_cast %get3A_356 : i32 to index
        %get3A_358 = arith.index_cast %add3A_317 : i32 to index
        %get3A_359 = arith.constant 32 : index
        %get3A_360 = tpu.vector_load %arg10[%get3A_357, %get3A_358, %get3A_359] {strides = array<i32>} : memref<2x128x128xf32, #tpu.memory_space<vmem>>, vector<1x1x16xf32>,
        %get3A_361 = vector.shape_cast %get3A_360 : vector<1x1x16xf32> to vector<16xf32>
        %add3A_362 = arith.addf %neg3A_18, %broadcast_in_dim3A_325 : vector<16xf32>
        %add3A_363 = arith.addf %get3A_361, %add3A_362 : vector<16xf32>
        %swap3A_364 = arith.constant 1 : i32
        %swap3A_365 = arith.index_cast %swap3A_364 : i32 to index
        %swap3A_366 = arith.index_cast %add3A_317 : i32 to index
        %swap3A_367 = arith.constant 32 : index
        %swap3A_368 = tpu.vector_load %arg10[%swap3A_365, %swap3A_366, %swap3A_367] {strides = array<i32>} : memref<2x128x128xf32, #tpu.memory_space<vmem>>, vector<1x1x16xf32>,
        %swap3A_369 = vector.shape_cast %swap3A_368 : vector<1x1x16xf32> to vector<16xf32>
        %swap3A_370 = vector.shape_cast %add3A_363 : vector<16xf32> to vector<1x1x16xf32>
        tpu.vector_store %arg10[%swap3A_365, %swap3A_366, %swap3A_367], %swap3A_370 {strides = array<i32>} : memref<2x128x128xf32, #tpu.memory_space<vmem>>, vector<1x1x16xf32>,
        %get3A_371 = arith.constant 1 : i32
        %get3A_372 = arith.index_cast %get3A_371 : i32 to index
        %get3A_373 = arith.index_cast %add3A_317 : i32 to index
        %get3A_374 = arith.constant 48 : index
        %get3A_375 = tpu.vector_load %arg10[%get3A_372, %get3A_373, %get3A_374] {strides = array<i32>} : memref<2x128x128xf32, #tpu.memory_space<vmem>>, vector<1x1x16xf32>,
        %get3A_376 = vector.shape_cast %get3A_375 : vector<1x1x16xf32> to vector<16xf32>
        %add3A_377 = arith.addf %neg3A_24, %broadcast_in_dim3A_325 : vector<16xf32>
        %add3A_378 = arith.addf %get3A_376, %add3A_377 : vector<16xf32>
        %swap3A_379 = arith.constant 1 : i32
        %swap3A_380 = arith.index_cast %swap3A_379 : i32 to index
        %swap3A_381 = arith.index_cast %add3A_317 : i32 to index
        %swap3A_382 = arith.constant 48 : index
        %swap3A_383 = tpu.vector_load %arg10[%swap3A_380, %swap3A_381, %swap3A_382] {strides = array<i32>} : memref<2x128x128xf32, #tpu.memory_space<vmem>>, vector<1x1x16xf32>,
        %swap3A_384 = vector.shape_cast %swap3A_383 : vector<1x1x16xf32> to vector<16xf32>
        %swap3A_385 = vector.shape_cast %add3A_378 : vector<16xf32> to vector<1x1x16xf32>
        tpu.vector_store %arg10[%swap3A_380, %swap3A_381, %swap3A_382], %swap3A_385 {strides = array<i32>} : memref<2x128x128xf32, #tpu.memory_space<vmem>>, vector<1x1x16xf32>,
        %add3A_386 = arith.constant 3 : i32
        %add3A_387 = arith.addi %mul3A_178, %add3A_386 : i32
        %slice3A_388 = vector.extract_strided_slice %get3A_182 {offsets = [3], sizes = [1], strides = [1]} : vector<16xi32> to vector<1xi32>
        %squeeze3A_389 = vector.extract %slice3A_388[0] : i32 from vector<1xi32>
        %ne3A_390 = arith.constant 0 : i32
        %ne3A_391 = arith.cmpi ne, %squeeze3A_389, %ne3A_390 : i32
        %jit3A_392 = arith.constant 0.000000e+00 : f32
        %jit3A_393 = arith.constant 0xFF800000 : f32
        %select_n3A_394 = arith.select %ne3A_391, %jit3A_392, %jit3A_393 : f32
        %broadcast_in_dim3A_395 = vector.broadcast %select_n3A_394 : f32 to vector<16xf32>
        %get3A_396 = arith.constant 1 : i32
        %get3A_397 = arith.index_cast %get3A_396 : i32 to index
        %get3A_398 = arith.index_cast %add3A_387 : i32 to index
        %get3A_399 = arith.constant 0 : index
        %get3A_400 = tpu.vector_load %arg10[%get3A_397, %get3A_398, %get3A_399] {strides = array<i32>} : memref<2x128x128xf32, #tpu.memory_space<vmem>>, vector<1x1x16xf32>,
        %get3A_401 = vector.shape_cast %get3A_400 : vector<1x1x16xf32> to vector<16xf32>
        %add3A_402 = arith.addf %neg3A_6, %broadcast_in_dim3A_395 : vector<16xf32>
        %add3A_403 = arith.addf %get3A_401, %add3A_402 : vector<16xf32>
        %swap3A_404 = arith.constant 1 : i32
        %swap3A_405 = arith.index_cast %swap3A_404 : i32 to index
        %swap3A_406 = arith.index_cast %add3A_387 : i32 to index
        %swap3A_407 = arith.constant 0 : index
        %swap3A_408 = tpu.vector_load %arg10[%swap3A_405, %swap3A_406, %swap3A_407] {strides = array<i32>} : memref<2x128x128xf32, #tpu.memory_space<vmem>>, vector<1x1x16xf32>,
        %swap3A_409 = vector.shape_cast %swap3A_408 : vector<1x1x16xf32> to vector<16xf32>
        %swap3A_410 = vector.shape_cast %add3A_403 : vector<16xf32> to vector<1x1x16xf32>
        tpu.vector_store %arg10[%swap3A_405, %swap3A_406, %swap3A_407], %swap3A_410 {strides = array<i32>} : memref<2x128x128xf32, #tpu.memory_space<vmem>>, vector<1x1x16xf32>,
        %get3A_411 = arith.constant 1 : i32
        %get3A_412 = arith.index_cast %get3A_411 : i32 to index
        %get3A_413 = arith.index_cast %add3A_387 : i32 to index
        %get3A_414 = arith.constant 16 : index
        %get3A_415 = tpu.vector_load %arg10[%get3A_412, %get3A_413, %get3A_414] {strides = array<i32>} : memref<2x128x128xf32, #tpu.memory_space<vmem>>, vector<1x1x16xf32>,
        %get3A_416 = vector.shape_cast %get3A_415 : vector<1x1x16xf32> to vector<16xf32>
        %add3A_417 = arith.addf %neg3A_12, %broadcast_in_dim3A_395 : vector<16xf32>
        %add3A_418 = arith.addf %get3A_416, %add3A_417 : vector<16xf32>
        %swap3A_419 = arith.constant 1 : i32
        %swap3A_420 = arith.index_cast %swap3A_419 : i32 to index
        %swap3A_421 = arith.index_cast %add3A_387 : i32 to index
        %swap3A_422 = arith.constant 16 : index
        %swap3A_423 = tpu.vector_load %arg10[%swap3A_420, %swap3A_421, %swap3A_422] {strides = array<i32>} : memref<2x128x128xf32, #tpu.memory_space<vmem>>, vector<1x1x16xf32>,
        %swap3A_424 = vector.shape_cast %swap3A_423 : vector<1x1x16xf32> to vector<16xf32>
        %swap3A_425 = vector.shape_cast %add3A_418 : vector<16xf32> to vector<1x1x16xf32>
        tpu.vector_store %arg10[%swap3A_420, %swap3A_421, %swap3A_422], %swap3A_425 {strides = array<i32>} : memref<2x128x128xf32, #tpu.memory_space<vmem>>, vector<1x1x16xf32>,
        %get3A_426 = arith.constant 1 : i32
        %get3A_427 = arith.index_cast %get3A_426 : i32 to index
        %get3A_428 = arith.index_cast %add3A_387 : i32 to index
        %get3A_429 = arith.constant 32 : index
        %get3A_430 = tpu.vector_load %arg10[%get3A_427, %get3A_428, %get3A_429] {strides = array<i32>} : memref<2x128x128xf32, #tpu.memory_space<vmem>>, vector<1x1x16xf32>,
        %get3A_431 = vector.shape_cast %get3A_430 : vector<1x1x16xf32> to vector<16xf32>
        %add3A_432 = arith.addf %neg3A_18, %broadcast_in_dim3A_395 : vector<16xf32>
        %add3A_433 = arith.addf %get3A_431, %add3A_432 : vector<16xf32>
        %swap3A_434 = arith.constant 1 : i32
        %swap3A_435 = arith.index_cast %swap3A_434 : i32 to index
        %swap3A_436 = arith.index_cast %add3A_387 : i32 to index
        %swap3A_437 = arith.constant 32 : index
        %swap3A_438 = tpu.vector_load %arg10[%swap3A_435, %swap3A_436, %swap3A_437] {strides = array<i32>} : memref<2x128x128xf32, #tpu.memory_space<vmem>>, vector<1x1x16xf32>,
        %swap3A_439 = vector.shape_cast %swap3A_438 : vector<1x1x16xf32> to vector<16xf32>
        %swap3A_440 = vector.shape_cast %add3A_433 : vector<16xf32> to vector<1x1x16xf32>
        tpu.vector_store %arg10[%swap3A_435, %swap3A_436, %swap3A_437], %swap3A_440 {strides = array<i32>} : memref<2x128x128xf32, #tpu.memory_space<vmem>>, vector<1x1x16xf32>,
        %get3A_441 = arith.constant 1 : i32
        %get3A_442 = arith.index_cast %get3A_441 : i32 to index
        %get3A_443 = arith.index_cast %add3A_387 : i32 to index
        %get3A_444 = arith.constant 48 : index
        %get3A_445 = tpu.vector_load %arg10[%get3A_442, %get3A_443, %get3A_444] {strides = array<i32>} : memref<2x128x128xf32, #tpu.memory_space<vmem>>, vector<1x1x16xf32>,
        %get3A_446 = vector.shape_cast %get3A_445 : vector<1x1x16xf32> to vector<16xf32>
        %add3A_447 = arith.addf %neg3A_24, %broadcast_in_dim3A_395 : vector<16xf32>
        %add3A_448 = arith.addf %get3A_446, %add3A_447 : vector<16xf32>
        %swap3A_449 = arith.constant 1 : i32
        %swap3A_450 = arith.index_cast %swap3A_449 : i32 to index
        %swap3A_451 = arith.index_cast %add3A_387 : i32 to index
        %swap3A_452 = arith.constant 48 : index
        %swap3A_453 = tpu.vector_load %arg10[%swap3A_450, %swap3A_451, %swap3A_452] {strides = array<i32>} : memref<2x128x128xf32, #tpu.memory_space<vmem>>, vector<1x1x16xf32>,
        %swap3A_454 = vector.shape_cast %swap3A_453 : vector<1x1x16xf32> to vector<16xf32>
        %swap3A_455 = vector.shape_cast %add3A_448 : vector<16xf32> to vector<1x1x16xf32>
        tpu.vector_store %arg10[%swap3A_450, %swap3A_451, %swap3A_452], %swap3A_455 {strides = array<i32>} : memref<2x128x128xf32, #tpu.memory_space<vmem>>, vector<1x1x16xf32>,
        %add3A_456 = arith.constant 4 : i32
        %add3A_457 = arith.addi %mul3A_178, %add3A_456 : i32
        %slice3A_458 = vector.extract_strided_slice %get3A_182 {offsets = [4], sizes = [1], strides = [1]} : vector<16xi32> to vector<1xi32>
        %squeeze3A_459 = vector.extract %slice3A_458[0] : i32 from vector<1xi32>
        %ne3A_460 = arith.constant 0 : i32
        %ne3A_461 = arith.cmpi ne, %squeeze3A_459, %ne3A_460 : i32
        %jit3A_462 = arith.constant 0.000000e+00 : f32
        %jit3A_463 = arith.constant 0xFF800000 : f32
        %select_n3A_464 = arith.select %ne3A_461, %jit3A_462, %jit3A_463 : f32
        %broadcast_in_dim3A_465 = vector.broadcast %select_n3A_464 : f32 to vector<16xf32>
        %get3A_466 = arith.constant 1 : i32
        %get3A_467 = arith.index_cast %get3A_466 : i32 to index
        %get3A_468 = arith.index_cast %add3A_457 : i32 to index
        %get3A_469 = arith.constant 0 : index
        %get3A_470 = tpu.vector_load %arg10[%get3A_467, %get3A_468, %get3A_469] {strides = array<i32>} : memref<2x128x128xf32, #tpu.memory_space<vmem>>, vector<1x1x16xf32>,
        %get3A_471 = vector.shape_cast %get3A_470 : vector<1x1x16xf32> to vector<16xf32>
        %add3A_472 = arith.addf %neg3A_6, %broadcast_in_dim3A_465 : vector<16xf32>
        %add3A_473 = arith.addf %get3A_471, %add3A_472 : vector<16xf32>
        %swap3A_474 = arith.constant 1 : i32
        %swap3A_475 = arith.index_cast %swap3A_474 : i32 to index
        %swap3A_476 = arith.index_cast %add3A_457 : i32 to index
        %swap3A_477 = arith.constant 0 : index
        %swap3A_478 = tpu.vector_load %arg10[%swap3A_475, %swap3A_476, %swap3A_477] {strides = array<i32>} : memref<2x128x128xf32, #tpu.memory_space<vmem>>, vector<1x1x16xf32>,
        %swap3A_479 = vector.shape_cast %swap3A_478 : vector<1x1x16xf32> to vector<16xf32>
        %swap3A_480 = vector.shape_cast %add3A_473 : vector<16xf32> to vector<1x1x16xf32>
        tpu.vector_store %arg10[%swap3A_475, %swap3A_476, %swap3A_477], %swap3A_480 {strides = array<i32>} : memref<2x128x128xf32, #tpu.memory_space<vmem>>, vector<1x1x16xf32>,
        %get3A_481 = arith.constant 1 : i32
        %get3A_482 = arith.index_cast %get3A_481 : i32 to index
        %get3A_483 = arith.index_cast %add3A_457 : i32 to index
        %get3A_484 = arith.constant 16 : index
        %get3A_485 = tpu.vector_load %arg10[%get3A_482, %get3A_483, %get3A_484] {strides = array<i32>} : memref<2x128x128xf32, #tpu.memory_space<vmem>>, vector<1x1x16xf32>,
        %get3A_486 = vector.shape_cast %get3A_485 : vector<1x1x16xf32> to vector<16xf32>
        %add3A_487 = arith.addf %neg3A_12, %broadcast_in_dim3A_465 : vector<16xf32>
        %add3A_488 = arith.addf %get3A_486, %add3A_487 : vector<16xf32>
        %swap3A_489 = arith.constant 1 : i32
        %swap3A_490 = arith.index_cast %swap3A_489 : i32 to index
        %swap3A_491 = arith.index_cast %add3A_457 : i32 to index
        %swap3A_492 = arith.constant 16 : index
        %swap3A_493 = tpu.vector_load %arg10[%swap3A_490, %swap3A_491, %swap3A_492] {strides = array<i32>} : memref<2x128x128xf32, #tpu.memory_space<vmem>>, vector<1x1x16xf32>,
        %swap3A_494 = vector.shape_cast %swap3A_493 : vector<1x1x16xf32> to vector<16xf32>
        %swap3A_495 = vector.shape_cast %add3A_488 : vector<16xf32> to vector<1x1x16xf32>
        tpu.vector_store %arg10[%swap3A_490, %swap3A_491, %swap3A_492], %swap3A_495 {strides = array<i32>} : memref<2x128x128xf32, #tpu.memory_space<vmem>>, vector<1x1x16xf32>,
        %get3A_496 = arith.constant 1 : i32
        %get3A_497 = arith.index_cast %get3A_496 : i32 to index
        %get3A_498 = arith.index_cast %add3A_457 : i32 to index
        %get3A_499 = arith.constant 32 : index
        %get3A_500 = tpu.vector_load %arg10[%get3A_497, %get3A_498, %get3A_499] {strides = array<i32>} : memref<2x128x128xf32, #tpu.memory_space<vmem>>, vector<1x1x16xf32>,
        %get3A_501 = vector.shape_cast %get3A_500 : vector<1x1x16xf32> to vector<16xf32>
        %add3A_502 = arith.addf %neg3A_18, %broadcast_in_dim3A_465 : vector<16xf32>
        %add3A_503 = arith.addf %get3A_501, %add3A_502 : vector<16xf32>
        %swap3A_504 = arith.constant 1 : i32
        %swap3A_505 = arith.index_cast %swap3A_504 : i32 to index
        %swap3A_506 = arith.index_cast %add3A_457 : i32 to index
        %swap3A_507 = arith.constant 32 : index
        %swap3A_508 = tpu.vector_load %arg10[%swap3A_505, %swap3A_506, %swap3A_507] {strides = array<i32>} : memref<2x128x128xf32, #tpu.memory_space<vmem>>, vector<1x1x16xf32>,
        %swap3A_509 = vector.shape_cast %swap3A_508 : vector<1x1x16xf32> to vector<16xf32>
        %swap3A_510 = vector.shape_cast %add3A_503 : vector<16xf32> to vector<1x1x16xf32>
        tpu.vector_store %arg10[%swap3A_505, %swap3A_506, %swap3A_507], %swap3A_510 {strides = array<i32>} : memref<2x128x128xf32, #tpu.memory_space<vmem>>, vector<1x1x16xf32>,
        %get3A_511 = arith.constant 1 : i32
        %get3A_512 = arith.index_cast %get3A_511 : i32 to index
        %get3A_513 = arith.index_cast %add3A_457 : i32 to index
        %get3A_514 = arith.constant 48 : index
        %get3A_515 = tpu.vector_load %arg10[%get3A_512, %get3A_513, %get3A_514] {strides = array<i32>} : memref<2x128x128xf32, #tpu.memory_space<vmem>>, vector<1x1x16xf32>,
        %get3A_516 = vector.shape_cast %get3A_515 : vector<1x1x16xf32> to vector<16xf32>
        %add3A_517 = arith.addf %neg3A_24, %broadcast_in_dim3A_465 : vector<16xf32>
        %add3A_518 = arith.addf %get3A_516, %add3A_517 : vector<16xf32>
        %swap3A_519 = arith.constant 1 : i32
        %swap3A_520 = arith.index_cast %swap3A_519 : i32 to index
        %swap3A_521 = arith.index_cast %add3A_457 : i32 to index
        %swap3A_522 = arith.constant 48 : index
        %swap3A_523 = tpu.vector_load %arg10[%swap3A_520, %swap3A_521, %swap3A_522] {strides = array<i32>} : memref<2x128x128xf32, #tpu.memory_space<vmem>>, vector<1x1x16xf32>,
        %swap3A_524 = vector.shape_cast %swap3A_523 : vector<1x1x16xf32> to vector<16xf32>
        %swap3A_525 = vector.shape_cast %add3A_518 : vector<16xf32> to vector<1x1x16xf32>
        tpu.vector_store %arg10[%swap3A_520, %swap3A_521, %swap3A_522], %swap3A_525 {strides = array<i32>} : memref<2x128x128xf32, #tpu.memory_space<vmem>>, vector<1x1x16xf32>,
        %add3A_526 = arith.constant 5 : i32
        %add3A_527 = arith.addi %mul3A_178, %add3A_526 : i32
        %slice3A_528 = vector.extract_strided_slice %get3A_182 {offsets = [5], sizes = [1], strides = [1]} : vector<16xi32> to vector<1xi32>
        %squeeze3A_529 = vector.extract %slice3A_528[0] : i32 from vector<1xi32>
        %ne3A_530 = arith.constant 0 : i32
        %ne3A_531 = arith.cmpi ne, %squeeze3A_529, %ne3A_530 : i32
        %jit3A_532 = arith.constant 0.000000e+00 : f32
        %jit3A_533 = arith.constant 0xFF800000 : f32
        %select_n3A_534 = arith.select %ne3A_531, %jit3A_532, %jit3A_533 : f32
        %broadcast_in_dim3A_535 = vector.broadcast %select_n3A_534 : f32 to vector<16xf32>
        %get3A_536 = arith.constant 1 : i32
        %get3A_537 = arith.index_cast %get3A_536 : i32 to index
        %get3A_538 = arith.index_cast %add3A_527 : i32 to index
        %get3A_539 = arith.constant 0 : index
        %get3A_540 = tpu.vector_load %arg10[%get3A_537, %get3A_538, %get3A_539] {strides = array<i32>} : memref<2x128x128xf32, #tpu.memory_space<vmem>>, vector<1x1x16xf32>,
        %get3A_541 = vector.shape_cast %get3A_540 : vector<1x1x16xf32> to vector<16xf32>
        %add3A_542 = arith.addf %neg3A_6, %broadcast_in_dim3A_535 : vector<16xf32>
        %add3A_543 = arith.addf %get3A_541, %add3A_542 : vector<16xf32>
        %swap3A_544 = arith.constant 1 : i32
        %swap3A_545 = arith.index_cast %swap3A_544 : i32 to index
        %swap3A_546 = arith.index_cast %add3A_527 : i32 to index
        %swap3A_547 = arith.constant 0 : index
        %swap3A_548 = tpu.vector_load %arg10[%swap3A_545, %swap3A_546, %swap3A_547] {strides = array<i32>} : memref<2x128x128xf32, #tpu.memory_space<vmem>>, vector<1x1x16xf32>,
        %swap3A_549 = vector.shape_cast %swap3A_548 : vector<1x1x16xf32> to vector<16xf32>
        %swap3A_550 = vector.shape_cast %add3A_543 : vector<16xf32> to vector<1x1x16xf32>
        tpu.vector_store %arg10[%swap3A_545, %swap3A_546, %swap3A_547], %swap3A_550 {strides = array<i32>} : memref<2x128x128xf32, #tpu.memory_space<vmem>>, vector<1x1x16xf32>,
        %get3A_551 = arith.constant 1 : i32
        %get3A_552 = arith.index_cast %get3A_551 : i32 to index
        %get3A_553 = arith.index_cast %add3A_527 : i32 to index
        %get3A_554 = arith.constant 16 : index
        %get3A_555 = tpu.vector_load %arg10[%get3A_552, %get3A_553, %get3A_554] {strides = array<i32>} : memref<2x128x128xf32, #tpu.memory_space<vmem>>, vector<1x1x16xf32>,
        %get3A_556 = vector.shape_cast %get3A_555 : vector<1x1x16xf32> to vector<16xf32>
        %add3A_557 = arith.addf %neg3A_12, %broadcast_in_dim3A_535 : vector<16xf32>
        %add3A_558 = arith.addf %get3A_556, %add3A_557 : vector<16xf32>
        %swap3A_559 = arith.constant 1 : i32
        %swap3A_560 = arith.index_cast %swap3A_559 : i32 to index
        %swap3A_561 = arith.index_cast %add3A_527 : i32 to index
        %swap3A_562 = arith.constant 16 : index
        %swap3A_563 = tpu.vector_load %arg10[%swap3A_560, %swap3A_561, %swap3A_562] {strides = array<i32>} : memref<2x128x128xf32, #tpu.memory_space<vmem>>, vector<1x1x16xf32>,
        %swap3A_564 = vector.shape_cast %swap3A_563 : vector<1x1x16xf32> to vector<16xf32>
        %swap3A_565 = vector.shape_cast %add3A_558 : vector<16xf32> to vector<1x1x16xf32>
        tpu.vector_store %arg10[%swap3A_560, %swap3A_561, %swap3A_562], %swap3A_565 {strides = array<i32>} : memref<2x128x128xf32, #tpu.memory_space<vmem>>, vector<1x1x16xf32>,
        %get3A_566 = arith.constant 1 : i32
        %get3A_567 = arith.index_cast %get3A_566 : i32 to index
        %get3A_568 = arith.index_cast %add3A_527 : i32 to index
        %get3A_569 = arith.constant 32 : index
        %get3A_570 = tpu.vector_load %arg10[%get3A_567, %get3A_568, %get3A_569] {strides = array<i32>} : memref<2x128x128xf32, #tpu.memory_space<vmem>>, vector<1x1x16xf32>,
        %get3A_571 = vector.shape_cast %get3A_570 : vector<1x1x16xf32> to vector<16xf32>
        %add3A_572 = arith.addf %neg3A_18, %broadcast_in_dim3A_535 : vector<16xf32>
        %add3A_573 = arith.addf %get3A_571, %add3A_572 : vector<16xf32>
        %swap3A_574 = arith.constant 1 : i32
        %swap3A_575 = arith.index_cast %swap3A_574 : i32 to index
        %swap3A_576 = arith.index_cast %add3A_527 : i32 to index
        %swap3A_577 = arith.constant 32 : index
        %swap3A_578 = tpu.vector_load %arg10[%swap3A_575, %swap3A_576, %swap3A_577] {strides = array<i32>} : memref<2x128x128xf32, #tpu.memory_space<vmem>>, vector<1x1x16xf32>,
        %swap3A_579 = vector.shape_cast %swap3A_578 : vector<1x1x16xf32> to vector<16xf32>
        %swap3A_580 = vector.shape_cast %add3A_573 : vector<16xf32> to vector<1x1x16xf32>
        tpu.vector_store %arg10[%swap3A_575, %swap3A_576, %swap3A_577], %swap3A_580 {strides = array<i32>} : memref<2x128x128xf32, #tpu.memory_space<vmem>>, vector<1x1x16xf32>,
        %get3A_581 = arith.constant 1 : i32
        %get3A_582 = arith.index_cast %get3A_581 : i32 to index
        %get3A_583 = arith.index_cast %add3A_527 : i32 to index
        %get3A_584 = arith.constant 48 : index
        %get3A_585 = tpu.vector_load %arg10[%get3A_582, %get3A_583, %get3A_584] {strides = array<i32>} : memref<2x128x128xf32, #tpu.memory_space<vmem>>, vector<1x1x16xf32>,
        %get3A_586 = vector.shape_cast %get3A_585 : vector<1x1x16xf32> to vector<16xf32>
        %add3A_587 = arith.addf %neg3A_24, %broadcast_in_dim3A_535 : vector<16xf32>
        %add3A_588 = arith.addf %get3A_586, %add3A_587 : vector<16xf32>
        %swap3A_589 = arith.constant 1 : i32
        %swap3A_590 = arith.index_cast %swap3A_589 : i32 to index
        %swap3A_591 = arith.index_cast %add3A_527 : i32 to index
        %swap3A_592 = arith.constant 48 : index
        %swap3A_593 = tpu.vector_load %arg10[%swap3A_590, %swap3A_591, %swap3A_592] {strides = array<i32>} : memref<2x128x128xf32, #tpu.memory_space<vmem>>, vector<1x1x16xf32>,
        %swap3A_594 = vector.shape_cast %swap3A_593 : vector<1x1x16xf32> to vector<16xf32>
        %swap3A_595 = vector.shape_cast %add3A_588 : vector<16xf32> to vector<1x1x16xf32>
        tpu.vector_store %arg10[%swap3A_590, %swap3A_591, %swap3A_592], %swap3A_595 {strides = array<i32>} : memref<2x128x128xf32, #tpu.memory_space<vmem>>, vector<1x1x16xf32>,
        %add3A_596 = arith.constant 6 : i32
        %add3A_597 = arith.addi %mul3A_178, %add3A_596 : i32
        %slice3A_598 = vector.extract_strided_slice %get3A_182 {offsets = [6], sizes = [1], strides = [1]} : vector<16xi32> to vector<1xi32>
        %squeeze3A_599 = vector.extract %slice3A_598[0] : i32 from vector<1xi32>
        %ne3A_600 = arith.constant 0 : i32
        %ne3A_601 = arith.cmpi ne, %squeeze3A_599, %ne3A_600 : i32
        %jit3A_602 = arith.constant 0.000000e+00 : f32
        %jit3A_603 = arith.constant 0xFF800000 : f32
        %select_n3A_604 = arith.select %ne3A_601, %jit3A_602, %jit3A_603 : f32
        %broadcast_in_dim3A_605 = vector.broadcast %select_n3A_604 : f32 to vector<16xf32>
        %get3A_606 = arith.constant 1 : i32
        %get3A_607 = arith.index_cast %get3A_606 : i32 to index
        %get3A_608 = arith.index_cast %add3A_597 : i32 to index
        %get3A_609 = arith.constant 0 : index
        %get3A_610 = tpu.vector_load %arg10[%get3A_607, %get3A_608, %get3A_609] {strides = array<i32>} : memref<2x128x128xf32, #tpu.memory_space<vmem>>, vector<1x1x16xf32>,
        %get3A_611 = vector.shape_cast %get3A_610 : vector<1x1x16xf32> to vector<16xf32>
        %add3A_612 = arith.addf %neg3A_6, %broadcast_in_dim3A_605 : vector<16xf32>
        %add3A_613 = arith.addf %get3A_611, %add3A_612 : vector<16xf32>
        %swap3A_614 = arith.constant 1 : i32
        %swap3A_615 = arith.index_cast %swap3A_614 : i32 to index
        %swap3A_616 = arith.index_cast %add3A_597 : i32 to index
        %swap3A_617 = arith.constant 0 : index
        %swap3A_618 = tpu.vector_load %arg10[%swap3A_615, %swap3A_616, %swap3A_617] {strides = array<i32>} : memref<2x128x128xf32, #tpu.memory_space<vmem>>, vector<1x1x16xf32>,
        %swap3A_619 = vector.shape_cast %swap3A_618 : vector<1x1x16xf32> to vector<16xf32>
        %swap3A_620 = vector.shape_cast %add3A_613 : vector<16xf32> to vector<1x1x16xf32>
        tpu.vector_store %arg10[%swap3A_615, %swap3A_616, %swap3A_617], %swap3A_620 {strides = array<i32>} : memref<2x128x128xf32, #tpu.memory_space<vmem>>, vector<1x1x16xf32>,
        %get3A_621 = arith.constant 1 : i32
        %get3A_622 = arith.index_cast %get3A_621 : i32 to index
        %get3A_623 = arith.index_cast %add3A_597 : i32 to index
        %get3A_624 = arith.constant 16 : index
        %get3A_625 = tpu.vector_load %arg10[%get3A_622, %get3A_623, %get3A_624] {strides = array<i32>} : memref<2x128x128xf32, #tpu.memory_space<vmem>>, vector<1x1x16xf32>,
        %get3A_626 = vector.shape_cast %get3A_625 : vector<1x1x16xf32> to vector<16xf32>
        %add3A_627 = arith.addf %neg3A_12, %broadcast_in_dim3A_605 : vector<16xf32>
        %add3A_628 = arith.addf %get3A_626, %add3A_627 : vector<16xf32>
        %swap3A_629 = arith.constant 1 : i32
        %swap3A_630 = arith.index_cast %swap3A_629 : i32 to index
        %swap3A_631 = arith.index_cast %add3A_597 : i32 to index
        %swap3A_632 = arith.constant 16 : index
        %swap3A_633 = tpu.vector_load %arg10[%swap3A_630, %swap3A_631, %swap3A_632] {strides = array<i32>} : memref<2x128x128xf32, #tpu.memory_space<vmem>>, vector<1x1x16xf32>,
        %swap3A_634 = vector.shape_cast %swap3A_633 : vector<1x1x16xf32> to vector<16xf32>
        %swap3A_635 = vector.shape_cast %add3A_628 : vector<16xf32> to vector<1x1x16xf32>
        tpu.vector_store %arg10[%swap3A_630, %swap3A_631, %swap3A_632], %swap3A_635 {strides = array<i32>} : memref<2x128x128xf32, #tpu.memory_space<vmem>>, vector<1x1x16xf32>,
        %get3A_636 = arith.constant 1 : i32
        %get3A_637 = arith.index_cast %get3A_636 : i32 to index
        %get3A_638 = arith.index_cast %add3A_597 : i32 to index
        %get3A_639 = arith.constant 32 : index
        %get3A_640 = tpu.vector_load %arg10[%get3A_637, %get3A_638, %get3A_639] {strides = array<i32>} : memref<2x128x128xf32, #tpu.memory_space<vmem>>, vector<1x1x16xf32>,
        %get3A_641 = vector.shape_cast %get3A_640 : vector<1x1x16xf32> to vector<16xf32>
        %add3A_642 = arith.addf %neg3A_18, %broadcast_in_dim3A_605 : vector<16xf32>
        %add3A_643 = arith.addf %get3A_641, %add3A_642 : vector<16xf32>
        %swap3A_644 = arith.constant 1 : i32
        %swap3A_645 = arith.index_cast %swap3A_644 : i32 to index
        %swap3A_646 = arith.index_cast %add3A_597 : i32 to index
        %swap3A_647 = arith.constant 32 : index
        %swap3A_648 = tpu.vector_load %arg10[%swap3A_645, %swap3A_646, %swap3A_647] {strides = array<i32>} : memref<2x128x128xf32, #tpu.memory_space<vmem>>, vector<1x1x16xf32>,
        %swap3A_649 = vector.shape_cast %swap3A_648 : vector<1x1x16xf32> to vector<16xf32>
        %swap3A_650 = vector.shape_cast %add3A_643 : vector<16xf32> to vector<1x1x16xf32>
        tpu.vector_store %arg10[%swap3A_645, %swap3A_646, %swap3A_647], %swap3A_650 {strides = array<i32>} : memref<2x128x128xf32, #tpu.memory_space<vmem>>, vector<1x1x16xf32>,
        %get3A_651 = arith.constant 1 : i32
        %get3A_652 = arith.index_cast %get3A_651 : i32 to index
        %get3A_653 = arith.index_cast %add3A_597 : i32 to index
        %get3A_654 = arith.constant 48 : index
        %get3A_655 = tpu.vector_load %arg10[%get3A_652, %get3A_653, %get3A_654] {strides = array<i32>} : memref<2x128x128xf32, #tpu.memory_space<vmem>>, vector<1x1x16xf32>,
        %get3A_656 = vector.shape_cast %get3A_655 : vector<1x1x16xf32> to vector<16xf32>
        %add3A_657 = arith.addf %neg3A_24, %broadcast_in_dim3A_605 : vector<16xf32>
        %add3A_658 = arith.addf %get3A_656, %add3A_657 : vector<16xf32>
        %swap3A_659 = arith.constant 1 : i32
        %swap3A_660 = arith.index_cast %swap3A_659 : i32 to index
        %swap3A_661 = arith.index_cast %add3A_597 : i32 to index
        %swap3A_662 = arith.constant 48 : index
        %swap3A_663 = tpu.vector_load %arg10[%swap3A_660, %swap3A_661, %swap3A_662] {strides = array<i32>} : memref<2x128x128xf32, #tpu.memory_space<vmem>>, vector<1x1x16xf32>,
        %swap3A_664 = vector.shape_cast %swap3A_663 : vector<1x1x16xf32> to vector<16xf32>
        %swap3A_665 = vector.shape_cast %add3A_658 : vector<16xf32> to vector<1x1x16xf32>
        tpu.vector_store %arg10[%swap3A_660, %swap3A_661, %swap3A_662], %swap3A_665 {strides = array<i32>} : memref<2x128x128xf32, #tpu.memory_space<vmem>>, vector<1x1x16xf32>,
        %add3A_666 = arith.constant 7 : i32
        %add3A_667 = arith.addi %mul3A_178, %add3A_666 : i32
        %slice3A_668 = vector.extract_strided_slice %get3A_182 {offsets = [7], sizes = [1], strides = [1]} : vector<16xi32> to vector<1xi32>
        %squeeze3A_669 = vector.extract %slice3A_668[0] : i32 from vector<1xi32>
        %ne3A_670 = arith.constant 0 : i32
        %ne3A_671 = arith.cmpi ne, %squeeze3A_669, %ne3A_670 : i32
        %jit3A_672 = arith.constant 0.000000e+00 : f32
        %jit3A_673 = arith.constant 0xFF800000 : f32
        %select_n3A_674 = arith.select %ne3A_671, %jit3A_672, %jit3A_673 : f32
        %broadcast_in_dim3A_675 = vector.broadcast %select_n3A_674 : f32 to vector<16xf32>
        %get3A_676 = arith.constant 1 : i32
        %get3A_677 = arith.index_cast %get3A_676 : i32 to index
        %get3A_678 = arith.index_cast %add3A_667 : i32 to index
        %get3A_679 = arith.constant 0 : index
        %get3A_680 = tpu.vector_load %arg10[%get3A_677, %get3A_678, %get3A_679] {strides = array<i32>} : memref<2x128x128xf32, #tpu.memory_space<vmem>>, vector<1x1x16xf32>,
        %get3A_681 = vector.shape_cast %get3A_680 : vector<1x1x16xf32> to vector<16xf32>
        %add3A_682 = arith.addf %neg3A_6, %broadcast_in_dim3A_675 : vector<16xf32>
        %add3A_683 = arith.addf %get3A_681, %add3A_682 : vector<16xf32>
        %swap3A_684 = arith.constant 1 : i32
        %swap3A_685 = arith.index_cast %swap3A_684 : i32 to index
        %swap3A_686 = arith.index_cast %add3A_667 : i32 to index
        %swap3A_687 = arith.constant 0 : index
        %swap3A_688 = tpu.vector_load %arg10[%swap3A_685, %swap3A_686, %swap3A_687] {strides = array<i32>} : memref<2x128x128xf32, #tpu.memory_space<vmem>>, vector<1x1x16xf32>,
        %swap3A_689 = vector.shape_cast %swap3A_688 : vector<1x1x16xf32> to vector<16xf32>
        %swap3A_690 = vector.shape_cast %add3A_683 : vector<16xf32> to vector<1x1x16xf32>
        tpu.vector_store %arg10[%swap3A_685, %swap3A_686, %swap3A_687], %swap3A_690 {strides = array<i32>} : memref<2x128x128xf32, #tpu.memory_space<vmem>>, vector<1x1x16xf32>,
        %get3A_691 = arith.constant 1 : i32
        %get3A_692 = arith.index_cast %get3A_691 : i32 to index
        %get3A_693 = arith.index_cast %add3A_667 : i32 to index
        %get3A_694 = arith.constant 16 : index
        %get3A_695 = tpu.vector_load %arg10[%get3A_692, %get3A_693, %get3A_694] {strides = array<i32>} : memref<2x128x128xf32, #tpu.memory_space<vmem>>, vector<1x1x16xf32>,
        %get3A_696 = vector.shape_cast %get3A_695 : vector<1x1x16xf32> to vector<16xf32>
        %add3A_697 = arith.addf %neg3A_12, %broadcast_in_dim3A_675 : vector<16xf32>
        %add3A_698 = arith.addf %get3A_696, %add3A_697 : vector<16xf32>
        %swap3A_699 = arith.constant 1 : i32
        %swap3A_700 = arith.index_cast %swap3A_699 : i32 to index
        %swap3A_701 = arith.index_cast %add3A_667 : i32 to index
        %swap3A_702 = arith.constant 16 : index
        %swap3A_703 = tpu.vector_load %arg10[%swap3A_700, %swap3A_701, %swap3A_702] {strides = array<i32>} : memref<2x128x128xf32, #tpu.memory_space<vmem>>, vector<1x1x16xf32>,
        %swap3A_704 = vector.shape_cast %swap3A_703 : vector<1x1x16xf32> to vector<16xf32>
        %swap3A_705 = vector.shape_cast %add3A_698 : vector<16xf32> to vector<1x1x16xf32>
        tpu.vector_store %arg10[%swap3A_700, %swap3A_701, %swap3A_702], %swap3A_705 {strides = array<i32>} : memref<2x128x128xf32, #tpu.memory_space<vmem>>, vector<1x1x16xf32>,
        %get3A_706 = arith.constant 1 : i32
        %get3A_707 = arith.index_cast %get3A_706 : i32 to index
        %get3A_708 = arith.index_cast %add3A_667 : i32 to index
        %get3A_709 = arith.constant 32 : index
        %get3A_710 = tpu.vector_load %arg10[%get3A_707, %get3A_708, %get3A_709] {strides = array<i32>} : memref<2x128x128xf32, #tpu.memory_space<vmem>>, vector<1x1x16xf32>,
        %get3A_711 = vector.shape_cast %get3A_710 : vector<1x1x16xf32> to vector<16xf32>
        %add3A_712 = arith.addf %neg3A_18, %broadcast_in_dim3A_675 : vector<16xf32>
        %add3A_713 = arith.addf %get3A_711, %add3A_712 : vector<16xf32>
        %swap3A_714 = arith.constant 1 : i32
        %swap3A_715 = arith.index_cast %swap3A_714 : i32 to index
        %swap3A_716 = arith.index_cast %add3A_667 : i32 to index
        %swap3A_717 = arith.constant 32 : index
        %swap3A_718 = tpu.vector_load %arg10[%swap3A_715, %swap3A_716, %swap3A_717] {strides = array<i32>} : memref<2x128x128xf32, #tpu.memory_space<vmem>>, vector<1x1x16xf32>,
        %swap3A_719 = vector.shape_cast %swap3A_718 : vector<1x1x16xf32> to vector<16xf32>
        %swap3A_720 = vector.shape_cast %add3A_713 : vector<16xf32> to vector<1x1x16xf32>
        tpu.vector_store %arg10[%swap3A_715, %swap3A_716, %swap3A_717], %swap3A_720 {strides = array<i32>} : memref<2x128x128xf32, #tpu.memory_space<vmem>>, vector<1x1x16xf32>,
        %get3A_721 = arith.constant 1 : i32
        %get3A_722 = arith.index_cast %get3A_721 : i32 to index
        %get3A_723 = arith.index_cast %add3A_667 : i32 to index
        %get3A_724 = arith.constant 48 : index
        %get3A_725 = tpu.vector_load %arg10[%get3A_722, %get3A_723, %get3A_724] {strides = array<i32>} : memref<2x128x128xf32, #tpu.memory_space<vmem>>, vector<1x1x16xf32>,
        %get3A_726 = vector.shape_cast %get3A_725 : vector<1x1x16xf32> to vector<16xf32>
        %add3A_727 = arith.addf %neg3A_24, %broadcast_in_dim3A_675 : vector<16xf32>
        %add3A_728 = arith.addf %get3A_726, %add3A_727 : vector<16xf32>
        %swap3A_729 = arith.constant 1 : i32
        %swap3A_730 = arith.index_cast %swap3A_729 : i32 to index
        %swap3A_731 = arith.index_cast %add3A_667 : i32 to index
        %swap3A_732 = arith.constant 48 : index
        %swap3A_733 = tpu.vector_load %arg10[%swap3A_730, %swap3A_731, %swap3A_732] {strides = array<i32>} : memref<2x128x128xf32, #tpu.memory_space<vmem>>, vector<1x1x16xf32>,
        %swap3A_734 = vector.shape_cast %swap3A_733 : vector<1x1x16xf32> to vector<16xf32>
        %swap3A_735 = vector.shape_cast %add3A_728 : vector<16xf32> to vector<1x1x16xf32>
        tpu.vector_store %arg10[%swap3A_730, %swap3A_731, %swap3A_732], %swap3A_735 {strides = array<i32>} : memref<2x128x128xf32, #tpu.memory_space<vmem>>, vector<1x1x16xf32>,
        %add3A_736 = arith.constant 8 : i32
        %add3A_737 = arith.addi %mul3A_178, %add3A_736 : i32
        %slice3A_738 = vector.extract_strided_slice %get3A_182 {offsets = [8], sizes = [1], strides = [1]} : vector<16xi32> to vector<1xi32>
        %squeeze3A_739 = vector.extract %slice3A_738[0] : i32 from vector<1xi32>
        %ne3A_740 = arith.constant 0 : i32
        %ne3A_741 = arith.cmpi ne, %squeeze3A_739, %ne3A_740 : i32
        %jit3A_742 = arith.constant 0.000000e+00 : f32
        %jit3A_743 = arith.constant 0xFF800000 : f32
        %select_n3A_744 = arith.select %ne3A_741, %jit3A_742, %jit3A_743 : f32
        %broadcast_in_dim3A_745 = vector.broadcast %select_n3A_744 : f32 to vector<16xf32>
        %get3A_746 = arith.constant 1 : i32
        %get3A_747 = arith.index_cast %get3A_746 : i32 to index
        %get3A_748 = arith.index_cast %add3A_737 : i32 to index
        %get3A_749 = arith.constant 0 : index
        %get3A_750 = tpu.vector_load %arg10[%get3A_747, %get3A_748, %get3A_749] {strides = array<i32>} : memref<2x128x128xf32, #tpu.memory_space<vmem>>, vector<1x1x16xf32>,
        %get3A_751 = vector.shape_cast %get3A_750 : vector<1x1x16xf32> to vector<16xf32>
        %add3A_752 = arith.addf %neg3A_6, %broadcast_in_dim3A_745 : vector<16xf32>
        %add3A_753 = arith.addf %get3A_751, %add3A_752 : vector<16xf32>
        %swap3A_754 = arith.constant 1 : i32
        %swap3A_755 = arith.index_cast %swap3A_754 : i32 to index
        %swap3A_756 = arith.index_cast %add3A_737 : i32 to index
        %swap3A_757 = arith.constant 0 : index
        %swap3A_758 = tpu.vector_load %arg10[%swap3A_755, %swap3A_756, %swap3A_757] {strides = array<i32>} : memref<2x128x128xf32, #tpu.memory_space<vmem>>, vector<1x1x16xf32>,
        %swap3A_759 = vector.shape_cast %swap3A_758 : vector<1x1x16xf32> to vector<16xf32>
        %swap3A_760 = vector.shape_cast %add3A_753 : vector<16xf32> to vector<1x1x16xf32>
        tpu.vector_store %arg10[%swap3A_755, %swap3A_756, %swap3A_757], %swap3A_760 {strides = array<i32>} : memref<2x128x128xf32, #tpu.memory_space<vmem>>, vector<1x1x16xf32>,
        %get3A_761 = arith.constant 1 : i32
        %get3A_762 = arith.index_cast %get3A_761 : i32 to index
        %get3A_763 = arith.index_cast %add3A_737 : i32 to index
        %get3A_764 = arith.constant 16 : index
        %get3A_765 = tpu.vector_load %arg10[%get3A_762, %get3A_763, %get3A_764] {strides = array<i32>} : memref<2x128x128xf32, #tpu.memory_space<vmem>>, vector<1x1x16xf32>,
        %get3A_766 = vector.shape_cast %get3A_765 : vector<1x1x16xf32> to vector<16xf32>
        %add3A_767 = arith.addf %neg3A_12, %broadcast_in_dim3A_745 : vector<16xf32>
        %add3A_768 = arith.addf %get3A_766, %add3A_767 : vector<16xf32>
        %swap3A_769 = arith.constant 1 : i32
        %swap3A_770 = arith.index_cast %swap3A_769 : i32 to index
        %swap3A_771 = arith.index_cast %add3A_737 : i32 to index
        %swap3A_772 = arith.constant 16 : index
        %swap3A_773 = tpu.vector_load %arg10[%swap3A_770, %swap3A_771, %swap3A_772] {strides = array<i32>} : memref<2x128x128xf32, #tpu.memory_space<vmem>>, vector<1x1x16xf32>,
        %swap3A_774 = vector.shape_cast %swap3A_773 : vector<1x1x16xf32> to vector<16xf32>
        %swap3A_775 = vector.shape_cast %add3A_768 : vector<16xf32> to vector<1x1x16xf32>
        tpu.vector_store %arg10[%swap3A_770, %swap3A_771, %swap3A_772], %swap3A_775 {strides = array<i32>} : memref<2x128x128xf32, #tpu.memory_space<vmem>>, vector<1x1x16xf32>,
        %get3A_776 = arith.constant 1 : i32
        %get3A_777 = arith.index_cast %get3A_776 : i32 to index
        %get3A_778 = arith.index_cast %add3A_737 : i32 to index
        %get3A_779 = arith.constant 32 : index
        %get3A_780 = tpu.vector_load %arg10[%get3A_777, %get3A_778, %get3A_779] {strides = array<i32>} : memref<2x128x128xf32, #tpu.memory_space<vmem>>, vector<1x1x16xf32>,
        %get3A_781 = vector.shape_cast %get3A_780 : vector<1x1x16xf32> to vector<16xf32>
        %add3A_782 = arith.addf %neg3A_18, %broadcast_in_dim3A_745 : vector<16xf32>
        %add3A_783 = arith.addf %get3A_781, %add3A_782 : vector<16xf32>
        %swap3A_784 = arith.constant 1 : i32
        %swap3A_785 = arith.index_cast %swap3A_784 : i32 to index
        %swap3A_786 = arith.index_cast %add3A_737 : i32 to index
        %swap3A_787 = arith.constant 32 : index
        %swap3A_788 = tpu.vector_load %arg10[%swap3A_785, %swap3A_786, %swap3A_787] {strides = array<i32>} : memref<2x128x128xf32, #tpu.memory_space<vmem>>, vector<1x1x16xf32>,
        %swap3A_789 = vector.shape_cast %swap3A_788 : vector<1x1x16xf32> to vector<16xf32>
        %swap3A_790 = vector.shape_cast %add3A_783 : vector<16xf32> to vector<1x1x16xf32>
        tpu.vector_store %arg10[%swap3A_785, %swap3A_786, %swap3A_787], %swap3A_790 {strides = array<i32>} : memref<2x128x128xf32, #tpu.memory_space<vmem>>, vector<1x1x16xf32>,
        %get3A_791 = arith.constant 1 : i32
        %get3A_792 = arith.index_cast %get3A_791 : i32 to index
        %get3A_793 = arith.index_cast %add3A_737 : i32 to index
        %get3A_794 = arith.constant 48 : index
        %get3A_795 = tpu.vector_load %arg10[%get3A_792, %get3A_793, %get3A_794] {strides = array<i32>} : memref<2x128x128xf32, #tpu.memory_space<vmem>>, vector<1x1x16xf32>,
        %get3A_796 = vector.shape_cast %get3A_795 : vector<1x1x16xf32> to vector<16xf32>
        %add3A_797 = arith.addf %neg3A_24, %broadcast_in_dim3A_745 : vector<16xf32>
        %add3A_798 = arith.addf %get3A_796, %add3A_797 : vector<16xf32>
        %swap3A_799 = arith.constant 1 : i32
        %swap3A_800 = arith.index_cast %swap3A_799 : i32 to index
        %swap3A_801 = arith.index_cast %add3A_737 : i32 to index
        %swap3A_802 = arith.constant 48 : index
        %swap3A_803 = tpu.vector_load %arg10[%swap3A_800, %swap3A_801, %swap3A_802] {strides = array<i32>} : memref<2x128x128xf32, #tpu.memory_space<vmem>>, vector<1x1x16xf32>,
        %swap3A_804 = vector.shape_cast %swap3A_803 : vector<1x1x16xf32> to vector<16xf32>
        %swap3A_805 = vector.shape_cast %add3A_798 : vector<16xf32> to vector<1x1x16xf32>
        tpu.vector_store %arg10[%swap3A_800, %swap3A_801, %swap3A_802], %swap3A_805 {strides = array<i32>} : memref<2x128x128xf32, #tpu.memory_space<vmem>>, vector<1x1x16xf32>,
        %add3A_806 = arith.constant 9 : i32
        %add3A_807 = arith.addi %mul3A_178, %add3A_806 : i32
        %slice3A_808 = vector.extract_strided_slice %get3A_182 {offsets = [9], sizes = [1], strides = [1]} : vector<16xi32> to vector<1xi32>
        %squeeze3A_809 = vector.extract %slice3A_808[0] : i32 from vector<1xi32>
        %ne3A_810 = arith.constant 0 : i32
        %ne3A_811 = arith.cmpi ne, %squeeze3A_809, %ne3A_810 : i32
        %jit3A_812 = arith.constant 0.000000e+00 : f32
        %jit3A_813 = arith.constant 0xFF800000 : f32
        %select_n3A_814 = arith.select %ne3A_811, %jit3A_812, %jit3A_813 : f32
        %broadcast_in_dim3A_815 = vector.broadcast %select_n3A_814 : f32 to vector<16xf32>
        %get3A_816 = arith.constant 1 : i32
        %get3A_817 = arith.index_cast %get3A_816 : i32 to index
        %get3A_818 = arith.index_cast %add3A_807 : i32 to index
        %get3A_819 = arith.constant 0 : index
        %get3A_820 = tpu.vector_load %arg10[%get3A_817, %get3A_818, %get3A_819] {strides = array<i32>} : memref<2x128x128xf32, #tpu.memory_space<vmem>>, vector<1x1x16xf32>,
        %get3A_821 = vector.shape_cast %get3A_820 : vector<1x1x16xf32> to vector<16xf32>
        %add3A_822 = arith.addf %neg3A_6, %broadcast_in_dim3A_815 : vector<16xf32>
        %add3A_823 = arith.addf %get3A_821, %add3A_822 : vector<16xf32>
        %swap3A_824 = arith.constant 1 : i32
        %swap3A_825 = arith.index_cast %swap3A_824 : i32 to index
        %swap3A_826 = arith.index_cast %add3A_807 : i32 to index
        %swap3A_827 = arith.constant 0 : index
        %swap3A_828 = tpu.vector_load %arg10[%swap3A_825, %swap3A_826, %swap3A_827] {strides = array<i32>} : memref<2x128x128xf32, #tpu.memory_space<vmem>>, vector<1x1x16xf32>,
        %swap3A_829 = vector.shape_cast %swap3A_828 : vector<1x1x16xf32> to vector<16xf32>
        %swap3A_830 = vector.shape_cast %add3A_823 : vector<16xf32> to vector<1x1x16xf32>
        tpu.vector_store %arg10[%swap3A_825, %swap3A_826, %swap3A_827], %swap3A_830 {strides = array<i32>} : memref<2x128x128xf32, #tpu.memory_space<vmem>>, vector<1x1x16xf32>,
        %get3A_831 = arith.constant 1 : i32
        %get3A_832 = arith.index_cast %get3A_831 : i32 to index
        %get3A_833 = arith.index_cast %add3A_807 : i32 to index
        %get3A_834 = arith.constant 16 : index
        %get3A_835 = tpu.vector_load %arg10[%get3A_832, %get3A_833, %get3A_834] {strides = array<i32>} : memref<2x128x128xf32, #tpu.memory_space<vmem>>, vector<1x1x16xf32>,
        %get3A_836 = vector.shape_cast %get3A_835 : vector<1x1x16xf32> to vector<16xf32>
        %add3A_837 = arith.addf %neg3A_12, %broadcast_in_dim3A_815 : vector<16xf32>
        %add3A_838 = arith.addf %get3A_836, %add3A_837 : vector<16xf32>
        %swap3A_839 = arith.constant 1 : i32
        %swap3A_840 = arith.index_cast %swap3A_839 : i32 to index
        %swap3A_841 = arith.index_cast %add3A_807 : i32 to index
        %swap3A_842 = arith.constant 16 : index
        %swap3A_843 = tpu.vector_load %arg10[%swap3A_840, %swap3A_841, %swap3A_842] {strides = array<i32>} : memref<2x128x128xf32, #tpu.memory_space<vmem>>, vector<1x1x16xf32>,
        %swap3A_844 = vector.shape_cast %swap3A_843 : vector<1x1x16xf32> to vector<16xf32>
        %swap3A_845 = vector.shape_cast %add3A_838 : vector<16xf32> to vector<1x1x16xf32>
        tpu.vector_store %arg10[%swap3A_840, %swap3A_841, %swap3A_842], %swap3A_845 {strides = array<i32>} : memref<2x128x128xf32, #tpu.memory_space<vmem>>, vector<1x1x16xf32>,
        %get3A_846 = arith.constant 1 : i32
        %get3A_847 = arith.index_cast %get3A_846 : i32 to index
        %get3A_848 = arith.index_cast %add3A_807 : i32 to index
        %get3A_849 = arith.constant 32 : index
        %get3A_850 = tpu.vector_load %arg10[%get3A_847, %get3A_848, %get3A_849] {strides = array<i32>} : memref<2x128x128xf32, #tpu.memory_space<vmem>>, vector<1x1x16xf32>,
        %get3A_851 = vector.shape_cast %get3A_850 : vector<1x1x16xf32> to vector<16xf32>
        %add3A_852 = arith.addf %neg3A_18, %broadcast_in_dim3A_815 : vector<16xf32>
        %add3A_853 = arith.addf %get3A_851, %add3A_852 : vector<16xf32>
        %swap3A_854 = arith.constant 1 : i32
        %swap3A_855 = arith.index_cast %swap3A_854 : i32 to index
        %swap3A_856 = arith.index_cast %add3A_807 : i32 to index
        %swap3A_857 = arith.constant 32 : index
        %swap3A_858 = tpu.vector_load %arg10[%swap3A_855, %swap3A_856, %swap3A_857] {strides = array<i32>} : memref<2x128x128xf32, #tpu.memory_space<vmem>>, vector<1x1x16xf32>,
        %swap3A_859 = vector.shape_cast %swap3A_858 : vector<1x1x16xf32> to vector<16xf32>
        %swap3A_860 = vector.shape_cast %add3A_853 : vector<16xf32> to vector<1x1x16xf32>
        tpu.vector_store %arg10[%swap3A_855, %swap3A_856, %swap3A_857], %swap3A_860 {strides = array<i32>} : memref<2x128x128xf32, #tpu.memory_space<vmem>>, vector<1x1x16xf32>,
        %get3A_861 = arith.constant 1 : i32
        %get3A_862 = arith.index_cast %get3A_861 : i32 to index
        %get3A_863 = arith.index_cast %add3A_807 : i32 to index
        %get3A_864 = arith.constant 48 : index
        %get3A_865 = tpu.vector_load %arg10[%get3A_862, %get3A_863, %get3A_864] {strides = array<i32>} : memref<2x128x128xf32, #tpu.memory_space<vmem>>, vector<1x1x16xf32>,
        %get3A_866 = vector.shape_cast %get3A_865 : vector<1x1x16xf32> to vector<16xf32>
        %add3A_867 = arith.addf %neg3A_24, %broadcast_in_dim3A_815 : vector<16xf32>
        %add3A_868 = arith.addf %get3A_866, %add3A_867 : vector<16xf32>
        %swap3A_869 = arith.constant 1 : i32
        %swap3A_870 = arith.index_cast %swap3A_869 : i32 to index
        %swap3A_871 = arith.index_cast %add3A_807 : i32 to index
        %swap3A_872 = arith.constant 48 : index
        %swap3A_873 = tpu.vector_load %arg10[%swap3A_870, %swap3A_871, %swap3A_872] {strides = array<i32>} : memref<2x128x128xf32, #tpu.memory_space<vmem>>, vector<1x1x16xf32>,
        %swap3A_874 = vector.shape_cast %swap3A_873 : vector<1x1x16xf32> to vector<16xf32>
        %swap3A_875 = vector.shape_cast %add3A_868 : vector<16xf32> to vector<1x1x16xf32>
        tpu.vector_store %arg10[%swap3A_870, %swap3A_871, %swap3A_872], %swap3A_875 {strides = array<i32>} : memref<2x128x128xf32, #tpu.memory_space<vmem>>, vector<1x1x16xf32>,
        %add3A_876 = arith.constant 10 : i32
        %add3A_877 = arith.addi %mul3A_178, %add3A_876 : i32
        %slice3A_878 = vector.extract_strided_slice %get3A_182 {offsets = [10], sizes = [1], strides = [1]} : vector<16xi32> to vector<1xi32>
        %squeeze3A_879 = vector.extract %slice3A_878[0] : i32 from vector<1xi32>
        %ne3A_880 = arith.constant 0 : i32
        %ne3A_881 = arith.cmpi ne, %squeeze3A_879, %ne3A_880 : i32
        %jit3A_882 = arith.constant 0.000000e+00 : f32
        %jit3A_883 = arith.constant 0xFF800000 : f32
        %select_n3A_884 = arith.select %ne3A_881, %jit3A_882, %jit3A_883 : f32
        %broadcast_in_dim3A_885 = vector.broadcast %select_n3A_884 : f32 to vector<16xf32>
        %get3A_886 = arith.constant 1 : i32
        %get3A_887 = arith.index_cast %get3A_886 : i32 to index
        %get3A_888 = arith.index_cast %add3A_877 : i32 to index
        %get3A_889 = arith.constant 0 : index
        %get3A_890 = tpu.vector_load %arg10[%get3A_887, %get3A_888, %get3A_889] {strides = array<i32>} : memref<2x128x128xf32, #tpu.memory_space<vmem>>, vector<1x1x16xf32>,
        %get3A_891 = vector.shape_cast %get3A_890 : vector<1x1x16xf32> to vector<16xf32>
        %add3A_892 = arith.addf %neg3A_6, %broadcast_in_dim3A_885 : vector<16xf32>
        %add3A_893 = arith.addf %get3A_891, %add3A_892 : vector<16xf32>
        %swap3A_894 = arith.constant 1 : i32
        %swap3A_895 = arith.index_cast %swap3A_894 : i32 to index
        %swap3A_896 = arith.index_cast %add3A_877 : i32 to index
        %swap3A_897 = arith.constant 0 : index
        %swap3A_898 = tpu.vector_load %arg10[%swap3A_895, %swap3A_896, %swap3A_897] {strides = array<i32>} : memref<2x128x128xf32, #tpu.memory_space<vmem>>, vector<1x1x16xf32>,
        %swap3A_899 = vector.shape_cast %swap3A_898 : vector<1x1x16xf32> to vector<16xf32>
        %swap3A_900 = vector.shape_cast %add3A_893 : vector<16xf32> to vector<1x1x16xf32>
        tpu.vector_store %arg10[%swap3A_895, %swap3A_896, %swap3A_897], %swap3A_900 {strides = array<i32>} : memref<2x128x128xf32, #tpu.memory_space<vmem>>, vector<1x1x16xf32>,
        %get3A_901 = arith.constant 1 : i32
        %get3A_902 = arith.index_cast %get3A_901 : i32 to index
        %get3A_903 = arith.index_cast %add3A_877 : i32 to index
        %get3A_904 = arith.constant 16 : index
        %get3A_905 = tpu.vector_load %arg10[%get3A_902, %get3A_903, %get3A_904] {strides = array<i32>} : memref<2x128x128xf32, #tpu.memory_space<vmem>>, vector<1x1x16xf32>,
        %get3A_906 = vector.shape_cast %get3A_905 : vector<1x1x16xf32> to vector<16xf32>
        %add3A_907 = arith.addf %neg3A_12, %broadcast_in_dim3A_885 : vector<16xf32>
        %add3A_908 = arith.addf %get3A_906, %add3A_907 : vector<16xf32>
        %swap3A_909 = arith.constant 1 : i32
        %swap3A_910 = arith.index_cast %swap3A_909 : i32 to index
        %swap3A_911 = arith.index_cast %add3A_877 : i32 to index
        %swap3A_912 = arith.constant 16 : index
        %swap3A_913 = tpu.vector_load %arg10[%swap3A_910, %swap3A_911, %swap3A_912] {strides = array<i32>} : memref<2x128x128xf32, #tpu.memory_space<vmem>>, vector<1x1x16xf32>,
        %swap3A_914 = vector.shape_cast %swap3A_913 : vector<1x1x16xf32> to vector<16xf32>
        %swap3A_915 = vector.shape_cast %add3A_908 : vector<16xf32> to vector<1x1x16xf32>
        tpu.vector_store %arg10[%swap3A_910, %swap3A_911, %swap3A_912], %swap3A_915 {strides = array<i32>} : memref<2x128x128xf32, #tpu.memory_space<vmem>>, vector<1x1x16xf32>,
        %get3A_916 = arith.constant 1 : i32
        %get3A_917 = arith.index_cast %get3A_916 : i32 to index
        %get3A_918 = arith.index_cast %add3A_877 : i32 to index
        %get3A_919 = arith.constant 32 : index
        %get3A_920 = tpu.vector_load %arg10[%get3A_917, %get3A_918, %get3A_919] {strides = array<i32>} : memref<2x128x128xf32, #tpu.memory_space<vmem>>, vector<1x1x16xf32>,
        %get3A_921 = vector.shape_cast %get3A_920 : vector<1x1x16xf32> to vector<16xf32>
        %add3A_922 = arith.addf %neg3A_18, %broadcast_in_dim3A_885 : vector<16xf32>
        %add3A_923 = arith.addf %get3A_921, %add3A_922 : vector<16xf32>
        %swap3A_924 = arith.constant 1 : i32
        %swap3A_925 = arith.index_cast %swap3A_924 : i32 to index
        %swap3A_926 = arith.index_cast %add3A_877 : i32 to index
        %swap3A_927 = arith.constant 32 : index
        %swap3A_928 = tpu.vector_load %arg10[%swap3A_925, %swap3A_926, %swap3A_927] {strides = array<i32>} : memref<2x128x128xf32, #tpu.memory_space<vmem>>, vector<1x1x16xf32>,
        %swap3A_929 = vector.shape_cast %swap3A_928 : vector<1x1x16xf32> to vector<16xf32>
        %swap3A_930 = vector.shape_cast %add3A_923 : vector<16xf32> to vector<1x1x16xf32>
        tpu.vector_store %arg10[%swap3A_925, %swap3A_926, %swap3A_927], %swap3A_930 {strides = array<i32>} : memref<2x128x128xf32, #tpu.memory_space<vmem>>, vector<1x1x16xf32>,
        %get3A_931 = arith.constant 1 : i32
        %get3A_932 = arith.index_cast %get3A_931 : i32 to index
        %get3A_933 = arith.index_cast %add3A_877 : i32 to index
        %get3A_934 = arith.constant 48 : index
        %get3A_935 = tpu.vector_load %arg10[%get3A_932, %get3A_933, %get3A_934] {strides = array<i32>} : memref<2x128x128xf32, #tpu.memory_space<vmem>>, vector<1x1x16xf32>,
        %get3A_936 = vector.shape_cast %get3A_935 : vector<1x1x16xf32> to vector<16xf32>
        %add3A_937 = arith.addf %neg3A_24, %broadcast_in_dim3A_885 : vector<16xf32>
        %add3A_938 = arith.addf %get3A_936, %add3A_937 : vector<16xf32>
        %swap3A_939 = arith.constant 1 : i32
        %swap3A_940 = arith.index_cast %swap3A_939 : i32 to index
        %swap3A_941 = arith.index_cast %add3A_877 : i32 to index
        %swap3A_942 = arith.constant 48 : index
        %swap3A_943 = tpu.vector_load %arg10[%swap3A_940, %swap3A_941, %swap3A_942] {strides = array<i32>} : memref<2x128x128xf32, #tpu.memory_space<vmem>>, vector<1x1x16xf32>,
        %swap3A_944 = vector.shape_cast %swap3A_943 : vector<1x1x16xf32> to vector<16xf32>
        %swap3A_945 = vector.shape_cast %add3A_938 : vector<16xf32> to vector<1x1x16xf32>
        tpu.vector_store %arg10[%swap3A_940, %swap3A_941, %swap3A_942], %swap3A_945 {strides = array<i32>} : memref<2x128x128xf32, #tpu.memory_space<vmem>>, vector<1x1x16xf32>,
        %add3A_946 = arith.constant 11 : i32
        %add3A_947 = arith.addi %mul3A_178, %add3A_946 : i32
        %slice3A_948 = vector.extract_strided_slice %get3A_182 {offsets = [11], sizes = [1], strides = [1]} : vector<16xi32> to vector<1xi32>
        %squeeze3A_949 = vector.extract %slice3A_948[0] : i32 from vector<1xi32>
        %ne3A_950 = arith.constant 0 : i32
        %ne3A_951 = arith.cmpi ne, %squeeze3A_949, %ne3A_950 : i32
        %jit3A_952 = arith.constant 0.000000e+00 : f32
        %jit3A_953 = arith.constant 0xFF800000 : f32
        %select_n3A_954 = arith.select %ne3A_951, %jit3A_952, %jit3A_953 : f32
        %broadcast_in_dim3A_955 = vector.broadcast %select_n3A_954 : f32 to vector<16xf32>
        %get3A_956 = arith.constant 1 : i32
        %get3A_957 = arith.index_cast %get3A_956 : i32 to index
        %get3A_958 = arith.index_cast %add3A_947 : i32 to index
        %get3A_959 = arith.constant 0 : index
        %get3A_960 = tpu.vector_load %arg10[%get3A_957, %get3A_958, %get3A_959] {strides = array<i32>} : memref<2x128x128xf32, #tpu.memory_space<vmem>>, vector<1x1x16xf32>,
        %get3A_961 = vector.shape_cast %get3A_960 : vector<1x1x16xf32> to vector<16xf32>
        %add3A_962 = arith.addf %neg3A_6, %broadcast_in_dim3A_955 : vector<16xf32>
        %add3A_963 = arith.addf %get3A_961, %add3A_962 : vector<16xf32>
        %swap3A_964 = arith.constant 1 : i32
        %swap3A_965 = arith.index_cast %swap3A_964 : i32 to index
        %swap3A_966 = arith.index_cast %add3A_947 : i32 to index
        %swap3A_967 = arith.constant 0 : index
        %swap3A_968 = tpu.vector_load %arg10[%swap3A_965, %swap3A_966, %swap3A_967] {strides = array<i32>} : memref<2x128x128xf32, #tpu.memory_space<vmem>>, vector<1x1x16xf32>,
        %swap3A_969 = vector.shape_cast %swap3A_968 : vector<1x1x16xf32> to vector<16xf32>
        %swap3A_970 = vector.shape_cast %add3A_963 : vector<16xf32> to vector<1x1x16xf32>
        tpu.vector_store %arg10[%swap3A_965, %swap3A_966, %swap3A_967], %swap3A_970 {strides = array<i32>} : memref<2x128x128xf32, #tpu.memory_space<vmem>>, vector<1x1x16xf32>,
        %get3A_971 = arith.constant 1 : i32
        %get3A_972 = arith.index_cast %get3A_971 : i32 to index
        %get3A_973 = arith.index_cast %add3A_947 : i32 to index
        %get3A_974 = arith.constant 16 : index
        %get3A_975 = tpu.vector_load %arg10[%get3A_972, %get3A_973, %get3A_974] {strides = array<i32>} : memref<2x128x128xf32, #tpu.memory_space<vmem>>, vector<1x1x16xf32>,
        %get3A_976 = vector.shape_cast %get3A_975 : vector<1x1x16xf32> to vector<16xf32>
        %add3A_977 = arith.addf %neg3A_12, %broadcast_in_dim3A_955 : vector<16xf32>
        %add3A_978 = arith.addf %get3A_976, %add3A_977 : vector<16xf32>
        %swap3A_979 = arith.constant 1 : i32
        %swap3A_980 = arith.index_cast %swap3A_979 : i32 to index
        %swap3A_981 = arith.index_cast %add3A_947 : i32 to index
        %swap3A_982 = arith.constant 16 : index
        %swap3A_983 = tpu.vector_load %arg10[%swap3A_980, %swap3A_981, %swap3A_982] {strides = array<i32>} : memref<2x128x128xf32, #tpu.memory_space<vmem>>, vector<1x1x16xf32>,
        %swap3A_984 = vector.shape_cast %swap3A_983 : vector<1x1x16xf32> to vector<16xf32>
        %swap3A_985 = vector.shape_cast %add3A_978 : vector<16xf32> to vector<1x1x16xf32>
        tpu.vector_store %arg10[%swap3A_980, %swap3A_981, %swap3A_982], %swap3A_985 {strides = array<i32>} : memref<2x128x128xf32, #tpu.memory_space<vmem>>, vector<1x1x16xf32>,
        %get3A_986 = arith.constant 1 : i32
        %get3A_987 = arith.index_cast %get3A_986 : i32 to index
        %get3A_988 = arith.index_cast %add3A_947 : i32 to index
        %get3A_989 = arith.constant 32 : index
        %get3A_990 = tpu.vector_load %arg10[%get3A_987, %get3A_988, %get3A_989] {strides = array<i32>} : memref<2x128x128xf32, #tpu.memory_space<vmem>>, vector<1x1x16xf32>,
        %get3A_991 = vector.shape_cast %get3A_990 : vector<1x1x16xf32> to vector<16xf32>
        %add3A_992 = arith.addf %neg3A_18, %broadcast_in_dim3A_955 : vector<16xf32>
        %add3A_993 = arith.addf %get3A_991, %add3A_992 : vector<16xf32>
        %swap3A_994 = arith.constant 1 : i32
        %swap3A_995 = arith.index_cast %swap3A_994 : i32 to index
        %swap3A_996 = arith.index_cast %add3A_947 : i32 to index
        %swap3A_997 = arith.constant 32 : index
        %swap3A_998 = tpu.vector_load %arg10[%swap3A_995, %swap3A_996, %swap3A_997] {strides = array<i32>} : memref<2x128x128xf32, #tpu.memory_space<vmem>>, vector<1x1x16xf32>,
        %swap3A_999 = vector.shape_cast %swap3A_998 : vector<1x1x16xf32> to vector<16xf32>
        %swap3A_1000 = vector.shape_cast %add3A_993 : vector<16xf32> to vector<1x1x16xf32>
        tpu.vector_store %arg10[%swap3A_995, %swap3A_996, %swap3A_997], %swap3A_1000 {strides = array<i32>} : memref<2x128x128xf32, #tpu.memory_space<vmem>>, vector<1x1x16xf32>,
        %get3A_1001 = arith.constant 1 : i32
        %get3A_1002 = arith.index_cast %get3A_1001 : i32 to index
        %get3A_1003 = arith.index_cast %add3A_947 : i32 to index
        %get3A_1004 = arith.constant 48 : index
        %get3A_1005 = tpu.vector_load %arg10[%get3A_1002, %get3A_1003, %get3A_1004] {strides = array<i32>} : memref<2x128x128xf32, #tpu.memory_space<vmem>>, vector<1x1x16xf32>,
        %get3A_1006 = vector.shape_cast %get3A_1005 : vector<1x1x16xf32> to vector<16xf32>
        %add3A_1007 = arith.addf %neg3A_24, %broadcast_in_dim3A_955 : vector<16xf32>
        %add3A_1008 = arith.addf %get3A_1006, %add3A_1007 : vector<16xf32>
        %swap3A_1009 = arith.constant 1 : i32
        %swap3A_1010 = arith.index_cast %swap3A_1009 : i32 to index
        %swap3A_1011 = arith.index_cast %add3A_947 : i32 to index
        %swap3A_1012 = arith.constant 48 : index
        %swap3A_1013 = tpu.vector_load %arg10[%swap3A_1010, %swap3A_1011, %swap3A_1012] {strides = array<i32>} : memref<2x128x128xf32, #tpu.memory_space<vmem>>, vector<1x1x16xf32>,
        %swap3A_1014 = vector.shape_cast %swap3A_1013 : vector<1x1x16xf32> to vector<16xf32>
        %swap3A_1015 = vector.shape_cast %add3A_1008 : vector<16xf32> to vector<1x1x16xf32>
        tpu.vector_store %arg10[%swap3A_1010, %swap3A_1011, %swap3A_1012], %swap3A_1015 {strides = array<i32>} : memref<2x128x128xf32, #tpu.memory_space<vmem>>, vector<1x1x16xf32>,
        %add3A_1016 = arith.constant 12 : i32
        %add3A_1017 = arith.addi %mul3A_178, %add3A_1016 : i32
        %slice3A_1018 = vector.extract_strided_slice %get3A_182 {offsets = [12], sizes = [1], strides = [1]} : vector<16xi32> to vector<1xi32>
        %squeeze3A_1019 = vector.extract %slice3A_1018[0] : i32 from vector<1xi32>
        %ne3A_1020 = arith.constant 0 : i32
        %ne3A_1021 = arith.cmpi ne, %squeeze3A_1019, %ne3A_1020 : i32
        %jit3A_1022 = arith.constant 0.000000e+00 : f32
        %jit3A_1023 = arith.constant 0xFF800000 : f32
        %select_n3A_1024 = arith.select %ne3A_1021, %jit3A_1022, %jit3A_1023 : f32
        %broadcast_in_dim3A_1025 = vector.broadcast %select_n3A_1024 : f32 to vector<16xf32>
        %get3A_1026 = arith.constant 1 : i32
        %get3A_1027 = arith.index_cast %get3A_1026 : i32 to index
        %get3A_1028 = arith.index_cast %add3A_1017 : i32 to index
        %get3A_1029 = arith.constant 0 : index
        %get3A_1030 = tpu.vector_load %arg10[%get3A_1027, %get3A_1028, %get3A_1029] {strides = array<i32>} : memref<2x128x128xf32, #tpu.memory_space<vmem>>, vector<1x1x16xf32>,
        %get3A_1031 = vector.shape_cast %get3A_1030 : vector<1x1x16xf32> to vector<16xf32>
        %add3A_1032 = arith.addf %neg3A_6, %broadcast_in_dim3A_1025 : vector<16xf32>
        %add3A_1033 = arith.addf %get3A_1031, %add3A_1032 : vector<16xf32>
        %swap3A_1034 = arith.constant 1 : i32
        %swap3A_1035 = arith.index_cast %swap3A_1034 : i32 to index
        %swap3A_1036 = arith.index_cast %add3A_1017 : i32 to index
        %swap3A_1037 = arith.constant 0 : index
        %swap3A_1038 = tpu.vector_load %arg10[%swap3A_1035, %swap3A_1036, %swap3A_1037] {strides = array<i32>} : memref<2x128x128xf32, #tpu.memory_space<vmem>>, vector<1x1x16xf32>,
        %swap3A_1039 = vector.shape_cast %swap3A_1038 : vector<1x1x16xf32> to vector<16xf32>
        %swap3A_1040 = vector.shape_cast %add3A_1033 : vector<16xf32> to vector<1x1x16xf32>
        tpu.vector_store %arg10[%swap3A_1035, %swap3A_1036, %swap3A_1037], %swap3A_1040 {strides = array<i32>} : memref<2x128x128xf32, #tpu.memory_space<vmem>>, vector<1x1x16xf32>,
        %get3A_1041 = arith.constant 1 : i32
        %get3A_1042 = arith.index_cast %get3A_1041 : i32 to index
        %get3A_1043 = arith.index_cast %add3A_1017 : i32 to index
        %get3A_1044 = arith.constant 16 : index
        %get3A_1045 = tpu.vector_load %arg10[%get3A_1042, %get3A_1043, %get3A_1044] {strides = array<i32>} : memref<2x128x128xf32, #tpu.memory_space<vmem>>, vector<1x1x16xf32>,
        %get3A_1046 = vector.shape_cast %get3A_1045 : vector<1x1x16xf32> to vector<16xf32>
        %add3A_1047 = arith.addf %neg3A_12, %broadcast_in_dim3A_1025 : vector<16xf32>
        %add3A_1048 = arith.addf %get3A_1046, %add3A_1047 : vector<16xf32>
        %swap3A_1049 = arith.constant 1 : i32
        %swap3A_1050 = arith.index_cast %swap3A_1049 : i32 to index
        %swap3A_1051 = arith.index_cast %add3A_1017 : i32 to index
        %swap3A_1052 = arith.constant 16 : index
        %swap3A_1053 = tpu.vector_load %arg10[%swap3A_1050, %swap3A_1051, %swap3A_1052] {strides = array<i32>} : memref<2x128x128xf32, #tpu.memory_space<vmem>>, vector<1x1x16xf32>,
        %swap3A_1054 = vector.shape_cast %swap3A_1053 : vector<1x1x16xf32> to vector<16xf32>
        %swap3A_1055 = vector.shape_cast %add3A_1048 : vector<16xf32> to vector<1x1x16xf32>
        tpu.vector_store %arg10[%swap3A_1050, %swap3A_1051, %swap3A_1052], %swap3A_1055 {strides = array<i32>} : memref<2x128x128xf32, #tpu.memory_space<vmem>>, vector<1x1x16xf32>,
        %get3A_1056 = arith.constant 1 : i32
        %get3A_1057 = arith.index_cast %get3A_1056 : i32 to index
        %get3A_1058 = arith.index_cast %add3A_1017 : i32 to index
        %get3A_1059 = arith.constant 32 : index
        %get3A_1060 = tpu.vector_load %arg10[%get3A_1057, %get3A_1058, %get3A_1059] {strides = array<i32>} : memref<2x128x128xf32, #tpu.memory_space<vmem>>, vector<1x1x16xf32>,
        %get3A_1061 = vector.shape_cast %get3A_1060 : vector<1x1x16xf32> to vector<16xf32>
        %add3A_1062 = arith.addf %neg3A_18, %broadcast_in_dim3A_1025 : vector<16xf32>
        %add3A_1063 = arith.addf %get3A_1061, %add3A_1062 : vector<16xf32>
        %swap3A_1064 = arith.constant 1 : i32
        %swap3A_1065 = arith.index_cast %swap3A_1064 : i32 to index
        %swap3A_1066 = arith.index_cast %add3A_1017 : i32 to index
        %swap3A_1067 = arith.constant 32 : index
        %swap3A_1068 = tpu.vector_load %arg10[%swap3A_1065, %swap3A_1066, %swap3A_1067] {strides = array<i32>} : memref<2x128x128xf32, #tpu.memory_space<vmem>>, vector<1x1x16xf32>,
        %swap3A_1069 = vector.shape_cast %swap3A_1068 : vector<1x1x16xf32> to vector<16xf32>
        %swap3A_1070 = vector.shape_cast %add3A_1063 : vector<16xf32> to vector<1x1x16xf32>
        tpu.vector_store %arg10[%swap3A_1065, %swap3A_1066, %swap3A_1067], %swap3A_1070 {strides = array<i32>} : memref<2x128x128xf32, #tpu.memory_space<vmem>>, vector<1x1x16xf32>,
        %get3A_1071 = arith.constant 1 : i32
        %get3A_1072 = arith.index_cast %get3A_1071 : i32 to index
        %get3A_1073 = arith.index_cast %add3A_1017 : i32 to index
        %get3A_1074 = arith.constant 48 : index
        %get3A_1075 = tpu.vector_load %arg10[%get3A_1072, %get3A_1073, %get3A_1074] {strides = array<i32>} : memref<2x128x128xf32, #tpu.memory_space<vmem>>, vector<1x1x16xf32>,
        %get3A_1076 = vector.shape_cast %get3A_1075 : vector<1x1x16xf32> to vector<16xf32>
        %add3A_1077 = arith.addf %neg3A_24, %broadcast_in_dim3A_1025 : vector<16xf32>
        %add3A_1078 = arith.addf %get3A_1076, %add3A_1077 : vector<16xf32>
        %swap3A_1079 = arith.constant 1 : i32
        %swap3A_1080 = arith.index_cast %swap3A_1079 : i32 to index
        %swap3A_1081 = arith.index_cast %add3A_1017 : i32 to index
        %swap3A_1082 = arith.constant 48 : index
        %swap3A_1083 = tpu.vector_load %arg10[%swap3A_1080, %swap3A_1081, %swap3A_1082] {strides = array<i32>} : memref<2x128x128xf32, #tpu.memory_space<vmem>>, vector<1x1x16xf32>,
        %swap3A_1084 = vector.shape_cast %swap3A_1083 : vector<1x1x16xf32> to vector<16xf32>
        %swap3A_1085 = vector.shape_cast %add3A_1078 : vector<16xf32> to vector<1x1x16xf32>
        tpu.vector_store %arg10[%swap3A_1080, %swap3A_1081, %swap3A_1082], %swap3A_1085 {strides = array<i32>} : memref<2x128x128xf32, #tpu.memory_space<vmem>>, vector<1x1x16xf32>,
        %add3A_1086 = arith.constant 13 : i32
        %add3A_1087 = arith.addi %mul3A_178, %add3A_1086 : i32
        %slice3A_1088 = vector.extract_strided_slice %get3A_182 {offsets = [13], sizes = [1], strides = [1]} : vector<16xi32> to vector<1xi32>
        %squeeze3A_1089 = vector.extract %slice3A_1088[0] : i32 from vector<1xi32>
        %ne3A_1090 = arith.constant 0 : i32
        %ne3A_1091 = arith.cmpi ne, %squeeze3A_1089, %ne3A_1090 : i32
        %jit3A_1092 = arith.constant 0.000000e+00 : f32
        %jit3A_1093 = arith.constant 0xFF800000 : f32
        %select_n3A_1094 = arith.select %ne3A_1091, %jit3A_1092, %jit3A_1093 : f32
        %broadcast_in_dim3A_1095 = vector.broadcast %select_n3A_1094 : f32 to vector<16xf32>
        %get3A_1096 = arith.constant 1 : i32
        %get3A_1097 = arith.index_cast %get3A_1096 : i32 to index
        %get3A_1098 = arith.index_cast %add3A_1087 : i32 to index
        %get3A_1099 = arith.constant 0 : index
        %get3A_1100 = tpu.vector_load %arg10[%get3A_1097, %get3A_1098, %get3A_1099] {strides = array<i32>} : memref<2x128x128xf32, #tpu.memory_space<vmem>>, vector<1x1x16xf32>,
        %get3A_1101 = vector.shape_cast %get3A_1100 : vector<1x1x16xf32> to vector<16xf32>
        %add3A_1102 = arith.addf %neg3A_6, %broadcast_in_dim3A_1095 : vector<16xf32>
        %add3A_1103 = arith.addf %get3A_1101, %add3A_1102 : vector<16xf32>
        %swap3A_1104 = arith.constant 1 : i32
        %swap3A_1105 = arith.index_cast %swap3A_1104 : i32 to index
        %swap3A_1106 = arith.index_cast %add3A_1087 : i32 to index
        %swap3A_1107 = arith.constant 0 : index
        %swap3A_1108 = tpu.vector_load %arg10[%swap3A_1105, %swap3A_1106, %swap3A_1107] {strides = array<i32>} : memref<2x128x128xf32, #tpu.memory_space<vmem>>, vector<1x1x16xf32>,
        %swap3A_1109 = vector.shape_cast %swap3A_1108 : vector<1x1x16xf32> to vector<16xf32>
        %swap3A_1110 = vector.shape_cast %add3A_1103 : vector<16xf32> to vector<1x1x16xf32>
        tpu.vector_store %arg10[%swap3A_1105, %swap3A_1106, %swap3A_1107], %swap3A_1110 {strides = array<i32>} : memref<2x128x128xf32, #tpu.memory_space<vmem>>, vector<1x1x16xf32>,
        %get3A_1111 = arith.constant 1 : i32
        %get3A_1112 = arith.index_cast %get3A_1111 : i32 to index
        %get3A_1113 = arith.index_cast %add3A_1087 : i32 to index
        %get3A_1114 = arith.constant 16 : index
        %get3A_1115 = tpu.vector_load %arg10[%get3A_1112, %get3A_1113, %get3A_1114] {strides = array<i32>} : memref<2x128x128xf32, #tpu.memory_space<vmem>>, vector<1x1x16xf32>,
        %get3A_1116 = vector.shape_cast %get3A_1115 : vector<1x1x16xf32> to vector<16xf32>
        %add3A_1117 = arith.addf %neg3A_12, %broadcast_in_dim3A_1095 : vector<16xf32>
        %add3A_1118 = arith.addf %get3A_1116, %add3A_1117 : vector<16xf32>
        %swap3A_1119 = arith.constant 1 : i32
        %swap3A_1120 = arith.index_cast %swap3A_1119 : i32 to index
        %swap3A_1121 = arith.index_cast %add3A_1087 : i32 to index
        %swap3A_1122 = arith.constant 16 : index
        %swap3A_1123 = tpu.vector_load %arg10[%swap3A_1120, %swap3A_1121, %swap3A_1122] {strides = array<i32>} : memref<2x128x128xf32, #tpu.memory_space<vmem>>, vector<1x1x16xf32>,
        %swap3A_1124 = vector.shape_cast %swap3A_1123 : vector<1x1x16xf32> to vector<16xf32>
        %swap3A_1125 = vector.shape_cast %add3A_1118 : vector<16xf32> to vector<1x1x16xf32>
        tpu.vector_store %arg10[%swap3A_1120, %swap3A_1121, %swap3A_1122], %swap3A_1125 {strides = array<i32>} : memref<2x128x128xf32, #tpu.memory_space<vmem>>, vector<1x1x16xf32>,
        %get3A_1126 = arith.constant 1 : i32
        %get3A_1127 = arith.index_cast %get3A_1126 : i32 to index
        %get3A_1128 = arith.index_cast %add3A_1087 : i32 to index
        %get3A_1129 = arith.constant 32 : index
        %get3A_1130 = tpu.vector_load %arg10[%get3A_1127, %get3A_1128, %get3A_1129] {strides = array<i32>} : memref<2x128x128xf32, #tpu.memory_space<vmem>>, vector<1x1x16xf32>,
        %get3A_1131 = vector.shape_cast %get3A_1130 : vector<1x1x16xf32> to vector<16xf32>
        %add3A_1132 = arith.addf %neg3A_18, %broadcast_in_dim3A_1095 : vector<16xf32>
        %add3A_1133 = arith.addf %get3A_1131, %add3A_1132 : vector<16xf32>
        %swap3A_1134 = arith.constant 1 : i32
        %swap3A_1135 = arith.index_cast %swap3A_1134 : i32 to index
        %swap3A_1136 = arith.index_cast %add3A_1087 : i32 to index
        %swap3A_1137 = arith.constant 32 : index
        %swap3A_1138 = tpu.vector_load %arg10[%swap3A_1135, %swap3A_1136, %swap3A_1137] {strides = array<i32>} : memref<2x128x128xf32, #tpu.memory_space<vmem>>, vector<1x1x16xf32>,
        %swap3A_1139 = vector.shape_cast %swap3A_1138 : vector<1x1x16xf32> to vector<16xf32>
        %swap3A_1140 = vector.shape_cast %add3A_1133 : vector<16xf32> to vector<1x1x16xf32>
        tpu.vector_store %arg10[%swap3A_1135, %swap3A_1136, %swap3A_1137], %swap3A_1140 {strides = array<i32>} : memref<2x128x128xf32, #tpu.memory_space<vmem>>, vector<1x1x16xf32>,
        %get3A_1141 = arith.constant 1 : i32
        %get3A_1142 = arith.index_cast %get3A_1141 : i32 to index
        %get3A_1143 = arith.index_cast %add3A_1087 : i32 to index
        %get3A_1144 = arith.constant 48 : index
        %get3A_1145 = tpu.vector_load %arg10[%get3A_1142, %get3A_1143, %get3A_1144] {strides = array<i32>} : memref<2x128x128xf32, #tpu.memory_space<vmem>>, vector<1x1x16xf32>,
        %get3A_1146 = vector.shape_cast %get3A_1145 : vector<1x1x16xf32> to vector<16xf32>
        %add3A_1147 = arith.addf %neg3A_24, %broadcast_in_dim3A_1095 : vector<16xf32>
        %add3A_1148 = arith.addf %get3A_1146, %add3A_1147 : vector<16xf32>
        %swap3A_1149 = arith.constant 1 : i32
        %swap3A_1150 = arith.index_cast %swap3A_1149 : i32 to index
        %swap3A_1151 = arith.index_cast %add3A_1087 : i32 to index
        %swap3A_1152 = arith.constant 48 : index
        %swap3A_1153 = tpu.vector_load %arg10[%swap3A_1150, %swap3A_1151, %swap3A_1152] {strides = array<i32>} : memref<2x128x128xf32, #tpu.memory_space<vmem>>, vector<1x1x16xf32>,
        %swap3A_1154 = vector.shape_cast %swap3A_1153 : vector<1x1x16xf32> to vector<16xf32>
        %swap3A_1155 = vector.shape_cast %add3A_1148 : vector<16xf32> to vector<1x1x16xf32>
        tpu.vector_store %arg10[%swap3A_1150, %swap3A_1151, %swap3A_1152], %swap3A_1155 {strides = array<i32>} : memref<2x128x128xf32, #tpu.memory_space<vmem>>, vector<1x1x16xf32>,
        %add3A_1156 = arith.constant 14 : i32
        %add3A_1157 = arith.addi %mul3A_178, %add3A_1156 : i32
        %slice3A_1158 = vector.extract_strided_slice %get3A_182 {offsets = [14], sizes = [1], strides = [1]} : vector<16xi32> to vector<1xi32>
        %squeeze3A_1159 = vector.extract %slice3A_1158[0] : i32 from vector<1xi32>
        %ne3A_1160 = arith.constant 0 : i32
        %ne3A_1161 = arith.cmpi ne, %squeeze3A_1159, %ne3A_1160 : i32
        %jit3A_1162 = arith.constant 0.000000e+00 : f32
        %jit3A_1163 = arith.constant 0xFF800000 : f32
        %select_n3A_1164 = arith.select %ne3A_1161, %jit3A_1162, %jit3A_1163 : f32
        %broadcast_in_dim3A_1165 = vector.broadcast %select_n3A_1164 : f32 to vector<16xf32>
        %get3A_1166 = arith.constant 1 : i32
        %get3A_1167 = arith.index_cast %get3A_1166 : i32 to index
        %get3A_1168 = arith.index_cast %add3A_1157 : i32 to index
        %get3A_1169 = arith.constant 0 : index
        %get3A_1170 = tpu.vector_load %arg10[%get3A_1167, %get3A_1168, %get3A_1169] {strides = array<i32>} : memref<2x128x128xf32, #tpu.memory_space<vmem>>, vector<1x1x16xf32>,
        %get3A_1171 = vector.shape_cast %get3A_1170 : vector<1x1x16xf32> to vector<16xf32>
        %add3A_1172 = arith.addf %neg3A_6, %broadcast_in_dim3A_1165 : vector<16xf32>
        %add3A_1173 = arith.addf %get3A_1171, %add3A_1172 : vector<16xf32>
        %swap3A_1174 = arith.constant 1 : i32
        %swap3A_1175 = arith.index_cast %swap3A_1174 : i32 to index
        %swap3A_1176 = arith.index_cast %add3A_1157 : i32 to index
        %swap3A_1177 = arith.constant 0 : index
        %swap3A_1178 = tpu.vector_load %arg10[%swap3A_1175, %swap3A_1176, %swap3A_1177] {strides = array<i32>} : memref<2x128x128xf32, #tpu.memory_space<vmem>>, vector<1x1x16xf32>,
        %swap3A_1179 = vector.shape_cast %swap3A_1178 : vector<1x1x16xf32> to vector<16xf32>
        %swap3A_1180 = vector.shape_cast %add3A_1173 : vector<16xf32> to vector<1x1x16xf32>
        tpu.vector_store %arg10[%swap3A_1175, %swap3A_1176, %swap3A_1177], %swap3A_1180 {strides = array<i32>} : memref<2x128x128xf32, #tpu.memory_space<vmem>>, vector<1x1x16xf32>,
        %get3A_1181 = arith.constant 1 : i32
        %get3A_1182 = arith.index_cast %get3A_1181 : i32 to index
        %get3A_1183 = arith.index_cast %add3A_1157 : i32 to index
        %get3A_1184 = arith.constant 16 : index
        %get3A_1185 = tpu.vector_load %arg10[%get3A_1182, %get3A_1183, %get3A_1184] {strides = array<i32>} : memref<2x128x128xf32, #tpu.memory_space<vmem>>, vector<1x1x16xf32>,
        %get3A_1186 = vector.shape_cast %get3A_1185 : vector<1x1x16xf32> to vector<16xf32>
        %add3A_1187 = arith.addf %neg3A_12, %broadcast_in_dim3A_1165 : vector<16xf32>
        %add3A_1188 = arith.addf %get3A_1186, %add3A_1187 : vector<16xf32>
        %swap3A_1189 = arith.constant 1 : i32
        %swap3A_1190 = arith.index_cast %swap3A_1189 : i32 to index
        %swap3A_1191 = arith.index_cast %add3A_1157 : i32 to index
        %swap3A_1192 = arith.constant 16 : index
        %swap3A_1193 = tpu.vector_load %arg10[%swap3A_1190, %swap3A_1191, %swap3A_1192] {strides = array<i32>} : memref<2x128x128xf32, #tpu.memory_space<vmem>>, vector<1x1x16xf32>,
        %swap3A_1194 = vector.shape_cast %swap3A_1193 : vector<1x1x16xf32> to vector<16xf32>
        %swap3A_1195 = vector.shape_cast %add3A_1188 : vector<16xf32> to vector<1x1x16xf32>
        tpu.vector_store %arg10[%swap3A_1190, %swap3A_1191, %swap3A_1192], %swap3A_1195 {strides = array<i32>} : memref<2x128x128xf32, #tpu.memory_space<vmem>>, vector<1x1x16xf32>,
        %get3A_1196 = arith.constant 1 : i32
        %get3A_1197 = arith.index_cast %get3A_1196 : i32 to index
        %get3A_1198 = arith.index_cast %add3A_1157 : i32 to index
        %get3A_1199 = arith.constant 32 : index
        %get3A_1200 = tpu.vector_load %arg10[%get3A_1197, %get3A_1198, %get3A_1199] {strides = array<i32>} : memref<2x128x128xf32, #tpu.memory_space<vmem>>, vector<1x1x16xf32>,
        %get3A_1201 = vector.shape_cast %get3A_1200 : vector<1x1x16xf32> to vector<16xf32>
        %add3A_1202 = arith.addf %neg3A_18, %broadcast_in_dim3A_1165 : vector<16xf32>
        %add3A_1203 = arith.addf %get3A_1201, %add3A_1202 : vector<16xf32>
        %swap3A_1204 = arith.constant 1 : i32
        %swap3A_1205 = arith.index_cast %swap3A_1204 : i32 to index
        %swap3A_1206 = arith.index_cast %add3A_1157 : i32 to index
        %swap3A_1207 = arith.constant 32 : index
        %swap3A_1208 = tpu.vector_load %arg10[%swap3A_1205, %swap3A_1206, %swap3A_1207] {strides = array<i32>} : memref<2x128x128xf32, #tpu.memory_space<vmem>>, vector<1x1x16xf32>,
        %swap3A_1209 = vector.shape_cast %swap3A_1208 : vector<1x1x16xf32> to vector<16xf32>
        %swap3A_1210 = vector.shape_cast %add3A_1203 : vector<16xf32> to vector<1x1x16xf32>
        tpu.vector_store %arg10[%swap3A_1205, %swap3A_1206, %swap3A_1207], %swap3A_1210 {strides = array<i32>} : memref<2x128x128xf32, #tpu.memory_space<vmem>>, vector<1x1x16xf32>,
        %get3A_1211 = arith.constant 1 : i32
        %get3A_1212 = arith.index_cast %get3A_1211 : i32 to index
        %get3A_1213 = arith.index_cast %add3A_1157 : i32 to index
        %get3A_1214 = arith.constant 48 : index
        %get3A_1215 = tpu.vector_load %arg10[%get3A_1212, %get3A_1213, %get3A_1214] {strides = array<i32>} : memref<2x128x128xf32, #tpu.memory_space<vmem>>, vector<1x1x16xf32>,
        %get3A_1216 = vector.shape_cast %get3A_1215 : vector<1x1x16xf32> to vector<16xf32>
        %add3A_1217 = arith.addf %neg3A_24, %broadcast_in_dim3A_1165 : vector<16xf32>
        %add3A_1218 = arith.addf %get3A_1216, %add3A_1217 : vector<16xf32>
        %swap3A_1219 = arith.constant 1 : i32
        %swap3A_1220 = arith.index_cast %swap3A_1219 : i32 to index
        %swap3A_1221 = arith.index_cast %add3A_1157 : i32 to index
        %swap3A_1222 = arith.constant 48 : index
        %swap3A_1223 = tpu.vector_load %arg10[%swap3A_1220, %swap3A_1221, %swap3A_1222] {strides = array<i32>} : memref<2x128x128xf32, #tpu.memory_space<vmem>>, vector<1x1x16xf32>,
        %swap3A_1224 = vector.shape_cast %swap3A_1223 : vector<1x1x16xf32> to vector<16xf32>
        %swap3A_1225 = vector.shape_cast %add3A_1218 : vector<16xf32> to vector<1x1x16xf32>
        tpu.vector_store %arg10[%swap3A_1220, %swap3A_1221, %swap3A_1222], %swap3A_1225 {strides = array<i32>} : memref<2x128x128xf32, #tpu.memory_space<vmem>>, vector<1x1x16xf32>,
        %add3A_1226 = arith.constant 15 : i32
        %add3A_1227 = arith.addi %mul3A_178, %add3A_1226 : i32
        %slice3A_1228 = vector.extract_strided_slice %get3A_182 {offsets = [15], sizes = [1], strides = [1]} : vector<16xi32> to vector<1xi32>
        %squeeze3A_1229 = vector.extract %slice3A_1228[0] : i32 from vector<1xi32>
        %ne3A_1230 = arith.constant 0 : i32
        %ne3A_1231 = arith.cmpi ne, %squeeze3A_1229, %ne3A_1230 : i32
        %jit3A_1232 = arith.constant 0.000000e+00 : f32
        %jit3A_1233 = arith.constant 0xFF800000 : f32
        %select_n3A_1234 = arith.select %ne3A_1231, %jit3A_1232, %jit3A_1233 : f32
        %broadcast_in_dim3A_1235 = vector.broadcast %select_n3A_1234 : f32 to vector<16xf32>
        %get3A_1236 = arith.constant 1 : i32
        %get3A_1237 = arith.index_cast %get3A_1236 : i32 to index
        %get3A_1238 = arith.index_cast %add3A_1227 : i32 to index
        %get3A_1239 = arith.constant 0 : index
        %get3A_1240 = tpu.vector_load %arg10[%get3A_1237, %get3A_1238, %get3A_1239] {strides = array<i32>} : memref<2x128x128xf32, #tpu.memory_space<vmem>>, vector<1x1x16xf32>,
        %get3A_1241 = vector.shape_cast %get3A_1240 : vector<1x1x16xf32> to vector<16xf32>
        %add3A_1242 = arith.addf %neg3A_6, %broadcast_in_dim3A_1235 : vector<16xf32>
        %add3A_1243 = arith.addf %get3A_1241, %add3A_1242 : vector<16xf32>
        %swap3A_1244 = arith.constant 1 : i32
        %swap3A_1245 = arith.index_cast %swap3A_1244 : i32 to index
        %swap3A_1246 = arith.index_cast %add3A_1227 : i32 to index
        %swap3A_1247 = arith.constant 0 : index
        %swap3A_1248 = tpu.vector_load %arg10[%swap3A_1245, %swap3A_1246, %swap3A_1247] {strides = array<i32>} : memref<2x128x128xf32, #tpu.memory_space<vmem>>, vector<1x1x16xf32>,
        %swap3A_1249 = vector.shape_cast %swap3A_1248 : vector<1x1x16xf32> to vector<16xf32>
        %swap3A_1250 = vector.shape_cast %add3A_1243 : vector<16xf32> to vector<1x1x16xf32>
        tpu.vector_store %arg10[%swap3A_1245, %swap3A_1246, %swap3A_1247], %swap3A_1250 {strides = array<i32>} : memref<2x128x128xf32, #tpu.memory_space<vmem>>, vector<1x1x16xf32>,
        %get3A_1251 = arith.constant 1 : i32
        %get3A_1252 = arith.index_cast %get3A_1251 : i32 to index
        %get3A_1253 = arith.index_cast %add3A_1227 : i32 to index
        %get3A_1254 = arith.constant 16 : index
        %get3A_1255 = tpu.vector_load %arg10[%get3A_1252, %get3A_1253, %get3A_1254] {strides = array<i32>} : memref<2x128x128xf32, #tpu.memory_space<vmem>>, vector<1x1x16xf32>,
        %get3A_1256 = vector.shape_cast %get3A_1255 : vector<1x1x16xf32> to vector<16xf32>
        %add3A_1257 = arith.addf %neg3A_12, %broadcast_in_dim3A_1235 : vector<16xf32>
        %add3A_1258 = arith.addf %get3A_1256, %add3A_1257 : vector<16xf32>
        %swap3A_1259 = arith.constant 1 : i32
        %swap3A_1260 = arith.index_cast %swap3A_1259 : i32 to index
        %swap3A_1261 = arith.index_cast %add3A_1227 : i32 to index
        %swap3A_1262 = arith.constant 16 : index
        %swap3A_1263 = tpu.vector_load %arg10[%swap3A_1260, %swap3A_1261, %swap3A_1262] {strides = array<i32>} : memref<2x128x128xf32, #tpu.memory_space<vmem>>, vector<1x1x16xf32>,
        %swap3A_1264 = vector.shape_cast %swap3A_1263 : vector<1x1x16xf32> to vector<16xf32>
        %swap3A_1265 = vector.shape_cast %add3A_1258 : vector<16xf32> to vector<1x1x16xf32>
        tpu.vector_store %arg10[%swap3A_1260, %swap3A_1261, %swap3A_1262], %swap3A_1265 {strides = array<i32>} : memref<2x128x128xf32, #tpu.memory_space<vmem>>, vector<1x1x16xf32>,
        %get3A_1266 = arith.constant 1 : i32
        %get3A_1267 = arith.index_cast %get3A_1266 : i32 to index
        %get3A_1268 = arith.index_cast %add3A_1227 : i32 to index
        %get3A_1269 = arith.constant 32 : index
        %get3A_1270 = tpu.vector_load %arg10[%get3A_1267, %get3A_1268, %get3A_1269] {strides = array<i32>} : memref<2x128x128xf32, #tpu.memory_space<vmem>>, vector<1x1x16xf32>,
        %get3A_1271 = vector.shape_cast %get3A_1270 : vector<1x1x16xf32> to vector<16xf32>
        %add3A_1272 = arith.addf %neg3A_18, %broadcast_in_dim3A_1235 : vector<16xf32>
        %add3A_1273 = arith.addf %get3A_1271, %add3A_1272 : vector<16xf32>
        %swap3A_1274 = arith.constant 1 : i32
        %swap3A_1275 = arith.index_cast %swap3A_1274 : i32 to index
        %swap3A_1276 = arith.index_cast %add3A_1227 : i32 to index
        %swap3A_1277 = arith.constant 32 : index
        %swap3A_1278 = tpu.vector_load %arg10[%swap3A_1275, %swap3A_1276, %swap3A_1277] {strides = array<i32>} : memref<2x128x128xf32, #tpu.memory_space<vmem>>, vector<1x1x16xf32>,
        %swap3A_1279 = vector.shape_cast %swap3A_1278 : vector<1x1x16xf32> to vector<16xf32>
        %swap3A_1280 = vector.shape_cast %add3A_1273 : vector<16xf32> to vector<1x1x16xf32>
        tpu.vector_store %arg10[%swap3A_1275, %swap3A_1276, %swap3A_1277], %swap3A_1280 {strides = array<i32>} : memref<2x128x128xf32, #tpu.memory_space<vmem>>, vector<1x1x16xf32>,
        %get3A_1281 = arith.constant 1 : i32
        %get3A_1282 = arith.index_cast %get3A_1281 : i32 to index
        %get3A_1283 = arith.index_cast %add3A_1227 : i32 to index
        %get3A_1284 = arith.constant 48 : index
        %get3A_1285 = tpu.vector_load %arg10[%get3A_1282, %get3A_1283, %get3A_1284] {strides = array<i32>} : memref<2x128x128xf32, #tpu.memory_space<vmem>>, vector<1x1x16xf32>,
        %get3A_1286 = vector.shape_cast %get3A_1285 : vector<1x1x16xf32> to vector<16xf32>
        %add3A_1287 = arith.addf %neg3A_24, %broadcast_in_dim3A_1235 : vector<16xf32>
        %add3A_1288 = arith.addf %get3A_1286, %add3A_1287 : vector<16xf32>
        %swap3A_1289 = arith.constant 1 : i32
        %swap3A_1290 = arith.index_cast %swap3A_1289 : i32 to index
        %swap3A_1291 = arith.index_cast %add3A_1227 : i32 to index
        %swap3A_1292 = arith.constant 48 : index
        %swap3A_1293 = tpu.vector_load %arg10[%swap3A_1290, %swap3A_1291, %swap3A_1292] {strides = array<i32>} : memref<2x128x128xf32, #tpu.memory_space<vmem>>, vector<1x1x16xf32>,
        %swap3A_1294 = vector.shape_cast %swap3A_1293 : vector<1x1x16xf32> to vector<16xf32>
        %swap3A_1295 = vector.shape_cast %add3A_1288 : vector<16xf32> to vector<1x1x16xf32>
        tpu.vector_store %arg10[%swap3A_1290, %swap3A_1291, %swap3A_1292], %swap3A_1295 {strides = array<i32>} : memref<2x128x128xf32, #tpu.memory_space<vmem>>, vector<1x1x16xf32>,
      }
      %scan3A_156 = arith.constant 8 : i32
      %mul3A_157 = arith.constant 128 : i32
      %mul3A_158 = arith.muli %add3A_128, %mul3A_157 : i32
      %add3A_159 = arith.addi %mul3A_2, %mul3A_158 : i32
      %dma_start3A_160 = arith.constant 1 : i32
      %dma_start3A_161 = arith.constant 1 : i32
      %dma_start3A_162 = arith.constant 0 : i32
      %dma_start3A_163 = arith.constant 0 : i32
      %dma_start3A_164 = tpu.memref_slice %arg10[%dma_start3A_160, %dma_start3A_162, %dma_start3A_163] : memref<2x128x128xf32, #tpu.memory_space<vmem>> -> memref<1x128x128xf32, #tpu.memory_space<vmem>>
      %dma_start3A_165 = tpu.memref_squeeze %dma_start3A_164 : memref<1x128x128xf32, #tpu.memory_space<vmem>> -> memref<128x128xf32, #tpu.memory_space<vmem>>
      %dma_start3A_166 = arith.constant 0 : i32
      %dma_start3A_167 = tpu.memref_slice %arg6[%add3A_159, %dma_start3A_166] : memref<819200x128xf32, #tpu.memory_space<hbm>> -> memref<128x128xf32, #tpu.memory_space<hbm>>
      %dma_start3A_168 = tpu.memref_slice %arg12[%dma_start3A_161] : memref<2x!tpu.dma_semaphore, #tpu.memory_space<semaphore_mem>> -> memref<1x!tpu.dma_semaphore, #tpu.memory_space<semaphore_mem>>
      %dma_start3A_169 = tpu.memref_squeeze %dma_start3A_168 : memref<1x!tpu.dma_semaphore, #tpu.memory_space<semaphore_mem>> -> memref<!tpu.dma_semaphore, #tpu.memory_space<semaphore_mem>>
      %dma_start3A_170 = arith.constant 0 : i32
      %dma_start3A_171 = tpu.memref_slice %arg6[%add3A_159, %dma_start3A_170] : memref<819200x128xf32, #tpu.memory_space<hbm>> -> memref<128x128xf32, #tpu.memory_space<hbm>>
      %dma_start3A_172 = arith.constant 0 : i32
      %dma_start3A_173 = arith.constant 0 : i32
      %dma_start3A_174 = tpu.memref_slice %arg10[%dma_start3A_160, %dma_start3A_172, %dma_start3A_173] : memref<2x128x128xf32, #tpu.memory_space<vmem>> -> memref<1x128x128xf32, #tpu.memory_space<vmem>>
      %dma_start3A_175 = tpu.memref_squeeze %dma_start3A_174 : memref<1x128x128xf32, #tpu.memory_space<vmem>> -> memref<128x128xf32, #tpu.memory_space<vmem>>
      tpu.enqueue_dma source(%dma_start3A_175 : memref<128x128xf32, #tpu.memory_space<vmem>>) target(%dma_start3A_171 : memref<128x128xf32, #tpu.memory_space<hbm>>) target_semaphore(%dma_start3A_169 : memref<!tpu.dma_semaphore, #tpu.memory_space<semaphore_mem>>)
    }
    %scan3A_42 = arith.constant 100 : i32
    %add3A_43 = arith.constant 25344 : i32
    %add3A_44 = arith.addi %mul3A_2, %add3A_43 : i32
    %dma_wait3A = arith.constant 0 : i32
    %dma_wait3A_45 = arith.constant 0 : i32
    %dma_wait3A_46 = arith.constant 0 : i32
    %dma_wait3A_47 = arith.constant 0 : i32
    %dma_wait3A_48 = tpu.memref_slice %arg10[%dma_wait3A, %dma_wait3A_46, %dma_wait3A_47] : memref<2x128x128xf32, #tpu.memory_space<vmem>> -> memref<1x128x128xf32, #tpu.memory_space<vmem>>
    %dma_wait3A_49 = tpu.memref_squeeze %dma_wait3A_48 : memref<1x128x128xf32, #tpu.memory_space<vmem>> -> memref<128x128xf32, #tpu.memory_space<vmem>>
    %dma_wait3A_50 = arith.constant 0 : i32
    %dma_wait3A_51 = tpu.memref_slice %arg6[%add3A_44, %dma_wait3A_50] : memref<819200x128xf32, #tpu.memory_space<hbm>> -> memref<128x128xf32, #tpu.memory_space<hbm>>
    %dma_wait3A_52 = tpu.memref_slice %arg12[%dma_wait3A_45] : memref<2x!tpu.dma_semaphore, #tpu.memory_space<semaphore_mem>> -> memref<1x!tpu.dma_semaphore, #tpu.memory_space<semaphore_mem>>
    %dma_wait3A_53 = tpu.memref_squeeze %dma_wait3A_52 : memref<1x!tpu.dma_semaphore, #tpu.memory_space<semaphore_mem>> -> memref<!tpu.dma_semaphore, #tpu.memory_space<semaphore_mem>>
    %dma_wait3A_54 = arith.constant 0 : i32
    %dma_wait3A_55 = tpu.memref_slice %arg6[%add3A_44, %dma_wait3A_54] : memref<819200x128xf32, #tpu.memory_space<hbm>> -> memref<128x128xf32, #tpu.memory_space<hbm>>
    %dma_wait3A_56 = arith.constant 0 : i32
    %dma_wait3A_57 = arith.constant 0 : i32
    %dma_wait3A_58 = tpu.memref_slice %arg10[%dma_wait3A, %dma_wait3A_56, %dma_wait3A_57] : memref<2x128x128xf32, #tpu.memory_space<vmem>> -> memref<1x128x128xf32, #tpu.memory_space<vmem>>
    %dma_wait3A_59 = tpu.memref_squeeze %dma_wait3A_58 : memref<1x128x128xf32, #tpu.memory_space<vmem>> -> memref<128x128xf32, #tpu.memory_space<vmem>>
    tpu.wait_dma2 semaphore(%dma_wait3A_53 : memref<!tpu.dma_semaphore, #tpu.memory_space<semaphore_mem>>) src(%dma_wait3A_59 : memref<128x128xf32, #tpu.memory_space<vmem>>) dst(%dma_wait3A_55 : memref<128x128xf32, #tpu.memory_space<hbm>>)
    %add3A_60 = arith.constant 25472 : i32
    %add3A_61 = arith.addi %mul3A_2, %add3A_60 : i32
    %dma_wait3A_62 = arith.constant 1 : i32
    %dma_wait3A_63 = arith.constant 1 : i32
    %dma_wait3A_64 = arith.constant 0 : i32
    %dma_wait3A_65 = arith.constant 0 : i32
    %dma_wait3A_66 = tpu.memref_slice %arg10[%dma_wait3A_62, %dma_wait3A_64, %dma_wait3A_65] : memref<2x128x128xf32, #tpu.memory_space<vmem>> -> memref<1x128x128xf32, #tpu.memory_space<vmem>>
    %dma_wait3A_67 = tpu.memref_squeeze %dma_wait3A_66 : memref<1x128x128xf32, #tpu.memory_space<vmem>> -> memref<128x128xf32, #tpu.memory_space<vmem>>
    %dma_wait3A_68 = arith.constant 0 : i32
    %dma_wait3A_69 = tpu.memref_slice %arg6[%add3A_61, %dma_wait3A_68] : memref<819200x128xf32, #tpu.memory_space<hbm>> -> memref<128x128xf32, #tpu.memory_space<hbm>>
    %dma_wait3A_70 = tpu.memref_slice %arg12[%dma_wait3A_63] : memref<2x!tpu.dma_semaphore, #tpu.memory_space<semaphore_mem>> -> memref<1x!tpu.dma_semaphore, #tpu.memory_space<semaphore_mem>>
    %dma_wait3A_71 = tpu.memref_squeeze %dma_wait3A_70 : memref<1x!tpu.dma_semaphore, #tpu.memory_space<semaphore_mem>> -> memref<!tpu.dma_semaphore, #tpu.memory_space<semaphore_mem>>
    %dma_wait3A_72 = arith.constant 0 : i32
    %dma_wait3A_73 = tpu.memref_slice %arg6[%add3A_61, %dma_wait3A_72] : memref<819200x128xf32, #tpu.memory_space<hbm>> -> memref<128x128xf32, #tpu.memory_space<hbm>>
    %dma_wait3A_74 = arith.constant 0 : i32
    %dma_wait3A_75 = arith.constant 0 : i32
    %dma_wait3A_76 = tpu.memref_slice %arg10[%dma_wait3A_62, %dma_wait3A_74, %dma_wait3A_75] : memref<2x128x128xf32, #tpu.memory_space<vmem>> -> memref<1x128x128xf32, #tpu.memory_space<vmem>>
    %dma_wait3A_77 = tpu.memref_squeeze %dma_wait3A_76 : memref<1x128x128xf32, #tpu.memory_space<vmem>> -> memref<128x128xf32, #tpu.memory_space<vmem>>
    tpu.wait_dma2 semaphore(%dma_wait3A_71 : memref<!tpu.dma_semaphore, #tpu.memory_space<semaphore_mem>>) src(%dma_wait3A_77 : memref<128x128xf32, #tpu.memory_space<vmem>>) dst(%dma_wait3A_73 : memref<128x128xf32, #tpu.memory_space<hbm>>)
    return
  }
}

module attributes {stable_mosaic.version = 14 : i64} {
  func.func @_fused_tc_kernel(%arg0: i32, %arg1: memref<64x8192xf32, #tpu.memory_space<vmem>>, %arg2: memref<64x64xf32, #tpu.memory_space<vmem>>, %arg3: memref<8192x128xf32, #tpu.memory_space<vmem>>, %arg4: memref<64x1xf32, #tpu.memory_space<vmem>>, %arg5: memref<64x64xf32, #tpu.memory_space<vmem>>, %arg6: memref<64x1xf32, #tpu.memory_space<vmem>>, %arg7: memref<64x1xf32, #tpu.memory_space<vmem>>) attributes {dimension_semantics = [#tpu.dimension_semantics<arbitrary>], iteration_bounds = array<i64: 123>, scalar_prefetch = 0 : i64, scratch_operands = 2 : i64, tpu.core_type = #tpu.core_type<tc>, window_params = [{transform_indices = @transform_0, window_bounds = array<i64: 64, 8192>}, {pipeline_mode = #tpu.pipeline_mode<synchronous>, transform_indices = @transform_1, window_bounds = array<i64: 64, 64>}, {transform_indices = @transform_2, window_bounds = array<i64: 8192, 128>}, {pipeline_mode = #tpu.pipeline_mode<synchronous>, transform_indices = @transform_3, window_bounds = array<i64: 64, 1>}, {pipeline_mode = #tpu.pipeline_mode<synchronous>, transform_indices = @transform_4, window_bounds = array<i64: 64, 64>}]} {
    %eq3A = arith.constant 0 : i32
    %eq3A_0 = arith.cmpi eq, %arg0, %eq3A : i32
    %convert_element_type3A = arith.extui %eq3A_0 : i1 to i32
    %cond3A = arith.constant 0 : i32
    %cond3A_1 = arith.cmpi ne, %convert_element_type3A, %cond3A : i32
    scf.if %cond3A_1 {
      %broadcast_in_dim3A = arith.constant 0xFF800000 : f32
      %broadcast_in_dim3A_15 = vector.broadcast %broadcast_in_dim3A : f32 to vector<64x1xf32>
      %swap3A_16 = arith.constant 0 : index
      %swap3A_17 = arith.constant 0 : index
      %swap3A_18 = vector.load %arg6[%swap3A_16, %swap3A_17] : memref<64x1xf32, #tpu.memory_space<vmem>>, vector<64x1xf32>
      tpu.vector_store %arg6[%swap3A_16, %swap3A_17], %broadcast_in_dim3A_15 {strides = array<i32>} : memref<64x1xf32, #tpu.memory_space<vmem>>, vector<64x1xf32>,
      %broadcast_in_dim3A_19 = arith.constant 0.000000e+00 : f32
      %broadcast_in_dim3A_20 = vector.broadcast %broadcast_in_dim3A_19 : f32 to vector<64x1xf32>
      %swap3A_21 = arith.constant 0 : index
      %swap3A_22 = arith.constant 0 : index
      %swap3A_23 = vector.load %arg7[%swap3A_21, %swap3A_22] : memref<64x1xf32, #tpu.memory_space<vmem>>, vector<64x1xf32>
      tpu.vector_store %arg7[%swap3A_21, %swap3A_22], %broadcast_in_dim3A_20 {strides = array<i32>} : memref<64x1xf32, #tpu.memory_space<vmem>>, vector<64x1xf32>,
    } else {
    }
    %get3A = arith.constant 0 : index
    %get3A_2 = arith.constant 0 : index
    %get3A_3 = vector.load %arg1[%get3A, %get3A_2] : memref<64x8192xf32, #tpu.memory_space<vmem>>, vector<64x8192xf32>
    %transpose3A = tpu.transpose %get3A_3, [1, 0] : vector<64x8192xf32> -> vector<8192x64xf32>
    %concatenate3A = tpu.concatenate %transpose3A, %transpose3A in 1 : vector<8192x64xf32>, vector<8192x64xf32> -> vector<8192x128xf32>
    %swap3A = arith.constant 0 : index
    %swap3A_4 = arith.constant 0 : index
    %swap3A_5 = vector.load %arg3[%swap3A, %swap3A_4] : memref<8192x128xf32, #tpu.memory_space<vmem>>, vector<8192x128xf32>
    tpu.vector_store %arg3[%swap3A, %swap3A_4], %concatenate3A {strides = array<i32>} : memref<8192x128xf32, #tpu.memory_space<vmem>>, vector<8192x128xf32>,
    %ne3A = arith.constant 122 : i32
    %ne3A_6 = arith.cmpi ne, %arg0, %ne3A : i32
    %convert_element_type3A_7 = arith.extui %ne3A_6 : i1 to i32
    %cond3A_8 = arith.constant 0 : i32
    %cond3A_9 = arith.cmpi ne, %convert_element_type3A_7, %cond3A_8 : i32
    scf.if %cond3A_9 {
      %reduce_max3A = arith.constant dense<0xFF800000> : vector<64xf32>
      %reduce_max3A_15 = vector.multi_reduction <maximumf>, %get3A_3, %reduce_max3A [1] : vector<64x8192xf32> to vector<64xf32>
      %broadcast_in_dim3A = vector.shape_cast %reduce_max3A_15 : vector<64xf32> to vector<64x1xf32>
      %get3A_16 = arith.constant 0 : index
      %get3A_17 = arith.constant 0 : index
      %get3A_18 = vector.load %arg6[%get3A_16, %get3A_17] : memref<64x1xf32, #tpu.memory_space<vmem>>, vector<64x1xf32>
      %max3A = arith.maximumf %get3A_18, %broadcast_in_dim3A : vector<64x1xf32>
      %get3A_19 = arith.constant 0 : index
      %get3A_20 = arith.constant 0 : index
      %get3A_21 = vector.load %arg7[%get3A_19, %get3A_20] : memref<64x1xf32, #tpu.memory_space<vmem>>, vector<64x1xf32>
      %sub3A = arith.subf %get3A_18, %max3A : vector<64x1xf32>
      %exp3A = math.exp %sub3A : vector<64x1xf32>
      %mul3A = arith.mulf %get3A_21, %exp3A : vector<64x1xf32>
      %sub3A_22 = vector.broadcast %max3A : vector<64x1xf32> to vector<64x8192xf32>
      %sub3A_23 = arith.subf %get3A_3, %sub3A_22 : vector<64x8192xf32>
      %exp3A_24 = math.exp %sub3A_23 : vector<64x8192xf32>
      %reduce_sum3A = arith.constant dense<0.000000e+00> : vector<64xf32>
      %reduce_sum3A_25 = vector.multi_reduction <add>, %exp3A_24, %reduce_sum3A [1] : vector<64x8192xf32> to vector<64xf32>
      %broadcast_in_dim3A_26 = vector.shape_cast %reduce_sum3A_25 : vector<64xf32> to vector<64x1xf32>
      %add3A = arith.addf %mul3A, %broadcast_in_dim3A_26 : vector<64x1xf32>
      %swap3A_27 = arith.constant 0 : index
      %swap3A_28 = arith.constant 0 : index
      %swap3A_29 = vector.load %arg7[%swap3A_27, %swap3A_28] : memref<64x1xf32, #tpu.memory_space<vmem>>, vector<64x1xf32>
      tpu.vector_store %arg7[%swap3A_27, %swap3A_28], %add3A {strides = array<i32>} : memref<64x1xf32, #tpu.memory_space<vmem>>, vector<64x1xf32>,
      %swap3A_30 = arith.constant 0 : index
      %swap3A_31 = arith.constant 0 : index
      %swap3A_32 = vector.load %arg6[%swap3A_30, %swap3A_31] : memref<64x1xf32, #tpu.memory_space<vmem>>, vector<64x1xf32>
      tpu.vector_store %arg6[%swap3A_30, %swap3A_31], %max3A {strides = array<i32>} : memref<64x1xf32, #tpu.memory_space<vmem>>, vector<64x1xf32>,
    } else {
    }
    %eq3A_10 = arith.constant 122 : i32
    %eq3A_11 = arith.cmpi eq, %arg0, %eq3A_10 : i32
    %convert_element_type3A_12 = arith.extui %eq3A_11 : i1 to i32
    %cond3A_13 = arith.constant 0 : i32
    %cond3A_14 = arith.cmpi ne, %convert_element_type3A_12, %cond3A_13 : i32
    scf.if %cond3A_14 {
      %mul3A = arith.constant 8192 : i32
      %mul3A_15 = arith.muli %arg0, %mul3A : i32
      %iota3A = tpu.iota {dimensions = array<i32: 1>} : vector<64x8192xi32>
      %add3A = vector.broadcast %mul3A_15 : i32 to vector<64x8192xi32>
      %add3A_16 = arith.addi %add3A, %iota3A : vector<64x8192xi32>
      %lt3A = arith.constant 1000000 : i32
      %lt3A_17 = vector.broadcast %lt3A : i32 to vector<64x8192xi32>
      %lt3A_18 = arith.cmpi slt, %add3A_16, %lt3A_17 : vector<64x8192xi32>
      %jit3A = arith.constant 0xFF800000 : f32
      %broadcast_in_dim3A = vector.broadcast %jit3A : f32 to vector<64x8192xf32>
      %select_n3A = arith.select %lt3A_18, %get3A_3, %broadcast_in_dim3A : vector<64x8192xi1>, vector<64x8192xf32>
      %reduce_max3A = arith.constant dense<0xFF800000> : vector<64xf32>
      %reduce_max3A_19 = vector.multi_reduction <maximumf>, %select_n3A, %reduce_max3A [1] : vector<64x8192xf32> to vector<64xf32>
      %broadcast_in_dim3A_20 = vector.shape_cast %reduce_max3A_19 : vector<64xf32> to vector<64x1xf32>
      %get3A_21 = arith.constant 0 : index
      %get3A_22 = arith.constant 0 : index
      %get3A_23 = vector.load %arg6[%get3A_21, %get3A_22] : memref<64x1xf32, #tpu.memory_space<vmem>>, vector<64x1xf32>
      %max3A = arith.maximumf %get3A_23, %broadcast_in_dim3A_20 : vector<64x1xf32>
      %sub3A = vector.broadcast %max3A : vector<64x1xf32> to vector<64x8192xf32>
      %sub3A_24 = arith.subf %select_n3A, %sub3A : vector<64x8192xf32>
      %exp3A = math.exp %sub3A_24 : vector<64x8192xf32>
      %jit3A_25 = arith.constant 0.000000e+00 : f32
      %broadcast_in_dim3A_26 = vector.broadcast %jit3A_25 : f32 to vector<64x8192xf32>
      %select_n3A_27 = arith.select %lt3A_18, %exp3A, %broadcast_in_dim3A_26 : vector<64x8192xi1>, vector<64x8192xf32>
      %get3A_28 = arith.constant 0 : index
      %get3A_29 = arith.constant 0 : index
      %get3A_30 = vector.load %arg7[%get3A_28, %get3A_29] : memref<64x1xf32, #tpu.memory_space<vmem>>, vector<64x1xf32>
      %sub3A_31 = arith.subf %get3A_23, %max3A : vector<64x1xf32>
      %exp3A_32 = math.exp %sub3A_31 : vector<64x1xf32>
      %mul3A_33 = arith.mulf %get3A_30, %exp3A_32 : vector<64x1xf32>
      %reduce_sum3A = arith.constant dense<0.000000e+00> : vector<64xf32>
      %reduce_sum3A_34 = vector.multi_reduction <add>, %select_n3A_27, %reduce_sum3A [1] : vector<64x8192xf32> to vector<64xf32>
      %broadcast_in_dim3A_35 = vector.shape_cast %reduce_sum3A_34 : vector<64xf32> to vector<64x1xf32>
      %add3A_36 = arith.addf %mul3A_33, %broadcast_in_dim3A_35 : vector<64x1xf32>
      %log3A = math.log %add3A_36 : vector<64x1xf32>
      %add3A_37 = arith.addf %max3A, %log3A : vector<64x1xf32>
      %swap3A_38 = arith.constant 0 : index
      %swap3A_39 = arith.constant 0 : index
      %swap3A_40 = vector.load %arg4[%swap3A_38, %swap3A_39] : memref<64x1xf32, #tpu.memory_space<vmem>>, vector<64x1xf32>
      tpu.vector_store %arg4[%swap3A_38, %swap3A_39], %add3A_37 {strides = array<i32>} : memref<64x1xf32, #tpu.memory_space<vmem>>, vector<64x1xf32>,
      %get3A_41 = arith.constant 0 : index
      %get3A_42 = arith.constant 0 : index
      %get3A_43 = vector.load %arg2[%get3A_41, %get3A_42] : memref<64x64xf32, #tpu.memory_space<vmem>>, vector<64x64xf32>
      %reduce_max3A_44 = arith.constant dense<0xFF800000> : vector<64xf32>
      %reduce_max3A_45 = vector.multi_reduction <maximumf>, %get3A_43, %reduce_max3A_44 [1] : vector<64x64xf32> to vector<64xf32>
      %broadcast_in_dim3A_46 = vector.shape_cast %reduce_max3A_45 : vector<64xf32> to vector<64x1xf32>
      %sub3A_47 = vector.broadcast %broadcast_in_dim3A_46 : vector<64x1xf32> to vector<64x64xf32>
      %sub3A_48 = arith.subf %get3A_43, %sub3A_47 : vector<64x64xf32>
      %exp3A_49 = math.exp %sub3A_48 : vector<64x64xf32>
      %reduce_sum3A_50 = arith.constant dense<0.000000e+00> : vector<64xf32>
      %reduce_sum3A_51 = vector.multi_reduction <add>, %exp3A_49, %reduce_sum3A_50 [1] : vector<64x64xf32> to vector<64xf32>
      %broadcast_in_dim3A_52 = vector.shape_cast %reduce_sum3A_51 : vector<64xf32> to vector<64x1xf32>
      %log3A_53 = math.log %broadcast_in_dim3A_52 : vector<64x1xf32>
      %sub3A_54 = vector.broadcast %log3A_53 : vector<64x1xf32> to vector<64x64xf32>
      %sub3A_55 = arith.subf %sub3A_48, %sub3A_54 : vector<64x64xf32>
      %swap3A_56 = arith.constant 0 : index
      %swap3A_57 = arith.constant 0 : index
      %swap3A_58 = vector.load %arg5[%swap3A_56, %swap3A_57] : memref<64x64xf32, #tpu.memory_space<vmem>>, vector<64x64xf32>
      tpu.vector_store %arg5[%swap3A_56, %swap3A_57], %sub3A_55 {strides = array<i32>} : memref<64x64xf32, #tpu.memory_space<vmem>>, vector<64x64xf32>,
    } else {
    }
    return
  }
  func.func @transform_0(%arg0: i32) -> (i32, i32) {
    %c0_i32 = arith.constant 0 : i32
    %c0_i32_0 = arith.constant 0 : i32
    return %c0_i32, %arg0 : i32, i32
  }
  func.func @transform_1(%arg0: i32) -> (i32, i32) {
    %c0_i32 = arith.constant 0 : i32
    %c0_i32_0 = arith.constant 0 : i32
    %c0_i32_1 = arith.constant 0 : i32
    return %c0_i32, %c0_i32_0 : i32, i32
  }
  func.func @transform_2(%arg0: i32) -> (i32, i32) {
    %c0_i32 = arith.constant 0 : i32
    %c0_i32_0 = arith.constant 0 : i32
    return %arg0, %c0_i32 : i32, i32
  }
  func.func @transform_3(%arg0: i32) -> (i32, i32) {
    %c0_i32 = arith.constant 0 : i32
    %c0_i32_0 = arith.constant 0 : i32
    %c0_i32_1 = arith.constant 0 : i32
    return %c0_i32, %c0_i32_0 : i32, i32
  }
  func.func @transform_4(%arg0: i32) -> (i32, i32) {
    %c0_i32 = arith.constant 0 : i32
    %c0_i32_0 = arith.constant 0 : i32
    %c0_i32_1 = arith.constant 0 : i32
    return %c0_i32, %c0_i32_0 : i32, i32
  }
}

</mosaic_0001>

<sc_bundles>
// kernel: kernel.4.cloned.1.call-start
scs
__scs_entry_jumppad:
0x0: {  	(pc) =	sbr.rel $0x88, $3  }
0x1: {  	(tag) =	ssettag $0x0;
	lr =	simm.s32 $0x1  }
0x2: {  	[smem:$0x3F9D] =	sst lr;
	_ =	strace $0xD0000000  }
0x3: {  	_ = 	snop  }
0x4: {  	_ = 	snop  }
0x5: {  	_ = 	snop  }
0x6: {  	_ = 	snop  }
0x7: {  	_ = 	snop  }
__scs_overlays_trampoline_lowered:
0x8: {  	[smem:$0x3FAC] =	sst s0  }
0x9: {  	[smem:$0x3FAD] =	sst s1  }
0xa: {  	[smem:$0x3FAE] =	sst s2  }
0xb: {  	[smem:$0x3FAF] =	sst s3  }
0xc: {  	[smem:$0x3FB0] =	sst s4  }
0xd: {  	[smem:$0x3FB1] =	sst s5  }
0xe: {  	[smem:$0x3FB2] =	sst s6  }
0xf: {  	[smem:$0x3FB3] =	sst s7  }
0x10: {  	[smem:$0x3FB4] =	sst s8  }
0x11: {  	[smem:$0x3FB5] =	sst s9;
	s0 =	simm.s32 @!p0 $0x0  }
0x12: {  	s1 =	sld [smem:$0x3F9B];
	s0 =	simm.s32 @p0 $0x1  }
0x13: {  	[smem:$0x3FB6] =	sst s0;
	s0 =	simm.s32 @!p1 $0x0  }
0x14: {  	s2 =	sld [smem:$0x3F9A];
	s0 =	simm.s32 @p1 $0x1  }
0x15: {  	[smem:$0x3FB7] =	sst s0;
	s0 =	simm.s32 @!p2 $0x0  }
0x16: {  	s3 =	sld [smem:$0x3FDB];
	s0 =	simm.s32 @p2 $0x1  }
0x17: {  	s4 =	simm.s32 $0x1BF5;
	[smem:$0x3FB9] =	sst s0  }
0x18: {  	s0 =	sld [smem:$0x3F9C];
	_ =	swait.ge [sflag:s4], $0x0  }
0x19: {  	s7 =	sld [smem:$0x3F9D]  }
0x1a: {  	s8 =	sadd.s32 $0xFFFFE003, lr  }
0x1b: {  	s9 =	sadd.s32 $0xFFFFFEF7, lr;
	s5 =	simm.s32 $0xFFFFFFFF;
	p2 =	slt.u32 s8, $0xFFFFF086  }
0x1c: {  	p1 =	slt.u32 s9, $0xF7A;
	s5 =	simm.s32 @!p2 $0x0  }
0x1d: {  	s5 =	simm.s32 @p1 $0x1;
	p0 =	seq.s32 s7, s2  }
0x1e: {  	s7 =	smul.u32 @!p0 $0xF7A, s2;
	p2 =	seq.s32 @!p0 s5, $0x0  }
0x1f: {  	s9 =	smul.u32 $0xF7A, s1;
	s8 =	simm.s32 @!p0 $0x1BF5;
	p2 =	por !p2, p0  }
0x20: {  	[sflag:s8] =	ssyncset.s32 @!p0 $0xFFFFF086;
	s6 =	sadd.s32 @!p0 s3, s7;
	s7 =	simm.s32 @!p0 $0x108  }
0x21: {  	s3 =	sadd.s32 s3, s9;
	s6 =	sadd.s32 @!p0 $0x88, s6;
	s7 =	simm.s32 @p2 $0x1082  }
0x22: {  	[simem:s7], [sflag:s8] =	dma.local @!p0 [hbm:s6], $0xF7A  }
0x23: {  	s9 =	sor.u32 $0xD0000000, s2;
	s6 =	simm.s32 $0x108;
	_ =	swait.ge @!p0 [sflag:s8], $0x0  }
0x24: {  	s3 =	sadd.s32 $0x88, s3;
	s6 =	simm.s32 @!p1 $0x1082;
	[sflag:s4] =	ssyncset.s32 $0xFFFFF086  }
0x25: {  	[simem:s6], [sflag:s4] =	dma.local [hbm:s3], $0xF7A  }
0x26: {  	[smem:$0x3F9D] =	sst s1;
	(tag) =	ssettag s2;
	_ =	strace s9  }
0x27: {  	s1 =	sld [smem:$0x3FAD]  }
0x28: {  	s2 =	sld [smem:$0x3FAE]  }
0x29: {  	s4 =	sld [smem:$0x3FB0]  }
0x2a: {  	p0 =	seq.s32 s5, $0x0;
	s5 =	sld [smem:$0x3FB1]  }
0x2b: {  	s6 =	sld [smem:$0x3FB2]  }
0x2c: {  	s7 =	sld [smem:$0x3FB3]  }
0x2d: {  	s3 =	simm.s32 $0x108;
	s8 =	sld [smem:$0x3FB4]  }
0x2e: {  	s3 =	simm.s32 @!p0 $0x1082;
	s9 =	sld [smem:$0x3FB5]  }
0x2f: {  	lr =	sadd.s32 s0, s3;
	s0 =	sld [smem:$0x3FAC]  }
0x30: {  	s3 =	sld [smem:$0x3FAF]  }
0x31: {  	[smem:$0x3FB8] =	sst s10  }
0x32: {  	s10 =	sld [smem:$0x3FB6];
	_ =	sdelay $0x3  }
0x33: {  	p0 =	seq.s32 s10, $0x1;
	s10 =	sld [smem:$0x3FB8];
	_ =	sdelay $0x3  }
0x34: {  	[smem:$0x3FB8] =	sst s10  }
0x35: {  	s10 =	sld [smem:$0x3FB7];
	_ =	sdelay $0x3  }
0x36: {  	p1 =	seq.s32 s10, $0x1;
	s10 =	sld [smem:$0x3FB8];
	_ =	sdelay $0x3  }
0x37: {  	[smem:$0x3FB8] =	sst s10  }
0x38: {  	s10 =	sld [smem:$0x3FB9]  }
0x39: {  	_ = 	snop;
	(pc) =	sbr.ind lr, $3  }
0x3a: {  	_ = 	snop  }
0x3b: {  	_ = 	snop  }
0x3c: {  	p2 =	seq.s32 s10, $0x1;
	s10 =	sld [smem:$0x3FB8]  }
0x3d: {  	_ =	shalt  }
0x3e: {  	_ =	shalt  }
0x3f: {  	_ =	shalt  }
0x40: {  	_ =	shalt  }
0x41: {  	_ =	shalt  }
0x42: {  	_ =	shalt  }
0x43: {  	_ =	shalt  }
0x44: {  	_ =	shalt  }
0x45: {  	_ =	shalt  }
0x46: {  	_ =	shalt  }
0x47: {  	_ =	shalt  }
0x48: {  	_ =	shalt  }
0x49: {  	_ =	shalt  }
0x4a: {  	_ =	shalt  }
0x4b: {  	_ =	shalt  }
0x4c: {  	_ =	shalt  }
0x4d: {  	_ =	shalt  }
0x4e: {  	_ =	shalt  }
0x4f: {  	_ =	shalt  }
0x50: {  	_ =	shalt  }
0x51: {  	_ =	shalt  }
0x52: {  	_ =	shalt  }
0x53: {  	_ =	shalt  }
0x54: {  	_ =	shalt  }
0x55: {  	_ =	shalt  }
0x56: {  	_ =	shalt  }
0x57: {  	_ =	shalt  }
0x58: {  	_ =	shalt  }
0x59: {  	_ =	shalt  }
0x5a: {  	_ =	shalt  }
0x5b: {  	_ =	shalt  }
0x5c: {  	_ =	shalt  }
0x5d: {  	_ =	shalt  }
0x5e: {  	_ =	shalt  }
0x5f: {  	_ =	shalt  }
0x60: {  	_ =	shalt  }
0x61: {  	_ =	shalt  }
0x62: {  	_ =	shalt  }
0x63: {  	_ =	shalt  }
0x64: {  	_ =	shalt  }
0x65: {  	_ =	shalt  }
0x66: {  	_ =	shalt  }
0x67: {  	_ =	shalt  }
0x68: {  	_ =	shalt  }
0x69: {  	_ =	shalt  }
0x6a: {  	_ =	shalt  }
0x6b: {  	_ =	shalt  }
0x6c: {  	_ =	shalt  }
0x6d: {  	_ =	shalt  }
0x6e: {  	_ =	shalt  }
0x6f: {  	_ =	shalt  }
0x70: {  	_ =	shalt  }
0x71: {  	_ =	shalt  }
0x72: {  	_ =	shalt  }
0x73: {  	_ =	shalt  }
0x74: {  	_ =	shalt  }
0x75: {  	_ =	shalt  }
0x76: {  	_ =	shalt  }
0x77: {  	_ =	shalt  }
0x78: {  	_ =	shalt  }
0x79: {  	_ =	shalt  }
0x7a: {  	_ =	shalt  }
0x7b: {  	_ =	shalt  }
0x7c: {  	_ =	shalt  }
0x7d: {  	_ =	shalt  }
0x7e: {  	_ =	shalt  }
0x7f: {  	_ =	shalt  }
0x80: {  	_ =	shalt  }
0x81: {  	_ =	shalt  }
0x82: {  	_ =	shalt  }
0x83: {  	_ =	shalt  }
0x84: {  	_ =	shalt  }
0x85: {  	_ =	shalt  }
0x86: {  	_ =	shalt  }
0x87: {  	_ =	shalt  }
.Lfunc_end0:
.L_simem_size_0:
called_computation.1_lowered:
.L_overlay_start_0:
0x88: {  	s2 =	sld [smem:$0x3FD9]  }
0x89: {  	s3 =	sld [smem:$0x3FFE];
	_ =	sdelay $0x1  }
0x8a: {  	s1 =	srdreg.scid  }
0x8b: {  	s0 =	sand.u32 $0x1, s1  }
0x8c: {  	s14 =	sshll.u32 s0, $0xA;
	s2 =	sadd.s32 s3, s2  }
0x8d: {  	s2 =	sadd.s32 s2, s14  }
0x8e: {  	[smem:$0x3FC4] =	sst s2  }
0x8f: {  	_ = 	snop  }
0x90: {  	s2 =	sld [smem:$0x3FD0];
	_ =	sdelay $0x2  }
0x91: {  	s15 =	simm.s32 $0xA;
	s4 =	simm.s32 $0x10  }
0x92: {  	[smem:s4], [sflag:s15] =	dma.local [hbm:s2], $0x1  }
0x93: {  	_ =	swait.eq [sflag:s15], $0x1  }
0x94: {  	[sflag:s15] =	ssyncset.done $0x0  }
0x95: {  	[sflag:s15] =	ssyncadd.s32 $0xFFFFFFFF  }
0x96: {  	s16 =	sld [smem:$0x10];
	(tm) =	ssettm $0x1  }
0x97: {  	s17 =	sld [smem:$0x3FFB];
	_ =	sdelay $0x3  }
0x98: {  	_ =	strace s17  }
0x99: {  	s3 =	sld [smem:$0x3FFC];
	_ =	sdelay $0x3  }
0x9a: {  	_ =	strace s3  }
0x9b: {  	s3 =	sld [smem:$0x3FFD];
	_ =	sdelay $0x3  }
0x9c: {  	_ =	strace s3  }
0x9d: {  	_ =	strace $0x8FFFFFFF  }
0x9e: {  	s18 =	sld [smem:$0x3FDB];
	_ =	sdelay $0x1  }
0x9f: {  	s19 =	simm.s32 $_scs_section_size  }
0xa0: {  	s5 =	simm.s32 $_size__tile_overlayer_lowered;
	s6 =	simm.s32 $_tile_overlayer_lowered  }
0xa1: {  	s22 =	simm.s32 $0x1BFF;
	s21 =	sshll.u32 s6, $0x1;
	s3 =	sadd.s32 s19, s18  }
0xa2: {  	s7 =	simm.s32 $0x0;
	s20 =	sshll.u32 s5, $0x1;
	s5 =	sadd.s32 s21, s3  }
0xa3: {  	[timem:s7], [sflag:s22] =	dma.local [hbm:s5], s20  }
0xa4: {  	_ =	swait.ge [sflag:s22], s20  }
0xa5: {  	s4 =	ssub.s32 $0x0, s20;
	[sflag:s22] =	ssyncset.done $0x0  }
0xa6: {  	[sflag:s22] =	ssyncadd.s32 s4;
	_ =	sdelay $0x1  }
0xa7: {  	s23 =	simm.s32 $0x1B8B  }
0xa8: {  	_ =	swait.ge [sflag:s23], $0x1  }
0xa9: {  	[sflag:s23] =	ssyncset.done $0x0  }
0xaa: {  	s25 =	simm.s32 $0x1B8E;
	s24 =	sld [smem:$0x3FFE];
	[sflag:s23] =	ssyncadd.s32 $0xFFFFFFFF  }
0xab: {  	s26 =	simm.s32 $execute0_lowered;
	[smem:$0x3FD2] =	sst s25  }
0xac: {  	s5 =	sshll.u32 s26, $0x1;
	_ =	strace $0x80000046;
	[dreg:$0x1] =	wrdreg $0xFFFFFFFF  }
0xad: {  	s28 =	simm.s32 $_size_execute0_lowered;
	s3 =	sadd.s32 s3, s5;
	[dreg:$0x0] =	wrdreg $0x0  }
0xae: {  	s5 =	sshll.u32 s28, $0x1;
	[dreg:$0x2] =	wrdreg s3  }
0xaf: {  	[dreg:$0x3] =	wrdreg s5  }
0xb0: {  	[dreg:$0x4] =	wrdreg $0xC0  }
0xb1: {  	_ =	task [dreg:s7], $0x5FFFF  }
0xb2: {  	[dreg:$0x1] =	wrdreg $0xFFFFFFFF  }
0xb3: {  	[dreg:$0x0] =	wrdreg $0x60  }
0xb4: {  	[dreg:$0x2] =	wrdreg s16  }
0xb5: {  	[dreg:$0x3] =	wrdreg s24  }
0xb6: {  	[dreg:$0x4] =	wrdreg $0x9  }
0xb7: {  	_ =	task.clear_ibuf [dreg:s7], $0x5FFFF;
	_ =	strace $0x90000046  }
0xb8: {  	s29 =	simm.s32 $0x9;
	_ =	strace $0x80000048  }
0xb9: {  	_ =	swait.ge [sflag:s29], $0x1  }
0xba: {  	[sflag:s29] =	ssyncadd.s32 $0xFFFFFFFF  }
0xbb: {  	_ =	strace $0x90000048  }
0xbc: {  	_ =	sfence  }
0xbd: {  	s30 =	sld [smem:$0x0];
	_ =	sdelay $0x2  }
0xbe: {  	s31 =	sshll.u32 s1, $0xD;
	s1 =	sshrl.u32 s1, $0x2  }
0xbf: {  	s3 =	sand.u32 $0x4000, s31;
	s1 =	sadd.s32 s1, s30  }
0xc0: {  	s0 =	sor.u32 s3, s0;
	s1 =	sshll.u32 s1, $0x11  }
0xc1: {  	s0 =	sor.u32 s1, s0  }
0xc2: {  	s0 =	sadd.s32 $0x8F2B, s0  }
0xc3: {  	[sflag:s0] =	ssyncadd.remote.s32 $0x1  }
0xc4: {  	_ =	sfence.sel $0xFFFF  }
0xc5: {  	[dreg:$0x0] =	wrdreg $0xFFFFFFFF;
	(pc) =	sbr.abs _section_cstart, $3  }
0xc6: {  	[dreg:$0x1] =	wrdreg $0xFFFFFFFF  }
0xc7: {  	_ =	task.clear_ibuf [dreg:s7], $0x2FFFF;
	_ =	strace $0x9FFFFFFF  }
0xc8: {  	(tm) =	ssettm $0x7FFFFFFF  }
0xc9: {  	_ =	shalt  }
tec
execute0_lowered:
.L_overlay_start_1:
0x0: {  	(tag) =	ssettag $0x1  }
0x1: {  	s0 =	srdreg.scid;
	s4 =	rddreg [dreg:$0x0]  }
0x2: {  	s1 =	stileid.u32;
	s6 =	rddreg [dreg:$0x1];
	s3 =	simm.s32 $0x0  }
0x3: {  	s12 =	simm.s32 $0x80;
	s13 =	simm.s32 $0xC840;
	s14 =	simm.s32 $0x10840  }
0x4: {  	s15 =	simm.s32 $0x1;
	s0 =	sand.u32 $0x1, s0;
	s1 =	sshll.u32 s1, $0x1  }
0x5: {  	s16 =	simm.s32 $0x2;
	s1 =	sor.u32 s0, s1;
	s0 =	ssub.s32 $0x2, s0  }
0x6: {  	[smem:$0x7FF] =	sst s3;
	s2 =	smul.u32 $0x6400, s1;
	s8 =	sshrl.u32 s0, $0x1  }
0x7: {  	s5 =	sadd.s32 $0xF5BE00, s6;
	_ =	strace $0x80000047;
	s0 =	ssub.s32 s0, s8  }
0x8: {  	[dreg:$0x3] =	wrdreg s5;
	s1 =	sshrl.u32 s2, $0x3;
	s0 =	smax.u32 s0, $0x1  }
0x9: {  	s7 =	sadd.s32 s1, s6;
	s1 =	sadd.s32 s4, s1;
	[dreg:$0x6] =	wrdreg s0  }
0xa: {  	s19 =	simm.s32 $0x0;
	[dreg:$0x4] =	wrdreg s1;
	s31 =	sadd.s32 $0xA00, s7  }
0xb: {  	s5 =	sadd.s32 $0x19A00, s6;
	s6 =	sadd.s32 $0xF5C000, s6;
	[dreg:$0x5] =	wrdreg s31  }
.LBB2_1:
0xc: {  	s0 =	rddreg [dreg:$0x4];
	s1 =	simm.s32 $0x5  }
0xd: {  	[tilespmem:s3], [sflag:$0x5] =	stream.linear.gather [hbm4b:s0+s3], $0x6400, $0x38;
	[tilespmem:$0x14840] =	vst v63  }
0xe: {  	_ =	swait.ge [sflag:s1], $0x6400  }
0xf: {  	[sflag:s1] =	ssyncset.done $0x0  }
0x10: {  	s20 =	simm.s32 $0x6400;
	s30 =	rddreg [dreg:$0x5];
	[sflag:s1] =	ssyncadd.s32 $0xFFFF9C00  }
0x11: {  	[tilespmem:s20], [sflag:$0x5] =	stream.linear.gather [hbm4b:s30+s3], $0x6400, $0x38;
	[tilespmem:$0x14840] =	vst v63  }
0x12: {  	_ =	swait.ge [sflag:s1], $0x6400  }
0x13: {  	[sflag:s1] =	ssyncset.done $0x0  }
0x14: {  	s4 =	simm.s32 $0xC800;
	s31 =	rddreg [dreg:$0x3];
	[sflag:s1] =	ssyncadd.s32 $0xFFFF9C00  }
0x15: {  	[tilespmem:s4], [sflag:$0x5] =	stream.linear.gather [hbm4b:s31+s3], $0x40, $0x38;
	[tilespmem:$0x14840] =	vst v63  }
0x16: {  	_ =	swait.ge [sflag:s1], $0x40  }
0x17: {  	[sflag:s1] =	ssyncset.done $0x0  }
0x18: {  	[sflag:s1] =	ssyncadd.s32 $0xFFFFFFC0  }
0x19: {  	v0 =	vld [tilespmem:$0xC800]  }
0x1a: {  	v1 =	vld [tilespmem:$0xC810]  }
0x1b: {  	v2 =	vld [tilespmem:$0xC820]  }
0x1c: {  	v3 =	vld [tilespmem:$0xC830];
	_ =	sdelay $0x3  }
0x1d: {  	s21 =	simm.s32 $0x6480;
	s22 =	simm.s32 $0x0;
	v0 =	vsub.f32 $0.0e+00, v0;
	v1 =	vsub.f32 $0.0e+00, v1  }
0x1e: {  	[tilespmem:s13], [sflag:$0x1] =	stream.indirect.gather [hbm4b:s5+s12], $0x80, s3, s12, $0xb8;
	v2 =	vsub.f32 $0.0e+00, v2;
	v3 =	vsub.f32 $0.0e+00, v3;
	[tilespmem:$0x14840] =	vst v63  }
.LBB2_2:
0x1f: {  	p0 =	seq.s32 s22, $0x0  }
0x20: {  	s0 =	simm.s32 @!p0 $0x4  }
0x21: {  	s1 =	sshllo.u32 s22, $0x1;
	_ =	swait.ge @!p0 [sflag:s0], $0x4000  }
0x22: {  	s23 =	sshll.u32 s1, $0x7;
	[sflag:s0] =	ssyncset.done @!p0 $0x0  }
0x23: {  	v4 =	vmov s20;
	s28 =	sand.u32 $0x3FFFFF80, s23;
	[sflag:s0] =	ssyncadd.s32 @!p0 $0xFFFFC000  }
0x24: {  	[tilespmem:s14], [sflag:$0x2] =	stream.indirect.gather [hbm4b:s5+s12], $0x80, s28, s12, $0xb8;
	[tilespmem:$0x14840] =	vst v63  }
0x25: {  	_ =	swait.ge [sflag:s15], $0x4000  }
0x26: {  	[sflag:s15] =	ssyncset.done $0x0  }
0x27: {  	s29 =	simm.s32 $0x0;
	[sflag:s15] =	ssyncadd.s32 $0xFFFFC000  }
0x28: {  	v5 =	vld.idx.msk [tilespmem:v4+s29+$0x0 ss:$0x1], $0xffff;
	_ =	sdelay $0x4  }
0x29: {  	(v2sf) =	vpush v5, $0x0;
	_ =	sdelay $0x3  }
0x2a: {  	(v2sf) =	vpush v5, $0x1;
	_ =	sdelay $0x1  }
0x2b: {  	(v2sf) =	vpush v5, $0x2  }
0x2c: {  	(v2sf) =	vpush v5, $0x3  }
0x2d: {  	(v2sf) =	vpush v5, $0x4  }
0x2e: {  	(v2sf) =	vpush v5, $0x5  }
0x2f: {  	(v2sf) =	vpush v5, $0x6  }
0x30: {  	(v2sf) =	vpush v5, $0x7  }
0x31: {  	(v2sf) =	vpush v5, $0x8  }
0x32: {  	(v2sf) =	vpush v5, $0x9  }
0x33: {  	s24 =	simm.s32 $0xCC40;
	(v2sf) =	vpush v5, $0xA  }
0x34: {  	v6 =	vld [tilespmem:s24+$0xFFFFFC00];
	(v2sf) =	vpush v5, $0xB;
	s30 =	spop (v2sf)  }
0x35: {  	s0 =	simm.f32 $-Inf;
	v7 =	vld [tilespmem:s24+$0xFFFFFC10];
	(v2sf) =	vpush v5, $0xC;
	p0 =	seq.s32 s30, $0x0  }
0x36: {  	v8 =	vld [tilespmem:s24+$0xFFFFFC20];
	(v2sf) =	vpush v5, $0xD;
	s0 =	simm.s32 @!p0 $0x0  }
0x37: {  	v9 =	vld [tilespmem:s24+$0xFFFFFC30];
	(v2sf) =	vpush v5, $0xE;
	v10 =	vadd.f32 s0, v0  }
0x38: {  	v12 =	vld [tilespmem:s24+$0xFFFFFC90];
	(v2sf) =	vpush v5, $0xF;
	s31 =	spop (v2sf);
	v5 =	vadd.f32 s0, v1  }
0x39: {  	s1 =	simm.f32 $-Inf;
	v11 =	vld [tilespmem:s24+$0xFFFFFC80];
	p0 =	seq.s32 s31, $0x0;
	v13 =	vadd.f32 s0, v2;
	v6 =	vadd.f32 v10, v6  }
0x3a: {  	v14 =	vld [tilespmem:s24+$0xFFFFFCB0];
	s1 =	simm.s32 @!p0 $0x0;
	v26 =	vadd.f32 s0, v3;
	v5 =	vadd.f32 v5, v7  }
0x3b: {  	v30 =	vld [tilespmem:s24+$0xFFFFFD20];
	s4 =	spop (v2sf);
	v27 =	vadd.f32 s1, v1;
	v8 =	vadd.f32 v13, v8;
	[tilespmem:s24+$0xFFFFFC00] =	vst v6  }
0x3c: {  	p0 =	seq.s32 s4, $0x0;
	s0 =	simm.f32 $-Inf;
	v7 =	vld [tilespmem:s24+$0xFFFFFCA0];
	v9 =	vadd.f32 v9, v26;
	v6 =	vadd.f32 s1, v0;
	[tilespmem:s24+$0xFFFFFC10] =	vst v5  }
0x3d: {  	s0 =	simm.s32 @!p0 $0x0;
	v29 =	vadd.f32 s1, v3;
	v10 =	vadd.f32 v12, v27;
	v5 =	vld [tilespmem:s24+$0xFFFFFD00];
	[tilespmem:s24+$0xFFFFFC20] =	vst v8  }
0x3e: {  	v28 =	vld [tilespmem:s24+$0xFFFFFD10];
	v35 =	vadd.f32 s0, v2;
	[tilespmem:s24+$0xFFFFFC30] =	vst v9;
	v6 =	vadd.f32 v11, v6  }
0x3f: {  	v34 =	vld [tilespmem:s24+$0xFFFFFD90];
	s7 =	spop (v2sf);
	v15 =	vadd.f32 s1, v2;
	v8 =	vadd.f32 v14, v29;
	[tilespmem:s24+$0xFFFFFC90] =	vst v10  }
0x40: {  	v31 =	vld [tilespmem:s24+$0xFFFFFD30];
	p0 =	seq.s32 s7, $0x0;
	s1 =	simm.f32 $-Inf;
	v11 =	vadd.f32 v30, v35;
	[tilespmem:s24+$0xFFFFFC80] =	vst v6;
	v6 =	vadd.f32 s0, v0  }
0x41: {  	v33 =	vld [tilespmem:s24+$0xFFFFFD80];
	v32 =	vadd.f32 s0, v1;
	s1 =	simm.s32 @!p0 $0x0;
	[tilespmem:s24+$0xFFFFFCB0] =	vst v8;
	v7 =	vadd.f32 v7, v15  }
0x42: {  	v36 =	vld [tilespmem:s24+$0xFFFFFDA0];
	v38 =	vadd.f32 s1, v1;
	[tilespmem:s24+$0xFFFFFD20] =	vst v11;
	v5 =	vadd.f32 v5, v6  }
0x43: {  	v37 =	vld [tilespmem:s24+$0xFFFFFDB0];
	[tilespmem:s24+$0xFFFFFCA0] =	vst v7;
	v7 =	vadd.f32 v28, v32;
	v6 =	vadd.f32 s0, v3  }
0x44: {  	v39 =	vld [tilespmem:s24+$0xFFFFFE10];
	s8 =	spop (v2sf);
	v9 =	vadd.f32 v34, v38;
	[tilespmem:s24+$0xFFFFFD00] =	vst v5;
	v5 =	vadd.f32 s1, v0  }
0x45: {  	p0 =	seq.s32 s8, $0x0;
	v40 =	vadd.f32 s1, v2;
	s0 =	simm.f32 $-Inf;
	[tilespmem:s24+$0xFFFFFD10] =	vst v7;
	v7 =	vld [tilespmem:s24+$0xFFFFFE00];
	v6 =	vadd.f32 v31, v6  }
0x46: {  	v42 =	vld [tilespmem:s24+$0xFFFFFE20];
	v41 =	vadd.f32 s1, v3;
	[tilespmem:s24+$0xFFFFFD90] =	vst v9;
	s0 =	simm.s32 @!p0 $0x0;
	v5 =	vadd.f32 v33, v5  }
0x47: {  	v47 =	vld [tilespmem:s24+$0xFFFFFEA0];
	s9 =	spop (v2sf);
	v12 =	vadd.f32 v36, v40;
	v43 =	vadd.f32 s0, v1;
	[tilespmem:s24+$0xFFFFFD30] =	vst v6  }
0x48: {  	v8 =	vadd.f32 v37, v41;
	p0 =	seq.s32 s9, $0x0;
	s1 =	simm.f32 $-Inf;
	v6 =	vld [tilespmem:s24+$0xFFFFFE30];
	[tilespmem:s24+$0xFFFFFD80] =	vst v5;
	v5 =	vadd.f32 s0, v0  }
0x49: {  	v44 =	vld [tilespmem:s24+$0xFFFFFE80];
	[tilespmem:s24+$0xFFFFFDA0] =	vst v12;
	v46 =	vadd.f32 s0, v2;
	s1 =	simm.s32 @!p0 $0x0;
	v10 =	vadd.f32 v39, v43  }
0x4a: {  	v45 =	vld [tilespmem:s24+$0xFFFFFE90];
	[tilespmem:s24+$0xFFFFFDB0] =	vst v8;
	v51 =	vadd.f32 s1, v2;
	v5 =	vadd.f32 v7, v5  }
0x4b: {  	v48 =	vld [tilespmem:s24+$0xFFFFFEB0];
	v11 =	vadd.f32 v42, v46;
	[tilespmem:s24+$0xFFFFFE10] =	vst v10;
	v7 =	vadd.f32 s0, v3  }
0x4c: {  	v50 =	vld [tilespmem:s24+$0xFFFFFF10];
	s10 =	spop (v2sf);
	v12 =	vadd.f32 v47, v51;
	[tilespmem:s24+$0xFFFFFE00] =	vst v5;
	v5 =	vadd.f32 s1, v0  }
0x4d: {  	v49 =	vld [tilespmem:s24+$0xFFFFFF00];
	p0 =	seq.s32 s10, $0x0;
	[tilespmem:s24+$0xFFFFFE20] =	vst v11;
	s0 =	simm.f32 $-Inf;
	v6 =	vadd.f32 v6, v7;
	v7 =	vadd.f32 s1, v1  }
0x4e: {  	v53 =	vld [tilespmem:s24+$0xFFFFFF20];
	v52 =	vadd.f32 s1, v3;
	[tilespmem:s24+$0xFFFFFEA0] =	vst v12;
	s0 =	simm.s32 @!p0 $0x0;
	v5 =	vadd.f32 v44, v5  }
0x4f: {  	v55 =	vld [tilespmem:s24+$0xFFFFFF90];
	s11 =	spop (v2sf);
	v54 =	vadd.f32 s0, v1;
	v7 =	vadd.f32 v45, v7;
	[tilespmem:s24+$0xFFFFFE30] =	vst v6  }
0x50: {  	v8 =	vadd.f32 v48, v52;
	p0 =	seq.s32 s11, $0x0;
	s1 =	simm.f32 $-Inf;
	v6 =	vld [tilespmem:s24+$0xFFFFFF30];
	[tilespmem:s24+$0xFFFFFE80] =	vst v5;
	v5 =	vadd.f32 s0, v0  }
0x51: {  	v56 =	vadd.f32 s0, v2;
	s1 =	simm.s32 @!p0 $0x0;
	v9 =	vadd.f32 v50, v54;
	[tilespmem:s24+$0xFFFFFE90] =	vst v7;
	v7 =	vld [tilespmem:s24+$0xFFFFFF80]  }
0x52: {  	v58 =	vld [tilespmem:s24+$0xFFFFFFA0];
	[tilespmem:s24+$0xFFFFFEB0] =	vst v8;
	v60 =	vadd.f32 s1, v1;
	v5 =	vadd.f32 v49, v5  }
0x53: {  	v62 =	vld [tilespmem:s24+$0x10];
	s17 =	spop (v2sf);
	v57 =	vadd.f32 s0, v3;
	v11 =	vadd.f32 v53, v56;
	[tilespmem:s24+$0xFFFFFF10] =	vst v9  }
0x54: {  	v59 =	vld [tilespmem:s24+$0xFFFFFFB0];
	p0 =	seq.s32 s17, $0x0;
	s0 =	simm.f32 $-Inf;
	v10 =	vadd.f32 v55, v60;
	[tilespmem:s24+$0xFFFFFF00] =	vst v5;
	v5 =	vadd.f32 s1, v0  }
0x55: {  	v61 =	vld [tilespmem:s24+$0x0];
	v63 =	vadd.f32 s1, v2;
	[tilespmem:s24+$0xFFFFFF20] =	vst v11;
	s0 =	simm.s32 @!p0 $0x0;
	v6 =	vadd.f32 v6, v57  }
0x56: {  	v18 =	vld [tilespmem:s24+$0x20];
	v19 =	vadd.f32 s0, v1;
	[tilespmem:s24+$0xFFFFFF90] =	vst v10;
	v5 =	vadd.f32 v7, v5  }
0x57: {  	v12 =	vadd.f32 v58, v63;
	[tilespmem:s24+$0xFFFFFF30] =	vst v6;
	v6 =	vld [tilespmem:s24+$0x30];
	v7 =	vadd.f32 s1, v3  }
0x58: {  	v21 =	vld [tilespmem:s24+$0x90];
	s18 =	spop (v2sf);
	v8 =	vadd.f32 v62, v19;
	[tilespmem:s24+$0xFFFFFF80] =	vst v5;
	v5 =	vadd.f32 s0, v0  }
0x59: {  	v20 =	vld [tilespmem:s24+$0x80];
	p0 =	seq.s32 s18, $0x0;
	v22 =	vadd.f32 s0, v2;
	[tilespmem:s24+$0xFFFFFFA0] =	vst v12;
	s1 =	simm.f32 $-Inf;
	v7 =	vadd.f32 v59, v7  }
0x5a: {  	v24 =	vld [tilespmem:s24+$0xA0];
	v23 =	vadd.f32 s0, v3;
	[tilespmem:s24+$0x10] =	vst v8;
	s1 =	simm.s32 @!p0 $0x0;
	v5 =	vadd.f32 v61, v5  }
0x5b: {  	v27 =	vld [tilespmem:s24+$0x110];
	s25 =	spop (v2sf);
	v11 =	vadd.f32 v18, v22;
	v25 =	vadd.f32 s1, v1;
	[tilespmem:s24+$0xFFFFFFB0] =	vst v7  }
0x5c: {  	p0 =	seq.s32 s25, $0x0;
	s0 =	simm.f32 $-Inf;
	v7 =	vld [tilespmem:s24+$0xB0];
	v6 =	vadd.f32 v6, v23;
	[tilespmem:s24+$0x0] =	vst v5;
	v5 =	vadd.f32 s1, v0  }
0x5d: {  	v26 =	vld [tilespmem:s24+$0x100];
	[tilespmem:s24+$0x20] =	vst v11;
	v28 =	vadd.f32 s1, v2;
	s0 =	simm.s32 @!p0 $0x0;
	v9 =	vadd.f32 v21, v25  }
0x5e: {  	v30 =	vld [tilespmem:s24+$0x120];
	v31 =	vadd.f32 s0, v1;
	[tilespmem:s24+$0x30] =	vst v6;
	v5 =	vadd.f32 v20, v5  }
0x5f: {  	s26 =	spop (v2sf);
	v33 =	vld [tilespmem:s24+$0x190];
	v29 =	vadd.f32 s1, v3;
	v12 =	vadd.f32 v24, v28;
	[tilespmem:s24+$0x90] =	vst v9  }
0x60: {  	p0 =	seq.s32 s26, $0x0;
	v6 =	vld [tilespmem:s24+$0x130];
	s1 =	simm.f32 $-Inf;
	v10 =	vadd.f32 v27, v31;
	[tilespmem:s24+$0x80] =	vst v5;
	v5 =	vadd.f32 s0, v0  }
0x61: {  	v32 =	vld [tilespmem:s24+$0x180];
	v34 =	vadd.f32 s0, v2;
	[tilespmem:s24+$0xA0] =	vst v12;
	s1 =	simm.s32 @!p0 $0x0;
	v7 =	vadd.f32 v7, v29  }
0x62: {  	v36 =	vld [tilespmem:s24+$0x1A0];
	v37 =	vadd.f32 s1, v1;
	[tilespmem:s24+$0x110] =	vst v10;
	v5 =	vadd.f32 v26, v5  }
0x63: {  	s28 =	spop (v2sf);
	v39 =	vld [tilespmem:s24+$0x210];
	v35 =	vadd.f32 s0, v3;
	v11 =	vadd.f32 v30, v34;
	[tilespmem:s24+$0xB0] =	vst v7  }
0x64: {  	p0 =	seq.s32 s28, $0x0;
	s0 =	simm.f32 $-Inf;
	v8 =	vadd.f32 v33, v37;
	v7 =	vld [tilespmem:s24+$0x1B0];
	[tilespmem:s24+$0x100] =	vst v5;
	v5 =	vadd.f32 s1, v0  }
0x65: {  	v38 =	vld [tilespmem:s24+$0x200];
	v40 =	vadd.f32 s1, v2;
	[tilespmem:s24+$0x120] =	vst v11;
	v6 =	vadd.f32 v6, v35;
	s0 =	simm.s32 @!p0 $0x0  }
0x66: {  	v42 =	vld [tilespmem:s24+$0x220];
	v43 =	vadd.f32 s0, v1;
	[tilespmem:s24+$0x190] =	vst v8;
	v5 =	vadd.f32 v32, v5  }
0x67: {  	v41 =	vadd.f32 s1, v3;
	v12 =	vadd.f32 v36, v40;
	[tilespmem:s24+$0x130] =	vst v6;
	v6 =	vld [tilespmem:s24+$0x230]  }
0x68: {  	s29 =	spop (v2sf);
	v45 =	vld [tilespmem:s24+$0x290];
	v9 =	vadd.f32 v39, v43;
	[tilespmem:s24+$0x180] =	vst v5;
	v5 =	vadd.f32 s0, v0  }
0x69: {  	v44 =	vld [tilespmem:s24+$0x280];
	p0 =	seq.s32 s29, $0x0;
	v46 =	vadd.f32 s0, v2;
	[tilespmem:s24+$0x1A0] =	vst v12;
	s1 =	simm.f32 $-Inf;
	v7 =	vadd.f32 v7, v41  }
0x6a: {  	v48 =	vld [tilespmem:s24+$0x2A0];
	v47 =	vadd.f32 s0, v3;
	s1 =	simm.s32 @!p0 $0x0;
	[tilespmem:s24+$0x210] =	vst v9;
	v5 =	vadd.f32 v38, v5  }
0x6b: {  	s30 =	spop (v2sf);
	v51 =	vld [tilespmem:s24+$0x310];
	v11 =	vadd.f32 v42, v46;
	v49 =	vadd.f32 s1, v1;
	[tilespmem:s24+$0x1B0] =	vst v7  }
0x6c: {  	p0 =	seq.s32 s30, $0x0;
	v7 =	vld [tilespmem:s24+$0x2B0];
	v6 =	vadd.f32 v6, v47;
	s0 =	simm.f32 $-Inf;
	[tilespmem:s24+$0x200] =	vst v5;
	v5 =	vadd.f32 s1, v0  }
0x6d: {  	v50 =	vld [tilespmem:s24+$0x300];
	v52 =	vadd.f32 s1, v2;
	[tilespmem:s24+$0x220] =	vst v11;
	v10 =	vadd.f32 v45, v49;
	s0 =	simm.s32 @!p0 $0x0  }
0x6e: {  	v54 =	vld [tilespmem:s24+$0x320];
	[tilespmem:s24+$0x230] =	vst v6;
	v55 =	vadd.f32 s0, v1;
	v5 =	vadd.f32 v44, v5  }
0x6f: {  	v53 =	vadd.f32 s1, v3;
	v12 =	vadd.f32 v48, v52;
	v6 =	vld [tilespmem:s24+$0x330];
	[tilespmem:s24+$0x290] =	vst v10  }
0x70: {  	s31 =	spop (v2sf);
	v57 =	vld [tilespmem:s24+$0x390];
	v8 =	vadd.f32 v51, v55;
	[tilespmem:s24+$0x280] =	vst v5;
	v5 =	vadd.f32 s0, v0  }
0x71: {  	v56 =	vld [tilespmem:s24+$0x380];
	p0 =	seq.s32 s31, $0x0;
	v58 =	vadd.f32 s0, v2;
	[tilespmem:s24+$0x2A0] =	vst v12;
	s1 =	simm.f32 $-Inf;
	v7 =	vadd.f32 v7, v53  }
0x72: {  	v60 =	vld [tilespmem:s24+$0x3A0];
	v59 =	vadd.f32 s0, v3;
	s1 =	simm.s32 @!p0 $0x0;
	[tilespmem:s24+$0x310] =	vst v8;
	v5 =	vadd.f32 v50, v5  }
0x73: {  	v11 =	vadd.f32 v54, v58;
	v61 =	vadd.f32 s1, v1;
	[tilespmem:s24+$0x2B0] =	vst v7;
	v7 =	vld [tilespmem:s24+$0x3B0]  }
0x74: {  	v6 =	vadd.f32 v6, v59;
	[tilespmem:s24+$0x300] =	vst v5;
	v5 =	vadd.f32 s1, v0  }
0x75: {  	v62 =	vadd.f32 s1, v2;
	[tilespmem:s24+$0x320] =	vst v11;
	v9 =	vadd.f32 v57, v61  }
0x76: {  	v63 =	vadd.f32 s1, v3;
	[tilespmem:s24+$0x330] =	vst v6;
	v5 =	vadd.f32 v56, v5  }
0x77: {  	v6 =	vadd.f32 v60, v62;
	[tilespmem:s24+$0x390] =	vst v9  }
0x78: {  	[tilespmem:s24+$0x380] =	vst v5;
	v5 =	vadd.f32 v7, v63  }
0x79: {  	[tilespmem:s24+$0x3A0] =	vst v6  }
0x7a: {  	s25 =	sshll.u32 s22, $0x8;
	s26 =	simm.s32 $0x80;
	s0 =	simm.s32 $0x10;
	[tilespmem:s24+$0x3B0] =	vst v5  }
.LBB2_3:
0x7b: {  	p0 =	sne.s32 s26, $0x1C0;
	v5 =	vld.idx.msk [tilespmem:v4+s0+$0x0 ss:$0x1], $0xffff;
	_ =	sdelay $0x5  }
0x7c: {  	(v2sf) =	vpush v5, $0x0  }
0x7d: {  	(v2sf) =	vpush v5, $0x1  }
0x7e: {  	(v2sf) =	vpush v5, $0x2  }
0x7f: {  	(v2sf) =	vpush v5, $0x3  }
0x80: {  	(v2sf) =	vpush v5, $0x4  }
0x81: {  	(v2sf) =	vpush v5, $0x5  }
0x82: {  	(v2sf) =	vpush v5, $0x6  }
0x83: {  	(v2sf) =	vpush v5, $0x7  }
0x84: {  	(v2sf) =	vpush v5, $0x8  }
0x85: {  	(v2sf) =	vpush v5, $0x9  }
0x86: {  	(v2sf) =	vpush v5, $0xA  }
0x87: {  	(v2sf) =	vpush v5, $0xB  }
0x88: {  	s24 =	sadd.s32 $0x800, s24;
	(v2sf) =	vpush v5, $0xC  }
0x89: {  	v6 =	vld [tilespmem:s24+$0xFFFFFC30];
	(v2sf) =	vpush v5, $0xD  }
0x8a: {  	s1 =	simm.f32 $-Inf;
	s4 =	simm.f32 $-Inf;
	s18 =	simm.f32 $-Inf;
	v7 =	vld [tilespmem:s24+$0xFFFFFC10];
	(v2sf) =	vpush v5, $0xE  }
0x8b: {  	s17 =	simm.f32 $-Inf;
	s9 =	simm.f32 $-Inf;
	v8 =	vld [tilespmem:s24+$0xFFFFFC00];
	s0 =	spop (v2sf);
	(v2sf) =	vpush v5, $0xF  }
0x8c: {  	s8 =	simm.f32 $-Inf;
	p1 =	seq.s32 s0, $0x0;
	s0 =	spop (v2sf)  }
0x8d: {  	s11 =	simm.f32 $-Inf;
	v5 =	vld [tilespmem:s24+$0xFFFFFC20];
	s1 =	simm.s32 @!p1 $0x0;
	p1 =	seq.s32 s0, $0x0  }
0x8e: {  	s31 =	simm.f32 $-Inf;
	v9 =	vld [tilespmem:s24+$0xFFFFFCB0];
	s0 =	spop (v2sf);
	s4 =	simm.s32 @!p1 $0x0  }
0x8f: {  	v10 =	vadd.f32 s1, v0;
	v11 =	vadd.f32 s1, v1;
	v12 =	vld [tilespmem:s24+$0xFFFFFC90];
	p1 =	seq.s32 s0, $0x0;
	s7 =	spop (v2sf);
	s0 =	simm.f32 $-Inf  }
0x90: {  	v13 =	vadd.f32 s1, v2;
	v14 =	vadd.f32 s1, v3;
	v15 =	vld [tilespmem:s24+$0xFFFFFC80];
	s0 =	simm.s32 @!p1 $0x0;
	p1 =	seq.s32 s7, $0x0;
	s1 =	spop (v2sf)  }
0x91: {  	v8 =	vadd.f32 v10, v8;
	v7 =	vadd.f32 v11, v7;
	v10 =	vld [tilespmem:s24+$0xFFFFFCA0];
	s18 =	simm.s32 @!p1 $0x0;
	p1 =	seq.s32 s1, $0x0;
	s1 =	spop (v2sf)  }
0x92: {  	s17 =	simm.s32 @!p1 $0x0;
	p1 =	seq.s32 s1, $0x0;
	s1 =	spop (v2sf)  }
0x93: {  	s30 =	simm.f32 $-Inf;
	v6 =	vadd.f32 v6, v14;
	v5 =	vadd.f32 v13, v5;
	v11 =	vld [tilespmem:s24+$0xFFFFFD30];
	s9 =	simm.s32 @!p1 $0x0;
	p1 =	seq.s32 s1, $0x0  }
0x94: {  	s7 =	simm.f32 $-Inf;
	v13 =	vadd.f32 s4, v1;
	[tilespmem:s24+$0xFFFFFC00] =	vst v8;
	v8 =	vadd.f32 s4, v0;
	v14 =	vld [tilespmem:s24+$0xFFFFFD10];
	s1 =	spop (v2sf);
	s8 =	simm.s32 @!p1 $0x0  }
0x95: {  	v16 =	vadd.f32 s4, v3;
	[tilespmem:s24+$0xFFFFFC10] =	vst v7;
	v7 =	vadd.f32 s4, v2;
	v17 =	vld [tilespmem:s24+$0xFFFFFD00];
	p1 =	seq.s32 s1, $0x0;
	s1 =	spop (v2sf);
	s4 =	simm.f32 $-Inf  }
0x96: {  	[tilespmem:s24+$0xFFFFFC20] =	vst v5;
	v5 =	vadd.f32 v15, v8;
	v8 =	vadd.f32 v12, v13;
	v12 =	vld [tilespmem:s24+$0xFFFFFD20];
	s7 =	simm.s32 @!p1 $0x0;
	p1 =	seq.s32 s1, $0x0;
	s1 =	spop (v2sf)  }
0x97: {  	[tilespmem:s24+$0xFFFFFC30] =	vst v6;
	v6 =	vadd.f32 v10, v7;
	v7 =	vadd.f32 v9, v16;
	v9 =	vld [tilespmem:s24+$0xFFFFFDB0];
	s4 =	simm.s32 @!p1 $0x0;
	p1 =	seq.s32 s1, $0x0;
	s1 =	spop (v2sf)  }
0x98: {  	v10 =	vadd.f32 s0, v1;
	[tilespmem:s24+$0xFFFFFC80] =	vst v5;
	v5 =	vadd.f32 s0, v0;
	v13 =	vld [tilespmem:s24+$0xFFFFFD90];
	s11 =	simm.s32 @!p1 $0x0;
	p1 =	seq.s32 s1, $0x0;
	s1 =	spop (v2sf)  }
0x99: {  	s29 =	simm.f32 $-Inf;
	v15 =	vadd.f32 s0, v3;
	[tilespmem:s24+$0xFFFFFC90] =	vst v8;
	v8 =	vadd.f32 s0, v2;
	s0 =	simm.f32 $-Inf;
	s28 =	spop (v2sf)  }
0x9a: {  	v16 =	vld [tilespmem:s24+$0xFFFFFD80];
	s0 =	simm.s32 @!p1 $0x0;
	p1 =	seq.s32 s1, $0x0;
	s1 =	simm.f32 $-Inf  }
0x9b: {  	v5 =	vadd.f32 v17, v5;
	[tilespmem:s24+$0xFFFFFCA0] =	vst v6;
	v6 =	vadd.f32 v14, v10;
	v10 =	vld [tilespmem:s24+$0xFFFFFDA0];
	s1 =	simm.s32 @!p1 $0x0;
	p1 =	seq.s32 s28, $0x0;
	s28 =	spop (v2sf)  }
0x9c: {  	[tilespmem:s24+$0xFFFFFCB0] =	vst v7;
	v7 =	vadd.f32 v12, v8;
	v8 =	vadd.f32 v11, v15;
	v11 =	vld [tilespmem:s24+$0xFFFFFE30];
	s31 =	simm.s32 @!p1 $0x0;
	p1 =	seq.s32 s28, $0x0;
	s28 =	spop (v2sf)  }
0x9d: {  	v12 =	vadd.f32 s18, v1;
	[tilespmem:s24+$0xFFFFFD00] =	vst v5;
	v5 =	vadd.f32 s18, v0;
	v14 =	vld [tilespmem:s24+$0xFFFFFE10];
	s30 =	simm.s32 @!p1 $0x0;
	p1 =	seq.s32 s28, $0x0;
	s28 =	spop (v2sf)  }
0x9e: {  	v15 =	vadd.f32 s18, v3;
	[tilespmem:s24+$0xFFFFFD10] =	vst v6;
	v6 =	vadd.f32 s18, v2;
	v17 =	vld [tilespmem:s24+$0xFFFFFE00];
	s29 =	simm.s32 @!p1 $0x0;
	p1 =	seq.s32 s28, $0x0;
	s28 =	simm.f32 $-Inf  }
0x9f: {  	[tilespmem:s24+$0xFFFFFD20] =	vst v7;
	v5 =	vadd.f32 v16, v5;
	v7 =	vadd.f32 v13, v12;
	v12 =	vld [tilespmem:s24+$0xFFFFFE20];
	s28 =	simm.s32 @!p1 $0x0  }
0xa0: {  	[tilespmem:s24+$0xFFFFFD30] =	vst v8;
	v6 =	vadd.f32 v10, v6;
	v8 =	vadd.f32 v9, v15;
	v9 =	vld [tilespmem:s24+$0xFFFFFEB0]  }
0xa1: {  	v10 =	vadd.f32 s17, v1;
	[tilespmem:s24+$0xFFFFFD80] =	vst v5;
	v5 =	vadd.f32 s17, v0;
	v13 =	vld [tilespmem:s24+$0xFFFFFE90]  }
0xa2: {  	v15 =	vadd.f32 s17, v3;
	[tilespmem:s24+$0xFFFFFD90] =	vst v7;
	v7 =	vadd.f32 s17, v2;
	v16 =	vld [tilespmem:s24+$0xFFFFFE80]  }
0xa3: {  	[tilespmem:s24+$0xFFFFFDA0] =	vst v6;
	v5 =	vadd.f32 v17, v5;
	v6 =	vadd.f32 v14, v10;
	v10 =	vld [tilespmem:s24+$0xFFFFFEA0]  }
0xa4: {  	[tilespmem:s24+$0xFFFFFDB0] =	vst v8;
	v7 =	vadd.f32 v12, v7;
	v8 =	vadd.f32 v11, v15;
	v11 =	vld [tilespmem:s24+$0xFFFFFF30]  }
0xa5: {  	v12 =	vadd.f32 s9, v1;
	[tilespmem:s24+$0xFFFFFE00] =	vst v5;
	v5 =	vadd.f32 s9, v0;
	v14 =	vld [tilespmem:s24+$0xFFFFFF10]  }
0xa6: {  	v15 =	vadd.f32 s9, v3;
	[tilespmem:s24+$0xFFFFFE10] =	vst v6;
	v6 =	vadd.f32 s9, v2;
	v17 =	vld [tilespmem:s24+$0xFFFFFF00]  }
0xa7: {  	[tilespmem:s24+$0xFFFFFE20] =	vst v7;
	v5 =	vadd.f32 v16, v5;
	v7 =	vadd.f32 v13, v12;
	v12 =	vld [tilespmem:s24+$0xFFFFFF20]  }
0xa8: {  	[tilespmem:s24+$0xFFFFFE30] =	vst v8;
	v6 =	vadd.f32 v10, v6;
	v8 =	vadd.f32 v9, v15;
	v9 =	vld [tilespmem:s24+$0xFFFFFFB0]  }
0xa9: {  	v10 =	vadd.f32 s8, v1;
	[tilespmem:s24+$0xFFFFFE80] =	vst v5;
	v5 =	vadd.f32 s8, v0;
	v13 =	vld [tilespmem:s24+$0xFFFFFF90]  }
0xaa: {  	v15 =	vadd.f32 s8, v3;
	[tilespmem:s24+$0xFFFFFE90] =	vst v7;
	v7 =	vadd.f32 s8, v2;
	v16 =	vld [tilespmem:s24+$0xFFFFFF80]  }
0xab: {  	[tilespmem:s24+$0xFFFFFEA0] =	vst v6;
	v5 =	vadd.f32 v17, v5;
	v6 =	vadd.f32 v14, v10;
	v10 =	vld [tilespmem:s24+$0xFFFFFFA0]  }
0xac: {  	[tilespmem:s24+$0xFFFFFEB0] =	vst v8;
	v7 =	vadd.f32 v12, v7;
	v8 =	vadd.f32 v11, v15;
	v11 =	vld [tilespmem:s24+$0x30]  }
0xad: {  	v12 =	vadd.f32 s7, v1;
	[tilespmem:s24+$0xFFFFFF00] =	vst v5;
	v5 =	vadd.f32 s7, v0;
	v14 =	vld [tilespmem:s24+$0x10]  }
0xae: {  	v15 =	vadd.f32 s7, v3;
	[tilespmem:s24+$0xFFFFFF10] =	vst v6;
	v6 =	vadd.f32 s7, v2;
	v17 =	vld [tilespmem:s24+$0x0]  }
0xaf: {  	[tilespmem:s24+$0xFFFFFF20] =	vst v7;
	v5 =	vadd.f32 v16, v5;
	v7 =	vadd.f32 v13, v12;
	v12 =	vld [tilespmem:s24+$0x20]  }
0xb0: {  	[tilespmem:s24+$0xFFFFFF30] =	vst v8;
	v6 =	vadd.f32 v10, v6;
	v8 =	vadd.f32 v9, v15;
	v9 =	vld [tilespmem:s24+$0xB0]  }
0xb1: {  	v10 =	vadd.f32 s4, v1;
	[tilespmem:s24+$0xFFFFFF80] =	vst v5;
	v5 =	vadd.f32 s4, v0;
	v13 =	vld [tilespmem:s24+$0x90]  }
0xb2: {  	v15 =	vadd.f32 s4, v3;
	[tilespmem:s24+$0xFFFFFF90] =	vst v7;
	v7 =	vadd.f32 s4, v2;
	v16 =	vld [tilespmem:s24+$0x80]  }
0xb3: {  	[tilespmem:s24+$0xFFFFFFA0] =	vst v6;
	v5 =	vadd.f32 v17, v5;
	v6 =	vadd.f32 v14, v10;
	v10 =	vld [tilespmem:s24+$0xA0]  }
0xb4: {  	[tilespmem:s24+$0xFFFFFFB0] =	vst v8;
	v7 =	vadd.f32 v12, v7;
	v8 =	vadd.f32 v11, v15;
	v11 =	vld [tilespmem:s24+$0x130]  }
0xb5: {  	v12 =	vadd.f32 s11, v1;
	[tilespmem:s24+$0x0] =	vst v5;
	v5 =	vadd.f32 s11, v0;
	v14 =	vld [tilespmem:s24+$0x110]  }
0xb6: {  	v15 =	vadd.f32 s11, v3;
	[tilespmem:s24+$0x10] =	vst v6;
	v6 =	vadd.f32 s11, v2;
	v17 =	vld [tilespmem:s24+$0x100]  }
0xb7: {  	[tilespmem:s24+$0x20] =	vst v7;
	v5 =	vadd.f32 v16, v5;
	v7 =	vadd.f32 v13, v12;
	v12 =	vld [tilespmem:s24+$0x120]  }
0xb8: {  	[tilespmem:s24+$0x30] =	vst v8;
	v6 =	vadd.f32 v10, v6;
	v8 =	vadd.f32 v9, v15;
	v9 =	vld [tilespmem:s24+$0x1B0]  }
0xb9: {  	v10 =	vadd.f32 s0, v1;
	[tilespmem:s24+$0x80] =	vst v5;
	v5 =	vadd.f32 s0, v0;
	v13 =	vld [tilespmem:s24+$0x190]  }
0xba: {  	v15 =	vadd.f32 s0, v3;
	[tilespmem:s24+$0x90] =	vst v7;
	v7 =	vadd.f32 s0, v2;
	v16 =	vld [tilespmem:s24+$0x180]  }
0xbb: {  	[tilespmem:s24+$0xA0] =	vst v6;
	v5 =	vadd.f32 v17, v5;
	v6 =	vadd.f32 v14, v10;
	v10 =	vld [tilespmem:s24+$0x1A0]  }
0xbc: {  	[tilespmem:s24+$0xB0] =	vst v8;
	v7 =	vadd.f32 v12, v7;
	v8 =	vadd.f32 v11, v15;
	v11 =	vld [tilespmem:s24+$0x230]  }
0xbd: {  	v12 =	vadd.f32 s1, v1;
	[tilespmem:s24+$0x100] =	vst v5;
	v5 =	vadd.f32 s1, v0;
	v14 =	vld [tilespmem:s24+$0x210]  }
0xbe: {  	v15 =	vadd.f32 s1, v3;
	[tilespmem:s24+$0x110] =	vst v6;
	v6 =	vadd.f32 s1, v2;
	v17 =	vld [tilespmem:s24+$0x200]  }
0xbf: {  	[tilespmem:s24+$0x120] =	vst v7;
	v5 =	vadd.f32 v16, v5;
	v7 =	vadd.f32 v13, v12;
	v12 =	vld [tilespmem:s24+$0x220]  }
0xc0: {  	[tilespmem:s24+$0x130] =	vst v8;
	v6 =	vadd.f32 v10, v6;
	v8 =	vadd.f32 v9, v15;
	v9 =	vld [tilespmem:s24+$0x2B0]  }
0xc1: {  	v10 =	vadd.f32 s31, v1;
	[tilespmem:s24+$0x180] =	vst v5;
	v5 =	vadd.f32 s31, v0;
	v13 =	vld [tilespmem:s24+$0x290]  }
0xc2: {  	v15 =	vadd.f32 s31, v3;
	[tilespmem:s24+$0x190] =	vst v7;
	v7 =	vadd.f32 s31, v2;
	v16 =	vld [tilespmem:s24+$0x280]  }
0xc3: {  	[tilespmem:s24+$0x1A0] =	vst v6;
	v5 =	vadd.f32 v17, v5;
	v6 =	vadd.f32 v14, v10;
	v10 =	vld [tilespmem:s24+$0x2A0]  }
0xc4: {  	[tilespmem:s24+$0x1B0] =	vst v8;
	v7 =	vadd.f32 v12, v7;
	v8 =	vadd.f32 v11, v15;
	v11 =	vld [tilespmem:s24+$0x330]  }
0xc5: {  	v12 =	vadd.f32 s30, v1;
	[tilespmem:s24+$0x200] =	vst v5;
	v5 =	vadd.f32 s30, v0;
	v14 =	vld [tilespmem:s24+$0x310]  }
0xc6: {  	v15 =	vadd.f32 s30, v3;
	[tilespmem:s24+$0x210] =	vst v6;
	v6 =	vadd.f32 s30, v2;
	v17 =	vld [tilespmem:s24+$0x300]  }
0xc7: {  	[tilespmem:s24+$0x220] =	vst v7;
	v5 =	vadd.f32 v16, v5;
	v7 =	vadd.f32 v13, v12;
	v12 =	vld [tilespmem:s24+$0x320]  }
0xc8: {  	[tilespmem:s24+$0x230] =	vst v8;
	v6 =	vadd.f32 v10, v6;
	v8 =	vadd.f32 v9, v15;
	v9 =	vld [tilespmem:s24+$0x3B0]  }
0xc9: {  	v10 =	vadd.f32 s29, v1;
	[tilespmem:s24+$0x280] =	vst v5;
	v5 =	vadd.f32 s29, v0;
	v13 =	vld [tilespmem:s24+$0x390]  }
0xca: {  	v15 =	vadd.f32 s29, v3;
	[tilespmem:s24+$0x290] =	vst v7;
	v7 =	vadd.f32 s29, v2;
	v16 =	vld [tilespmem:s24+$0x380]  }
0xcb: {  	[tilespmem:s24+$0x2A0] =	vst v6;
	v5 =	vadd.f32 v17, v5;
	v6 =	vadd.f32 v14, v10;
	v10 =	vld [tilespmem:s24+$0x3A0]  }
0xcc: {  	[tilespmem:s24+$0x2B0] =	vst v8;
	v7 =	vadd.f32 v12, v7;
	v8 =	vadd.f32 v11, v15  }
0xcd: {  	v11 =	vadd.f32 s28, v1;
	[tilespmem:s24+$0x300] =	vst v5;
	v5 =	vadd.f32 s28, v0  }
0xce: {  	v12 =	vadd.f32 s28, v3;
	[tilespmem:s24+$0x310] =	vst v6;
	v6 =	vadd.f32 s28, v2  }
0xcf: {  	[tilespmem:s24+$0x320] =	vst v7;
	v5 =	vadd.f32 v16, v5;
	v7 =	vadd.f32 v13, v11  }
.Ltmp0:
0xd0: {  	[tilespmem:s24+$0x330] =	vst v8;
	v6 =	vadd.f32 v10, v6;
	v8 =	vadd.f32 v9, v12;
	(pc) =	sbr.rel @p0 .LBB2_3-.Ltmp0, $4  }
0xd1: {  	[tilespmem:s24+$0x380] =	vst v5  }
0xd2: {  	[tilespmem:s24+$0x390] =	vst v7  }
0xd3: {  	[tilespmem:s24+$0x3A0] =	vst v6  }
0xd4: {  	s0 =	sshra.s32 s26, $0x2;
	s26 =	sadd.s32 $0x40, s26;
	[tilespmem:s24+$0x3B0] =	vst v8  }
0xd5: {  	_ =	sdelay $0x3  }
0xd6: {  	v4 =	vld.idx.msk [tilespmem:v4+s0+$0x0 ss:$0x1], $0xffff;
	_ =	sdelay $0x4  }
0xd7: {  	(v2sf) =	vpush v4, $0x0;
	_ =	sdelay $0x3  }
0xd8: {  	(v2sf) =	vpush v4, $0x1;
	_ =	sdelay $0x1  }
0xd9: {  	(v2sf) =	vpush v4, $0x2  }
0xda: {  	(v2sf) =	vpush v4, $0x3  }
0xdb: {  	(v2sf) =	vpush v4, $0x4  }
0xdc: {  	(v2sf) =	vpush v4, $0x5  }
0xdd: {  	(v2sf) =	vpush v4, $0x6  }
0xde: {  	(v2sf) =	vpush v4, $0x7  }
0xdf: {  	(v2sf) =	vpush v4, $0x8  }
0xe0: {  	(v2sf) =	vpush v4, $0x9  }
0xe1: {  	s24 =	sadd.s32 $0x800, s24;
	(v2sf) =	vpush v4, $0xA  }
0xe2: {  	v5 =	vld [tilespmem:s24+$0xFFFFFC00];
	(v2sf) =	vpush v4, $0xB;
	s29 =	spop (v2sf)  }
0xe3: {  	s0 =	simm.f32 $-Inf;
	v6 =	vld [tilespmem:s24+$0xFFFFFC10];
	(v2sf) =	vpush v4, $0xC;
	p0 =	seq.s32 s29, $0x0  }
0xe4: {  	v7 =	vld [tilespmem:s24+$0xFFFFFC20];
	(v2sf) =	vpush v4, $0xD;
	s0 =	simm.s32 @!p0 $0x0  }
0xe5: {  	v8 =	vld [tilespmem:s24+$0xFFFFFC30];
	(v2sf) =	vpush v4, $0xE;
	v9 =	vadd.f32 s0, v0  }
0xe6: {  	v11 =	vld [tilespmem:s24+$0xFFFFFC90];
	(v2sf) =	vpush v4, $0xF;
	s1 =	spop (v2sf);
	v4 =	vadd.f32 s0, v1  }
0xe7: {  	v10 =	vld [tilespmem:s24+$0xFFFFFC80];
	p0 =	seq.s32 s1, $0x0;
	s1 =	simm.f32 $-Inf;
	v12 =	vadd.f32 s0, v2;
	v5 =	vadd.f32 v9, v5  }
0xe8: {  	v13 =	vld [tilespmem:s24+$0xFFFFFCB0];
	s1 =	simm.s32 @!p0 $0x0;
	v41 =	vadd.f32 s0, v3;
	v4 =	vadd.f32 v4, v6  }
0xe9: {  	v44 =	vld [tilespmem:s24+$0xFFFFFD20];
	s30 =	spop (v2sf);
	v42 =	vadd.f32 s1, v1;
	v7 =	vadd.f32 v12, v7;
	[tilespmem:s24+$0xFFFFFC00] =	vst v5  }
0xea: {  	p0 =	seq.s32 s30, $0x0;
	s0 =	simm.f32 $-Inf;
	v6 =	vld [tilespmem:s24+$0xFFFFFCA0];
	v8 =	vadd.f32 v8, v41;
	v5 =	vadd.f32 s1, v0;
	[tilespmem:s24+$0xFFFFFC10] =	vst v4  }
0xeb: {  	s0 =	simm.s32 @!p0 $0x0;
	v9 =	vadd.f32 v11, v42;
	v4 =	vld [tilespmem:s24+$0xFFFFFD00];
	[tilespmem:s24+$0xFFFFFC20] =	vst v7;
	v7 =	vadd.f32 s1, v3  }
0xec: {  	v43 =	vld [tilespmem:s24+$0xFFFFFD10];
	v49 =	vadd.f32 s0, v2;
	[tilespmem:s24+$0xFFFFFC30] =	vst v8;
	v5 =	vadd.f32 v10, v5  }
0xed: {  	v48 =	vld [tilespmem:s24+$0xFFFFFD90];
	s31 =	spop (v2sf);
	v14 =	vadd.f32 s1, v2;
	[tilespmem:s24+$0xFFFFFC90] =	vst v9;
	v7 =	vadd.f32 v13, v7  }
0xee: {  	v45 =	vld [tilespmem:s24+$0xFFFFFD30];
	p0 =	seq.s32 s31, $0x0;
	s1 =	simm.f32 $-Inf;
	v10 =	vadd.f32 v44, v49;
	[tilespmem:s24+$0xFFFFFC80] =	vst v5;
	v5 =	vadd.f32 s0, v0  }
0xef: {  	v47 =	vld [tilespmem:s24+$0xFFFFFD80];
	v46 =	vadd.f32 s0, v1;
	s1 =	simm.s32 @!p0 $0x0;
	v6 =	vadd.f32 v6, v14;
	[tilespmem:s24+$0xFFFFFCB0] =	vst v7  }
0xf0: {  	v50 =	vld [tilespmem:s24+$0xFFFFFDA0];
	v51 =	vadd.f32 s1, v1;
	[tilespmem:s24+$0xFFFFFD20] =	vst v10;
	v4 =	vadd.f32 v4, v5  }
0xf1: {  	v7 =	vld [tilespmem:s24+$0xFFFFFDB0];
	[tilespmem:s24+$0xFFFFFCA0] =	vst v6;
	v6 =	vadd.f32 v43, v46;
	v5 =	vadd.f32 s0, v3  }
0xf2: {  	v52 =	vld [tilespmem:s24+$0xFFFFFE10];
	s4 =	spop (v2sf);
	v8 =	vadd.f32 v48, v51;
	[tilespmem:s24+$0xFFFFFD00] =	vst v4;
	v4 =	vadd.f32 s1, v0  }
0xf3: {  	p0 =	seq.s32 s4, $0x0;
	v53 =	vadd.f32 s1, v2;
	s0 =	simm.f32 $-Inf;
	[tilespmem:s24+$0xFFFFFD10] =	vst v6;
	v6 =	vld [tilespmem:s24+$0xFFFFFE00];
	v5 =	vadd.f32 v45, v5  }
0xf4: {  	v55 =	vld [tilespmem:s24+$0xFFFFFE20];
	v54 =	vadd.f32 s1, v3;
	[tilespmem:s24+$0xFFFFFD90] =	vst v8;
	s0 =	simm.s32 @!p0 $0x0;
	v4 =	vadd.f32 v47, v4  }
0xf5: {  	v60 =	vld [tilespmem:s24+$0xFFFFFEA0];
	s7 =	spop (v2sf);
	v11 =	vadd.f32 v50, v53;
	v56 =	vadd.f32 s0, v1;
	[tilespmem:s24+$0xFFFFFD30] =	vst v5  }
0xf6: {  	p0 =	seq.s32 s7, $0x0;
	s1 =	simm.f32 $-Inf;
	v7 =	vadd.f32 v7, v54;
	v5 =	vld [tilespmem:s24+$0xFFFFFE30];
	[tilespmem:s24+$0xFFFFFD80] =	vst v4;
	v4 =	vadd.f32 s0, v0  }
0xf7: {  	v57 =	vld [tilespmem:s24+$0xFFFFFE80];
	[tilespmem:s24+$0xFFFFFDA0] =	vst v11;
	v59 =	vadd.f32 s0, v2;
	s1 =	simm.s32 @!p0 $0x0;
	v9 =	vadd.f32 v52, v56  }
0xf8: {  	v58 =	vld [tilespmem:s24+$0xFFFFFE90];
	v63 =	vadd.f32 s1, v2;
	[tilespmem:s24+$0xFFFFFDB0] =	vst v7;
	v4 =	vadd.f32 v6, v4  }
0xf9: {  	v10 =	vadd.f32 v55, v59;
	v7 =	vld [tilespmem:s24+$0xFFFFFEB0];
	[tilespmem:s24+$0xFFFFFE10] =	vst v9;
	v6 =	vadd.f32 s0, v3  }
0xfa: {  	v62 =	vld [tilespmem:s24+$0xFFFFFF10];
	s8 =	spop (v2sf);
	v11 =	vadd.f32 v60, v63;
	[tilespmem:s24+$0xFFFFFE00] =	vst v4;
	v4 =	vadd.f32 s1, v0  }
0xfb: {  	v61 =	vld [tilespmem:s24+$0xFFFFFF00];
	p0 =	seq.s32 s8, $0x0;
	[tilespmem:s24+$0xFFFFFE20] =	vst v10;
	s0 =	simm.f32 $-Inf;
	v5 =	vadd.f32 v5, v6;
	v6 =	vadd.f32 s1, v1  }
0xfc: {  	v16 =	vld [tilespmem:s24+$0xFFFFFF20];
	v15 =	vadd.f32 s1, v3;
	[tilespmem:s24+$0xFFFFFEA0] =	vst v11;
	s0 =	simm.s32 @!p0 $0x0;
	v4 =	vadd.f32 v57, v4  }
0xfd: {  	v18 =	vld [tilespmem:s24+$0xFFFFFF90];
	s9 =	spop (v2sf);
	v17 =	vadd.f32 s0, v1;
	v6 =	vadd.f32 v58, v6;
	[tilespmem:s24+$0xFFFFFE30] =	vst v5  }
0xfe: {  	p0 =	seq.s32 s9, $0x0;
	v7 =	vadd.f32 v7, v15;
	s1 =	simm.f32 $-Inf;
	v5 =	vld [tilespmem:s24+$0xFFFFFF30];
	[tilespmem:s24+$0xFFFFFE80] =	vst v4;
	v4 =	vadd.f32 s0, v0  }
0xff: {  	v19 =	vadd.f32 s0, v2;
	s1 =	simm.s32 @!p0 $0x0;
	v8 =	vadd.f32 v62, v17;
	[tilespmem:s24+$0xFFFFFE90] =	vst v6;
	v6 =	vld [tilespmem:s24+$0xFFFFFF80]  }
0x100: {  	v21 =	vld [tilespmem:s24+$0xFFFFFFA0];
	[tilespmem:s24+$0xFFFFFEB0] =	vst v7;
	v22 =	vadd.f32 s1, v1;
	v4 =	vadd.f32 v61, v4  }
0x101: {  	v26 =	vld [tilespmem:s24+$0x20];
	s10 =	spop (v2sf);
	v20 =	vadd.f32 s0, v3;
	v10 =	vadd.f32 v16, v19;
	[tilespmem:s24+$0xFFFFFF10] =	vst v8  }
0x102: {  	p0 =	seq.s32 s10, $0x0;
	v7 =	vld [tilespmem:s24+$0xFFFFFFB0];
	s0 =	simm.f32 $-Inf;
	v9 =	vadd.f32 v18, v22;
	[tilespmem:s24+$0xFFFFFF00] =	vst v4;
	v4 =	vadd.f32 s1, v0  }
0x103: {  	v23 =	vld [tilespmem:s24+$0x0];
	v25 =	vadd.f32 s1, v2;
	[tilespmem:s24+$0xFFFFFF20] =	vst v10;
	s0 =	simm.s32 @!p0 $0x0;
	v5 =	vadd.f32 v5, v20  }
0x104: {  	v24 =	vld [tilespmem:s24+$0x10];
	[tilespmem:s24+$0xFFFFFF90] =	vst v9;
	v29 =	vadd.f32 s0, v2;
	v4 =	vadd.f32 v6, v4  }
0x105: {  	v11 =	vadd.f32 v21, v25;
	[tilespmem:s24+$0xFFFFFF30] =	vst v5;
	v5 =	vld [tilespmem:s24+$0x30];
	v6 =	vadd.f32 s1, v3  }
0x106: {  	v28 =	vld [tilespmem:s24+$0x90];
	s11 =	spop (v2sf);
	v10 =	vadd.f32 v26, v29;
	[tilespmem:s24+$0xFFFFFF80] =	vst v4;
	v4 =	vadd.f32 s0, v0  }
0x107: {  	v27 =	vld [tilespmem:s24+$0x80];
	p0 =	seq.s32 s11, $0x0;
	[tilespmem:s24+$0xFFFFFFA0] =	vst v11;
	s1 =	simm.f32 $-Inf;
	v6 =	vadd.f32 v7, v6;
	v7 =	vadd.f32 s0, v1  }
0x108: {  	v31 =	vld [tilespmem:s24+$0xA0];
	v30 =	vadd.f32 s0, v3;
	[tilespmem:s24+$0x20] =	vst v10;
	s1 =	simm.s32 @!p0 $0x0;
	v4 =	vadd.f32 v23, v4  }
0x109: {  	v33 =	vld [tilespmem:s24+$0x110];
	s17 =	spop (v2sf);
	v32 =	vadd.f32 s1, v1;
	v7 =	vadd.f32 v24, v7;
	[tilespmem:s24+$0xFFFFFFB0] =	vst v6  }
0x10a: {  	p0 =	seq.s32 s17, $0x0;
	s0 =	simm.f32 $-Inf;
	v6 =	vld [tilespmem:s24+$0xB0];
	v5 =	vadd.f32 v5, v30;
	[tilespmem:s24+$0x0] =	vst v4;
	v4 =	vadd.f32 s1, v0  }
0x10b: {  	v34 =	vadd.f32 s1, v2;
	s0 =	simm.s32 @!p0 $0x0;
	v8 =	vadd.f32 v28, v32;
	[tilespmem:s24+$0x10] =	vst v7;
	v7 =	vld [tilespmem:s24+$0x100]  }
0x10c: {  	v36 =	vld [tilespmem:s24+$0x120];
	v37 =	vadd.f32 s0, v1;
	[tilespmem:s24+$0x30] =	vst v5;
	v4 =	vadd.f32 v27, v4  }
0x10d: {  	v41 =	vld [tilespmem:s24+$0x1A0];
	s18 =	spop (v2sf);
	v35 =	vadd.f32 s1, v3;
	v11 =	vadd.f32 v31, v34;
	[tilespmem:s24+$0x90] =	vst v8  }
0x10e: {  	p0 =	seq.s32 s18, $0x0;
	v5 =	vld [tilespmem:s24+$0x130];
	s1 =	simm.f32 $-Inf;
	v9 =	vadd.f32 v33, v37;
	[tilespmem:s24+$0x80] =	vst v4;
	v4 =	vadd.f32 s0, v0  }
0x10f: {  	v38 =	vld [tilespmem:s24+$0x180];
	v40 =	vadd.f32 s0, v2;
	[tilespmem:s24+$0xA0] =	vst v11;
	s1 =	simm.s32 @!p0 $0x0;
	v6 =	vadd.f32 v6, v35  }
0x110: {  	v39 =	vld [tilespmem:s24+$0x190];
	[tilespmem:s24+$0x110] =	vst v9;
	v44 =	vadd.f32 s1, v2;
	v4 =	vadd.f32 v7, v4  }
0x111: {  	v10 =	vadd.f32 v36, v40;
	[tilespmem:s24+$0xB0] =	vst v6;
	v6 =	vld [tilespmem:s24+$0x1B0];
	v7 =	vadd.f32 s0, v3  }
0x112: {  	s26 =	spop (v2sf);
	v43 =	vld [tilespmem:s24+$0x210];
	v11 =	vadd.f32 v41, v44;
	[tilespmem:s24+$0x100] =	vst v4;
	v4 =	vadd.f32 s1, v0  }
0x113: {  	v42 =	vld [tilespmem:s24+$0x200];
	p0 =	seq.s32 s26, $0x0;
	[tilespmem:s24+$0x120] =	vst v10;
	s0 =	simm.f32 $-Inf;
	v5 =	vadd.f32 v5, v7;
	v7 =	vadd.f32 s1, v1  }
0x114: {  	v46 =	vld [tilespmem:s24+$0x220];
	v45 =	vadd.f32 s1, v3;
	[tilespmem:s24+$0x1A0] =	vst v11;
	s0 =	simm.s32 @!p0 $0x0;
	v4 =	vadd.f32 v38, v4  }
0x115: {  	v48 =	vld [tilespmem:s24+$0x290];
	s28 =	spop (v2sf);
	v47 =	vadd.f32 s0, v1;
	v7 =	vadd.f32 v39, v7;
	[tilespmem:s24+$0x130] =	vst v5  }
0x116: {  	p0 =	seq.s32 s28, $0x0;
	s1 =	simm.f32 $-Inf;
	v5 =	vld [tilespmem:s24+$0x230];
	v6 =	vadd.f32 v6, v45;
	[tilespmem:s24+$0x180] =	vst v4;
	v4 =	vadd.f32 s0, v0  }
0x117: {  	v49 =	vadd.f32 s0, v2;
	s1 =	simm.s32 @!p0 $0x0;
	v8 =	vadd.f32 v43, v47;
	[tilespmem:s24+$0x190] =	vst v7;
	v7 =	vld [tilespmem:s24+$0x280]  }
0x118: {  	v51 =	vld [tilespmem:s24+$0x2A0];
	v52 =	vadd.f32 s1, v1;
	[tilespmem:s24+$0x1B0] =	vst v6;
	v4 =	vadd.f32 v42, v4  }
0x119: {  	s29 =	spop (v2sf);
	v56 =	vld [tilespmem:s24+$0x320];
	v50 =	vadd.f32 s0, v3;
	v10 =	vadd.f32 v46, v49;
	[tilespmem:s24+$0x210] =	vst v8  }
0x11a: {  	p0 =	seq.s32 s29, $0x0;
	v6 =	vld [tilespmem:s24+$0x2B0];
	s0 =	simm.f32 $-Inf;
	v9 =	vadd.f32 v48, v52;
	[tilespmem:s24+$0x200] =	vst v4;
	v4 =	vadd.f32 s1, v0  }
0x11b: {  	v53 =	vld [tilespmem:s24+$0x300];
	v55 =	vadd.f32 s1, v2;
	[tilespmem:s24+$0x220] =	vst v10;
	s0 =	simm.s32 @!p0 $0x0;
	v5 =	vadd.f32 v5, v50  }
0x11c: {  	v54 =	vld [tilespmem:s24+$0x310];
	[tilespmem:s24+$0x290] =	vst v9;
	v59 =	vadd.f32 s0, v2;
	v4 =	vadd.f32 v7, v4  }
0x11d: {  	v11 =	vadd.f32 v51, v55;
	[tilespmem:s24+$0x230] =	vst v5;
	v5 =	vld [tilespmem:s24+$0x330];
	v7 =	vadd.f32 s1, v3  }
0x11e: {  	s30 =	spop (v2sf);
	v58 =	vld [tilespmem:s24+$0x390];
	v10 =	vadd.f32 v56, v59;
	[tilespmem:s24+$0x280] =	vst v4;
	v4 =	vadd.f32 s0, v0  }
0x11f: {  	v57 =	vld [tilespmem:s24+$0x380];
	p0 =	seq.s32 s30, $0x0;
	[tilespmem:s24+$0x2A0] =	vst v11;
	s1 =	simm.f32 $-Inf;
	v6 =	vadd.f32 v6, v7;
	v7 =	vadd.f32 s0, v1  }
0x120: {  	v61 =	vld [tilespmem:s24+$0x3A0];
	v60 =	vadd.f32 s0, v3;
	[tilespmem:s24+$0x320] =	vst v10;
	s1 =	simm.s32 @!p0 $0x0;
	v4 =	vadd.f32 v53, v4  }
0x121: {  	v62 =	vadd.f32 s1, v1;
	v7 =	vadd.f32 v54, v7;
	[tilespmem:s24+$0x2B0] =	vst v6;
	v6 =	vld [tilespmem:s24+$0x3B0]  }
0x122: {  	v5 =	vadd.f32 v5, v60;
	[tilespmem:s24+$0x300] =	vst v4;
	v4 =	vadd.f32 s1, v0  }
0x123: {  	v8 =	vadd.f32 v58, v62;
	[tilespmem:s24+$0x310] =	vst v7;
	v7 =	vadd.f32 s1, v2  }
0x124: {  	v63 =	vadd.f32 s1, v3;
	[tilespmem:s24+$0x330] =	vst v5;
	v4 =	vadd.f32 v57, v4  }
0x125: {  	[tilespmem:s24+$0x390] =	vst v8;
	v5 =	vadd.f32 v61, v7  }
0x126: {  	s31 =	sadd.s32 s2, s25;
	[tilespmem:s24+$0x380] =	vst v4;
	v4 =	vadd.f32 v6, v63  }
0x127: {  	s0 =	sshll.u32 s31, $0x4;
	[tilespmem:s24+$0x3A0] =	vst v5  }
0x128: {  	p0 =	seq.s32 s22, $0x63;
	s0 =	sadd.s32 s6, s0;
	[tilespmem:s24+$0x3B0] =	vst v4  }
0x129: {  	[hbm4b:s0+s3] =	stream.linear.scatter [tilespmem:s13], [sflag:$0x3], $0x4000, $0x38;
	[tilespmem:$0x14840] =	vst v63  }
0x12a: {  	s0 =	simm.s32 @!p0 $0x3  }
0x12b: {  	_ =	swait.ge @!p0 [sflag:s0], $0x4000  }
0x12c: {  	s1 =	sshll.u32 @!p0 s22, $0x8;
	[sflag:s0] =	ssyncset.done @!p0 $0x0  }
0x12d: {  	[sflag:s0] =	ssyncadd.s32 @!p0 $0xFFFFC000;
	s0 =	sand.u32 @!p0 $0x3FFFFF00, s1  }
0x12e: {  	s4 =	simm.s32 @!p0 $0xC840;
	s1 =	simm.s32 @!p0 $0x80;
	s0 =	sadd.s32 @!p0 $0x100, s0  }
0x12f: {  	[tilespmem:s4], [sflag:$0x1] =	stream.indirect.gather @!p0 [hbm4b:s5+s1], $0x80, s0, s1, $0xb8;
	[tilespmem:$0x14840] =	vst v63  }
0x130: {  	_ =	swait.ge [sflag:s16], $0x4000  }
0x131: {  	[sflag:s16] =	ssyncset.done $0x0  }
0x132: {  	[sflag:s16] =	ssyncadd.s32 $0xFFFFC000  }
0x133: {  	s25 =	simm.s32 $0x2000;
	s26 =	smov.u32 s21;
	s24 =	simm.s32 $0x0;
	v4 =	vld [tilespmem:s21+$0x0]  }
.LBB2_5:
0x134: {  	p0 =	sne.s32 s25, $0xE000;
	_ =	sdelay $0x3  }
0x135: {  	(v2sf) =	vpush v4, $0x0  }
0x136: {  	(v2sf) =	vpush v4, $0x1  }
0x137: {  	(v2sf) =	vpush v4, $0x2  }
0x138: {  	(v2sf) =	vpush v4, $0x3  }
0x139: {  	(v2sf) =	vpush v4, $0x4  }
0x13a: {  	(v2sf) =	vpush v4, $0x5  }
0x13b: {  	(v2sf) =	vpush v4, $0x6  }
0x13c: {  	(v2sf) =	vpush v4, $0x7  }
0x13d: {  	(v2sf) =	vpush v4, $0x8  }
0x13e: {  	(v2sf) =	vpush v4, $0x9  }
0x13f: {  	(v2sf) =	vpush v4, $0xA  }
0x140: {  	(v2sf) =	vpush v4, $0xB  }
0x141: {  	s28 =	sshra.s32 s24, $0x2;
	s24 =	smov.u32 s25;
	(v2sf) =	vpush v4, $0xC  }
0x142: {  	v5 =	vld [tilespmem:s28+$0x10870];
	(v2sf) =	vpush v4, $0xD  }
0x143: {  	s1 =	simm.f32 $-Inf;
	s4 =	simm.f32 $-Inf;
	v6 =	vld [tilespmem:s28+$0x10850];
	(v2sf) =	vpush v4, $0xE  }
0x144: {  	s29 =	simm.f32 $-Inf;
	s18 =	simm.f32 $-Inf;
	v7 =	vld [tilespmem:s28+$0x10840];
	s0 =	spop (v2sf);
	(v2sf) =	vpush v4, $0xF  }
0x145: {  	s17 =	simm.f32 $-Inf;
	p1 =	seq.s32 s0, $0x0;
	s0 =	spop (v2sf)  }
0x146: {  	s9 =	simm.f32 $-Inf;
	v4 =	vld [tilespmem:s28+$0x10860];
	s1 =	simm.s32 @!p1 $0x0;
	p1 =	seq.s32 s0, $0x0  }
0x147: {  	s8 =	simm.f32 $-Inf;
	v8 =	vld [tilespmem:s28+$0x108F0];
	s0 =	spop (v2sf);
	s4 =	simm.s32 @!p1 $0x0  }
0x148: {  	v9 =	vadd.f32 s1, v0;
	v10 =	vadd.f32 s1, v1;
	v11 =	vld [tilespmem:s28+$0x108D0];
	p1 =	seq.s32 s0, $0x0;
	s7 =	spop (v2sf);
	s0 =	simm.f32 $-Inf  }
0x149: {  	v12 =	vadd.f32 s1, v2;
	v13 =	vadd.f32 s1, v3;
	v14 =	vld [tilespmem:s28+$0x108C0];
	s0 =	simm.s32 @!p1 $0x0;
	p1 =	seq.s32 s7, $0x0;
	s1 =	spop (v2sf)  }
0x14a: {  	v7 =	vadd.f32 v9, v7;
	v6 =	vadd.f32 v10, v6;
	v9 =	vld [tilespmem:s28+$0x108E0];
	s29 =	simm.s32 @!p1 $0x0;
	p1 =	seq.s32 s1, $0x0;
	s1 =	spop (v2sf)  }
0x14b: {  	s18 =	simm.s32 @!p1 $0x0;
	p1 =	seq.s32 s1, $0x0;
	s1 =	spop (v2sf)  }
0x14c: {  	s11 =	simm.f32 $-Inf;
	v5 =	vadd.f32 v5, v13;
	v4 =	vadd.f32 v12, v4;
	v10 =	vld [tilespmem:s28+$0x10970];
	s17 =	simm.s32 @!p1 $0x0;
	p1 =	seq.s32 s1, $0x0  }
0x14d: {  	s7 =	simm.f32 $-Inf;
	v12 =	vadd.f32 s4, v1;
	[tilespmem:s28+$0x10840] =	vst v7;
	v7 =	vadd.f32 s4, v0;
	v13 =	vld [tilespmem:s28+$0x10950];
	s1 =	spop (v2sf);
	s9 =	simm.s32 @!p1 $0x0  }
0x14e: {  	v15 =	vadd.f32 s4, v3;
	[tilespmem:s28+$0x10850] =	vst v6;
	v6 =	vadd.f32 s4, v2;
	v16 =	vld [tilespmem:s28+$0x10940];
	p1 =	seq.s32 s1, $0x0;
	s1 =	spop (v2sf);
	s4 =	simm.f32 $-Inf  }
0x14f: {  	[tilespmem:s28+$0x10860] =	vst v4;
	v4 =	vadd.f32 v14, v7;
	v7 =	vadd.f32 v11, v12;
	v11 =	vld [tilespmem:s28+$0x10960];
	s8 =	simm.s32 @!p1 $0x0;
	p1 =	seq.s32 s1, $0x0;
	s1 =	spop (v2sf)  }
0x150: {  	[tilespmem:s28+$0x10870] =	vst v5;
	v5 =	vadd.f32 v9, v6;
	v6 =	vadd.f32 v8, v15;
	v8 =	vld [tilespmem:s28+$0x109F0];
	s7 =	simm.s32 @!p1 $0x0;
	p1 =	seq.s32 s1, $0x0;
	s1 =	spop (v2sf)  }
0x151: {  	v9 =	vadd.f32 s0, v1;
	[tilespmem:s28+$0x108C0] =	vst v4;
	v4 =	vadd.f32 s0, v0;
	v12 =	vld [tilespmem:s28+$0x109D0];
	s4 =	simm.s32 @!p1 $0x0;
	p1 =	seq.s32 s1, $0x0;
	s1 =	spop (v2sf)  }
0x152: {  	v14 =	vadd.f32 s0, v3;
	[tilespmem:s28+$0x108D0] =	vst v7;
	v7 =	vadd.f32 s0, v2;
	s11 =	simm.s32 @!p1 $0x0;
	p1 =	seq.s32 s1, $0x0;
	s0 =	simm.f32 $-Inf  }
0x153: {  	v15 =	vld [tilespmem:s28+$0x109C0];
	s1 =	spop (v2sf);
	s0 =	simm.s32 @!p1 $0x0  }
0x154: {  	p1 =	seq.s32 s1, $0x0;
	s30 =	spop (v2sf);
	s1 =	simm.f32 $-Inf  }
0x155: {  	s31 =	simm.f32 $-Inf;
	[tilespmem:s28+$0x108E0] =	vst v5;
	v4 =	vadd.f32 v16, v4;
	v5 =	vadd.f32 v13, v9;
	v9 =	vld [tilespmem:s28+$0x109E0];
	s1 =	simm.s32 @!p1 $0x0;
	p1 =	seq.s32 s30, $0x0  }
0x156: {  	[tilespmem:s28+$0x108F0] =	vst v6;
	v6 =	vadd.f32 v11, v7;
	v7 =	vadd.f32 v10, v14;
	v10 =	vld [tilespmem:s28+$0x10A70];
	s30 =	spop (v2sf);
	s31 =	simm.s32 @!p1 $0x0  }
0x157: {  	v11 =	vadd.f32 s29, v1;
	[tilespmem:s28+$0x10940] =	vst v4;
	v4 =	vadd.f32 s29, v0;
	v13 =	vld [tilespmem:s28+$0x10A50];
	p1 =	seq.s32 s30, $0x0;
	s10 =	spop (v2sf);
	s30 =	simm.f32 $-Inf  }
0x158: {  	v14 =	vadd.f32 s29, v3;
	[tilespmem:s28+$0x10950] =	vst v5;
	v5 =	vadd.f32 s29, v2;
	v16 =	vld [tilespmem:s28+$0x10A40];
	s30 =	simm.s32 @!p1 $0x0;
	p1 =	seq.s32 s10, $0x0;
	s29 =	simm.f32 $-Inf  }
0x159: {  	[tilespmem:s28+$0x10960] =	vst v6;
	v4 =	vadd.f32 v15, v4;
	v6 =	vadd.f32 v12, v11;
	v11 =	vld [tilespmem:s28+$0x10A60];
	s29 =	simm.s32 @!p1 $0x0  }
0x15a: {  	[tilespmem:s28+$0x10970] =	vst v7;
	v5 =	vadd.f32 v9, v5;
	v7 =	vadd.f32 v8, v14;
	v8 =	vld [tilespmem:s28+$0x10AF0]  }
0x15b: {  	v9 =	vadd.f32 s18, v1;
	[tilespmem:s28+$0x109C0] =	vst v4;
	v4 =	vadd.f32 s18, v0;
	v12 =	vld [tilespmem:s28+$0x10AD0]  }
0x15c: {  	v14 =	vadd.f32 s18, v3;
	[tilespmem:s28+$0x109D0] =	vst v6;
	v6 =	vadd.f32 s18, v2;
	v15 =	vld [tilespmem:s28+$0x10AC0]  }
0x15d: {  	[tilespmem:s28+$0x109E0] =	vst v5;
	v4 =	vadd.f32 v16, v4;
	v5 =	vadd.f32 v13, v9;
	v9 =	vld [tilespmem:s28+$0x10AE0]  }
0x15e: {  	[tilespmem:s28+$0x109F0] =	vst v7;
	v6 =	vadd.f32 v11, v6;
	v7 =	vadd.f32 v10, v14;
	v10 =	vld [tilespmem:s28+$0x10B70]  }
0x15f: {  	v11 =	vadd.f32 s17, v1;
	[tilespmem:s28+$0x10A40] =	vst v4;
	v4 =	vadd.f32 s17, v0;
	v13 =	vld [tilespmem:s28+$0x10B50]  }
0x160: {  	v14 =	vadd.f32 s17, v3;
	[tilespmem:s28+$0x10A50] =	vst v5;
	v5 =	vadd.f32 s17, v2;
	v16 =	vld [tilespmem:s28+$0x10B40]  }
0x161: {  	[tilespmem:s28+$0x10A60] =	vst v6;
	v4 =	vadd.f32 v15, v4;
	v6 =	vadd.f32 v12, v11;
	v11 =	vld [tilespmem:s28+$0x10B60]  }
0x162: {  	[tilespmem:s28+$0x10A70] =	vst v7;
	v5 =	vadd.f32 v9, v5;
	v7 =	vadd.f32 v8, v14;
	v8 =	vld [tilespmem:s28+$0x10BF0]  }
0x163: {  	v9 =	vadd.f32 s9, v1;
	[tilespmem:s28+$0x10AC0] =	vst v4;
	v4 =	vadd.f32 s9, v0;
	v12 =	vld [tilespmem:s28+$0x10BD0]  }
0x164: {  	v14 =	vadd.f32 s9, v3;
	[tilespmem:s28+$0x10AD0] =	vst v6;
	v6 =	vadd.f32 s9, v2;
	v15 =	vld [tilespmem:s28+$0x10BC0]  }
0x165: {  	[tilespmem:s28+$0x10AE0] =	vst v5;
	v4 =	vadd.f32 v16, v4;
	v5 =	vadd.f32 v13, v9;
	v9 =	vld [tilespmem:s28+$0x10BE0]  }
0x166: {  	[tilespmem:s28+$0x10AF0] =	vst v7;
	v6 =	vadd.f32 v11, v6;
	v7 =	vadd.f32 v10, v14;
	v10 =	vld [tilespmem:s28+$0x10C70]  }
0x167: {  	v11 =	vadd.f32 s8, v1;
	[tilespmem:s28+$0x10B40] =	vst v4;
	v4 =	vadd.f32 s8, v0;
	v13 =	vld [tilespmem:s28+$0x10C50]  }
0x168: {  	v14 =	vadd.f32 s8, v3;
	[tilespmem:s28+$0x10B50] =	vst v5;
	v5 =	vadd.f32 s8, v2;
	v16 =	vld [tilespmem:s28+$0x10C40]  }
0x169: {  	[tilespmem:s28+$0x10B60] =	vst v6;
	v4 =	vadd.f32 v15, v4;
	v6 =	vadd.f32 v12, v11;
	v11 =	vld [tilespmem:s28+$0x10C60]  }
0x16a: {  	[tilespmem:s28+$0x10B70] =	vst v7;
	v5 =	vadd.f32 v9, v5;
	v7 =	vadd.f32 v8, v14;
	v8 =	vld [tilespmem:s28+$0x10CF0]  }
0x16b: {  	v9 =	vadd.f32 s7, v1;
	[tilespmem:s28+$0x10BC0] =	vst v4;
	v4 =	vadd.f32 s7, v0;
	v12 =	vld [tilespmem:s28+$0x10CD0]  }
0x16c: {  	v14 =	vadd.f32 s7, v3;
	[tilespmem:s28+$0x10BD0] =	vst v6;
	v6 =	vadd.f32 s7, v2;
	v15 =	vld [tilespmem:s28+$0x10CC0]  }
0x16d: {  	[tilespmem:s28+$0x10BE0] =	vst v5;
	v4 =	vadd.f32 v16, v4;
	v5 =	vadd.f32 v13, v9;
	v9 =	vld [tilespmem:s28+$0x10CE0]  }
0x16e: {  	[tilespmem:s28+$0x10BF0] =	vst v7;
	v6 =	vadd.f32 v11, v6;
	v7 =	vadd.f32 v10, v14;
	v10 =	vld [tilespmem:s28+$0x10D70]  }
0x16f: {  	v11 =	vadd.f32 s4, v1;
	[tilespmem:s28+$0x10C40] =	vst v4;
	v4 =	vadd.f32 s4, v0;
	v13 =	vld [tilespmem:s28+$0x10D50]  }
0x170: {  	v14 =	vadd.f32 s4, v3;
	[tilespmem:s28+$0x10C50] =	vst v5;
	v5 =	vadd.f32 s4, v2;
	v16 =	vld [tilespmem:s28+$0x10D40]  }
0x171: {  	[tilespmem:s28+$0x10C60] =	vst v6;
	v4 =	vadd.f32 v15, v4;
	v6 =	vadd.f32 v12, v11;
	v11 =	vld [tilespmem:s28+$0x10D60]  }
0x172: {  	[tilespmem:s28+$0x10C70] =	vst v7;
	v5 =	vadd.f32 v9, v5;
	v7 =	vadd.f32 v8, v14;
	v8 =	vld [tilespmem:s28+$0x10DF0]  }
0x173: {  	v9 =	vadd.f32 s11, v1;
	[tilespmem:s28+$0x10CC0] =	vst v4;
	v4 =	vadd.f32 s11, v0;
	v12 =	vld [tilespmem:s28+$0x10DD0]  }
0x174: {  	v14 =	vadd.f32 s11, v3;
	[tilespmem:s28+$0x10CD0] =	vst v6;
	v6 =	vadd.f32 s11, v2;
	v15 =	vld [tilespmem:s28+$0x10DC0]  }
0x175: {  	[tilespmem:s28+$0x10CE0] =	vst v5;
	v4 =	vadd.f32 v16, v4;
	v5 =	vadd.f32 v13, v9;
	v9 =	vld [tilespmem:s28+$0x10DE0]  }
0x176: {  	[tilespmem:s28+$0x10CF0] =	vst v7;
	v6 =	vadd.f32 v11, v6;
	v7 =	vadd.f32 v10, v14;
	v10 =	vld [tilespmem:s28+$0x10E70]  }
0x177: {  	v11 =	vadd.f32 s0, v1;
	[tilespmem:s28+$0x10D40] =	vst v4;
	v4 =	vadd.f32 s0, v0;
	v13 =	vld [tilespmem:s28+$0x10E50]  }
0x178: {  	v14 =	vadd.f32 s0, v3;
	[tilespmem:s28+$0x10D50] =	vst v5;
	v5 =	vadd.f32 s0, v2;
	v16 =	vld [tilespmem:s28+$0x10E40]  }
0x179: {  	[tilespmem:s28+$0x10D60] =	vst v6;
	v4 =	vadd.f32 v15, v4;
	v6 =	vadd.f32 v12, v11;
	v11 =	vld [tilespmem:s28+$0x10E60]  }
0x17a: {  	[tilespmem:s28+$0x10D70] =	vst v7;
	v5 =	vadd.f32 v9, v5;
	v7 =	vadd.f32 v8, v14;
	v8 =	vld [tilespmem:s28+$0x10EF0]  }
0x17b: {  	v9 =	vadd.f32 s1, v1;
	[tilespmem:s28+$0x10DC0] =	vst v4;
	v4 =	vadd.f32 s1, v0;
	v12 =	vld [tilespmem:s28+$0x10ED0]  }
0x17c: {  	v14 =	vadd.f32 s1, v3;
	[tilespmem:s28+$0x10DD0] =	vst v6;
	v6 =	vadd.f32 s1, v2;
	v15 =	vld [tilespmem:s28+$0x10EC0]  }
0x17d: {  	[tilespmem:s28+$0x10DE0] =	vst v5;
	v4 =	vadd.f32 v16, v4;
	v5 =	vadd.f32 v13, v9;
	v9 =	vld [tilespmem:s28+$0x10EE0]  }
0x17e: {  	[tilespmem:s28+$0x10DF0] =	vst v7;
	v6 =	vadd.f32 v11, v6;
	v7 =	vadd.f32 v10, v14;
	v10 =	vld [tilespmem:s28+$0x10F70]  }
0x17f: {  	v11 =	vadd.f32 s31, v1;
	[tilespmem:s28+$0x10E40] =	vst v4;
	v4 =	vadd.f32 s31, v0;
	v13 =	vld [tilespmem:s28+$0x10F50]  }
0x180: {  	v14 =	vadd.f32 s31, v3;
	[tilespmem:s28+$0x10E50] =	vst v5;
	v5 =	vadd.f32 s31, v2;
	v16 =	vld [tilespmem:s28+$0x10F40]  }
0x181: {  	[tilespmem:s28+$0x10E60] =	vst v6;
	v4 =	vadd.f32 v15, v4;
	v6 =	vadd.f32 v12, v11;
	v11 =	vld [tilespmem:s28+$0x10F60]  }
0x182: {  	[tilespmem:s28+$0x10E70] =	vst v7;
	v5 =	vadd.f32 v9, v5;
	v7 =	vadd.f32 v8, v14;
	v8 =	vld [tilespmem:s28+$0x10FF0]  }
0x183: {  	v9 =	vadd.f32 s30, v1;
	[tilespmem:s28+$0x10EC0] =	vst v4;
	v4 =	vadd.f32 s30, v0;
	v12 =	vld [tilespmem:s28+$0x10FD0]  }
0x184: {  	v14 =	vadd.f32 s30, v3;
	[tilespmem:s28+$0x10ED0] =	vst v6;
	v6 =	vadd.f32 s30, v2;
	v15 =	vld [tilespmem:s28+$0x10FC0]  }
0x185: {  	[tilespmem:s28+$0x10EE0] =	vst v5;
	v4 =	vadd.f32 v16, v4;
	v5 =	vadd.f32 v13, v9;
	v9 =	vld [tilespmem:s28+$0x10FE0]  }
0x186: {  	[tilespmem:s28+$0x10EF0] =	vst v7;
	v6 =	vadd.f32 v11, v6;
	v7 =	vadd.f32 v10, v14  }
0x187: {  	v10 =	vadd.f32 s29, v1;
	[tilespmem:s28+$0x10F40] =	vst v4;
	v4 =	vadd.f32 s29, v0  }
0x188: {  	v11 =	vadd.f32 s29, v3;
	[tilespmem:s28+$0x10F50] =	vst v5;
	v5 =	vadd.f32 s29, v2  }
0x189: {  	[tilespmem:s28+$0x10F60] =	vst v6;
	v4 =	vadd.f32 v15, v4;
	v6 =	vadd.f32 v12, v10  }
0x18a: {  	[tilespmem:s28+$0x10F70] =	vst v7;
	v5 =	vadd.f32 v9, v5;
	v7 =	vadd.f32 v8, v11  }
.Ltmp1:
0x18b: {  	[tilespmem:s28+$0x10FC0] =	vst v4;
	(pc) =	sbr.rel @p0 .LBB2_5-.Ltmp1, $4  }
0x18c: {  	[tilespmem:s28+$0x10FD0] =	vst v6  }
0x18d: {  	[tilespmem:s28+$0x10FE0] =	vst v5  }
0x18e: {  	s26 =	sadd.s32 $0x10, s26;
	[tilespmem:s28+$0x10FF0] =	vst v7  }
0x18f: {  	s25 =	sadd.s32 $0x2000, s25;
	v4 =	vld [tilespmem:s26+$0x0]  }
0x190: {  	_ =	sdelay $0x3  }
0x191: {  	(v2sf) =	vpush v4, $0x0;
	_ =	sdelay $0x3  }
0x192: {  	(v2sf) =	vpush v4, $0x1;
	_ =	sdelay $0x1  }
0x193: {  	(v2sf) =	vpush v4, $0x2  }
0x194: {  	(v2sf) =	vpush v4, $0x3  }
0x195: {  	(v2sf) =	vpush v4, $0x4  }
0x196: {  	(v2sf) =	vpush v4, $0x5  }
0x197: {  	(v2sf) =	vpush v4, $0x6  }
0x198: {  	(v2sf) =	vpush v4, $0x7  }
0x199: {  	(v2sf) =	vpush v4, $0x8  }
0x19a: {  	(v2sf) =	vpush v4, $0x9  }
0x19b: {  	s24 =	sshra.s32 s24, $0x2;
	(v2sf) =	vpush v4, $0xA  }
0x19c: {  	v5 =	vld [tilespmem:s24+$0x10840];
	(v2sf) =	vpush v4, $0xB;
	s0 =	spop (v2sf)  }
0x19d: {  	v6 =	vld [tilespmem:s24+$0x10850];
	(v2sf) =	vpush v4, $0xC;
	p0 =	seq.s32 s0, $0x0;
	s0 =	simm.f32 $-Inf  }
0x19e: {  	v7 =	vld [tilespmem:s24+$0x10860];
	(v2sf) =	vpush v4, $0xD;
	s0 =	simm.s32 @!p0 $0x0  }
0x19f: {  	v8 =	vld [tilespmem:s24+$0x10870];
	(v2sf) =	vpush v4, $0xE;
	v9 =	vadd.f32 s0, v0  }
0x1a0: {  	v11 =	vld [tilespmem:s24+$0x108D0];
	(v2sf) =	vpush v4, $0xF;
	s1 =	spop (v2sf);
	v4 =	vadd.f32 s0, v1  }
0x1a1: {  	v10 =	vld [tilespmem:s24+$0x108C0];
	p0 =	seq.s32 s1, $0x0;
	s1 =	simm.f32 $-Inf;
	v12 =	vadd.f32 s0, v2;
	v5 =	vadd.f32 v9, v5  }
0x1a2: {  	v18 =	vld [tilespmem:s24+$0x108E0];
	s1 =	simm.s32 @!p0 $0x0;
	v17 =	vadd.f32 s0, v3;
	v4 =	vadd.f32 v4, v6  }
0x1a3: {  	v13 =	vld [tilespmem:s24+$0x108F0];
	v19 =	vadd.f32 s1, v1;
	v7 =	vadd.f32 v12, v7;
	[tilespmem:s24+$0x10840] =	vst v5  }
0x1a4: {  	v20 =	vld [tilespmem:s24+$0x10950];
	s31 =	spop (v2sf);
	v8 =	vadd.f32 v8, v17;
	v5 =	vadd.f32 s1, v0;
	[tilespmem:s24+$0x10850] =	vst v4  }
0x1a5: {  	p0 =	seq.s32 s31, $0x0;
	s0 =	simm.f32 $-Inf;
	v14 =	vadd.f32 s1, v2;
	v9 =	vadd.f32 v11, v19;
	v4 =	vld [tilespmem:s24+$0x10940];
	[tilespmem:s24+$0x10860] =	vst v7  }
0x1a6: {  	v22 =	vld [tilespmem:s24+$0x10960];
	s0 =	simm.s32 @!p0 $0x0;
	v21 =	vadd.f32 s1, v3;
	[tilespmem:s24+$0x10870] =	vst v8;
	v5 =	vadd.f32 v10, v5  }
0x1a7: {  	v26 =	vld [tilespmem:s24+$0x109D0];
	s4 =	spop (v2sf);
	v24 =	vadd.f32 s0, v1;
	v6 =	vadd.f32 v18, v14;
	[tilespmem:s24+$0x108D0] =	vst v9  }
0x1a8: {  	v23 =	vld [tilespmem:s24+$0x10970];
	p0 =	seq.s32 s4, $0x0;
	v7 =	vadd.f32 v13, v21;
	s1 =	simm.f32 $-Inf;
	[tilespmem:s24+$0x108C0] =	vst v5;
	v5 =	vadd.f32 s0, v0  }
0x1a9: {  	v25 =	vld [tilespmem:s24+$0x109C0];
	v27 =	vadd.f32 s0, v2;
	v28 =	vadd.f32 v20, v24;
	[tilespmem:s24+$0x108E0] =	vst v6;
	s1 =	simm.s32 @!p0 $0x0  }
0x1aa: {  	v29 =	vld [tilespmem:s24+$0x109E0];
	[tilespmem:s24+$0x108F0] =	vst v7;
	v31 =	vadd.f32 s1, v1;
	v4 =	vadd.f32 v4, v5  }
0x1ab: {  	v30 =	vld [tilespmem:s24+$0x109F0];
	v10 =	vadd.f32 v22, v27;
	[tilespmem:s24+$0x10950] =	vst v28;
	v5 =	vadd.f32 s0, v3  }
0x1ac: {  	v33 =	vld [tilespmem:s24+$0x10A50];
	s7 =	spop (v2sf);
	v8 =	vadd.f32 v26, v31;
	[tilespmem:s24+$0x10940] =	vst v4;
	v4 =	vadd.f32 s1, v0  }
0x1ad: {  	v32 =	vld [tilespmem:s24+$0x10A40];
	p0 =	seq.s32 s7, $0x0;
	v34 =	vadd.f32 s1, v2;
	[tilespmem:s24+$0x10960] =	vst v10;
	s0 =	simm.f32 $-Inf;
	v5 =	vadd.f32 v23, v5  }
0x1ae: {  	v36 =	vld [tilespmem:s24+$0x10A60];
	v35 =	vadd.f32 s1, v3;
	[tilespmem:s24+$0x109D0] =	vst v8;
	s0 =	simm.s32 @!p0 $0x0;
	v4 =	vadd.f32 v25, v4  }
0x1af: {  	v39 =	vld [tilespmem:s24+$0x10AD0];
	s8 =	spop (v2sf);
	v11 =	vadd.f32 v29, v34;
	v37 =	vadd.f32 s0, v1;
	[tilespmem:s24+$0x10970] =	vst v5  }
0x1b0: {  	v7 =	vadd.f32 v30, v35;
	p0 =	seq.s32 s8, $0x0;
	s1 =	simm.f32 $-Inf;
	v5 =	vld [tilespmem:s24+$0x10A70];
	[tilespmem:s24+$0x109C0] =	vst v4;
	v4 =	vadd.f32 s0, v0  }
0x1b1: {  	v38 =	vld [tilespmem:s24+$0x10AC0];
	[tilespmem:s24+$0x109E0] =	vst v11;
	v40 =	vadd.f32 s0, v2;
	s1 =	simm.s32 @!p0 $0x0;
	v9 =	vadd.f32 v33, v37  }
0x1b2: {  	v42 =	vld [tilespmem:s24+$0x10AE0];
	[tilespmem:s24+$0x109F0] =	vst v7;
	v44 =	vadd.f32 s1, v1;
	v4 =	vadd.f32 v32, v4  }
0x1b3: {  	v43 =	vld [tilespmem:s24+$0x10AF0];
	v41 =	vadd.f32 s0, v3;
	v10 =	vadd.f32 v36, v40;
	[tilespmem:s24+$0x10A50] =	vst v9  }
0x1b4: {  	v46 =	vld [tilespmem:s24+$0x10B50];
	s9 =	spop (v2sf);
	v6 =	vadd.f32 v39, v44;
	[tilespmem:s24+$0x10A40] =	vst v4;
	v4 =	vadd.f32 s1, v0  }
0x1b5: {  	v45 =	vld [tilespmem:s24+$0x10B40];
	p0 =	seq.s32 s9, $0x0;
	v47 =	vadd.f32 s1, v2;
	s0 =	simm.f32 $-Inf;
	[tilespmem:s24+$0x10A60] =	vst v10;
	v5 =	vadd.f32 v5, v41  }
0x1b6: {  	v49 =	vld [tilespmem:s24+$0x10B60];
	v48 =	vadd.f32 s1, v3;
	s0 =	simm.s32 @!p0 $0x0;
	[tilespmem:s24+$0x10AD0] =	vst v6;
	v4 =	vadd.f32 v38, v4  }
0x1b7: {  	v52 =	vld [tilespmem:s24+$0x10BD0];
	s10 =	spop (v2sf);
	v11 =	vadd.f32 v42, v47;
	v50 =	vadd.f32 s0, v1;
	[tilespmem:s24+$0x10A70] =	vst v5  }
0x1b8: {  	v7 =	vadd.f32 v43, v48;
	p0 =	seq.s32 s10, $0x0;
	s1 =	simm.f32 $-Inf;
	v5 =	vld [tilespmem:s24+$0x10B70];
	[tilespmem:s24+$0x10AC0] =	vst v4;
	v4 =	vadd.f32 s0, v0  }
0x1b9: {  	v51 =	vld [tilespmem:s24+$0x10BC0];
	v53 =	vadd.f32 s0, v2;
	[tilespmem:s24+$0x10AE0] =	vst v11;
	v8 =	vadd.f32 v46, v50;
	s1 =	simm.s32 @!p0 $0x0  }
0x1ba: {  	v55 =	vld [tilespmem:s24+$0x10BE0];
	[tilespmem:s24+$0x10AF0] =	vst v7;
	v57 =	vadd.f32 s1, v1;
	v4 =	vadd.f32 v45, v4  }
0x1bb: {  	v56 =	vld [tilespmem:s24+$0x10BF0];
	v54 =	vadd.f32 s0, v3;
	v10 =	vadd.f32 v49, v53;
	[tilespmem:s24+$0x10B50] =	vst v8  }
0x1bc: {  	v59 =	vld [tilespmem:s24+$0x10C50];
	s11 =	spop (v2sf);
	v9 =	vadd.f32 v52, v57;
	[tilespmem:s24+$0x10B40] =	vst v4;
	v4 =	vadd.f32 s1, v0  }
0x1bd: {  	v58 =	vld [tilespmem:s24+$0x10C40];
	p0 =	seq.s32 s11, $0x0;
	v60 =	vadd.f32 s1, v2;
	[tilespmem:s24+$0x10B60] =	vst v10;
	s0 =	simm.f32 $-Inf;
	v5 =	vadd.f32 v5, v54  }
0x1be: {  	v62 =	vld [tilespmem:s24+$0x10C60];
	v61 =	vadd.f32 s1, v3;
	s0 =	simm.s32 @!p0 $0x0;
	[tilespmem:s24+$0x10BD0] =	vst v9;
	v4 =	vadd.f32 v51, v4  }
0x1bf: {  	v17 =	vld [tilespmem:s24+$0x10CD0];
	s17 =	spop (v2sf);
	v11 =	vadd.f32 v55, v60;
	v63 =	vadd.f32 s0, v1;
	[tilespmem:s24+$0x10B70] =	vst v5  }
0x1c0: {  	v6 =	vadd.f32 v56, v61;
	p0 =	seq.s32 s17, $0x0;
	v5 =	vld [tilespmem:s24+$0x10C70];
	s1 =	simm.f32 $-Inf;
	[tilespmem:s24+$0x10BC0] =	vst v4;
	v4 =	vadd.f32 s0, v0  }
0x1c1: {  	v16 =	vld [tilespmem:s24+$0x10CC0];
	v18 =	vadd.f32 s0, v2;
	[tilespmem:s24+$0x10BE0] =	vst v11;
	v7 =	vadd.f32 v59, v63;
	s1 =	simm.s32 @!p0 $0x0  }
0x1c2: {  	v20 =	vld [tilespmem:s24+$0x10CE0];
	[tilespmem:s24+$0x10BF0] =	vst v6;
	v22 =	vadd.f32 s1, v1;
	v4 =	vadd.f32 v58, v4  }
0x1c3: {  	v21 =	vld [tilespmem:s24+$0x10CF0];
	v19 =	vadd.f32 s0, v3;
	v10 =	vadd.f32 v62, v18;
	[tilespmem:s24+$0x10C50] =	vst v7  }
0x1c4: {  	v24 =	vld [tilespmem:s24+$0x10D50];
	s18 =	spop (v2sf);
	v8 =	vadd.f32 v17, v22;
	[tilespmem:s24+$0x10C40] =	vst v4;
	v4 =	vadd.f32 s1, v0  }
0x1c5: {  	v23 =	vld [tilespmem:s24+$0x10D40];
	p0 =	seq.s32 s18, $0x0;
	v25 =	vadd.f32 s1, v2;
	[tilespmem:s24+$0x10C60] =	vst v10;
	s0 =	simm.f32 $-Inf;
	v5 =	vadd.f32 v5, v19  }
0x1c6: {  	v27 =	vld [tilespmem:s24+$0x10D60];
	v26 =	vadd.f32 s1, v3;
	s0 =	simm.s32 @!p0 $0x0;
	[tilespmem:s24+$0x10CD0] =	vst v8;
	v4 =	vadd.f32 v16, v4  }
0x1c7: {  	v11 =	vadd.f32 v20, v25;
	v28 =	vadd.f32 s0, v1;
	[tilespmem:s24+$0x10C70] =	vst v5;
	v5 =	vld [tilespmem:s24+$0x10D70]  }
0x1c8: {  	s25 =	spop (v2sf);
	v30 =	vld [tilespmem:s24+$0x10DD0];
	v6 =	vadd.f32 v21, v26;
	[tilespmem:s24+$0x10CC0] =	vst v4;
	v4 =	vadd.f32 s0, v0  }
0x1c9: {  	v29 =	vld [tilespmem:s24+$0x10DC0];
	p0 =	seq.s32 s25, $0x0;
	v31 =	vadd.f32 s0, v2;
	[tilespmem:s24+$0x10CE0] =	vst v11;
	s1 =	simm.f32 $-Inf;
	v9 =	vadd.f32 v24, v28  }
0x1ca: {  	v33 =	vld [tilespmem:s24+$0x10DE0];
	v32 =	vadd.f32 s0, v3;
	[tilespmem:s24+$0x10CF0] =	vst v6;
	s1 =	simm.s32 @!p0 $0x0;
	v4 =	vadd.f32 v23, v4  }
0x1cb: {  	v34 =	vld [tilespmem:s24+$0x10DF0];
	v10 =	vadd.f32 v27, v31;
	v35 =	vadd.f32 s1, v1;
	[tilespmem:s24+$0x10D50] =	vst v9  }
0x1cc: {  	s26 =	spop (v2sf);
	v37 =	vld [tilespmem:s24+$0x10E50];
	v5 =	vadd.f32 v5, v32;
	[tilespmem:s24+$0x10D40] =	vst v4;
	v4 =	vadd.f32 s1, v0  }
0x1cd: {  	v36 =	vld [tilespmem:s24+$0x10E40];
	p0 =	seq.s32 s26, $0x0;
	v38 =	vadd.f32 s1, v2;
	[tilespmem:s24+$0x10D60] =	vst v10;
	s0 =	simm.f32 $-Inf;
	v7 =	vadd.f32 v30, v35  }
0x1ce: {  	v40 =	vld [tilespmem:s24+$0x10E60];
	v39 =	vadd.f32 s1, v3;
	s0 =	simm.s32 @!p0 $0x0;
	[tilespmem:s24+$0x10D70] =	vst v5;
	v4 =	vadd.f32 v29, v4  }
0x1cf: {  	v11 =	vadd.f32 v33, v38;
	v5 =	vld [tilespmem:s24+$0x10E70];
	v41 =	vadd.f32 s0, v1;
	[tilespmem:s24+$0x10DD0] =	vst v7  }
0x1d0: {  	s28 =	spop (v2sf);
	v43 =	vld [tilespmem:s24+$0x10ED0];
	v6 =	vadd.f32 v34, v39;
	[tilespmem:s24+$0x10DC0] =	vst v4;
	v4 =	vadd.f32 s0, v0  }
0x1d1: {  	v42 =	vld [tilespmem:s24+$0x10EC0];
	p0 =	seq.s32 s28, $0x0;
	v44 =	vadd.f32 s0, v2;
	[tilespmem:s24+$0x10DE0] =	vst v11;
	s1 =	simm.f32 $-Inf;
	v8 =	vadd.f32 v37, v41  }
0x1d2: {  	v46 =	vld [tilespmem:s24+$0x10EE0];
	v45 =	vadd.f32 s0, v3;
	[tilespmem:s24+$0x10DF0] =	vst v6;
	s1 =	simm.s32 @!p0 $0x0;
	v4 =	vadd.f32 v36, v4  }
0x1d3: {  	v47 =	vld [tilespmem:s24+$0x10EF0];
	v10 =	vadd.f32 v40, v44;
	v48 =	vadd.f32 s1, v1;
	[tilespmem:s24+$0x10E50] =	vst v8  }
0x1d4: {  	s29 =	spop (v2sf);
	v50 =	vld [tilespmem:s24+$0x10F50];
	v5 =	vadd.f32 v5, v45;
	[tilespmem:s24+$0x10E40] =	vst v4;
	v4 =	vadd.f32 s1, v0  }
0x1d5: {  	v49 =	vld [tilespmem:s24+$0x10F40];
	p0 =	seq.s32 s29, $0x0;
	v51 =	vadd.f32 s1, v2;
	[tilespmem:s24+$0x10E60] =	vst v10;
	s0 =	simm.f32 $-Inf;
	v9 =	vadd.f32 v43, v48  }
0x1d6: {  	v53 =	vld [tilespmem:s24+$0x10F60];
	v52 =	vadd.f32 s1, v3;
	s0 =	simm.s32 @!p0 $0x0;
	[tilespmem:s24+$0x10E70] =	vst v5;
	v4 =	vadd.f32 v42, v4  }
0x1d7: {  	v11 =	vadd.f32 v46, v51;
	v5 =	vld [tilespmem:s24+$0x10F70];
	v54 =	vadd.f32 s0, v1;
	[tilespmem:s24+$0x10ED0] =	vst v9  }
0x1d8: {  	s30 =	spop (v2sf);
	v56 =	vld [tilespmem:s24+$0x10FD0];
	v6 =	vadd.f32 v47, v52;
	[tilespmem:s24+$0x10EC0] =	vst v4;
	v4 =	vadd.f32 s0, v0  }
0x1d9: {  	v55 =	vld [tilespmem:s24+$0x10FC0];
	p0 =	seq.s32 s30, $0x0;
	v57 =	vadd.f32 s0, v2;
	[tilespmem:s24+$0x10EE0] =	vst v11;
	s1 =	simm.f32 $-Inf;
	v7 =	vadd.f32 v50, v54  }
0x1da: {  	v59 =	vld [tilespmem:s24+$0x10FE0];
	v58 =	vadd.f32 s0, v3;
	[tilespmem:s24+$0x10EF0] =	vst v6;
	s1 =	simm.s32 @!p0 $0x0;
	v4 =	vadd.f32 v49, v4  }
0x1db: {  	v60 =	vld [tilespmem:s24+$0x10FF0];
	v10 =	vadd.f32 v53, v57;
	v61 =	vadd.f32 s1, v1;
	[tilespmem:s24+$0x10F50] =	vst v7  }
0x1dc: {  	v5 =	vadd.f32 v5, v58;
	[tilespmem:s24+$0x10F40] =	vst v4;
	v4 =	vadd.f32 s1, v0  }
0x1dd: {  	s22 =	sadd.s32 $0x1, s22;
	v62 =	vadd.f32 s1, v2;
	[tilespmem:s24+$0x10F60] =	vst v10;
	v8 =	vadd.f32 v56, v61  }
0x1de: {  	p0 =	sne.s32 s22, $0x64;
	v63 =	vadd.f32 s1, v3;
	[tilespmem:s24+$0x10F70] =	vst v5;
	v4 =	vadd.f32 v55, v4  }
.Ltmp2:
0x1df: {  	s31 =	sadd.s32 s2, s23;
	v5 =	vadd.f32 v59, v62;
	[tilespmem:s24+$0x10FD0] =	vst v8;
	(pc) =	sbr.rel @p0 .LBB2_2-.Ltmp2, $4  }
0x1e0: {  	s0 =	sshll.u32 s31, $0x4;
	[tilespmem:s24+$0x10FC0] =	vst v4;
	v4 =	vadd.f32 v60, v63  }
0x1e1: {  	s0 =	sand.u32 $0x1FFFF800, s0;
	[tilespmem:s24+$0x10FE0] =	vst v5  }
0x1e2: {  	s20 =	sadd.s32 $0x100, s20;
	s21 =	sadd.s32 $0x100, s21;
	s0 =	sadd.s32 s6, s0;
	[tilespmem:s24+$0x10FF0] =	vst v4  }
0x1e3: {  	[hbm4b:s0+s3] =	stream.linear.scatter [tilespmem:s14], [sflag:$0x4], $0x4000, $0x38;
	[tilespmem:$0x14840] =	vst v63  }
0x1e4: {  	s0 =	simm.s32 $0x3  }
0x1e5: {  	_ =	swait.ge [sflag:s0], $0x4000  }
0x1e6: {  	[sflag:s0] =	ssyncset.done $0x0  }
0x1e7: {  	s1 =	simm.s32 $0x4;
	[sflag:s0] =	ssyncadd.s32 $0xFFFFC000  }
0x1e8: {  	_ =	swait.ge [sflag:s1], $0x4000  }
0x1e9: {  	s19 =	sadd.s32 $0x1, s19;
	s31 =	rddreg [dreg:$0x6]  }
0x1ea: {  	p0 =	sne.s32 s19, s31  }
.Ltmp3:
0x1eb: {  	_ = 	snop;
	(pc) =	sbr.rel @p0 .LBB2_1-.Ltmp3, $3  }
0x1ec: {  	_ =	sdelay $0x1  }
0x1ed: {  	[sflag:s1] =	ssyncset.done $0x0  }
0x1ee: {  	[sflag:s1] =	ssyncadd.s32 $0xFFFFC000  }
0x1ef: {  	_ =	sfence.sel $0x180000  }
0x1f0: {  	[bflag:$0x0] =	sbarrier.arrive $0xFFFF  }
0x1f1: {  	_ =	strace $0x90000047  }
0x1f2: {  	s0 =	stileid.u32;
	[bflag:$0x2] =	sbarrier.arrive $0xFFFF  }
0x1f3: {  	p0 =	sne.s32 s0, $0x0;
	s0 =	rddreg [dreg:$0x2]  }
0x1f4: {  	s0 =	sadd.s32 @!p0 $0x100000, s0  }
0x1f5: {  	[sflag:s0] =	ssyncadd.tile.s32 @!p0 $0x1;
	_ =	shalt  }
.Lfunc_end2:
_tile_overlayer_lowered:
.L_overlay_start_2:
0x1f6: {  	(tag) =	ssettag $0x2  }
0x1f7: {  	s0 =	rddreg [dreg:$0x0];
	s2 =	stileid.u32  }
0x1f8: {  	s1 =	rddreg [dreg:$0x1];
	p0 =	sne.s32 s2, $0x0  }
0x1f9: {  	s3 =	rddreg [dreg:$0x2];
	[bflag:$0x3] =	sbarrier.arrive $0xFFFF;
	s2 =	simm.s32 @!p0 $0x1C05  }
0x1fa: {  	[timem:s3], [sflag:s2] =	dma.local @!p0 [hbm:s0], s1  }
0x1fb: {  	s0 =	simm.s32 @!p0 $0x5  }
0x1fc: {  	_ =	swait.ge @!p0 [sflag:s0], s1  }
0x1fd: {  	s1 =	ssub.s32 @!p0 $0x0, s1;
	[sflag:s0] =	ssyncset.done @!p0 $0x0  }
0x1fe: {  	[sflag:s0] =	ssyncadd.s32 @!p0 s1  }
0x1ff: {  	[bflag:$0x3] =	sbarrier.arrive $0xFFFF  }
0x200: {  	_ =	shalt  }

// kernel: sparse-core-data-format-call.cloned.1.call-start
scs
called_computation_lowered:
.L_overlay_start_0:
0x0: {  	s2 =	sld [smem:$0x3FD9]  }
0x1: {  	s3 =	sld [smem:$0x3FFE];
	_ =	sdelay $0x1  }
0x2: {  	s1 =	srdreg.scid  }
0x3: {  	s0 =	sand.u32 $0x1, s1  }
0x4: {  	s15 =	sshll.u32 s0, $0xA;
	s2 =	sadd.s32 s3, s2  }
0x5: {  	s2 =	sadd.s32 s2, s15  }
0x6: {  	[smem:$0x3FC4] =	sst s2  }
0x7: {  	_ = 	snop  }
0x8: {  	s2 =	sld [smem:$0x3FD0];
	_ =	sdelay $0x2  }
0x9: {  	s16 =	simm.s32 $0xA;
	s4 =	simm.s32 $0x10  }
0xa: {  	[smem:s4], [sflag:s16] =	dma.local [hbm:s2], $0x1  }
0xb: {  	_ =	swait.eq [sflag:s16], $0x1  }
0xc: {  	[sflag:s16] =	ssyncset.done $0x0  }
0xd: {  	[sflag:s16] =	ssyncadd.s32 $0xFFFFFFFF  }
0xe: {  	s17 =	sld [smem:$0x10];
	(tm) =	ssettm $0x1  }
0xf: {  	s18 =	sld [smem:$0x3FFB];
	_ =	sdelay $0x3  }
0x10: {  	_ =	strace s18  }
0x11: {  	s3 =	sld [smem:$0x3FFC];
	_ =	sdelay $0x3  }
0x12: {  	_ =	strace s3  }
0x13: {  	s3 =	sld [smem:$0x3FFD];
	_ =	sdelay $0x3  }
0x14: {  	_ =	strace s3  }
0x15: {  	_ =	strace $0x8FFFFFFF  }
0x16: {  	s19 =	sld [smem:$0x3FDB];
	_ =	sdelay $0x1  }
0x17: {  	s20 =	simm.s32 $_scs_section_size  }
0x18: {  	s5 =	simm.s32 $_size__tile_overlayer_lowered;
	s6 =	simm.s32 $_tile_overlayer_lowered  }
0x19: {  	s23 =	simm.s32 $0x1BFF;
	s22 =	sshll.u32 s6, $0x1;
	s3 =	sadd.s32 s20, s19  }
0x1a: {  	s7 =	simm.s32 $0x0;
	s21 =	sshll.u32 s5, $0x1;
	s5 =	sadd.s32 s22, s3  }
0x1b: {  	[timem:s7], [sflag:s23] =	dma.local [hbm:s5], s21  }
0x1c: {  	_ =	swait.ge [sflag:s23], s21  }
0x1d: {  	s4 =	ssub.s32 $0x0, s21;
	[sflag:s23] =	ssyncset.done $0x0  }
0x1e: {  	[sflag:s23] =	ssyncadd.s32 s4;
	_ =	sdelay $0x1  }
0x1f: {  	s24 =	simm.s32 $0x1B8B  }
0x20: {  	_ =	swait.ge [sflag:s24], $0x1  }
0x21: {  	[sflag:s24] =	ssyncset.done $0x0  }
0x22: {  	s26 =	simm.s32 $0x1B8E;
	s25 =	sld [smem:$0x3FFE];
	[sflag:s24] =	ssyncadd.s32 $0xFFFFFFFF  }
0x23: {  	s27 =	simm.s32 $execute0_lowered;
	[smem:$0x3FD2] =	sst s26  }
0x24: {  	s5 =	sshll.u32 s27, $0x1;
	_ =	strace $0x80000049;
	[dreg:$0x1] =	wrdreg $0xFFFFFFFF  }
0x25: {  	s28 =	simm.s32 $_size_execute0_lowered;
	s3 =	sadd.s32 s3, s5;
	[dreg:$0x0] =	wrdreg $0x0  }
0x26: {  	s5 =	sshll.u32 s28, $0x1;
	[dreg:$0x2] =	wrdreg s3  }
0x27: {  	[dreg:$0x3] =	wrdreg s5  }
0x28: {  	[dreg:$0x4] =	wrdreg $0xC0  }
0x29: {  	_ =	task [dreg:s7], $0x5FFFF  }
0x2a: {  	[dreg:$0x1] =	wrdreg $0xFFFFFFFF  }
0x2b: {  	[dreg:$0x0] =	wrdreg $0x60  }
0x2c: {  	[dreg:$0x2] =	wrdreg s25  }
0x2d: {  	[dreg:$0x3] =	wrdreg s17  }
0x2e: {  	[dreg:$0x4] =	wrdreg $0x9  }
0x2f: {  	_ =	task.clear_ibuf [dreg:s7], $0x5FFFF;
	_ =	strace $0x90000049  }
0x30: {  	s29 =	simm.s32 $0x9;
	_ =	strace $0x8000004B  }
0x31: {  	_ =	swait.ge [sflag:s29], $0x1  }
0x32: {  	[sflag:s29] =	ssyncadd.s32 $0xFFFFFFFF  }
0x33: {  	_ =	strace $0x9000004B  }
0x34: {  	_ =	sfence  }
0x35: {  	s30 =	sld [smem:$0x0];
	_ =	sdelay $0x2  }
0x36: {  	s31 =	sshll.u32 s1, $0xD;
	s1 =	sshrl.u32 s1, $0x2  }
0x37: {  	s3 =	sand.u32 $0x4000, s31;
	s1 =	sadd.s32 s1, s30  }
0x38: {  	s0 =	sor.u32 s3, s0;
	s1 =	sshll.u32 s1, $0x11  }
0x39: {  	s0 =	sor.u32 s1, s0  }
0x3a: {  	s0 =	sadd.s32 $0x8F2B, s0  }
0x3b: {  	[sflag:s0] =	ssyncadd.remote.s32 $0x1  }
0x3c: {  	_ =	sfence.sel $0xFFFF  }
0x3d: {  	[dreg:$0x0] =	wrdreg $0xFFFFFFFF;
	(pc) =	sbr.abs _section_cstart, $3  }
0x3e: {  	[dreg:$0x1] =	wrdreg $0xFFFFFFFF  }
0x3f: {  	_ =	task.clear_ibuf [dreg:s7], $0x2FFFF;
	_ =	strace $0x9FFFFFFF  }
0x40: {  	(tm) =	ssettm $0x7FFFFFFF  }
0x41: {  	_ =	shalt  }
tec
execute0_lowered:
.L_overlay_start_1:
0x0: {  	(tag) =	ssettag $0x1  }
0x1: {  	s0 =	srdreg.scid  }
0x2: {  	s1 =	sshll.u32 s0, $0x4  }
0x3: {  	s0 =	stileid.u32;
	s1 =	sand.u32 $0x10, s1  }
0x4: {  	s1 =	sor.u32 s0, s1  }
0x5: {  	s6 =	rddreg [dreg:$0x0];
	s4 =	simm.s32 $0x1;
	s2 =	sshll.u32 s1, $0x7  }
0x6: {  	s7 =	simm.s32 $0x2;
	s12 =	simm.s32 $0x0;
	s1 =	ssub.s32 $0x1000, s2  }
0x7: {  	s8 =	simm.s32 $0x8000;
	s13 =	simm.s32 $0x0;
	s3 =	sand.u32 $0xF80, s1  }
0x8: {  	s9 =	simm.s32 $0x0;
	s5 =	sshrl.u32 s1, $0xC;
	p0 =	sne.s32 s3, $0x0  }
.Ltmp0:
0x9: {  	s1 =	rddreg [dreg:$0x2];
	s4 =	simm.s32 @!p0 $0x0;
	(pc) =	sbr.rel .LBB1_1-.Ltmp0, $4  }
0xa: {  	s11 =	simm.s32 $0x0;
	s3 =	rddreg [dreg:$0x1];
	s5 =	sadd.s32 s4, s5  }
0xb: {  	_ =	strace $0x8000004A;
	s4 =	simm.s32 $0x1;
	s5 =	smul.u32 $0xC8, s5  }
0xc: {  	s6 =	sadd.s32 $0xF5C000, s6;
	s10 =	smov.u32 s2;
	[sflag:s4] =	ssyncpa.u1 $0x0  }
0xd: {  	p0 =	por $0x0, $0x0;
	[sflag:s7] =	ssyncpa.u1 $0x0;
	s7 =	sor.u32 $0x1, s5  }
.LBB1_4:
0xe: {  	s16 =	sshll.u32 s13, $0x3;
	s17 =	sand.u32 $0x78, s13  }
0xf: {  	s30 =	sand.u32 $0x7E00, s13;
	s12 =	sshll.u32 s12, $0xF;
	s16 =	sand.u32 $0xC00, s16  }
0x10: {  	[tilespmem:s15+$0x810 ss:$0x81] =	vst.msk $0xffff, v2;
	s31 =	sand.u32 $0x7, s13;
	s16 =	sor.u32 s17, s16;
	s17 =	sadd.s32 s3, s30  }
0x11: {  	[tilespmem:s15+$0x1020 ss:$0x81] =	vst.msk $0xffff, v0;
	s13 =	sshll.u32 s31, $0x12;
	s12 =	sadd.s32 s12, s17;
	s16 =	sshrl.u32 s16, $0x3  }
0x12: {  	[tilespmem:s15+$0x0 ss:$0x81] =	vst.msk $0xffff, v1;
	s13 =	sor.u32 $0x400, s13;
	s12 =	sadd.s32 s16, s12  }
0x13: {  	[hbm4b:s12+s13] =	stream.strided.scatter [tilespmem:s14], [sflag:$0x2], $0x2000, s8, s13, $0x20;
	[tilespmem:$0x8080] =	vst v63  }
.LBB1_5:
0x14: {  	s14 =	sadd.s32 $0x1, s9  }
0x15: {  	s12 =	sadd.s32 $0x1000, s10;
	s16 =	smov.u32 s10;
	p2 =	sgt.s32 s14, $0xC7  }
0x16: {  	s16 =	smov.u32 @p2 s12  }
0x17: {  	s14 =	simm.s32 @p2 $0x0;
	p2 =	sgt.s32 s16, $0xFFF  }
0x18: {  	s16 =	smov.u32 @p2 s2;
	p2 =	sne.s32 s11, s7  }
.Ltmp1:
0x19: {  	p1 =	slt.u32 s11, $0x2;
	(pc) =	sbr.rel @!p2 .LBB1_6-.Ltmp1, $4  }
0x1a: {  	s15 =	simm.s32 @!p1 $0x2  }
0x1b: {  	s13 =	smov.u32 s10;
	p0 =	por !p0, !p0;
	_ =	swait.ge @!p1 [sflag:s15], $0x2000  }
0x1c: {  	s12 =	smov.u32 s9;
	[sflag:s15] =	ssyncset.done @!p1 $0x0;
	s9 =	smov.u32 s14  }
0x1d: {  	s11 =	sadd.s32 $0x1, s11;
	[sflag:s15] =	ssyncadd.s32 @!p1 $0xFFFFE000;
	s10 =	smov.u32 s16  }
.LBB1_1:
0x1e: {  	p1 =	sge.u32 s11, s5  }
0x1f: {  	s14 =	sand.u32 @!p1 $0x1FFFFFF, s9  }
0x20: {  	s15 =	smulhi.u32 @!p1 $0x147AE15, s14;
	_ =	sdelay $0x1  }
0x21: {  	s15 =	smul.u32 @!p1 $0xC8, s15  }
0x22: {  	s16 =	sxor.u32 @!p1 $0xFFFFFFFF, s11;
	s17 =	smul.u32 @!p1 $0xC80, s10  }
0x23: {  	s31 =	sadd.s32 $0xFFFFFFFF, s11;
	s16 =	sshll.u32 @!p1 s16, $0xD;
	s14 =	ssub.s32 @!p1 s14, s15  }
0x24: {  	s15 =	sand.u32 @!p1 $0x2000, s16;
	s16 =	sadd.s32 @!p1 s6, s17;
	s14 =	sshll.u32 @!p1 s14, $0x4  }
0x25: {  	s17 =	simm.s32 @!p1 $0x6400;
	s14 =	sadd.s32 @!p1 s14, s16;
	s16 =	simm.s32 @!p1 $0x40  }
0x26: {  	[tilespmem:s15], [sflag:$0x1] =	stream.strided.gather @!p1 [hbm4b:s14+s16], $0x2000, s17, s16, $0x38;
	[tilespmem:$0x8080] =	vst v63  }
0x27: {  	p1 =	sge.u32 s31, s5  }
.Ltmp2:
0x28: {  	_ = 	snop;
	(pc) =	sbr.rel @p1 .LBB1_5-.Ltmp2, $1  }
0x29: {  	_ =	sdelay $0x3  }
0x2a: {  	s14 =	simm.s32 $0x1  }
0x2b: {  	_ =	swait.ge [sflag:s4], $0x2000;
	s14 =	simm.s32 @!p0 $0x0  }
0x2c: {  	[sflag:s4] =	ssyncset.done $0x0;
	s15 =	sshll.u32 s14, $0xD  }
0x2d: {  	[sflag:s4] =	ssyncadd.s32 $0xFFFFE000;
	s18 =	sor.u32 $0x20, s15  }
0x2e: {  	s14 =	smul.u32 $0x8100, s14;
	v3 =	vld [tilespmem:s18+$0x10]  }
0x2f: {  	s30 =	sand.u32 $0x1, s11;
	v2 =	vld [tilespmem:s18+$0xFFFFFFF0]  }
0x30: {  	s15 =	smul.u32 $0x8100, s30;
	s14 =	sshrl.u32 s14, $0x2;
	v0 =	vld [tilespmem:s18+$0x0]  }
0x31: {  	v1 =	vld [tilespmem:s18+$0xFFFFFFE0];
	s16 =	sor.u32 $0x4000, s14  }
0x32: {  	s31 =	sshrl.u32 s15, $0x2;
	s15 =	sadd.s32 $0x0, s16  }
0x33: {  	s17 =	simm.s32 $0x4;
	s18 =	sadd.s32 $0x40, s18;
	s14 =	sor.u32 $0x4000, s31;
	[tilespmem:s15+$0x1830 ss:$0x81] =	vst.msk $0xffff, v3  }
.LBB1_3:
0x34: {  	v3 =	vld [tilespmem:s18+$0x10];
	p1 =	sne.s32 s17, $0x1FC;
	[tilespmem:s15+$0x810 ss:$0x81] =	vst.msk $0xffff, v2;
	s19 =	smov.u32 s17;
	s17 =	sadd.s32 $0x4, s17  }
.Ltmp3:
0x35: {  	v2 =	vld [tilespmem:s18+$0xFFFFFFF0];
	[tilespmem:s15+$0x1020 ss:$0x81] =	vst.msk $0xffff, v0;
	(pc) =	sbr.rel @p1 .LBB1_3-.Ltmp3, $4  }
0x36: {  	v0 =	vld [tilespmem:s18+$0x0];
	[tilespmem:s15+$0x0 ss:$0x81] =	vst.msk $0xffff, v1  }
0x37: {  	s15 =	sshra.s32 s19, $0x2;
	v1 =	vld [tilespmem:s18+$0xFFFFFFE0]  }
0x38: {  	s15 =	sadd.s32 s15, s16  }
0x39: {  	s18 =	sadd.s32 $0x40, s18;
	[tilespmem:s15+$0x1830 ss:$0x81] =	vst.msk $0xffff, v3  }
.Ltmp4:
0x3a: {  	_ = 	snop;
	(pc) =	sbr.rel .LBB1_4-.Ltmp4, $1  }
0x3b: {  	_ =	sdelay $0x3  }
.LBB1_6:
0x3c: {  	_ =	sfence.sel $0x180000  }
0x3d: {  	s2 =	simm.s32 $0x1;
	[bflag:$0x0] =	sbarrier.arrive $0xFFFF  }
0x3e: {  	s31 =	simm.s32 $0x2;
	[sflag:s2] =	ssyncpa.u1 $0x1  }
0x3f: {  	[sflag:s31] =	ssyncpa.u1 $0x1  }
0x40: {  	p0 =	sne.s32 s0, $0x0;
	_ =	strace $0x9000004A  }
0x41: {  	s0 =	sadd.s32 @!p0 $0x100000, s1;
	[bflag:$0x2] =	sbarrier.arrive $0xFFFF  }
0x42: {  	[sflag:s0] =	ssyncadd.tile.s32 @!p0 $0x1;
	_ =	shalt  }
.Lfunc_end1:
_tile_overlayer_lowered:
.L_overlay_start_2:
0x43: {  	(tag) =	ssettag $0x2  }
0x44: {  	s0 =	rddreg [dreg:$0x0];
	s2 =	stileid.u32  }
0x45: {  	s1 =	rddreg [dreg:$0x1];
	p0 =	sne.s32 s2, $0x0  }
0x46: {  	s3 =	rddreg [dreg:$0x2];
	[bflag:$0x3] =	sbarrier.arrive $0xFFFF;
	s2 =	simm.s32 @!p0 $0x1C01  }
0x47: {  	[timem:s3], [sflag:s2] =	dma.local @!p0 [hbm:s0], s1  }
0x48: {  	s0 =	simm.s32 @!p0 $0x1  }
0x49: {  	_ =	swait.ge @!p0 [sflag:s0], s1  }
0x4a: {  	s1 =	ssub.s32 @!p0 $0x0, s1;
	[sflag:s0] =	ssyncset.done @!p0 $0x0  }
0x4b: {  	[sflag:s0] =	ssyncadd.s32 @!p0 s1  }
0x4c: {  	[bflag:$0x3] =	sbarrier.arrive $0xFFFF  }
0x4d: {  	_ =	shalt  }

</sc_bundles>
